<compile_context>
chip_gen: v7x
topology: tpu7x:2x2x1
jax: 0.10.2.dev20260603
libtpu: 0.0.44.dev20260713+nightly
codegen_flags: <defaults>
</compile_context>

<pallas_src>
import functools

import jax
import jax.numpy as jnp
from jax import lax
from jax.experimental import pallas as pl
from jax.experimental.pallas import tpu as pltpu
from jax.experimental.pallas import tpu_sc as plsc

D_MODEL = 64
NC, NS = 2, 16
NW = NC * NS
BBLK = 128
PADR = 73
SCALE = 8.0


def _positional_encoding(length, d_model):
    depth = d_model / 2
    pos = jnp.arange(0, length, dtype=jnp.float32)[:, None]
    i = jnp.arange(0, depth, dtype=jnp.float32)
    angle = pos / jnp.power(10000.0, 2.0 * i / depth)
    return jnp.concatenate([jnp.sin(angle), jnp.cos(angle)], axis=-1)


def _sc_embed(xt, W, pe, B, L):
    assert B == NW * BBLK
    n_iter = L // 4
    mesh = plsc.VectorSubcoreMesh(core_axis_name="c", subcore_axis_name="s")

    @functools.partial(
        pl.kernel,
        mesh=mesh,
        out_type=jax.ShapeDtypeStruct(
            (L, D_MODEL // 8, B // BBLK, 8, BBLK), jnp.float32),
        scratch_types=[
            pltpu.VMEM((L, BBLK), jnp.int32),
            pltpu.VMEM((2 * BBLK, D_MODEL), jnp.float32),
            pltpu.VMEM((2 * BBLK, D_MODEL), jnp.float32),
            pltpu.VMEM((BBLK * PADR,), jnp.float32),
            pltpu.VMEM((2, D_MODEL // 8, 8, BBLK), jnp.float32),
            pltpu.VMEM((2, D_MODEL // 8, 8, BBLK), jnp.float32),
            pltpu.VMEM((L, D_MODEL), jnp.float32),
            pltpu.SemaphoreType.DMA,
            pltpu.SemaphoreType.DMA,
            pltpu.SemaphoreType.DMA,
            pltpu.SemaphoreType.DMA,
            pltpu.SemaphoreType.DMA,
        ],
        compiler_params=pltpu.CompilerParams(
            use_tc_tiling_on_sc=False, needs_layout_passes=False),
    )
    def k(xt_hbm, w_hbm, pe_hbm, out_hbm, idx_all, rows0, rows1, rpad,
          comp0, comp1, pe_v, isem, gsem0, gsem1, osem0, osem1):
        wid = lax.axis_index("s") * NC + lax.axis_index("c")
        pltpu.async_copy(
            xt_hbm.at[pl.ds(0, L), pl.ds(wid * BBLK, BBLK)], idx_all, isem)
        pltpu.sync_copy(pe_hbm, pe_v)
        pltpu.make_async_copy(
            xt_hbm.at[pl.ds(0, L), pl.ds(wid * BBLK, BBLK)], idx_all,
            isem).wait()

        rows = (rows0, rows1)
        comp = (comp0, comp1)
        gsem = (gsem0, gsem1)
        osem = (osem0, osem1)

        lane = jnp.arange(16, dtype=jnp.int32)
        l_pad = lane * PADR

        def start_gather(step, b):
            for p in range(2):
                pltpu.async_copy(
                    w_hbm.at[idx_all.at[2 * step + p]],
                    rows[b].at[pl.ds(p * BBLK, BBLK)], gsem[b])

        def wait_gather(step, b):
            for p in range(2):
                pltpu.make_async_copy(
                    w_hbm.at[idx_all.at[2 * step + p]],
                    rows[b].at[pl.ds(p * BBLK, BBLK)], gsem[b]).wait()

        start_gather(0, 0)
        start_gather(1, 1)

        def iter_body(i, carry):
            for b in range(2):
                step = 2 * i + b
                s0 = 2 * step
                wait_gather(step, b)

                def _wait_out(bb=b, ss=s0):
                    pltpu.make_async_copy(
                        comp[bb],
                        out_hbm.at[pl.ds(ss - 4, 2), pl.ds(0, D_MODEL // 8),
                                   wid], osem[bb]).wait()

                pl.when(i > 0)(_wait_out)

                for p in range(2):
                    pe16s = [pe_v[s0 + p, pl.ds(j * 16, 16)] for j in range(4)]

                    def p1_body(cc, off, bb=b, pp=pe16s, base=p * BBLK):
                        for j in range(D_MODEL // 16):
                            v = (rows[bb][base + cc, pl.ds(j * 16, 16)] * SCALE
                                 + pp[j])
                            rpad[pl.ds(off + j * 16, 16)] = v
                        return off + PADR

                    plsc.parallel_loop(
                        0, BBLK, unroll=8, carry=jnp.int32(0))(p1_body)

                    def _next_gather_half(bb=b, st=step, ph=p):
                        pltpu.async_copy(
                            w_hbm.at[idx_all.at[2 * (st + 2) + ph]],
                            rows[bb].at[pl.ds(ph * BBLK, BBLK)], gsem[bb])

                    pl.when(i < n_iter - 1)(_next_gather_half)

                    def p2_body(d, doff, bb=b, pp=p):
                        tr = lax.shift_right_logical(d, 3)
                        r = lax.bitwise_and(d, 7)
                        for c0 in range(BBLK // 16):
                            idx = l_pad + (c0 * 16 * PADR) + doff
                            v = plsc.load_gather(rpad, [idx])
                            comp[bb][pp, tr, r, pl.ds(c0 * 16, 16)] = v
                        return doff + 1

                    plsc.parallel_loop(
                        0, D_MODEL, unroll=8, carry=jnp.int32(0))(p2_body)

                pltpu.async_copy(
                    comp[b],
                    out_hbm.at[pl.ds(s0, 2), pl.ds(0, D_MODEL // 8), wid],
                    osem[b])
            return carry

        lax.fori_loop(0, n_iter, iter_body, 0)
        pltpu.make_async_copy(
            comp0, out_hbm.at[pl.ds(L - 4, 2), pl.ds(0, D_MODEL // 8), wid],
            osem0).wait()
        pltpu.make_async_copy(
            comp1, out_hbm.at[pl.ds(L - 2, 2), pl.ds(0, D_MODEL // 8), wid],
            osem1).wait()

    return k(xt, W, pe)


def kernel(x, W):
    B, L = x.shape
    xt = x.T
    pe = _positional_encoding(L, D_MODEL)
    out5 = _sc_embed(xt, W, pe, B, L)
    return out5.transpose(2, 4, 0, 1, 3).reshape(B, L, D_MODEL)

# --- scband reference (transcript-rebuilt; emitter-appended) ---
"""Pipeline reference for scband-positional-embedding-10522669875821 (READ-ONLY COPY).

The authoritative reference and input builder live on the scoring server;
editing this copy changes nothing except your own understanding.
"""

import jax, jax.numpy as jnp
import numpy as np

VOCAB = 100000
D_MODEL = 64
MAX_LENGTH = 2048
BATCH = 4096
SEQ = 200


def positional_encoding(length, d_model):
    depth = d_model / 2
    pos = jnp.arange(0, length, dtype=jnp.float32)[:, None]
    i = jnp.arange(0, depth, dtype=jnp.float32)
    angle = pos / jnp.power(10000.0, 2.0 * i / depth)
    pos_enc = jnp.concatenate([jnp.sin(angle), jnp.cos(angle)], axis=-1)
    return pos_enc


def setup_inputs(seed: int = 0) -> dict:
    key = jax.random.key(seed)
    k1, k2 = jax.random.split(key)
    x = jax.random.randint(k1, (BATCH, SEQ), 0, VOCAB, dtype=jnp.int32)
    W = jax.random.normal(k2, (VOCAB, D_MODEL), dtype=jnp.float32)
    # padding_idx=0: row 0 is zero
    W = W.at[0].set(0.0)
    return {"x": x, "W": W}


def reference(x, W):
    length = x.shape[1]
    emb = jnp.take(W, x, axis=0)  # [B, L, d_model] embedding gather
    scale = jnp.sqrt(jnp.asarray(D_MODEL, dtype=jnp.float32))
    emb = emb * scale
    pe = positional_encoding(MAX_LENGTH, D_MODEL)
    out = emb + pe[:length, :][None, :, :]
    return out

if __name__ == "__main__":
    import jax
    _d = setup_inputs()
    print(jax.jit(kernel)(*tuple(_d.values())))

</pallas_src>

<mosaic_0001>
#map = affine_map<(d0, d1) -> (0, 0)>
#map1 = affine_map<(d0, d1) -> (0, 0, 0, 0, 0)>
module attributes {stable_mosaic.version = 14 : i64} {
  func.func @k(%arg0: i32, %arg1: i32, %arg2: memref<200x4096xi32, #tpu.memory_space<hbm>>, %arg3: memref<100000x64xf32, #tpu.memory_space<hbm>>, %arg4: memref<200x64xf32, #tpu.memory_space<hbm>>, %arg5: memref<200x8x32x8x128xf32, #tpu.memory_space<hbm>>, %arg6: memref<200x128xi32, #tpu.memory_space<vmem>>, %arg7: memref<256x64xf32, #tpu.memory_space<vmem>>, %arg8: memref<256x64xf32, #tpu.memory_space<vmem>>, %arg9: memref<9344xf32, #tpu.memory_space<vmem>>, %arg10: memref<2x8x8x128xf32, #tpu.memory_space<vmem>>, %arg11: memref<2x8x8x128xf32, #tpu.memory_space<vmem>>, %arg12: memref<200x64xf32, #tpu.memory_space<vmem>>, %arg13: memref<!tpu.dma_semaphore, #tpu.memory_space<semaphore_mem>>, %arg14: memref<!tpu.dma_semaphore, #tpu.memory_space<semaphore_mem>>, %arg15: memref<!tpu.dma_semaphore, #tpu.memory_space<semaphore_mem>>, %arg16: memref<!tpu.dma_semaphore, #tpu.memory_space<semaphore_mem>>, %arg17: memref<!tpu.dma_semaphore, #tpu.memory_space<semaphore_mem>>) attributes {dimension_semantics = [#tpu.dimension_semantics<core_parallel>, #tpu.dimension_semantics<subcore_parallel>], iteration_bounds = array<i64: 2, 16>, scalar_prefetch = 0 : i64, scratch_operands = 12 : i64, tpu.core_type = #tpu.core_type<sc_vector_subcore>, window_params = [{transform_indices = #map}, {transform_indices = #map}, {transform_indices = #map}, {transform_indices = #map1}]} {
    %mul3A = arith.constant 2 : i32
    %mul3A_0 = arith.muli %arg1, %mul3A : i32
    %add3A = arith.addi %mul3A_0, %arg0 : i32
    %mul3A_1 = arith.constant 128 : i32
    %mul3A_2 = arith.muli %add3A, %mul3A_1 : i32
    %dma_start3A = arith.constant 0 : i32
    %dma_start3A_3 = tpu.memref_slice %arg2[%dma_start3A, %mul3A_2] : memref<200x4096xi32, #tpu.memory_space<hbm>> -> memref<200x128xi32, #tpu.memory_space<hbm>>
    %dma_start3A_4 = arith.constant 0 : i32
    %dma_start3A_5 = tpu.memref_slice %arg2[%dma_start3A_4, %mul3A_2] : memref<200x4096xi32, #tpu.memory_space<hbm>> -> memref<200x128xi32, #tpu.memory_space<hbm>>
    tpu.enqueue_dma source(%dma_start3A_5 : memref<200x128xi32, #tpu.memory_space<hbm>>) target(%arg6 : memref<200x128xi32, #tpu.memory_space<vmem>>) target_semaphore(%arg13 : memref<!tpu.dma_semaphore, #tpu.memory_space<semaphore_mem>>)
    "tpu.region"() ({
      %run_scoped3A = tpu.sem_alloc : memref<!tpu.dma_semaphore, #tpu.memory_space<semaphore_mem>>
      tpu.enqueue_dma source(%arg4 : memref<200x64xf32, #tpu.memory_space<hbm>>) target(%arg12 : memref<200x64xf32, #tpu.memory_space<vmem>>) target_semaphore(%run_scoped3A : memref<!tpu.dma_semaphore, #tpu.memory_space<semaphore_mem>>)
      tpu.wait_dma2 semaphore(%run_scoped3A : memref<!tpu.dma_semaphore, #tpu.memory_space<semaphore_mem>>) src(%arg4 : memref<200x64xf32, #tpu.memory_space<hbm>>) dst(%arg12 : memref<200x64xf32, #tpu.memory_space<vmem>>)
      tpu.yield
    }) : () -> ()
    %mul3A_6 = arith.constant 128 : i32
    %mul3A_7 = arith.muli %add3A, %mul3A_6 : i32
    %dma_wait3A = arith.constant 0 : i32
    %dma_wait3A_8 = tpu.memref_slice %arg2[%dma_wait3A, %mul3A_7] : memref<200x4096xi32, #tpu.memory_space<hbm>> -> memref<200x128xi32, #tpu.memory_space<hbm>>
    %dma_wait3A_9 = arith.constant 0 : i32
    %dma_wait3A_10 = tpu.memref_slice %arg2[%dma_wait3A_9, %mul3A_7] : memref<200x4096xi32, #tpu.memory_space<hbm>> -> memref<200x128xi32, #tpu.memory_space<hbm>>
    tpu.wait_dma2 semaphore(%arg13 : memref<!tpu.dma_semaphore, #tpu.memory_space<semaphore_mem>>) src(%dma_wait3A_10 : memref<200x128xi32, #tpu.memory_space<hbm>>) dst(%arg6 : memref<200x128xi32, #tpu.memory_space<vmem>>)
    %iota3A = tpu.iota {dimensions = array<i32: 0>} : vector<16xi32>
    %mul3A_11 = arith.constant 73 : i32
    %mul3A_12 = vector.broadcast %mul3A_11 : i32 to vector<16xi32>
    %mul3A_13 = arith.muli %iota3A, %mul3A_12 : vector<16xi32>
    %dma_start3A_14 = arith.constant 0 : i32
    %dma_start3A_15 = arith.constant 0 : i32
    %dma_start3A_16 = arith.constant 0 : i32
    %dma_start3A_17 = tpu.memref_slice %arg7[%dma_start3A_15, %dma_start3A_16] : memref<256x64xf32, #tpu.memory_space<vmem>> -> memref<128x64xf32, #tpu.memory_space<vmem>>
    %dma_start3A_18 = arith.constant 0 : i32
    %dma_start3A_19 = tpu.memref_slice %arg6[%dma_start3A_14, %dma_start3A_18] : memref<200x128xi32, #tpu.memory_space<vmem>> -> memref<1x128xi32, #tpu.memory_space<vmem>>
    %dma_start3A_20 = tpu.memref_squeeze %dma_start3A_19 : memref<1x128xi32, #tpu.memory_space<vmem>> -> memref<128xi32, #tpu.memory_space<vmem>>
    %dma_start3A_21 = arith.constant 0 : i32
    %dma_start3A_22 = arith.constant 0 : i32
    %dma_start3A_23 = tpu.memref_slice %arg3[%dma_start3A_21, %dma_start3A_22] : memref<100000x64xf32, #tpu.memory_space<hbm>> -> memref<100000x64xf32, #tpu.memory_space<hbm>>
    tpu.enqueue_indirect_dma source(%dma_start3A_23 : memref<100000x64xf32, #tpu.memory_space<hbm>>) target(%dma_start3A_17 : memref<128x64xf32, #tpu.memory_space<vmem>>) offsets(%dma_start3A_20 : memref<128xi32, #tpu.memory_space<vmem>>) semaphore(%arg14 : memref<!tpu.dma_semaphore, #tpu.memory_space<semaphore_mem>>)
    %dma_start3A_24 = arith.constant 1 : i32
    %dma_start3A_25 = arith.constant 128 : i32
    %dma_start3A_26 = arith.constant 0 : i32
    %dma_start3A_27 = tpu.memref_slice %arg7[%dma_start3A_25, %dma_start3A_26] : memref<256x64xf32, #tpu.memory_space<vmem>> -> memref<128x64xf32, #tpu.memory_space<vmem>>
    %dma_start3A_28 = arith.constant 0 : i32
    %dma_start3A_29 = tpu.memref_slice %arg6[%dma_start3A_24, %dma_start3A_28] : memref<200x128xi32, #tpu.memory_space<vmem>> -> memref<1x128xi32, #tpu.memory_space<vmem>>
    %dma_start3A_30 = tpu.memref_squeeze %dma_start3A_29 : memref<1x128xi32, #tpu.memory_space<vmem>> -> memref<128xi32, #tpu.memory_space<vmem>>
    %dma_start3A_31 = arith.constant 0 : i32
    %dma_start3A_32 = arith.constant 0 : i32
    %dma_start3A_33 = tpu.memref_slice %arg3[%dma_start3A_31, %dma_start3A_32] : memref<100000x64xf32, #tpu.memory_space<hbm>> -> memref<100000x64xf32, #tpu.memory_space<hbm>>
    tpu.enqueue_indirect_dma source(%dma_start3A_33 : memref<100000x64xf32, #tpu.memory_space<hbm>>) target(%dma_start3A_27 : memref<128x64xf32, #tpu.memory_space<vmem>>) offsets(%dma_start3A_30 : memref<128xi32, #tpu.memory_space<vmem>>) semaphore(%arg14 : memref<!tpu.dma_semaphore, #tpu.memory_space<semaphore_mem>>)
    %dma_start3A_34 = arith.constant 2 : i32
    %dma_start3A_35 = arith.constant 0 : i32
    %dma_start3A_36 = arith.constant 0 : i32
    %dma_start3A_37 = tpu.memref_slice %arg8[%dma_start3A_35, %dma_start3A_36] : memref<256x64xf32, #tpu.memory_space<vmem>> -> memref<128x64xf32, #tpu.memory_space<vmem>>
    %dma_start3A_38 = arith.constant 0 : i32
    %dma_start3A_39 = tpu.memref_slice %arg6[%dma_start3A_34, %dma_start3A_38] : memref<200x128xi32, #tpu.memory_space<vmem>> -> memref<1x128xi32, #tpu.memory_space<vmem>>
    %dma_start3A_40 = tpu.memref_squeeze %dma_start3A_39 : memref<1x128xi32, #tpu.memory_space<vmem>> -> memref<128xi32, #tpu.memory_space<vmem>>
    %dma_start3A_41 = arith.constant 0 : i32
    %dma_start3A_42 = arith.constant 0 : i32
    %dma_start3A_43 = tpu.memref_slice %arg3[%dma_start3A_41, %dma_start3A_42] : memref<100000x64xf32, #tpu.memory_space<hbm>> -> memref<100000x64xf32, #tpu.memory_space<hbm>>
    tpu.enqueue_indirect_dma source(%dma_start3A_43 : memref<100000x64xf32, #tpu.memory_space<hbm>>) target(%dma_start3A_37 : memref<128x64xf32, #tpu.memory_space<vmem>>) offsets(%dma_start3A_40 : memref<128xi32, #tpu.memory_space<vmem>>) semaphore(%arg15 : memref<!tpu.dma_semaphore, #tpu.memory_space<semaphore_mem>>)
    %dma_start3A_44 = arith.constant 3 : i32
    %dma_start3A_45 = arith.constant 128 : i32
    %dma_start3A_46 = arith.constant 0 : i32
    %dma_start3A_47 = tpu.memref_slice %arg8[%dma_start3A_45, %dma_start3A_46] : memref<256x64xf32, #tpu.memory_space<vmem>> -> memref<128x64xf32, #tpu.memory_space<vmem>>
    %dma_start3A_48 = arith.constant 0 : i32
    %dma_start3A_49 = tpu.memref_slice %arg6[%dma_start3A_44, %dma_start3A_48] : memref<200x128xi32, #tpu.memory_space<vmem>> -> memref<1x128xi32, #tpu.memory_space<vmem>>
    %dma_start3A_50 = tpu.memref_squeeze %dma_start3A_49 : memref<1x128xi32, #tpu.memory_space<vmem>> -> memref<128xi32, #tpu.memory_space<vmem>>
    %dma_start3A_51 = arith.constant 0 : i32
    %dma_start3A_52 = arith.constant 0 : i32
    %dma_start3A_53 = tpu.memref_slice %arg3[%dma_start3A_51, %dma_start3A_52] : memref<100000x64xf32, #tpu.memory_space<hbm>> -> memref<100000x64xf32, #tpu.memory_space<hbm>>
    tpu.enqueue_indirect_dma source(%dma_start3A_53 : memref<100000x64xf32, #tpu.memory_space<hbm>>) target(%dma_start3A_47 : memref<128x64xf32, #tpu.memory_space<vmem>>) offsets(%dma_start3A_50 : memref<128xi32, #tpu.memory_space<vmem>>) semaphore(%arg15 : memref<!tpu.dma_semaphore, #tpu.memory_space<semaphore_mem>>)
    %scan3A = arith.constant 0 : i32
    %scan3A_54 = arith.constant 0 : i32
    %scan3A_55 = arith.constant 50 : i32
    %scan3A_56 = arith.addi %scan3A_54, %scan3A_55 : i32
    %scan3A_57 = arith.constant 1 : i32
    scf.for %scan3A_83 = %scan3A_54 to %scan3A_56 step %scan3A_57  : i32 {
      %mul3A_84 = arith.constant 2 : i32
      %mul3A_85 = arith.muli %mul3A_84, %scan3A_83 : i32
      %add3A_86 = arith.constant 0 : i32
      %add3A_87 = arith.addi %mul3A_85, %add3A_86 : i32
      %mul3A_88 = arith.constant 2 : i32
      %mul3A_89 = arith.muli %mul3A_88, %add3A_87 : i32
      %mul3A_90 = arith.constant 2 : i32
      %mul3A_91 = arith.muli %mul3A_90, %add3A_87 : i32
      %add3A_92 = arith.constant 0 : i32
      %add3A_93 = arith.addi %mul3A_91, %add3A_92 : i32
      %dma_wait3A_94 = arith.constant 0 : i32
      %dma_wait3A_95 = arith.constant 0 : i32
      %dma_wait3A_96 = tpu.memref_slice %arg7[%dma_wait3A_94, %dma_wait3A_95] : memref<256x64xf32, #tpu.memory_space<vmem>> -> memref<128x64xf32, #tpu.memory_space<vmem>>
      %dma_wait3A_97 = arith.constant 0 : i32
      %dma_wait3A_98 = tpu.memref_slice %arg6[%add3A_93, %dma_wait3A_97] : memref<200x128xi32, #tpu.memory_space<vmem>> -> memref<1x128xi32, #tpu.memory_space<vmem>>
      %dma_wait3A_99 = tpu.memref_squeeze %dma_wait3A_98 : memref<1x128xi32, #tpu.memory_space<vmem>> -> memref<128xi32, #tpu.memory_space<vmem>>
      %dma_wait3A_100 = arith.constant 0 : i32
      %dma_wait3A_101 = arith.constant 0 : i32
      %dma_wait3A_102 = tpu.memref_slice %arg3[%dma_wait3A_100, %dma_wait3A_101] : memref<100000x64xf32, #tpu.memory_space<hbm>> -> memref<100000x64xf32, #tpu.memory_space<hbm>>
      tpu.wait_indirect_dma semaphore(%arg14 : memref<!tpu.dma_semaphore, #tpu.memory_space<semaphore_mem>>) src(%dma_wait3A_102 : memref<100000x64xf32, #tpu.memory_space<hbm>>) dst(%dma_wait3A_96 : memref<128x64xf32, #tpu.memory_space<vmem>>)
      %mul3A_103 = arith.constant 2 : i32
      %mul3A_104 = arith.muli %mul3A_103, %add3A_87 : i32
      %add3A_105 = arith.constant 1 : i32
      %add3A_106 = arith.addi %mul3A_104, %add3A_105 : i32
      %dma_wait3A_107 = arith.constant 128 : i32
      %dma_wait3A_108 = arith.constant 0 : i32
      %dma_wait3A_109 = tpu.memref_slice %arg7[%dma_wait3A_107, %dma_wait3A_108] : memref<256x64xf32, #tpu.memory_space<vmem>> -> memref<128x64xf32, #tpu.memory_space<vmem>>
      %dma_wait3A_110 = arith.constant 0 : i32
      %dma_wait3A_111 = tpu.memref_slice %arg6[%add3A_106, %dma_wait3A_110] : memref<200x128xi32, #tpu.memory_space<vmem>> -> memref<1x128xi32, #tpu.memory_space<vmem>>
      %dma_wait3A_112 = tpu.memref_squeeze %dma_wait3A_111 : memref<1x128xi32, #tpu.memory_space<vmem>> -> memref<128xi32, #tpu.memory_space<vmem>>
      %dma_wait3A_113 = arith.constant 0 : i32
      %dma_wait3A_114 = arith.constant 0 : i32
      %dma_wait3A_115 = tpu.memref_slice %arg3[%dma_wait3A_113, %dma_wait3A_114] : memref<100000x64xf32, #tpu.memory_space<hbm>> -> memref<100000x64xf32, #tpu.memory_space<hbm>>
      tpu.wait_indirect_dma semaphore(%arg14 : memref<!tpu.dma_semaphore, #tpu.memory_space<semaphore_mem>>) src(%dma_wait3A_115 : memref<100000x64xf32, #tpu.memory_space<hbm>>) dst(%dma_wait3A_109 : memref<128x64xf32, #tpu.memory_space<vmem>>)
      %gt3A = arith.constant 0 : i32
      %gt3A_116 = arith.cmpi sgt, %scan3A_83, %gt3A : i32
      %convert_element_type3A = arith.extui %gt3A_116 : i1 to i32
      %cond3A = arith.constant 0 : i32
      %cond3A_117 = arith.cmpi ne, %convert_element_type3A, %cond3A : i32
      scf.if %cond3A_117 {
        %sub3A = arith.constant 4 : i32
        %sub3A_312 = arith.subi %mul3A_89, %sub3A : i32
        %dma_wait3A_313 = arith.constant 0 : i32
        %dma_wait3A_314 = arith.constant 0 : i32
        %dma_wait3A_315 = arith.constant 0 : i32
        %dma_wait3A_316 = tpu.memref_slice %arg5[%sub3A_312, %dma_wait3A_313, %add3A, %dma_wait3A_314, %dma_wait3A_315] : memref<200x8x32x8x128xf32, #tpu.memory_space<hbm>> -> memref<2x8x1x8x128xf32, #tpu.memory_space<hbm>>
        %dma_wait3A_317 = tpu.memref_squeeze %dma_wait3A_316 : memref<2x8x1x8x128xf32, #tpu.memory_space<hbm>> -> memref<2x8x8x128xf32, #tpu.memory_space<hbm>>
        %dma_wait3A_318 = arith.constant 0 : i32
        %dma_wait3A_319 = arith.constant 0 : i32
        %dma_wait3A_320 = arith.constant 0 : i32
        %dma_wait3A_321 = tpu.memref_slice %arg5[%sub3A_312, %dma_wait3A_318, %add3A, %dma_wait3A_319, %dma_wait3A_320] : memref<200x8x32x8x128xf32, #tpu.memory_space<hbm>> -> memref<2x8x1x8x128xf32, #tpu.memory_space<hbm>>
        %dma_wait3A_322 = tpu.memref_squeeze %dma_wait3A_321 : memref<2x8x1x8x128xf32, #tpu.memory_space<hbm>> -> memref<2x8x8x128xf32, #tpu.memory_space<hbm>>
        tpu.wait_dma2 semaphore(%arg16 : memref<!tpu.dma_semaphore, #tpu.memory_space<semaphore_mem>>) src(%arg10 : memref<2x8x8x128xf32, #tpu.memory_space<vmem>>) dst(%dma_wait3A_322 : memref<2x8x8x128xf32, #tpu.memory_space<hbm>>)
      } else {
      }
      %add3A_118 = arith.constant 0 : i32
      %add3A_119 = arith.addi %mul3A_89, %add3A_118 : i32
      %get3A = arith.index_cast %add3A_119 : i32 to index
      %get3A_120 = arith.constant 0 : index
      %get3A_121 = tpu.vector_load %arg12[%get3A, %get3A_120] {strides = array<i32>} : memref<200x64xf32, #tpu.memory_space<vmem>>, vector<16xf32>,
      %add3A_122 = arith.constant 0 : i32
      %add3A_123 = arith.addi %mul3A_89, %add3A_122 : i32
      %get3A_124 = arith.index_cast %add3A_123 : i32 to index
      %get3A_125 = arith.constant 16 : index
      %get3A_126 = tpu.vector_load %arg12[%get3A_124, %get3A_125] {strides = array<i32>} : memref<200x64xf32, #tpu.memory_space<vmem>>, vector<16xf32>,
      %add3A_127 = arith.constant 0 : i32
      %add3A_128 = arith.addi %mul3A_89, %add3A_127 : i32
      %get3A_129 = arith.index_cast %add3A_128 : i32 to index
      %get3A_130 = arith.constant 32 : index
      %get3A_131 = tpu.vector_load %arg12[%get3A_129, %get3A_130] {strides = array<i32>} : memref<200x64xf32, #tpu.memory_space<vmem>>, vector<16xf32>,
      %add3A_132 = arith.constant 0 : i32
      %add3A_133 = arith.addi %mul3A_89, %add3A_132 : i32
      %get3A_134 = arith.index_cast %add3A_133 : i32 to index
      %get3A_135 = arith.constant 48 : index
      %get3A_136 = tpu.vector_load %arg12[%get3A_134, %get3A_135] {strides = array<i32>} : memref<200x64xf32, #tpu.memory_space<vmem>>, vector<16xf32>,
      %parallel_loop3A = arith.constant 0 : i32
      %parallel_loop3A_137 = arith.constant 128 : i32
      %parallel_loop3A_138 = arith.constant 1 : i32
      %parallel_loop3A_139 = arith.constant 0 : i32
      %parallel_loop3A_140 = scf.for %parallel_loop3A_312 = %parallel_loop3A to %parallel_loop3A_137 step %parallel_loop3A_138 iter_args(%parallel_loop3A_313 = %parallel_loop3A_139) -> (i32)  : i32 {
        %parallel_loop3A_314 = arith.constant 0 : i32
        %parallel_loop3A_315 = arith.addi %parallel_loop3A_314, %parallel_loop3A_312 : i32
        %parallel_loop3A_316 = arith.index_cast %parallel_loop3A_315 : i32 to index
        %parallel_loop3A_317 = arith.constant 0 : index
        %parallel_loop3A_318 = tpu.vector_load %arg7[%parallel_loop3A_316, %parallel_loop3A_317] {strides = array<i32>} : memref<256x64xf32, #tpu.memory_space<vmem>>, vector<16xf32>,
        %parallel_loop3A_319 = arith.constant 8.000000e+00 : f32
        %parallel_loop3A_320 = vector.broadcast %parallel_loop3A_319 : f32 to vector<16xf32>
        %parallel_loop3A_321 = arith.mulf %parallel_loop3A_318, %parallel_loop3A_320 : vector<16xf32>
        %parallel_loop3A_322 = arith.addf %parallel_loop3A_321, %get3A_121 : vector<16xf32>
        %parallel_loop3A_323 = arith.constant 0 : i32
        %parallel_loop3A_324 = arith.addi %parallel_loop3A_313, %parallel_loop3A_323 : i32
        %parallel_loop3A_325 = arith.index_cast %parallel_loop3A_324 : i32 to index
        %parallel_loop3A_326 = tpu.vector_load %arg9[%parallel_loop3A_325] {strides = array<i32>} : memref<9344xf32, #tpu.memory_space<vmem>>, vector<16xf32>,
        tpu.vector_store %arg9[%parallel_loop3A_325], %parallel_loop3A_322 {strides = array<i32>} : memref<9344xf32, #tpu.memory_space<vmem>>, vector<16xf32>,
        %parallel_loop3A_327 = arith.constant 0 : i32
        %parallel_loop3A_328 = arith.addi %parallel_loop3A_327, %parallel_loop3A_312 : i32
        %parallel_loop3A_329 = arith.index_cast %parallel_loop3A_328 : i32 to index
        %parallel_loop3A_330 = arith.constant 16 : index
        %parallel_loop3A_331 = tpu.vector_load %arg7[%parallel_loop3A_329, %parallel_loop3A_330] {strides = array<i32>} : memref<256x64xf32, #tpu.memory_space<vmem>>, vector<16xf32>,
        %parallel_loop3A_332 = arith.constant 8.000000e+00 : f32
        %parallel_loop3A_333 = vector.broadcast %parallel_loop3A_332 : f32 to vector<16xf32>
        %parallel_loop3A_334 = arith.mulf %parallel_loop3A_331, %parallel_loop3A_333 : vector<16xf32>
        %parallel_loop3A_335 = arith.addf %parallel_loop3A_334, %get3A_126 : vector<16xf32>
        %parallel_loop3A_336 = arith.constant 16 : i32
        %parallel_loop3A_337 = arith.addi %parallel_loop3A_313, %parallel_loop3A_336 : i32
        %parallel_loop3A_338 = arith.index_cast %parallel_loop3A_337 : i32 to index
        %parallel_loop3A_339 = tpu.vector_load %arg9[%parallel_loop3A_338] {strides = array<i32>} : memref<9344xf32, #tpu.memory_space<vmem>>, vector<16xf32>,
        tpu.vector_store %arg9[%parallel_loop3A_338], %parallel_loop3A_335 {strides = array<i32>} : memref<9344xf32, #tpu.memory_space<vmem>>, vector<16xf32>,
        %parallel_loop3A_340 = arith.constant 0 : i32
        %parallel_loop3A_341 = arith.addi %parallel_loop3A_340, %parallel_loop3A_312 : i32
        %parallel_loop3A_342 = arith.index_cast %parallel_loop3A_341 : i32 to index
        %parallel_loop3A_343 = arith.constant 32 : index
        %parallel_loop3A_344 = tpu.vector_load %arg7[%parallel_loop3A_342, %parallel_loop3A_343] {strides = array<i32>} : memref<256x64xf32, #tpu.memory_space<vmem>>, vector<16xf32>,
        %parallel_loop3A_345 = arith.constant 8.000000e+00 : f32
        %parallel_loop3A_346 = vector.broadcast %parallel_loop3A_345 : f32 to vector<16xf32>
        %parallel_loop3A_347 = arith.mulf %parallel_loop3A_344, %parallel_loop3A_346 : vector<16xf32>
        %parallel_loop3A_348 = arith.addf %parallel_loop3A_347, %get3A_131 : vector<16xf32>
        %parallel_loop3A_349 = arith.constant 32 : i32
        %parallel_loop3A_350 = arith.addi %parallel_loop3A_313, %parallel_loop3A_349 : i32
        %parallel_loop3A_351 = arith.index_cast %parallel_loop3A_350 : i32 to index
        %parallel_loop3A_352 = tpu.vector_load %arg9[%parallel_loop3A_351] {strides = array<i32>} : memref<9344xf32, #tpu.memory_space<vmem>>, vector<16xf32>,
        tpu.vector_store %arg9[%parallel_loop3A_351], %parallel_loop3A_348 {strides = array<i32>} : memref<9344xf32, #tpu.memory_space<vmem>>, vector<16xf32>,
        %parallel_loop3A_353 = arith.constant 0 : i32
        %parallel_loop3A_354 = arith.addi %parallel_loop3A_353, %parallel_loop3A_312 : i32
        %parallel_loop3A_355 = arith.index_cast %parallel_loop3A_354 : i32 to index
        %parallel_loop3A_356 = arith.constant 48 : index
        %parallel_loop3A_357 = tpu.vector_load %arg7[%parallel_loop3A_355, %parallel_loop3A_356] {strides = array<i32>} : memref<256x64xf32, #tpu.memory_space<vmem>>, vector<16xf32>,
        %parallel_loop3A_358 = arith.constant 8.000000e+00 : f32
        %parallel_loop3A_359 = vector.broadcast %parallel_loop3A_358 : f32 to vector<16xf32>
        %parallel_loop3A_360 = arith.mulf %parallel_loop3A_357, %parallel_loop3A_359 : vector<16xf32>
        %parallel_loop3A_361 = arith.addf %parallel_loop3A_360, %get3A_136 : vector<16xf32>
        %parallel_loop3A_362 = arith.constant 48 : i32
        %parallel_loop3A_363 = arith.addi %parallel_loop3A_313, %parallel_loop3A_362 : i32
        %parallel_loop3A_364 = arith.index_cast %parallel_loop3A_363 : i32 to index
        %parallel_loop3A_365 = tpu.vector_load %arg9[%parallel_loop3A_364] {strides = array<i32>} : memref<9344xf32, #tpu.memory_space<vmem>>, vector<16xf32>,
        tpu.vector_store %arg9[%parallel_loop3A_364], %parallel_loop3A_361 {strides = array<i32>} : memref<9344xf32, #tpu.memory_space<vmem>>, vector<16xf32>,
        %parallel_loop3A_366 = arith.constant 73 : i32
        %parallel_loop3A_367 = arith.addi %parallel_loop3A_313, %parallel_loop3A_366 : i32
        scf.yield %parallel_loop3A_367 : i32
      } {sc.loop_unroll_factor = 8 : i64, sc.parallel_access}
      %lt3A = arith.constant 49 : i32
      %lt3A_141 = arith.cmpi slt, %scan3A_83, %lt3A : i32
      %convert_element_type3A_142 = arith.extui %lt3A_141 : i1 to i32
      %cond3A_143 = arith.constant 0 : i32
      %cond3A_144 = arith.cmpi ne, %convert_element_type3A_142, %cond3A_143 : i32
      scf.if %cond3A_144 {
        %add3A_312 = arith.constant 2 : i32
        %add3A_313 = arith.addi %add3A_87, %add3A_312 : i32
        %mul3A_314 = arith.constant 2 : i32
        %mul3A_315 = arith.muli %mul3A_314, %add3A_313 : i32
        %add3A_316 = arith.constant 0 : i32
        %add3A_317 = arith.addi %mul3A_315, %add3A_316 : i32
        %dma_start3A_318 = arith.constant 0 : i32
        %dma_start3A_319 = arith.constant 0 : i32
        %dma_start3A_320 = tpu.memref_slice %arg7[%dma_start3A_318, %dma_start3A_319] : memref<256x64xf32, #tpu.memory_space<vmem>> -> memref<128x64xf32, #tpu.memory_space<vmem>>
        %dma_start3A_321 = arith.constant 0 : i32
        %dma_start3A_322 = tpu.memref_slice %arg6[%add3A_317, %dma_start3A_321] : memref<200x128xi32, #tpu.memory_space<vmem>> -> memref<1x128xi32, #tpu.memory_space<vmem>>
        %dma_start3A_323 = tpu.memref_squeeze %dma_start3A_322 : memref<1x128xi32, #tpu.memory_space<vmem>> -> memref<128xi32, #tpu.memory_space<vmem>>
        %dma_start3A_324 = arith.constant 0 : i32
        %dma_start3A_325 = arith.constant 0 : i32
        %dma_start3A_326 = tpu.memref_slice %arg3[%dma_start3A_324, %dma_start3A_325] : memref<100000x64xf32, #tpu.memory_space<hbm>> -> memref<100000x64xf32, #tpu.memory_space<hbm>>
        tpu.enqueue_indirect_dma source(%dma_start3A_326 : memref<100000x64xf32, #tpu.memory_space<hbm>>) target(%dma_start3A_320 : memref<128x64xf32, #tpu.memory_space<vmem>>) offsets(%dma_start3A_323 : memref<128xi32, #tpu.memory_space<vmem>>) semaphore(%arg14 : memref<!tpu.dma_semaphore, #tpu.memory_space<semaphore_mem>>)
      } else {
      }
      %parallel_loop3A_145 = arith.constant 0 : i32
      %parallel_loop3A_146 = arith.constant 64 : i32
      %parallel_loop3A_147 = arith.constant 1 : i32
      %parallel_loop3A_148 = arith.constant 0 : i32
      %parallel_loop3A_149 = scf.for %parallel_loop3A_312 = %parallel_loop3A_145 to %parallel_loop3A_146 step %parallel_loop3A_147 iter_args(%parallel_loop3A_313 = %parallel_loop3A_148) -> (i32)  : i32 {
        %parallel_loop3A_314 = arith.constant 3 : i32
        %parallel_loop3A_315 = arith.shrui %parallel_loop3A_312, %parallel_loop3A_314 : i32
        %parallel_loop3A_316 = arith.constant 7 : i32
        %parallel_loop3A_317 = arith.andi %parallel_loop3A_312, %parallel_loop3A_316 : i32
        %parallel_loop3A_318 = arith.constant 0 : i32
        %parallel_loop3A_319 = vector.broadcast %parallel_loop3A_318 : i32 to vector<16xi32>
        %parallel_loop3A_320 = arith.addi %mul3A_13, %parallel_loop3A_319 : vector<16xi32>
        %parallel_loop3A_321 = vector.broadcast %parallel_loop3A_313 : i32 to vector<16xi32>
        %parallel_loop3A_322 = arith.addi %parallel_loop3A_320, %parallel_loop3A_321 : vector<16xi32>
        %parallel_loop3A_323 = tpu.vector_load_idx %arg9[%parallel_loop3A_322] : memref<9344xf32, #tpu.memory_space<vmem>>[vector<16xi32>], vector<16xf32>,
        %parallel_loop3A_324 = arith.constant 0 : i32
        %parallel_loop3A_325 = arith.index_cast %parallel_loop3A_324 : i32 to index
        %parallel_loop3A_326 = arith.index_cast %parallel_loop3A_315 : i32 to index
        %parallel_loop3A_327 = arith.index_cast %parallel_loop3A_317 : i32 to index
        %parallel_loop3A_328 = arith.constant 0 : index
        %parallel_loop3A_329 = tpu.vector_load %arg10[%parallel_loop3A_325, %parallel_loop3A_326, %parallel_loop3A_327, %parallel_loop3A_328] {strides = array<i32>} : memref<2x8x8x128xf32, #tpu.memory_space<vmem>>, vector<16xf32>,
        tpu.vector_store %arg10[%parallel_loop3A_325, %parallel_loop3A_326, %parallel_loop3A_327, %parallel_loop3A_328], %parallel_loop3A_323 {strides = array<i32>} : memref<2x8x8x128xf32, #tpu.memory_space<vmem>>, vector<16xf32>,
        %parallel_loop3A_330 = arith.constant 1168 : i32
        %parallel_loop3A_331 = vector.broadcast %parallel_loop3A_330 : i32 to vector<16xi32>
        %parallel_loop3A_332 = arith.addi %mul3A_13, %parallel_loop3A_331 : vector<16xi32>
        %parallel_loop3A_333 = vector.broadcast %parallel_loop3A_313 : i32 to vector<16xi32>
        %parallel_loop3A_334 = arith.addi %parallel_loop3A_332, %parallel_loop3A_333 : vector<16xi32>
        %parallel_loop3A_335 = tpu.vector_load_idx %arg9[%parallel_loop3A_334] : memref<9344xf32, #tpu.memory_space<vmem>>[vector<16xi32>], vector<16xf32>,
        %parallel_loop3A_336 = arith.constant 0 : i32
        %parallel_loop3A_337 = arith.index_cast %parallel_loop3A_336 : i32 to index
        %parallel_loop3A_338 = arith.index_cast %parallel_loop3A_315 : i32 to index
        %parallel_loop3A_339 = arith.index_cast %parallel_loop3A_317 : i32 to index
        %parallel_loop3A_340 = arith.constant 16 : index
        %parallel_loop3A_341 = tpu.vector_load %arg10[%parallel_loop3A_337, %parallel_loop3A_338, %parallel_loop3A_339, %parallel_loop3A_340] {strides = array<i32>} : memref<2x8x8x128xf32, #tpu.memory_space<vmem>>, vector<16xf32>,
        tpu.vector_store %arg10[%parallel_loop3A_337, %parallel_loop3A_338, %parallel_loop3A_339, %parallel_loop3A_340], %parallel_loop3A_335 {strides = array<i32>} : memref<2x8x8x128xf32, #tpu.memory_space<vmem>>, vector<16xf32>,
        %parallel_loop3A_342 = arith.constant 2336 : i32
        %parallel_loop3A_343 = vector.broadcast %parallel_loop3A_342 : i32 to vector<16xi32>
        %parallel_loop3A_344 = arith.addi %mul3A_13, %parallel_loop3A_343 : vector<16xi32>
        %parallel_loop3A_345 = vector.broadcast %parallel_loop3A_313 : i32 to vector<16xi32>
        %parallel_loop3A_346 = arith.addi %parallel_loop3A_344, %parallel_loop3A_345 : vector<16xi32>
        %parallel_loop3A_347 = tpu.vector_load_idx %arg9[%parallel_loop3A_346] : memref<9344xf32, #tpu.memory_space<vmem>>[vector<16xi32>], vector<16xf32>,
        %parallel_loop3A_348 = arith.constant 0 : i32
        %parallel_loop3A_349 = arith.index_cast %parallel_loop3A_348 : i32 to index
        %parallel_loop3A_350 = arith.index_cast %parallel_loop3A_315 : i32 to index
        %parallel_loop3A_351 = arith.index_cast %parallel_loop3A_317 : i32 to index
        %parallel_loop3A_352 = arith.constant 32 : index
        %parallel_loop3A_353 = tpu.vector_load %arg10[%parallel_loop3A_349, %parallel_loop3A_350, %parallel_loop3A_351, %parallel_loop3A_352] {strides = array<i32>} : memref<2x8x8x128xf32, #tpu.memory_space<vmem>>, vector<16xf32>,
        tpu.vector_store %arg10[%parallel_loop3A_349, %parallel_loop3A_350, %parallel_loop3A_351, %parallel_loop3A_352], %parallel_loop3A_347 {strides = array<i32>} : memref<2x8x8x128xf32, #tpu.memory_space<vmem>>, vector<16xf32>,
        %parallel_loop3A_354 = arith.constant 3504 : i32
        %parallel_loop3A_355 = vector.broadcast %parallel_loop3A_354 : i32 to vector<16xi32>
        %parallel_loop3A_356 = arith.addi %mul3A_13, %parallel_loop3A_355 : vector<16xi32>
        %parallel_loop3A_357 = vector.broadcast %parallel_loop3A_313 : i32 to vector<16xi32>
        %parallel_loop3A_358 = arith.addi %parallel_loop3A_356, %parallel_loop3A_357 : vector<16xi32>
        %parallel_loop3A_359 = tpu.vector_load_idx %arg9[%parallel_loop3A_358] : memref<9344xf32, #tpu.memory_space<vmem>>[vector<16xi32>], vector<16xf32>,
        %parallel_loop3A_360 = arith.constant 0 : i32
        %parallel_loop3A_361 = arith.index_cast %parallel_loop3A_360 : i32 to index
        %parallel_loop3A_362 = arith.index_cast %parallel_loop3A_315 : i32 to index
        %parallel_loop3A_363 = arith.index_cast %parallel_loop3A_317 : i32 to index
        %parallel_loop3A_364 = arith.constant 48 : index
        %parallel_loop3A_365 = tpu.vector_load %arg10[%parallel_loop3A_361, %parallel_loop3A_362, %parallel_loop3A_363, %parallel_loop3A_364] {strides = array<i32>} : memref<2x8x8x128xf32, #tpu.memory_space<vmem>>, vector<16xf32>,
        tpu.vector_store %arg10[%parallel_loop3A_361, %parallel_loop3A_362, %parallel_loop3A_363, %parallel_loop3A_364], %parallel_loop3A_359 {strides = array<i32>} : memref<2x8x8x128xf32, #tpu.memory_space<vmem>>, vector<16xf32>,
        %parallel_loop3A_366 = arith.constant 4672 : i32
        %parallel_loop3A_367 = vector.broadcast %parallel_loop3A_366 : i32 to vector<16xi32>
        %parallel_loop3A_368 = arith.addi %mul3A_13, %parallel_loop3A_367 : vector<16xi32>
        %parallel_loop3A_369 = vector.broadcast %parallel_loop3A_313 : i32 to vector<16xi32>
        %parallel_loop3A_370 = arith.addi %parallel_loop3A_368, %parallel_loop3A_369 : vector<16xi32>
        %parallel_loop3A_371 = tpu.vector_load_idx %arg9[%parallel_loop3A_370] : memref<9344xf32, #tpu.memory_space<vmem>>[vector<16xi32>], vector<16xf32>,
        %parallel_loop3A_372 = arith.constant 0 : i32
        %parallel_loop3A_373 = arith.index_cast %parallel_loop3A_372 : i32 to index
        %parallel_loop3A_374 = arith.index_cast %parallel_loop3A_315 : i32 to index
        %parallel_loop3A_375 = arith.index_cast %parallel_loop3A_317 : i32 to index
        %parallel_loop3A_376 = arith.constant 64 : index
        %parallel_loop3A_377 = tpu.vector_load %arg10[%parallel_loop3A_373, %parallel_loop3A_374, %parallel_loop3A_375, %parallel_loop3A_376] {strides = array<i32>} : memref<2x8x8x128xf32, #tpu.memory_space<vmem>>, vector<16xf32>,
        tpu.vector_store %arg10[%parallel_loop3A_373, %parallel_loop3A_374, %parallel_loop3A_375, %parallel_loop3A_376], %parallel_loop3A_371 {strides = array<i32>} : memref<2x8x8x128xf32, #tpu.memory_space<vmem>>, vector<16xf32>,
        %parallel_loop3A_378 = arith.constant 5840 : i32
        %parallel_loop3A_379 = vector.broadcast %parallel_loop3A_378 : i32 to vector<16xi32>
        %parallel_loop3A_380 = arith.addi %mul3A_13, %parallel_loop3A_379 : vector<16xi32>
        %parallel_loop3A_381 = vector.broadcast %parallel_loop3A_313 : i32 to vector<16xi32>
        %parallel_loop3A_382 = arith.addi %parallel_loop3A_380, %parallel_loop3A_381 : vector<16xi32>
        %parallel_loop3A_383 = tpu.vector_load_idx %arg9[%parallel_loop3A_382] : memref<9344xf32, #tpu.memory_space<vmem>>[vector<16xi32>], vector<16xf32>,
        %parallel_loop3A_384 = arith.constant 0 : i32
        %parallel_loop3A_385 = arith.index_cast %parallel_loop3A_384 : i32 to index
        %parallel_loop3A_386 = arith.index_cast %parallel_loop3A_315 : i32 to index
        %parallel_loop3A_387 = arith.index_cast %parallel_loop3A_317 : i32 to index
        %parallel_loop3A_388 = arith.constant 80 : index
        %parallel_loop3A_389 = tpu.vector_load %arg10[%parallel_loop3A_385, %parallel_loop3A_386, %parallel_loop3A_387, %parallel_loop3A_388] {strides = array<i32>} : memref<2x8x8x128xf32, #tpu.memory_space<vmem>>, vector<16xf32>,
        tpu.vector_store %arg10[%parallel_loop3A_385, %parallel_loop3A_386, %parallel_loop3A_387, %parallel_loop3A_388], %parallel_loop3A_383 {strides = array<i32>} : memref<2x8x8x128xf32, #tpu.memory_space<vmem>>, vector<16xf32>,
        %parallel_loop3A_390 = arith.constant 7008 : i32
        %parallel_loop3A_391 = vector.broadcast %parallel_loop3A_390 : i32 to vector<16xi32>
        %parallel_loop3A_392 = arith.addi %mul3A_13, %parallel_loop3A_391 : vector<16xi32>
        %parallel_loop3A_393 = vector.broadcast %parallel_loop3A_313 : i32 to vector<16xi32>
        %parallel_loop3A_394 = arith.addi %parallel_loop3A_392, %parallel_loop3A_393 : vector<16xi32>
        %parallel_loop3A_395 = tpu.vector_load_idx %arg9[%parallel_loop3A_394] : memref<9344xf32, #tpu.memory_space<vmem>>[vector<16xi32>], vector<16xf32>,
        %parallel_loop3A_396 = arith.constant 0 : i32
        %parallel_loop3A_397 = arith.index_cast %parallel_loop3A_396 : i32 to index
        %parallel_loop3A_398 = arith.index_cast %parallel_loop3A_315 : i32 to index
        %parallel_loop3A_399 = arith.index_cast %parallel_loop3A_317 : i32 to index
        %parallel_loop3A_400 = arith.constant 96 : index
        %parallel_loop3A_401 = tpu.vector_load %arg10[%parallel_loop3A_397, %parallel_loop3A_398, %parallel_loop3A_399, %parallel_loop3A_400] {strides = array<i32>} : memref<2x8x8x128xf32, #tpu.memory_space<vmem>>, vector<16xf32>,
        tpu.vector_store %arg10[%parallel_loop3A_397, %parallel_loop3A_398, %parallel_loop3A_399, %parallel_loop3A_400], %parallel_loop3A_395 {strides = array<i32>} : memref<2x8x8x128xf32, #tpu.memory_space<vmem>>, vector<16xf32>,
        %parallel_loop3A_402 = arith.constant 8176 : i32
        %parallel_loop3A_403 = vector.broadcast %parallel_loop3A_402 : i32 to vector<16xi32>
        %parallel_loop3A_404 = arith.addi %mul3A_13, %parallel_loop3A_403 : vector<16xi32>
        %parallel_loop3A_405 = vector.broadcast %parallel_loop3A_313 : i32 to vector<16xi32>
        %parallel_loop3A_406 = arith.addi %parallel_loop3A_404, %parallel_loop3A_405 : vector<16xi32>
        %parallel_loop3A_407 = tpu.vector_load_idx %arg9[%parallel_loop3A_406] : memref<9344xf32, #tpu.memory_space<vmem>>[vector<16xi32>], vector<16xf32>,
        %parallel_loop3A_408 = arith.constant 0 : i32
        %parallel_loop3A_409 = arith.index_cast %parallel_loop3A_408 : i32 to index
        %parallel_loop3A_410 = arith.index_cast %parallel_loop3A_315 : i32 to index
        %parallel_loop3A_411 = arith.index_cast %parallel_loop3A_317 : i32 to index
        %parallel_loop3A_412 = arith.constant 112 : index
        %parallel_loop3A_413 = tpu.vector_load %arg10[%parallel_loop3A_409, %parallel_loop3A_410, %parallel_loop3A_411, %parallel_loop3A_412] {strides = array<i32>} : memref<2x8x8x128xf32, #tpu.memory_space<vmem>>, vector<16xf32>,
        tpu.vector_store %arg10[%parallel_loop3A_409, %parallel_loop3A_410, %parallel_loop3A_411, %parallel_loop3A_412], %parallel_loop3A_407 {strides = array<i32>} : memref<2x8x8x128xf32, #tpu.memory_space<vmem>>, vector<16xf32>,
        %parallel_loop3A_414 = arith.constant 1 : i32
        %parallel_loop3A_415 = arith.addi %parallel_loop3A_313, %parallel_loop3A_414 : i32
        scf.yield %parallel_loop3A_415 : i32
      } {sc.loop_unroll_factor = 8 : i64, sc.parallel_access}
      %add3A_150 = arith.constant 1 : i32
      %add3A_151 = arith.addi %mul3A_89, %add3A_150 : i32
      %get3A_152 = arith.index_cast %add3A_151 : i32 to index
      %get3A_153 = arith.constant 0 : index
      %get3A_154 = tpu.vector_load %arg12[%get3A_152, %get3A_153] {strides = array<i32>} : memref<200x64xf32, #tpu.memory_space<vmem>>, vector<16xf32>,
      %add3A_155 = arith.constant 1 : i32
      %add3A_156 = arith.addi %mul3A_89, %add3A_155 : i32
      %get3A_157 = arith.index_cast %add3A_156 : i32 to index
      %get3A_158 = arith.constant 16 : index
      %get3A_159 = tpu.vector_load %arg12[%get3A_157, %get3A_158] {strides = array<i32>} : memref<200x64xf32, #tpu.memory_space<vmem>>, vector<16xf32>,
      %add3A_160 = arith.constant 1 : i32
      %add3A_161 = arith.addi %mul3A_89, %add3A_160 : i32
      %get3A_162 = arith.index_cast %add3A_161 : i32 to index
      %get3A_163 = arith.constant 32 : index
      %get3A_164 = tpu.vector_load %arg12[%get3A_162, %get3A_163] {strides = array<i32>} : memref<200x64xf32, #tpu.memory_space<vmem>>, vector<16xf32>,
      %add3A_165 = arith.constant 1 : i32
      %add3A_166 = arith.addi %mul3A_89, %add3A_165 : i32
      %get3A_167 = arith.index_cast %add3A_166 : i32 to index
      %get3A_168 = arith.constant 48 : index
      %get3A_169 = tpu.vector_load %arg12[%get3A_167, %get3A_168] {strides = array<i32>} : memref<200x64xf32, #tpu.memory_space<vmem>>, vector<16xf32>,
      %parallel_loop3A_170 = arith.constant 0 : i32
      %parallel_loop3A_171 = arith.constant 128 : i32
      %parallel_loop3A_172 = arith.constant 1 : i32
      %parallel_loop3A_173 = arith.constant 0 : i32
      %parallel_loop3A_174 = scf.for %parallel_loop3A_312 = %parallel_loop3A_170 to %parallel_loop3A_171 step %parallel_loop3A_172 iter_args(%parallel_loop3A_313 = %parallel_loop3A_173) -> (i32)  : i32 {
        %parallel_loop3A_314 = arith.constant 128 : i32
        %parallel_loop3A_315 = arith.addi %parallel_loop3A_314, %parallel_loop3A_312 : i32
        %parallel_loop3A_316 = arith.index_cast %parallel_loop3A_315 : i32 to index
        %parallel_loop3A_317 = arith.constant 0 : index
        %parallel_loop3A_318 = tpu.vector_load %arg7[%parallel_loop3A_316, %parallel_loop3A_317] {strides = array<i32>} : memref<256x64xf32, #tpu.memory_space<vmem>>, vector<16xf32>,
        %parallel_loop3A_319 = arith.constant 8.000000e+00 : f32
        %parallel_loop3A_320 = vector.broadcast %parallel_loop3A_319 : f32 to vector<16xf32>
        %parallel_loop3A_321 = arith.mulf %parallel_loop3A_318, %parallel_loop3A_320 : vector<16xf32>
        %parallel_loop3A_322 = arith.addf %parallel_loop3A_321, %get3A_154 : vector<16xf32>
        %parallel_loop3A_323 = arith.constant 0 : i32
        %parallel_loop3A_324 = arith.addi %parallel_loop3A_313, %parallel_loop3A_323 : i32
        %parallel_loop3A_325 = arith.index_cast %parallel_loop3A_324 : i32 to index
        %parallel_loop3A_326 = tpu.vector_load %arg9[%parallel_loop3A_325] {strides = array<i32>} : memref<9344xf32, #tpu.memory_space<vmem>>, vector<16xf32>,
        tpu.vector_store %arg9[%parallel_loop3A_325], %parallel_loop3A_322 {strides = array<i32>} : memref<9344xf32, #tpu.memory_space<vmem>>, vector<16xf32>,
        %parallel_loop3A_327 = arith.constant 128 : i32
        %parallel_loop3A_328 = arith.addi %parallel_loop3A_327, %parallel_loop3A_312 : i32
        %parallel_loop3A_329 = arith.index_cast %parallel_loop3A_328 : i32 to index
        %parallel_loop3A_330 = arith.constant 16 : index
        %parallel_loop3A_331 = tpu.vector_load %arg7[%parallel_loop3A_329, %parallel_loop3A_330] {strides = array<i32>} : memref<256x64xf32, #tpu.memory_space<vmem>>, vector<16xf32>,
        %parallel_loop3A_332 = arith.constant 8.000000e+00 : f32
        %parallel_loop3A_333 = vector.broadcast %parallel_loop3A_332 : f32 to vector<16xf32>
        %parallel_loop3A_334 = arith.mulf %parallel_loop3A_331, %parallel_loop3A_333 : vector<16xf32>
        %parallel_loop3A_335 = arith.addf %parallel_loop3A_334, %get3A_159 : vector<16xf32>
        %parallel_loop3A_336 = arith.constant 16 : i32
        %parallel_loop3A_337 = arith.addi %parallel_loop3A_313, %parallel_loop3A_336 : i32
        %parallel_loop3A_338 = arith.index_cast %parallel_loop3A_337 : i32 to index
        %parallel_loop3A_339 = tpu.vector_load %arg9[%parallel_loop3A_338] {strides = array<i32>} : memref<9344xf32, #tpu.memory_space<vmem>>, vector<16xf32>,
        tpu.vector_store %arg9[%parallel_loop3A_338], %parallel_loop3A_335 {strides = array<i32>} : memref<9344xf32, #tpu.memory_space<vmem>>, vector<16xf32>,
        %parallel_loop3A_340 = arith.constant 128 : i32
        %parallel_loop3A_341 = arith.addi %parallel_loop3A_340, %parallel_loop3A_312 : i32
        %parallel_loop3A_342 = arith.index_cast %parallel_loop3A_341 : i32 to index
        %parallel_loop3A_343 = arith.constant 32 : index
        %parallel_loop3A_344 = tpu.vector_load %arg7[%parallel_loop3A_342, %parallel_loop3A_343] {strides = array<i32>} : memref<256x64xf32, #tpu.memory_space<vmem>>, vector<16xf32>,
        %parallel_loop3A_345 = arith.constant 8.000000e+00 : f32
        %parallel_loop3A_346 = vector.broadcast %parallel_loop3A_345 : f32 to vector<16xf32>
        %parallel_loop3A_347 = arith.mulf %parallel_loop3A_344, %parallel_loop3A_346 : vector<16xf32>
        %parallel_loop3A_348 = arith.addf %parallel_loop3A_347, %get3A_164 : vector<16xf32>
        %parallel_loop3A_349 = arith.constant 32 : i32
        %parallel_loop3A_350 = arith.addi %parallel_loop3A_313, %parallel_loop3A_349 : i32
        %parallel_loop3A_351 = arith.index_cast %parallel_loop3A_350 : i32 to index
        %parallel_loop3A_352 = tpu.vector_load %arg9[%parallel_loop3A_351] {strides = array<i32>} : memref<9344xf32, #tpu.memory_space<vmem>>, vector<16xf32>,
        tpu.vector_store %arg9[%parallel_loop3A_351], %parallel_loop3A_348 {strides = array<i32>} : memref<9344xf32, #tpu.memory_space<vmem>>, vector<16xf32>,
        %parallel_loop3A_353 = arith.constant 128 : i32
        %parallel_loop3A_354 = arith.addi %parallel_loop3A_353, %parallel_loop3A_312 : i32
        %parallel_loop3A_355 = arith.index_cast %parallel_loop3A_354 : i32 to index
        %parallel_loop3A_356 = arith.constant 48 : index
        %parallel_loop3A_357 = tpu.vector_load %arg7[%parallel_loop3A_355, %parallel_loop3A_356] {strides = array<i32>} : memref<256x64xf32, #tpu.memory_space<vmem>>, vector<16xf32>,
        %parallel_loop3A_358 = arith.constant 8.000000e+00 : f32
        %parallel_loop3A_359 = vector.broadcast %parallel_loop3A_358 : f32 to vector<16xf32>
        %parallel_loop3A_360 = arith.mulf %parallel_loop3A_357, %parallel_loop3A_359 : vector<16xf32>
        %parallel_loop3A_361 = arith.addf %parallel_loop3A_360, %get3A_169 : vector<16xf32>
        %parallel_loop3A_362 = arith.constant 48 : i32
        %parallel_loop3A_363 = arith.addi %parallel_loop3A_313, %parallel_loop3A_362 : i32
        %parallel_loop3A_364 = arith.index_cast %parallel_loop3A_363 : i32 to index
        %parallel_loop3A_365 = tpu.vector_load %arg9[%parallel_loop3A_364] {strides = array<i32>} : memref<9344xf32, #tpu.memory_space<vmem>>, vector<16xf32>,
        tpu.vector_store %arg9[%parallel_loop3A_364], %parallel_loop3A_361 {strides = array<i32>} : memref<9344xf32, #tpu.memory_space<vmem>>, vector<16xf32>,
        %parallel_loop3A_366 = arith.constant 73 : i32
        %parallel_loop3A_367 = arith.addi %parallel_loop3A_313, %parallel_loop3A_366 : i32
        scf.yield %parallel_loop3A_367 : i32
      } {sc.loop_unroll_factor = 8 : i64, sc.parallel_access}
      %lt3A_175 = arith.constant 49 : i32
      %lt3A_176 = arith.cmpi slt, %scan3A_83, %lt3A_175 : i32
      %convert_element_type3A_177 = arith.extui %lt3A_176 : i1 to i32
      %cond3A_178 = arith.constant 0 : i32
      %cond3A_179 = arith.cmpi ne, %convert_element_type3A_177, %cond3A_178 : i32
      scf.if %cond3A_179 {
        %add3A_312 = arith.constant 2 : i32
        %add3A_313 = arith.addi %add3A_87, %add3A_312 : i32
        %mul3A_314 = arith.constant 2 : i32
        %mul3A_315 = arith.muli %mul3A_314, %add3A_313 : i32
        %add3A_316 = arith.constant 1 : i32
        %add3A_317 = arith.addi %mul3A_315, %add3A_316 : i32
        %dma_start3A_318 = arith.constant 128 : i32
        %dma_start3A_319 = arith.constant 0 : i32
        %dma_start3A_320 = tpu.memref_slice %arg7[%dma_start3A_318, %dma_start3A_319] : memref<256x64xf32, #tpu.memory_space<vmem>> -> memref<128x64xf32, #tpu.memory_space<vmem>>
        %dma_start3A_321 = arith.constant 0 : i32
        %dma_start3A_322 = tpu.memref_slice %arg6[%add3A_317, %dma_start3A_321] : memref<200x128xi32, #tpu.memory_space<vmem>> -> memref<1x128xi32, #tpu.memory_space<vmem>>
        %dma_start3A_323 = tpu.memref_squeeze %dma_start3A_322 : memref<1x128xi32, #tpu.memory_space<vmem>> -> memref<128xi32, #tpu.memory_space<vmem>>
        %dma_start3A_324 = arith.constant 0 : i32
        %dma_start3A_325 = arith.constant 0 : i32
        %dma_start3A_326 = tpu.memref_slice %arg3[%dma_start3A_324, %dma_start3A_325] : memref<100000x64xf32, #tpu.memory_space<hbm>> -> memref<100000x64xf32, #tpu.memory_space<hbm>>
        tpu.enqueue_indirect_dma source(%dma_start3A_326 : memref<100000x64xf32, #tpu.memory_space<hbm>>) target(%dma_start3A_320 : memref<128x64xf32, #tpu.memory_space<vmem>>) offsets(%dma_start3A_323 : memref<128xi32, #tpu.memory_space<vmem>>) semaphore(%arg14 : memref<!tpu.dma_semaphore, #tpu.memory_space<semaphore_mem>>)
      } else {
      }
      %parallel_loop3A_180 = arith.constant 0 : i32
      %parallel_loop3A_181 = arith.constant 64 : i32
      %parallel_loop3A_182 = arith.constant 1 : i32
      %parallel_loop3A_183 = arith.constant 0 : i32
      %parallel_loop3A_184 = scf.for %parallel_loop3A_312 = %parallel_loop3A_180 to %parallel_loop3A_181 step %parallel_loop3A_182 iter_args(%parallel_loop3A_313 = %parallel_loop3A_183) -> (i32)  : i32 {
        %parallel_loop3A_314 = arith.constant 3 : i32
        %parallel_loop3A_315 = arith.shrui %parallel_loop3A_312, %parallel_loop3A_314 : i32
        %parallel_loop3A_316 = arith.constant 7 : i32
        %parallel_loop3A_317 = arith.andi %parallel_loop3A_312, %parallel_loop3A_316 : i32
        %parallel_loop3A_318 = arith.constant 0 : i32
        %parallel_loop3A_319 = vector.broadcast %parallel_loop3A_318 : i32 to vector<16xi32>
        %parallel_loop3A_320 = arith.addi %mul3A_13, %parallel_loop3A_319 : vector<16xi32>
        %parallel_loop3A_321 = vector.broadcast %parallel_loop3A_313 : i32 to vector<16xi32>
        %parallel_loop3A_322 = arith.addi %parallel_loop3A_320, %parallel_loop3A_321 : vector<16xi32>
        %parallel_loop3A_323 = tpu.vector_load_idx %arg9[%parallel_loop3A_322] : memref<9344xf32, #tpu.memory_space<vmem>>[vector<16xi32>], vector<16xf32>,
        %parallel_loop3A_324 = arith.constant 1 : i32
        %parallel_loop3A_325 = arith.index_cast %parallel_loop3A_324 : i32 to index
        %parallel_loop3A_326 = arith.index_cast %parallel_loop3A_315 : i32 to index
        %parallel_loop3A_327 = arith.index_cast %parallel_loop3A_317 : i32 to index
        %parallel_loop3A_328 = arith.constant 0 : index
        %parallel_loop3A_329 = tpu.vector_load %arg10[%parallel_loop3A_325, %parallel_loop3A_326, %parallel_loop3A_327, %parallel_loop3A_328] {strides = array<i32>} : memref<2x8x8x128xf32, #tpu.memory_space<vmem>>, vector<16xf32>,
        tpu.vector_store %arg10[%parallel_loop3A_325, %parallel_loop3A_326, %parallel_loop3A_327, %parallel_loop3A_328], %parallel_loop3A_323 {strides = array<i32>} : memref<2x8x8x128xf32, #tpu.memory_space<vmem>>, vector<16xf32>,
        %parallel_loop3A_330 = arith.constant 1168 : i32
        %parallel_loop3A_331 = vector.broadcast %parallel_loop3A_330 : i32 to vector<16xi32>
        %parallel_loop3A_332 = arith.addi %mul3A_13, %parallel_loop3A_331 : vector<16xi32>
        %parallel_loop3A_333 = vector.broadcast %parallel_loop3A_313 : i32 to vector<16xi32>
        %parallel_loop3A_334 = arith.addi %parallel_loop3A_332, %parallel_loop3A_333 : vector<16xi32>
        %parallel_loop3A_335 = tpu.vector_load_idx %arg9[%parallel_loop3A_334] : memref<9344xf32, #tpu.memory_space<vmem>>[vector<16xi32>], vector<16xf32>,
        %parallel_loop3A_336 = arith.constant 1 : i32
        %parallel_loop3A_337 = arith.index_cast %parallel_loop3A_336 : i32 to index
        %parallel_loop3A_338 = arith.index_cast %parallel_loop3A_315 : i32 to index
        %parallel_loop3A_339 = arith.index_cast %parallel_loop3A_317 : i32 to index
        %parallel_loop3A_340 = arith.constant 16 : index
        %parallel_loop3A_341 = tpu.vector_load %arg10[%parallel_loop3A_337, %parallel_loop3A_338, %parallel_loop3A_339, %parallel_loop3A_340] {strides = array<i32>} : memref<2x8x8x128xf32, #tpu.memory_space<vmem>>, vector<16xf32>,
        tpu.vector_store %arg10[%parallel_loop3A_337, %parallel_loop3A_338, %parallel_loop3A_339, %parallel_loop3A_340], %parallel_loop3A_335 {strides = array<i32>} : memref<2x8x8x128xf32, #tpu.memory_space<vmem>>, vector<16xf32>,
        %parallel_loop3A_342 = arith.constant 2336 : i32
        %parallel_loop3A_343 = vector.broadcast %parallel_loop3A_342 : i32 to vector<16xi32>
        %parallel_loop3A_344 = arith.addi %mul3A_13, %parallel_loop3A_343 : vector<16xi32>
        %parallel_loop3A_345 = vector.broadcast %parallel_loop3A_313 : i32 to vector<16xi32>
        %parallel_loop3A_346 = arith.addi %parallel_loop3A_344, %parallel_loop3A_345 : vector<16xi32>
        %parallel_loop3A_347 = tpu.vector_load_idx %arg9[%parallel_loop3A_346] : memref<9344xf32, #tpu.memory_space<vmem>>[vector<16xi32>], vector<16xf32>,
        %parallel_loop3A_348 = arith.constant 1 : i32
        %parallel_loop3A_349 = arith.index_cast %parallel_loop3A_348 : i32 to index
        %parallel_loop3A_350 = arith.index_cast %parallel_loop3A_315 : i32 to index
        %parallel_loop3A_351 = arith.index_cast %parallel_loop3A_317 : i32 to index
        %parallel_loop3A_352 = arith.constant 32 : index
        %parallel_loop3A_353 = tpu.vector_load %arg10[%parallel_loop3A_349, %parallel_loop3A_350, %parallel_loop3A_351, %parallel_loop3A_352] {strides = array<i32>} : memref<2x8x8x128xf32, #tpu.memory_space<vmem>>, vector<16xf32>,
        tpu.vector_store %arg10[%parallel_loop3A_349, %parallel_loop3A_350, %parallel_loop3A_351, %parallel_loop3A_352], %parallel_loop3A_347 {strides = array<i32>} : memref<2x8x8x128xf32, #tpu.memory_space<vmem>>, vector<16xf32>,
        %parallel_loop3A_354 = arith.constant 3504 : i32
        %parallel_loop3A_355 = vector.broadcast %parallel_loop3A_354 : i32 to vector<16xi32>
        %parallel_loop3A_356 = arith.addi %mul3A_13, %parallel_loop3A_355 : vector<16xi32>
        %parallel_loop3A_357 = vector.broadcast %parallel_loop3A_313 : i32 to vector<16xi32>
        %parallel_loop3A_358 = arith.addi %parallel_loop3A_356, %parallel_loop3A_357 : vector<16xi32>
        %parallel_loop3A_359 = tpu.vector_load_idx %arg9[%parallel_loop3A_358] : memref<9344xf32, #tpu.memory_space<vmem>>[vector<16xi32>], vector<16xf32>,
        %parallel_loop3A_360 = arith.constant 1 : i32
        %parallel_loop3A_361 = arith.index_cast %parallel_loop3A_360 : i32 to index
        %parallel_loop3A_362 = arith.index_cast %parallel_loop3A_315 : i32 to index
        %parallel_loop3A_363 = arith.index_cast %parallel_loop3A_317 : i32 to index
        %parallel_loop3A_364 = arith.constant 48 : index
        %parallel_loop3A_365 = tpu.vector_load %arg10[%parallel_loop3A_361, %parallel_loop3A_362, %parallel_loop3A_363, %parallel_loop3A_364] {strides = array<i32>} : memref<2x8x8x128xf32, #tpu.memory_space<vmem>>, vector<16xf32>,
        tpu.vector_store %arg10[%parallel_loop3A_361, %parallel_loop3A_362, %parallel_loop3A_363, %parallel_loop3A_364], %parallel_loop3A_359 {strides = array<i32>} : memref<2x8x8x128xf32, #tpu.memory_space<vmem>>, vector<16xf32>,
        %parallel_loop3A_366 = arith.constant 4672 : i32
        %parallel_loop3A_367 = vector.broadcast %parallel_loop3A_366 : i32 to vector<16xi32>
        %parallel_loop3A_368 = arith.addi %mul3A_13, %parallel_loop3A_367 : vector<16xi32>
        %parallel_loop3A_369 = vector.broadcast %parallel_loop3A_313 : i32 to vector<16xi32>
        %parallel_loop3A_370 = arith.addi %parallel_loop3A_368, %parallel_loop3A_369 : vector<16xi32>
        %parallel_loop3A_371 = tpu.vector_load_idx %arg9[%parallel_loop3A_370] : memref<9344xf32, #tpu.memory_space<vmem>>[vector<16xi32>], vector<16xf32>,
        %parallel_loop3A_372 = arith.constant 1 : i32
        %parallel_loop3A_373 = arith.index_cast %parallel_loop3A_372 : i32 to index
        %parallel_loop3A_374 = arith.index_cast %parallel_loop3A_315 : i32 to index
        %parallel_loop3A_375 = arith.index_cast %parallel_loop3A_317 : i32 to index
        %parallel_loop3A_376 = arith.constant 64 : index
        %parallel_loop3A_377 = tpu.vector_load %arg10[%parallel_loop3A_373, %parallel_loop3A_374, %parallel_loop3A_375, %parallel_loop3A_376] {strides = array<i32>} : memref<2x8x8x128xf32, #tpu.memory_space<vmem>>, vector<16xf32>,
        tpu.vector_store %arg10[%parallel_loop3A_373, %parallel_loop3A_374, %parallel_loop3A_375, %parallel_loop3A_376], %parallel_loop3A_371 {strides = array<i32>} : memref<2x8x8x128xf32, #tpu.memory_space<vmem>>, vector<16xf32>,
        %parallel_loop3A_378 = arith.constant 5840 : i32
        %parallel_loop3A_379 = vector.broadcast %parallel_loop3A_378 : i32 to vector<16xi32>
        %parallel_loop3A_380 = arith.addi %mul3A_13, %parallel_loop3A_379 : vector<16xi32>
        %parallel_loop3A_381 = vector.broadcast %parallel_loop3A_313 : i32 to vector<16xi32>
        %parallel_loop3A_382 = arith.addi %parallel_loop3A_380, %parallel_loop3A_381 : vector<16xi32>
        %parallel_loop3A_383 = tpu.vector_load_idx %arg9[%parallel_loop3A_382] : memref<9344xf32, #tpu.memory_space<vmem>>[vector<16xi32>], vector<16xf32>,
        %parallel_loop3A_384 = arith.constant 1 : i32
        %parallel_loop3A_385 = arith.index_cast %parallel_loop3A_384 : i32 to index
        %parallel_loop3A_386 = arith.index_cast %parallel_loop3A_315 : i32 to index
        %parallel_loop3A_387 = arith.index_cast %parallel_loop3A_317 : i32 to index
        %parallel_loop3A_388 = arith.constant 80 : index
        %parallel_loop3A_389 = tpu.vector_load %arg10[%parallel_loop3A_385, %parallel_loop3A_386, %parallel_loop3A_387, %parallel_loop3A_388] {strides = array<i32>} : memref<2x8x8x128xf32, #tpu.memory_space<vmem>>, vector<16xf32>,
        tpu.vector_store %arg10[%parallel_loop3A_385, %parallel_loop3A_386, %parallel_loop3A_387, %parallel_loop3A_388], %parallel_loop3A_383 {strides = array<i32>} : memref<2x8x8x128xf32, #tpu.memory_space<vmem>>, vector<16xf32>,
        %parallel_loop3A_390 = arith.constant 7008 : i32
        %parallel_loop3A_391 = vector.broadcast %parallel_loop3A_390 : i32 to vector<16xi32>
        %parallel_loop3A_392 = arith.addi %mul3A_13, %parallel_loop3A_391 : vector<16xi32>
        %parallel_loop3A_393 = vector.broadcast %parallel_loop3A_313 : i32 to vector<16xi32>
        %parallel_loop3A_394 = arith.addi %parallel_loop3A_392, %parallel_loop3A_393 : vector<16xi32>
        %parallel_loop3A_395 = tpu.vector_load_idx %arg9[%parallel_loop3A_394] : memref<9344xf32, #tpu.memory_space<vmem>>[vector<16xi32>], vector<16xf32>,
        %parallel_loop3A_396 = arith.constant 1 : i32
        %parallel_loop3A_397 = arith.index_cast %parallel_loop3A_396 : i32 to index
        %parallel_loop3A_398 = arith.index_cast %parallel_loop3A_315 : i32 to index
        %parallel_loop3A_399 = arith.index_cast %parallel_loop3A_317 : i32 to index
        %parallel_loop3A_400 = arith.constant 96 : index
        %parallel_loop3A_401 = tpu.vector_load %arg10[%parallel_loop3A_397, %parallel_loop3A_398, %parallel_loop3A_399, %parallel_loop3A_400] {strides = array<i32>} : memref<2x8x8x128xf32, #tpu.memory_space<vmem>>, vector<16xf32>,
        tpu.vector_store %arg10[%parallel_loop3A_397, %parallel_loop3A_398, %parallel_loop3A_399, %parallel_loop3A_400], %parallel_loop3A_395 {strides = array<i32>} : memref<2x8x8x128xf32, #tpu.memory_space<vmem>>, vector<16xf32>,
        %parallel_loop3A_402 = arith.constant 8176 : i32
        %parallel_loop3A_403 = vector.broadcast %parallel_loop3A_402 : i32 to vector<16xi32>
        %parallel_loop3A_404 = arith.addi %mul3A_13, %parallel_loop3A_403 : vector<16xi32>
        %parallel_loop3A_405 = vector.broadcast %parallel_loop3A_313 : i32 to vector<16xi32>
        %parallel_loop3A_406 = arith.addi %parallel_loop3A_404, %parallel_loop3A_405 : vector<16xi32>
        %parallel_loop3A_407 = tpu.vector_load_idx %arg9[%parallel_loop3A_406] : memref<9344xf32, #tpu.memory_space<vmem>>[vector<16xi32>], vector<16xf32>,
        %parallel_loop3A_408 = arith.constant 1 : i32
        %parallel_loop3A_409 = arith.index_cast %parallel_loop3A_408 : i32 to index
        %parallel_loop3A_410 = arith.index_cast %parallel_loop3A_315 : i32 to index
        %parallel_loop3A_411 = arith.index_cast %parallel_loop3A_317 : i32 to index
        %parallel_loop3A_412 = arith.constant 112 : index
        %parallel_loop3A_413 = tpu.vector_load %arg10[%parallel_loop3A_409, %parallel_loop3A_410, %parallel_loop3A_411, %parallel_loop3A_412] {strides = array<i32>} : memref<2x8x8x128xf32, #tpu.memory_space<vmem>>, vector<16xf32>,
        tpu.vector_store %arg10[%parallel_loop3A_409, %parallel_loop3A_410, %parallel_loop3A_411, %parallel_loop3A_412], %parallel_loop3A_407 {strides = array<i32>} : memref<2x8x8x128xf32, #tpu.memory_space<vmem>>, vector<16xf32>,
        %parallel_loop3A_414 = arith.constant 1 : i32
        %parallel_loop3A_415 = arith.addi %parallel_loop3A_313, %parallel_loop3A_414 : i32
        scf.yield %parallel_loop3A_415 : i32
      } {sc.loop_unroll_factor = 8 : i64, sc.parallel_access}
      %dma_start3A_185 = arith.constant 0 : i32
      %dma_start3A_186 = arith.constant 0 : i32
      %dma_start3A_187 = arith.constant 0 : i32
      %dma_start3A_188 = tpu.memref_slice %arg5[%mul3A_89, %dma_start3A_185, %add3A, %dma_start3A_186, %dma_start3A_187] : memref<200x8x32x8x128xf32, #tpu.memory_space<hbm>> -> memref<2x8x1x8x128xf32, #tpu.memory_space<hbm>>
      %dma_start3A_189 = tpu.memref_squeeze %dma_start3A_188 : memref<2x8x1x8x128xf32, #tpu.memory_space<hbm>> -> memref<2x8x8x128xf32, #tpu.memory_space<hbm>>
      %dma_start3A_190 = arith.constant 0 : i32
      %dma_start3A_191 = arith.constant 0 : i32
      %dma_start3A_192 = arith.constant 0 : i32
      %dma_start3A_193 = tpu.memref_slice %arg5[%mul3A_89, %dma_start3A_190, %add3A, %dma_start3A_191, %dma_start3A_192] : memref<200x8x32x8x128xf32, #tpu.memory_space<hbm>> -> memref<2x8x1x8x128xf32, #tpu.memory_space<hbm>>
      %dma_start3A_194 = tpu.memref_squeeze %dma_start3A_193 : memref<2x8x1x8x128xf32, #tpu.memory_space<hbm>> -> memref<2x8x8x128xf32, #tpu.memory_space<hbm>>
      tpu.enqueue_dma source(%arg10 : memref<2x8x8x128xf32, #tpu.memory_space<vmem>>) target(%dma_start3A_194 : memref<2x8x8x128xf32, #tpu.memory_space<hbm>>) target_semaphore(%arg16 : memref<!tpu.dma_semaphore, #tpu.memory_space<semaphore_mem>>)
      %mul3A_195 = arith.constant 2 : i32
      %mul3A_196 = arith.muli %mul3A_195, %scan3A_83 : i32
      %add3A_197 = arith.constant 1 : i32
      %add3A_198 = arith.addi %mul3A_196, %add3A_197 : i32
      %mul3A_199 = arith.constant 2 : i32
      %mul3A_200 = arith.muli %mul3A_199, %add3A_198 : i32
      %mul3A_201 = arith.constant 2 : i32
      %mul3A_202 = arith.muli %mul3A_201, %add3A_198 : i32
      %add3A_203 = arith.constant 0 : i32
      %add3A_204 = arith.addi %mul3A_202, %add3A_203 : i32
      %dma_wait3A_205 = arith.constant 0 : i32
      %dma_wait3A_206 = arith.constant 0 : i32
      %dma_wait3A_207 = tpu.memref_slice %arg8[%dma_wait3A_205, %dma_wait3A_206] : memref<256x64xf32, #tpu.memory_space<vmem>> -> memref<128x64xf32, #tpu.memory_space<vmem>>
      %dma_wait3A_208 = arith.constant 0 : i32
      %dma_wait3A_209 = tpu.memref_slice %arg6[%add3A_204, %dma_wait3A_208] : memref<200x128xi32, #tpu.memory_space<vmem>> -> memref<1x128xi32, #tpu.memory_space<vmem>>
      %dma_wait3A_210 = tpu.memref_squeeze %dma_wait3A_209 : memref<1x128xi32, #tpu.memory_space<vmem>> -> memref<128xi32, #tpu.memory_space<vmem>>
      %dma_wait3A_211 = arith.constant 0 : i32
      %dma_wait3A_212 = arith.constant 0 : i32
      %dma_wait3A_213 = tpu.memref_slice %arg3[%dma_wait3A_211, %dma_wait3A_212] : memref<100000x64xf32, #tpu.memory_space<hbm>> -> memref<100000x64xf32, #tpu.memory_space<hbm>>
      tpu.wait_indirect_dma semaphore(%arg15 : memref<!tpu.dma_semaphore, #tpu.memory_space<semaphore_mem>>) src(%dma_wait3A_213 : memref<100000x64xf32, #tpu.memory_space<hbm>>) dst(%dma_wait3A_207 : memref<128x64xf32, #tpu.memory_space<vmem>>)
      %mul3A_214 = arith.constant 2 : i32
      %mul3A_215 = arith.muli %mul3A_214, %add3A_198 : i32
      %add3A_216 = arith.constant 1 : i32
      %add3A_217 = arith.addi %mul3A_215, %add3A_216 : i32
      %dma_wait3A_218 = arith.constant 128 : i32
      %dma_wait3A_219 = arith.constant 0 : i32
      %dma_wait3A_220 = tpu.memref_slice %arg8[%dma_wait3A_218, %dma_wait3A_219] : memref<256x64xf32, #tpu.memory_space<vmem>> -> memref<128x64xf32, #tpu.memory_space<vmem>>
      %dma_wait3A_221 = arith.constant 0 : i32
      %dma_wait3A_222 = tpu.memref_slice %arg6[%add3A_217, %dma_wait3A_221] : memref<200x128xi32, #tpu.memory_space<vmem>> -> memref<1x128xi32, #tpu.memory_space<vmem>>
      %dma_wait3A_223 = tpu.memref_squeeze %dma_wait3A_222 : memref<1x128xi32, #tpu.memory_space<vmem>> -> memref<128xi32, #tpu.memory_space<vmem>>
      %dma_wait3A_224 = arith.constant 0 : i32
      %dma_wait3A_225 = arith.constant 0 : i32
      %dma_wait3A_226 = tpu.memref_slice %arg3[%dma_wait3A_224, %dma_wait3A_225] : memref<100000x64xf32, #tpu.memory_space<hbm>> -> memref<100000x64xf32, #tpu.memory_space<hbm>>
      tpu.wait_indirect_dma semaphore(%arg15 : memref<!tpu.dma_semaphore, #tpu.memory_space<semaphore_mem>>) src(%dma_wait3A_226 : memref<100000x64xf32, #tpu.memory_space<hbm>>) dst(%dma_wait3A_220 : memref<128x64xf32, #tpu.memory_space<vmem>>)
      %gt3A_227 = arith.constant 0 : i32
      %gt3A_228 = arith.cmpi sgt, %scan3A_83, %gt3A_227 : i32
      %convert_element_type3A_229 = arith.extui %gt3A_228 : i1 to i32
      %cond3A_230 = arith.constant 0 : i32
      %cond3A_231 = arith.cmpi ne, %convert_element_type3A_229, %cond3A_230 : i32
      scf.if %cond3A_231 {
        %sub3A = arith.constant 4 : i32
        %sub3A_312 = arith.subi %mul3A_200, %sub3A : i32
        %dma_wait3A_313 = arith.constant 0 : i32
        %dma_wait3A_314 = arith.constant 0 : i32
        %dma_wait3A_315 = arith.constant 0 : i32
        %dma_wait3A_316 = tpu.memref_slice %arg5[%sub3A_312, %dma_wait3A_313, %add3A, %dma_wait3A_314, %dma_wait3A_315] : memref<200x8x32x8x128xf32, #tpu.memory_space<hbm>> -> memref<2x8x1x8x128xf32, #tpu.memory_space<hbm>>
        %dma_wait3A_317 = tpu.memref_squeeze %dma_wait3A_316 : memref<2x8x1x8x128xf32, #tpu.memory_space<hbm>> -> memref<2x8x8x128xf32, #tpu.memory_space<hbm>>
        %dma_wait3A_318 = arith.constant 0 : i32
        %dma_wait3A_319 = arith.constant 0 : i32
        %dma_wait3A_320 = arith.constant 0 : i32
        %dma_wait3A_321 = tpu.memref_slice %arg5[%sub3A_312, %dma_wait3A_318, %add3A, %dma_wait3A_319, %dma_wait3A_320] : memref<200x8x32x8x128xf32, #tpu.memory_space<hbm>> -> memref<2x8x1x8x128xf32, #tpu.memory_space<hbm>>
        %dma_wait3A_322 = tpu.memref_squeeze %dma_wait3A_321 : memref<2x8x1x8x128xf32, #tpu.memory_space<hbm>> -> memref<2x8x8x128xf32, #tpu.memory_space<hbm>>
        tpu.wait_dma2 semaphore(%arg17 : memref<!tpu.dma_semaphore, #tpu.memory_space<semaphore_mem>>) src(%arg11 : memref<2x8x8x128xf32, #tpu.memory_space<vmem>>) dst(%dma_wait3A_322 : memref<2x8x8x128xf32, #tpu.memory_space<hbm>>)
      } else {
      }
      %add3A_232 = arith.constant 0 : i32
      %add3A_233 = arith.addi %mul3A_200, %add3A_232 : i32
      %get3A_234 = arith.index_cast %add3A_233 : i32 to index
      %get3A_235 = arith.constant 0 : index
      %get3A_236 = tpu.vector_load %arg12[%get3A_234, %get3A_235] {strides = array<i32>} : memref<200x64xf32, #tpu.memory_space<vmem>>, vector<16xf32>,
      %add3A_237 = arith.constant 0 : i32
      %add3A_238 = arith.addi %mul3A_200, %add3A_237 : i32
      %get3A_239 = arith.index_cast %add3A_238 : i32 to index
      %get3A_240 = arith.constant 16 : index
      %get3A_241 = tpu.vector_load %arg12[%get3A_239, %get3A_240] {strides = array<i32>} : memref<200x64xf32, #tpu.memory_space<vmem>>, vector<16xf32>,
      %add3A_242 = arith.constant 0 : i32
      %add3A_243 = arith.addi %mul3A_200, %add3A_242 : i32
      %get3A_244 = arith.index_cast %add3A_243 : i32 to index
      %get3A_245 = arith.constant 32 : index
      %get3A_246 = tpu.vector_load %arg12[%get3A_244, %get3A_245] {strides = array<i32>} : memref<200x64xf32, #tpu.memory_space<vmem>>, vector<16xf32>,
      %add3A_247 = arith.constant 0 : i32
      %add3A_248 = arith.addi %mul3A_200, %add3A_247 : i32
      %get3A_249 = arith.index_cast %add3A_248 : i32 to index
      %get3A_250 = arith.constant 48 : index
      %get3A_251 = tpu.vector_load %arg12[%get3A_249, %get3A_250] {strides = array<i32>} : memref<200x64xf32, #tpu.memory_space<vmem>>, vector<16xf32>,
      %parallel_loop3A_252 = arith.constant 0 : i32
      %parallel_loop3A_253 = arith.constant 128 : i32
      %parallel_loop3A_254 = arith.constant 1 : i32
      %parallel_loop3A_255 = arith.constant 0 : i32
      %parallel_loop3A_256 = scf.for %parallel_loop3A_312 = %parallel_loop3A_252 to %parallel_loop3A_253 step %parallel_loop3A_254 iter_args(%parallel_loop3A_313 = %parallel_loop3A_255) -> (i32)  : i32 {
        %parallel_loop3A_314 = arith.constant 0 : i32
        %parallel_loop3A_315 = arith.addi %parallel_loop3A_314, %parallel_loop3A_312 : i32
        %parallel_loop3A_316 = arith.index_cast %parallel_loop3A_315 : i32 to index
        %parallel_loop3A_317 = arith.constant 0 : index
        %parallel_loop3A_318 = tpu.vector_load %arg8[%parallel_loop3A_316, %parallel_loop3A_317] {strides = array<i32>} : memref<256x64xf32, #tpu.memory_space<vmem>>, vector<16xf32>,
        %parallel_loop3A_319 = arith.constant 8.000000e+00 : f32
        %parallel_loop3A_320 = vector.broadcast %parallel_loop3A_319 : f32 to vector<16xf32>
        %parallel_loop3A_321 = arith.mulf %parallel_loop3A_318, %parallel_loop3A_320 : vector<16xf32>
        %parallel_loop3A_322 = arith.addf %parallel_loop3A_321, %get3A_236 : vector<16xf32>
        %parallel_loop3A_323 = arith.constant 0 : i32
        %parallel_loop3A_324 = arith.addi %parallel_loop3A_313, %parallel_loop3A_323 : i32
        %parallel_loop3A_325 = arith.index_cast %parallel_loop3A_324 : i32 to index
        %parallel_loop3A_326 = tpu.vector_load %arg9[%parallel_loop3A_325] {strides = array<i32>} : memref<9344xf32, #tpu.memory_space<vmem>>, vector<16xf32>,
        tpu.vector_store %arg9[%parallel_loop3A_325], %parallel_loop3A_322 {strides = array<i32>} : memref<9344xf32, #tpu.memory_space<vmem>>, vector<16xf32>,
        %parallel_loop3A_327 = arith.constant 0 : i32
        %parallel_loop3A_328 = arith.addi %parallel_loop3A_327, %parallel_loop3A_312 : i32
        %parallel_loop3A_329 = arith.index_cast %parallel_loop3A_328 : i32 to index
        %parallel_loop3A_330 = arith.constant 16 : index
        %parallel_loop3A_331 = tpu.vector_load %arg8[%parallel_loop3A_329, %parallel_loop3A_330] {strides = array<i32>} : memref<256x64xf32, #tpu.memory_space<vmem>>, vector<16xf32>,
        %parallel_loop3A_332 = arith.constant 8.000000e+00 : f32
        %parallel_loop3A_333 = vector.broadcast %parallel_loop3A_332 : f32 to vector<16xf32>
        %parallel_loop3A_334 = arith.mulf %parallel_loop3A_331, %parallel_loop3A_333 : vector<16xf32>
        %parallel_loop3A_335 = arith.addf %parallel_loop3A_334, %get3A_241 : vector<16xf32>
        %parallel_loop3A_336 = arith.constant 16 : i32
        %parallel_loop3A_337 = arith.addi %parallel_loop3A_313, %parallel_loop3A_336 : i32
        %parallel_loop3A_338 = arith.index_cast %parallel_loop3A_337 : i32 to index
        %parallel_loop3A_339 = tpu.vector_load %arg9[%parallel_loop3A_338] {strides = array<i32>} : memref<9344xf32, #tpu.memory_space<vmem>>, vector<16xf32>,
        tpu.vector_store %arg9[%parallel_loop3A_338], %parallel_loop3A_335 {strides = array<i32>} : memref<9344xf32, #tpu.memory_space<vmem>>, vector<16xf32>,
        %parallel_loop3A_340 = arith.constant 0 : i32
        %parallel_loop3A_341 = arith.addi %parallel_loop3A_340, %parallel_loop3A_312 : i32
        %parallel_loop3A_342 = arith.index_cast %parallel_loop3A_341 : i32 to index
        %parallel_loop3A_343 = arith.constant 32 : index
        %parallel_loop3A_344 = tpu.vector_load %arg8[%parallel_loop3A_342, %parallel_loop3A_343] {strides = array<i32>} : memref<256x64xf32, #tpu.memory_space<vmem>>, vector<16xf32>,
        %parallel_loop3A_345 = arith.constant 8.000000e+00 : f32
        %parallel_loop3A_346 = vector.broadcast %parallel_loop3A_345 : f32 to vector<16xf32>
        %parallel_loop3A_347 = arith.mulf %parallel_loop3A_344, %parallel_loop3A_346 : vector<16xf32>
        %parallel_loop3A_348 = arith.addf %parallel_loop3A_347, %get3A_246 : vector<16xf32>
        %parallel_loop3A_349 = arith.constant 32 : i32
        %parallel_loop3A_350 = arith.addi %parallel_loop3A_313, %parallel_loop3A_349 : i32
        %parallel_loop3A_351 = arith.index_cast %parallel_loop3A_350 : i32 to index
        %parallel_loop3A_352 = tpu.vector_load %arg9[%parallel_loop3A_351] {strides = array<i32>} : memref<9344xf32, #tpu.memory_space<vmem>>, vector<16xf32>,
        tpu.vector_store %arg9[%parallel_loop3A_351], %parallel_loop3A_348 {strides = array<i32>} : memref<9344xf32, #tpu.memory_space<vmem>>, vector<16xf32>,
        %parallel_loop3A_353 = arith.constant 0 : i32
        %parallel_loop3A_354 = arith.addi %parallel_loop3A_353, %parallel_loop3A_312 : i32
        %parallel_loop3A_355 = arith.index_cast %parallel_loop3A_354 : i32 to index
        %parallel_loop3A_356 = arith.constant 48 : index
        %parallel_loop3A_357 = tpu.vector_load %arg8[%parallel_loop3A_355, %parallel_loop3A_356] {strides = array<i32>} : memref<256x64xf32, #tpu.memory_space<vmem>>, vector<16xf32>,
        %parallel_loop3A_358 = arith.constant 8.000000e+00 : f32
        %parallel_loop3A_359 = vector.broadcast %parallel_loop3A_358 : f32 to vector<16xf32>
        %parallel_loop3A_360 = arith.mulf %parallel_loop3A_357, %parallel_loop3A_359 : vector<16xf32>
        %parallel_loop3A_361 = arith.addf %parallel_loop3A_360, %get3A_251 : vector<16xf32>
        %parallel_loop3A_362 = arith.constant 48 : i32
        %parallel_loop3A_363 = arith.addi %parallel_loop3A_313, %parallel_loop3A_362 : i32
        %parallel_loop3A_364 = arith.index_cast %parallel_loop3A_363 : i32 to index
        %parallel_loop3A_365 = tpu.vector_load %arg9[%parallel_loop3A_364] {strides = array<i32>} : memref<9344xf32, #tpu.memory_space<vmem>>, vector<16xf32>,
        tpu.vector_store %arg9[%parallel_loop3A_364], %parallel_loop3A_361 {strides = array<i32>} : memref<9344xf32, #tpu.memory_space<vmem>>, vector<16xf32>,
        %parallel_loop3A_366 = arith.constant 73 : i32
        %parallel_loop3A_367 = arith.addi %parallel_loop3A_313, %parallel_loop3A_366 : i32
        scf.yield %parallel_loop3A_367 : i32
      } {sc.loop_unroll_factor = 8 : i64, sc.parallel_access}
      %lt3A_257 = arith.constant 49 : i32
      %lt3A_258 = arith.cmpi slt, %scan3A_83, %lt3A_257 : i32
      %convert_element_type3A_259 = arith.extui %lt3A_258 : i1 to i32
      %cond3A_260 = arith.constant 0 : i32
      %cond3A_261 = arith.cmpi ne, %convert_element_type3A_259, %cond3A_260 : i32
      scf.if %cond3A_261 {
        %add3A_312 = arith.constant 2 : i32
        %add3A_313 = arith.addi %add3A_198, %add3A_312 : i32
        %mul3A_314 = arith.constant 2 : i32
        %mul3A_315 = arith.muli %mul3A_314, %add3A_313 : i32
        %add3A_316 = arith.constant 0 : i32
        %add3A_317 = arith.addi %mul3A_315, %add3A_316 : i32
        %dma_start3A_318 = arith.constant 0 : i32
        %dma_start3A_319 = arith.constant 0 : i32
        %dma_start3A_320 = tpu.memref_slice %arg8[%dma_start3A_318, %dma_start3A_319] : memref<256x64xf32, #tpu.memory_space<vmem>> -> memref<128x64xf32, #tpu.memory_space<vmem>>
        %dma_start3A_321 = arith.constant 0 : i32
        %dma_start3A_322 = tpu.memref_slice %arg6[%add3A_317, %dma_start3A_321] : memref<200x128xi32, #tpu.memory_space<vmem>> -> memref<1x128xi32, #tpu.memory_space<vmem>>
        %dma_start3A_323 = tpu.memref_squeeze %dma_start3A_322 : memref<1x128xi32, #tpu.memory_space<vmem>> -> memref<128xi32, #tpu.memory_space<vmem>>
        %dma_start3A_324 = arith.constant 0 : i32
        %dma_start3A_325 = arith.constant 0 : i32
        %dma_start3A_326 = tpu.memref_slice %arg3[%dma_start3A_324, %dma_start3A_325] : memref<100000x64xf32, #tpu.memory_space<hbm>> -> memref<100000x64xf32, #tpu.memory_space<hbm>>
        tpu.enqueue_indirect_dma source(%dma_start3A_326 : memref<100000x64xf32, #tpu.memory_space<hbm>>) target(%dma_start3A_320 : memref<128x64xf32, #tpu.memory_space<vmem>>) offsets(%dma_start3A_323 : memref<128xi32, #tpu.memory_space<vmem>>) semaphore(%arg15 : memref<!tpu.dma_semaphore, #tpu.memory_space<semaphore_mem>>)
      } else {
      }
      %parallel_loop3A_262 = arith.constant 0 : i32
      %parallel_loop3A_263 = arith.constant 64 : i32
      %parallel_loop3A_264 = arith.constant 1 : i32
      %parallel_loop3A_265 = arith.constant 0 : i32
      %parallel_loop3A_266 = scf.for %parallel_loop3A_312 = %parallel_loop3A_262 to %parallel_loop3A_263 step %parallel_loop3A_264 iter_args(%parallel_loop3A_313 = %parallel_loop3A_265) -> (i32)  : i32 {
        %parallel_loop3A_314 = arith.constant 3 : i32
        %parallel_loop3A_315 = arith.shrui %parallel_loop3A_312, %parallel_loop3A_314 : i32
        %parallel_loop3A_316 = arith.constant 7 : i32
        %parallel_loop3A_317 = arith.andi %parallel_loop3A_312, %parallel_loop3A_316 : i32
        %parallel_loop3A_318 = arith.constant 0 : i32
        %parallel_loop3A_319 = vector.broadcast %parallel_loop3A_318 : i32 to vector<16xi32>
        %parallel_loop3A_320 = arith.addi %mul3A_13, %parallel_loop3A_319 : vector<16xi32>
        %parallel_loop3A_321 = vector.broadcast %parallel_loop3A_313 : i32 to vector<16xi32>
        %parallel_loop3A_322 = arith.addi %parallel_loop3A_320, %parallel_loop3A_321 : vector<16xi32>
        %parallel_loop3A_323 = tpu.vector_load_idx %arg9[%parallel_loop3A_322] : memref<9344xf32, #tpu.memory_space<vmem>>[vector<16xi32>], vector<16xf32>,
        %parallel_loop3A_324 = arith.constant 0 : i32
        %parallel_loop3A_325 = arith.index_cast %parallel_loop3A_324 : i32 to index
        %parallel_loop3A_326 = arith.index_cast %parallel_loop3A_315 : i32 to index
        %parallel_loop3A_327 = arith.index_cast %parallel_loop3A_317 : i32 to index
        %parallel_loop3A_328 = arith.constant 0 : index
        %parallel_loop3A_329 = tpu.vector_load %arg11[%parallel_loop3A_325, %parallel_loop3A_326, %parallel_loop3A_327, %parallel_loop3A_328] {strides = array<i32>} : memref<2x8x8x128xf32, #tpu.memory_space<vmem>>, vector<16xf32>,
        tpu.vector_store %arg11[%parallel_loop3A_325, %parallel_loop3A_326, %parallel_loop3A_327, %parallel_loop3A_328], %parallel_loop3A_323 {strides = array<i32>} : memref<2x8x8x128xf32, #tpu.memory_space<vmem>>, vector<16xf32>,
        %parallel_loop3A_330 = arith.constant 1168 : i32
        %parallel_loop3A_331 = vector.broadcast %parallel_loop3A_330 : i32 to vector<16xi32>
        %parallel_loop3A_332 = arith.addi %mul3A_13, %parallel_loop3A_331 : vector<16xi32>
        %parallel_loop3A_333 = vector.broadcast %parallel_loop3A_313 : i32 to vector<16xi32>
        %parallel_loop3A_334 = arith.addi %parallel_loop3A_332, %parallel_loop3A_333 : vector<16xi32>
        %parallel_loop3A_335 = tpu.vector_load_idx %arg9[%parallel_loop3A_334] : memref<9344xf32, #tpu.memory_space<vmem>>[vector<16xi32>], vector<16xf32>,
        %parallel_loop3A_336 = arith.constant 0 : i32
        %parallel_loop3A_337 = arith.index_cast %parallel_loop3A_336 : i32 to index
        %parallel_loop3A_338 = arith.index_cast %parallel_loop3A_315 : i32 to index
        %parallel_loop3A_339 = arith.index_cast %parallel_loop3A_317 : i32 to index
        %parallel_loop3A_340 = arith.constant 16 : index
        %parallel_loop3A_341 = tpu.vector_load %arg11[%parallel_loop3A_337, %parallel_loop3A_338, %parallel_loop3A_339, %parallel_loop3A_340] {strides = array<i32>} : memref<2x8x8x128xf32, #tpu.memory_space<vmem>>, vector<16xf32>,
        tpu.vector_store %arg11[%parallel_loop3A_337, %parallel_loop3A_338, %parallel_loop3A_339, %parallel_loop3A_340], %parallel_loop3A_335 {strides = array<i32>} : memref<2x8x8x128xf32, #tpu.memory_space<vmem>>, vector<16xf32>,
        %parallel_loop3A_342 = arith.constant 2336 : i32
        %parallel_loop3A_343 = vector.broadcast %parallel_loop3A_342 : i32 to vector<16xi32>
        %parallel_loop3A_344 = arith.addi %mul3A_13, %parallel_loop3A_343 : vector<16xi32>
        %parallel_loop3A_345 = vector.broadcast %parallel_loop3A_313 : i32 to vector<16xi32>
        %parallel_loop3A_346 = arith.addi %parallel_loop3A_344, %parallel_loop3A_345 : vector<16xi32>
        %parallel_loop3A_347 = tpu.vector_load_idx %arg9[%parallel_loop3A_346] : memref<9344xf32, #tpu.memory_space<vmem>>[vector<16xi32>], vector<16xf32>,
        %parallel_loop3A_348 = arith.constant 0 : i32
        %parallel_loop3A_349 = arith.index_cast %parallel_loop3A_348 : i32 to index
        %parallel_loop3A_350 = arith.index_cast %parallel_loop3A_315 : i32 to index
        %parallel_loop3A_351 = arith.index_cast %parallel_loop3A_317 : i32 to index
        %parallel_loop3A_352 = arith.constant 32 : index
        %parallel_loop3A_353 = tpu.vector_load %arg11[%parallel_loop3A_349, %parallel_loop3A_350, %parallel_loop3A_351, %parallel_loop3A_352] {strides = array<i32>} : memref<2x8x8x128xf32, #tpu.memory_space<vmem>>, vector<16xf32>,
        tpu.vector_store %arg11[%parallel_loop3A_349, %parallel_loop3A_350, %parallel_loop3A_351, %parallel_loop3A_352], %parallel_loop3A_347 {strides = array<i32>} : memref<2x8x8x128xf32, #tpu.memory_space<vmem>>, vector<16xf32>,
        %parallel_loop3A_354 = arith.constant 3504 : i32
        %parallel_loop3A_355 = vector.broadcast %parallel_loop3A_354 : i32 to vector<16xi32>
        %parallel_loop3A_356 = arith.addi %mul3A_13, %parallel_loop3A_355 : vector<16xi32>
        %parallel_loop3A_357 = vector.broadcast %parallel_loop3A_313 : i32 to vector<16xi32>
        %parallel_loop3A_358 = arith.addi %parallel_loop3A_356, %parallel_loop3A_357 : vector<16xi32>
        %parallel_loop3A_359 = tpu.vector_load_idx %arg9[%parallel_loop3A_358] : memref<9344xf32, #tpu.memory_space<vmem>>[vector<16xi32>], vector<16xf32>,
        %parallel_loop3A_360 = arith.constant 0 : i32
        %parallel_loop3A_361 = arith.index_cast %parallel_loop3A_360 : i32 to index
        %parallel_loop3A_362 = arith.index_cast %parallel_loop3A_315 : i32 to index
        %parallel_loop3A_363 = arith.index_cast %parallel_loop3A_317 : i32 to index
        %parallel_loop3A_364 = arith.constant 48 : index
        %parallel_loop3A_365 = tpu.vector_load %arg11[%parallel_loop3A_361, %parallel_loop3A_362, %parallel_loop3A_363, %parallel_loop3A_364] {strides = array<i32>} : memref<2x8x8x128xf32, #tpu.memory_space<vmem>>, vector<16xf32>,
        tpu.vector_store %arg11[%parallel_loop3A_361, %parallel_loop3A_362, %parallel_loop3A_363, %parallel_loop3A_364], %parallel_loop3A_359 {strides = array<i32>} : memref<2x8x8x128xf32, #tpu.memory_space<vmem>>, vector<16xf32>,
        %parallel_loop3A_366 = arith.constant 4672 : i32
        %parallel_loop3A_367 = vector.broadcast %parallel_loop3A_366 : i32 to vector<16xi32>
        %parallel_loop3A_368 = arith.addi %mul3A_13, %parallel_loop3A_367 : vector<16xi32>
        %parallel_loop3A_369 = vector.broadcast %parallel_loop3A_313 : i32 to vector<16xi32>
        %parallel_loop3A_370 = arith.addi %parallel_loop3A_368, %parallel_loop3A_369 : vector<16xi32>
        %parallel_loop3A_371 = tpu.vector_load_idx %arg9[%parallel_loop3A_370] : memref<9344xf32, #tpu.memory_space<vmem>>[vector<16xi32>], vector<16xf32>,
        %parallel_loop3A_372 = arith.constant 0 : i32
        %parallel_loop3A_373 = arith.index_cast %parallel_loop3A_372 : i32 to index
        %parallel_loop3A_374 = arith.index_cast %parallel_loop3A_315 : i32 to index
        %parallel_loop3A_375 = arith.index_cast %parallel_loop3A_317 : i32 to index
        %parallel_loop3A_376 = arith.constant 64 : index
        %parallel_loop3A_377 = tpu.vector_load %arg11[%parallel_loop3A_373, %parallel_loop3A_374, %parallel_loop3A_375, %parallel_loop3A_376] {strides = array<i32>} : memref<2x8x8x128xf32, #tpu.memory_space<vmem>>, vector<16xf32>,
        tpu.vector_store %arg11[%parallel_loop3A_373, %parallel_loop3A_374, %parallel_loop3A_375, %parallel_loop3A_376], %parallel_loop3A_371 {strides = array<i32>} : memref<2x8x8x128xf32, #tpu.memory_space<vmem>>, vector<16xf32>,
        %parallel_loop3A_378 = arith.constant 5840 : i32
        %parallel_loop3A_379 = vector.broadcast %parallel_loop3A_378 : i32 to vector<16xi32>
        %parallel_loop3A_380 = arith.addi %mul3A_13, %parallel_loop3A_379 : vector<16xi32>
        %parallel_loop3A_381 = vector.broadcast %parallel_loop3A_313 : i32 to vector<16xi32>
        %parallel_loop3A_382 = arith.addi %parallel_loop3A_380, %parallel_loop3A_381 : vector<16xi32>
        %parallel_loop3A_383 = tpu.vector_load_idx %arg9[%parallel_loop3A_382] : memref<9344xf32, #tpu.memory_space<vmem>>[vector<16xi32>], vector<16xf32>,
        %parallel_loop3A_384 = arith.constant 0 : i32
        %parallel_loop3A_385 = arith.index_cast %parallel_loop3A_384 : i32 to index
        %parallel_loop3A_386 = arith.index_cast %parallel_loop3A_315 : i32 to index
        %parallel_loop3A_387 = arith.index_cast %parallel_loop3A_317 : i32 to index
        %parallel_loop3A_388 = arith.constant 80 : index
        %parallel_loop3A_389 = tpu.vector_load %arg11[%parallel_loop3A_385, %parallel_loop3A_386, %parallel_loop3A_387, %parallel_loop3A_388] {strides = array<i32>} : memref<2x8x8x128xf32, #tpu.memory_space<vmem>>, vector<16xf32>,
        tpu.vector_store %arg11[%parallel_loop3A_385, %parallel_loop3A_386, %parallel_loop3A_387, %parallel_loop3A_388], %parallel_loop3A_383 {strides = array<i32>} : memref<2x8x8x128xf32, #tpu.memory_space<vmem>>, vector<16xf32>,
        %parallel_loop3A_390 = arith.constant 7008 : i32
        %parallel_loop3A_391 = vector.broadcast %parallel_loop3A_390 : i32 to vector<16xi32>
        %parallel_loop3A_392 = arith.addi %mul3A_13, %parallel_loop3A_391 : vector<16xi32>
        %parallel_loop3A_393 = vector.broadcast %parallel_loop3A_313 : i32 to vector<16xi32>
        %parallel_loop3A_394 = arith.addi %parallel_loop3A_392, %parallel_loop3A_393 : vector<16xi32>
        %parallel_loop3A_395 = tpu.vector_load_idx %arg9[%parallel_loop3A_394] : memref<9344xf32, #tpu.memory_space<vmem>>[vector<16xi32>], vector<16xf32>,
        %parallel_loop3A_396 = arith.constant 0 : i32
        %parallel_loop3A_397 = arith.index_cast %parallel_loop3A_396 : i32 to index
        %parallel_loop3A_398 = arith.index_cast %parallel_loop3A_315 : i32 to index
        %parallel_loop3A_399 = arith.index_cast %parallel_loop3A_317 : i32 to index
        %parallel_loop3A_400 = arith.constant 96 : index
        %parallel_loop3A_401 = tpu.vector_load %arg11[%parallel_loop3A_397, %parallel_loop3A_398, %parallel_loop3A_399, %parallel_loop3A_400] {strides = array<i32>} : memref<2x8x8x128xf32, #tpu.memory_space<vmem>>, vector<16xf32>,
        tpu.vector_store %arg11[%parallel_loop3A_397, %parallel_loop3A_398, %parallel_loop3A_399, %parallel_loop3A_400], %parallel_loop3A_395 {strides = array<i32>} : memref<2x8x8x128xf32, #tpu.memory_space<vmem>>, vector<16xf32>,
        %parallel_loop3A_402 = arith.constant 8176 : i32
        %parallel_loop3A_403 = vector.broadcast %parallel_loop3A_402 : i32 to vector<16xi32>
        %parallel_loop3A_404 = arith.addi %mul3A_13, %parallel_loop3A_403 : vector<16xi32>
        %parallel_loop3A_405 = vector.broadcast %parallel_loop3A_313 : i32 to vector<16xi32>
        %parallel_loop3A_406 = arith.addi %parallel_loop3A_404, %parallel_loop3A_405 : vector<16xi32>
        %parallel_loop3A_407 = tpu.vector_load_idx %arg9[%parallel_loop3A_406] : memref<9344xf32, #tpu.memory_space<vmem>>[vector<16xi32>], vector<16xf32>,
        %parallel_loop3A_408 = arith.constant 0 : i32
        %parallel_loop3A_409 = arith.index_cast %parallel_loop3A_408 : i32 to index
        %parallel_loop3A_410 = arith.index_cast %parallel_loop3A_315 : i32 to index
        %parallel_loop3A_411 = arith.index_cast %parallel_loop3A_317 : i32 to index
        %parallel_loop3A_412 = arith.constant 112 : index
        %parallel_loop3A_413 = tpu.vector_load %arg11[%parallel_loop3A_409, %parallel_loop3A_410, %parallel_loop3A_411, %parallel_loop3A_412] {strides = array<i32>} : memref<2x8x8x128xf32, #tpu.memory_space<vmem>>, vector<16xf32>,
        tpu.vector_store %arg11[%parallel_loop3A_409, %parallel_loop3A_410, %parallel_loop3A_411, %parallel_loop3A_412], %parallel_loop3A_407 {strides = array<i32>} : memref<2x8x8x128xf32, #tpu.memory_space<vmem>>, vector<16xf32>,
        %parallel_loop3A_414 = arith.constant 1 : i32
        %parallel_loop3A_415 = arith.addi %parallel_loop3A_313, %parallel_loop3A_414 : i32
        scf.yield %parallel_loop3A_415 : i32
      } {sc.loop_unroll_factor = 8 : i64, sc.parallel_access}
      %add3A_267 = arith.constant 1 : i32
      %add3A_268 = arith.addi %mul3A_200, %add3A_267 : i32
      %get3A_269 = arith.index_cast %add3A_268 : i32 to index
      %get3A_270 = arith.constant 0 : index
      %get3A_271 = tpu.vector_load %arg12[%get3A_269, %get3A_270] {strides = array<i32>} : memref<200x64xf32, #tpu.memory_space<vmem>>, vector<16xf32>,
      %add3A_272 = arith.constant 1 : i32
      %add3A_273 = arith.addi %mul3A_200, %add3A_272 : i32
      %get3A_274 = arith.index_cast %add3A_273 : i32 to index
      %get3A_275 = arith.constant 16 : index
      %get3A_276 = tpu.vector_load %arg12[%get3A_274, %get3A_275] {strides = array<i32>} : memref<200x64xf32, #tpu.memory_space<vmem>>, vector<16xf32>,
      %add3A_277 = arith.constant 1 : i32
      %add3A_278 = arith.addi %mul3A_200, %add3A_277 : i32
      %get3A_279 = arith.index_cast %add3A_278 : i32 to index
      %get3A_280 = arith.constant 32 : index
      %get3A_281 = tpu.vector_load %arg12[%get3A_279, %get3A_280] {strides = array<i32>} : memref<200x64xf32, #tpu.memory_space<vmem>>, vector<16xf32>,
      %add3A_282 = arith.constant 1 : i32
      %add3A_283 = arith.addi %mul3A_200, %add3A_282 : i32
      %get3A_284 = arith.index_cast %add3A_283 : i32 to index
      %get3A_285 = arith.constant 48 : index
      %get3A_286 = tpu.vector_load %arg12[%get3A_284, %get3A_285] {strides = array<i32>} : memref<200x64xf32, #tpu.memory_space<vmem>>, vector<16xf32>,
      %parallel_loop3A_287 = arith.constant 0 : i32
      %parallel_loop3A_288 = arith.constant 128 : i32
      %parallel_loop3A_289 = arith.constant 1 : i32
      %parallel_loop3A_290 = arith.constant 0 : i32
      %parallel_loop3A_291 = scf.for %parallel_loop3A_312 = %parallel_loop3A_287 to %parallel_loop3A_288 step %parallel_loop3A_289 iter_args(%parallel_loop3A_313 = %parallel_loop3A_290) -> (i32)  : i32 {
        %parallel_loop3A_314 = arith.constant 128 : i32
        %parallel_loop3A_315 = arith.addi %parallel_loop3A_314, %parallel_loop3A_312 : i32
        %parallel_loop3A_316 = arith.index_cast %parallel_loop3A_315 : i32 to index
        %parallel_loop3A_317 = arith.constant 0 : index
        %parallel_loop3A_318 = tpu.vector_load %arg8[%parallel_loop3A_316, %parallel_loop3A_317] {strides = array<i32>} : memref<256x64xf32, #tpu.memory_space<vmem>>, vector<16xf32>,
        %parallel_loop3A_319 = arith.constant 8.000000e+00 : f32
        %parallel_loop3A_320 = vector.broadcast %parallel_loop3A_319 : f32 to vector<16xf32>
        %parallel_loop3A_321 = arith.mulf %parallel_loop3A_318, %parallel_loop3A_320 : vector<16xf32>
        %parallel_loop3A_322 = arith.addf %parallel_loop3A_321, %get3A_271 : vector<16xf32>
        %parallel_loop3A_323 = arith.constant 0 : i32
        %parallel_loop3A_324 = arith.addi %parallel_loop3A_313, %parallel_loop3A_323 : i32
        %parallel_loop3A_325 = arith.index_cast %parallel_loop3A_324 : i32 to index
        %parallel_loop3A_326 = tpu.vector_load %arg9[%parallel_loop3A_325] {strides = array<i32>} : memref<9344xf32, #tpu.memory_space<vmem>>, vector<16xf32>,
        tpu.vector_store %arg9[%parallel_loop3A_325], %parallel_loop3A_322 {strides = array<i32>} : memref<9344xf32, #tpu.memory_space<vmem>>, vector<16xf32>,
        %parallel_loop3A_327 = arith.constant 128 : i32
        %parallel_loop3A_328 = arith.addi %parallel_loop3A_327, %parallel_loop3A_312 : i32
        %parallel_loop3A_329 = arith.index_cast %parallel_loop3A_328 : i32 to index
        %parallel_loop3A_330 = arith.constant 16 : index
        %parallel_loop3A_331 = tpu.vector_load %arg8[%parallel_loop3A_329, %parallel_loop3A_330] {strides = array<i32>} : memref<256x64xf32, #tpu.memory_space<vmem>>, vector<16xf32>,
        %parallel_loop3A_332 = arith.constant 8.000000e+00 : f32
        %parallel_loop3A_333 = vector.broadcast %parallel_loop3A_332 : f32 to vector<16xf32>
        %parallel_loop3A_334 = arith.mulf %parallel_loop3A_331, %parallel_loop3A_333 : vector<16xf32>
        %parallel_loop3A_335 = arith.addf %parallel_loop3A_334, %get3A_276 : vector<16xf32>
        %parallel_loop3A_336 = arith.constant 16 : i32
        %parallel_loop3A_337 = arith.addi %parallel_loop3A_313, %parallel_loop3A_336 : i32
        %parallel_loop3A_338 = arith.index_cast %parallel_loop3A_337 : i32 to index
        %parallel_loop3A_339 = tpu.vector_load %arg9[%parallel_loop3A_338] {strides = array<i32>} : memref<9344xf32, #tpu.memory_space<vmem>>, vector<16xf32>,
        tpu.vector_store %arg9[%parallel_loop3A_338], %parallel_loop3A_335 {strides = array<i32>} : memref<9344xf32, #tpu.memory_space<vmem>>, vector<16xf32>,
        %parallel_loop3A_340 = arith.constant 128 : i32
        %parallel_loop3A_341 = arith.addi %parallel_loop3A_340, %parallel_loop3A_312 : i32
        %parallel_loop3A_342 = arith.index_cast %parallel_loop3A_341 : i32 to index
        %parallel_loop3A_343 = arith.constant 32 : index
        %parallel_loop3A_344 = tpu.vector_load %arg8[%parallel_loop3A_342, %parallel_loop3A_343] {strides = array<i32>} : memref<256x64xf32, #tpu.memory_space<vmem>>, vector<16xf32>,
        %parallel_loop3A_345 = arith.constant 8.000000e+00 : f32
        %parallel_loop3A_346 = vector.broadcast %parallel_loop3A_345 : f32 to vector<16xf32>
        %parallel_loop3A_347 = arith.mulf %parallel_loop3A_344, %parallel_loop3A_346 : vector<16xf32>
        %parallel_loop3A_348 = arith.addf %parallel_loop3A_347, %get3A_281 : vector<16xf32>
        %parallel_loop3A_349 = arith.constant 32 : i32
        %parallel_loop3A_350 = arith.addi %parallel_loop3A_313, %parallel_loop3A_349 : i32
        %parallel_loop3A_351 = arith.index_cast %parallel_loop3A_350 : i32 to index
        %parallel_loop3A_352 = tpu.vector_load %arg9[%parallel_loop3A_351] {strides = array<i32>} : memref<9344xf32, #tpu.memory_space<vmem>>, vector<16xf32>,
        tpu.vector_store %arg9[%parallel_loop3A_351], %parallel_loop3A_348 {strides = array<i32>} : memref<9344xf32, #tpu.memory_space<vmem>>, vector<16xf32>,
        %parallel_loop3A_353 = arith.constant 128 : i32
        %parallel_loop3A_354 = arith.addi %parallel_loop3A_353, %parallel_loop3A_312 : i32
        %parallel_loop3A_355 = arith.index_cast %parallel_loop3A_354 : i32 to index
        %parallel_loop3A_356 = arith.constant 48 : index
        %parallel_loop3A_357 = tpu.vector_load %arg8[%parallel_loop3A_355, %parallel_loop3A_356] {strides = array<i32>} : memref<256x64xf32, #tpu.memory_space<vmem>>, vector<16xf32>,
        %parallel_loop3A_358 = arith.constant 8.000000e+00 : f32
        %parallel_loop3A_359 = vector.broadcast %parallel_loop3A_358 : f32 to vector<16xf32>
        %parallel_loop3A_360 = arith.mulf %parallel_loop3A_357, %parallel_loop3A_359 : vector<16xf32>
        %parallel_loop3A_361 = arith.addf %parallel_loop3A_360, %get3A_286 : vector<16xf32>
        %parallel_loop3A_362 = arith.constant 48 : i32
        %parallel_loop3A_363 = arith.addi %parallel_loop3A_313, %parallel_loop3A_362 : i32
        %parallel_loop3A_364 = arith.index_cast %parallel_loop3A_363 : i32 to index
        %parallel_loop3A_365 = tpu.vector_load %arg9[%parallel_loop3A_364] {strides = array<i32>} : memref<9344xf32, #tpu.memory_space<vmem>>, vector<16xf32>,
        tpu.vector_store %arg9[%parallel_loop3A_364], %parallel_loop3A_361 {strides = array<i32>} : memref<9344xf32, #tpu.memory_space<vmem>>, vector<16xf32>,
        %parallel_loop3A_366 = arith.constant 73 : i32
        %parallel_loop3A_367 = arith.addi %parallel_loop3A_313, %parallel_loop3A_366 : i32
        scf.yield %parallel_loop3A_367 : i32
      } {sc.loop_unroll_factor = 8 : i64, sc.parallel_access}
      %lt3A_292 = arith.constant 49 : i32
      %lt3A_293 = arith.cmpi slt, %scan3A_83, %lt3A_292 : i32
      %convert_element_type3A_294 = arith.extui %lt3A_293 : i1 to i32
      %cond3A_295 = arith.constant 0 : i32
      %cond3A_296 = arith.cmpi ne, %convert_element_type3A_294, %cond3A_295 : i32
      scf.if %cond3A_296 {
        %add3A_312 = arith.constant 2 : i32
        %add3A_313 = arith.addi %add3A_198, %add3A_312 : i32
        %mul3A_314 = arith.constant 2 : i32
        %mul3A_315 = arith.muli %mul3A_314, %add3A_313 : i32
        %add3A_316 = arith.constant 1 : i32
        %add3A_317 = arith.addi %mul3A_315, %add3A_316 : i32
        %dma_start3A_318 = arith.constant 128 : i32
        %dma_start3A_319 = arith.constant 0 : i32
        %dma_start3A_320 = tpu.memref_slice %arg8[%dma_start3A_318, %dma_start3A_319] : memref<256x64xf32, #tpu.memory_space<vmem>> -> memref<128x64xf32, #tpu.memory_space<vmem>>
        %dma_start3A_321 = arith.constant 0 : i32
        %dma_start3A_322 = tpu.memref_slice %arg6[%add3A_317, %dma_start3A_321] : memref<200x128xi32, #tpu.memory_space<vmem>> -> memref<1x128xi32, #tpu.memory_space<vmem>>
        %dma_start3A_323 = tpu.memref_squeeze %dma_start3A_322 : memref<1x128xi32, #tpu.memory_space<vmem>> -> memref<128xi32, #tpu.memory_space<vmem>>
        %dma_start3A_324 = arith.constant 0 : i32
        %dma_start3A_325 = arith.constant 0 : i32
        %dma_start3A_326 = tpu.memref_slice %arg3[%dma_start3A_324, %dma_start3A_325] : memref<100000x64xf32, #tpu.memory_space<hbm>> -> memref<100000x64xf32, #tpu.memory_space<hbm>>
        tpu.enqueue_indirect_dma source(%dma_start3A_326 : memref<100000x64xf32, #tpu.memory_space<hbm>>) target(%dma_start3A_320 : memref<128x64xf32, #tpu.memory_space<vmem>>) offsets(%dma_start3A_323 : memref<128xi32, #tpu.memory_space<vmem>>) semaphore(%arg15 : memref<!tpu.dma_semaphore, #tpu.memory_space<semaphore_mem>>)
      } else {
      }
      %parallel_loop3A_297 = arith.constant 0 : i32
      %parallel_loop3A_298 = arith.constant 64 : i32
      %parallel_loop3A_299 = arith.constant 1 : i32
      %parallel_loop3A_300 = arith.constant 0 : i32
      %parallel_loop3A_301 = scf.for %parallel_loop3A_312 = %parallel_loop3A_297 to %parallel_loop3A_298 step %parallel_loop3A_299 iter_args(%parallel_loop3A_313 = %parallel_loop3A_300) -> (i32)  : i32 {
        %parallel_loop3A_314 = arith.constant 3 : i32
        %parallel_loop3A_315 = arith.shrui %parallel_loop3A_312, %parallel_loop3A_314 : i32
        %parallel_loop3A_316 = arith.constant 7 : i32
        %parallel_loop3A_317 = arith.andi %parallel_loop3A_312, %parallel_loop3A_316 : i32
        %parallel_loop3A_318 = arith.constant 0 : i32
        %parallel_loop3A_319 = vector.broadcast %parallel_loop3A_318 : i32 to vector<16xi32>
        %parallel_loop3A_320 = arith.addi %mul3A_13, %parallel_loop3A_319 : vector<16xi32>
        %parallel_loop3A_321 = vector.broadcast %parallel_loop3A_313 : i32 to vector<16xi32>
        %parallel_loop3A_322 = arith.addi %parallel_loop3A_320, %parallel_loop3A_321 : vector<16xi32>
        %parallel_loop3A_323 = tpu.vector_load_idx %arg9[%parallel_loop3A_322] : memref<9344xf32, #tpu.memory_space<vmem>>[vector<16xi32>], vector<16xf32>,
        %parallel_loop3A_324 = arith.constant 1 : i32
        %parallel_loop3A_325 = arith.index_cast %parallel_loop3A_324 : i32 to index
        %parallel_loop3A_326 = arith.index_cast %parallel_loop3A_315 : i32 to index
        %parallel_loop3A_327 = arith.index_cast %parallel_loop3A_317 : i32 to index
        %parallel_loop3A_328 = arith.constant 0 : index
        %parallel_loop3A_329 = tpu.vector_load %arg11[%parallel_loop3A_325, %parallel_loop3A_326, %parallel_loop3A_327, %parallel_loop3A_328] {strides = array<i32>} : memref<2x8x8x128xf32, #tpu.memory_space<vmem>>, vector<16xf32>,
        tpu.vector_store %arg11[%parallel_loop3A_325, %parallel_loop3A_326, %parallel_loop3A_327, %parallel_loop3A_328], %parallel_loop3A_323 {strides = array<i32>} : memref<2x8x8x128xf32, #tpu.memory_space<vmem>>, vector<16xf32>,
        %parallel_loop3A_330 = arith.constant 1168 : i32
        %parallel_loop3A_331 = vector.broadcast %parallel_loop3A_330 : i32 to vector<16xi32>
        %parallel_loop3A_332 = arith.addi %mul3A_13, %parallel_loop3A_331 : vector<16xi32>
        %parallel_loop3A_333 = vector.broadcast %parallel_loop3A_313 : i32 to vector<16xi32>
        %parallel_loop3A_334 = arith.addi %parallel_loop3A_332, %parallel_loop3A_333 : vector<16xi32>
        %parallel_loop3A_335 = tpu.vector_load_idx %arg9[%parallel_loop3A_334] : memref<9344xf32, #tpu.memory_space<vmem>>[vector<16xi32>], vector<16xf32>,
        %parallel_loop3A_336 = arith.constant 1 : i32
        %parallel_loop3A_337 = arith.index_cast %parallel_loop3A_336 : i32 to index
        %parallel_loop3A_338 = arith.index_cast %parallel_loop3A_315 : i32 to index
        %parallel_loop3A_339 = arith.index_cast %parallel_loop3A_317 : i32 to index
        %parallel_loop3A_340 = arith.constant 16 : index
        %parallel_loop3A_341 = tpu.vector_load %arg11[%parallel_loop3A_337, %parallel_loop3A_338, %parallel_loop3A_339, %parallel_loop3A_340] {strides = array<i32>} : memref<2x8x8x128xf32, #tpu.memory_space<vmem>>, vector<16xf32>,
        tpu.vector_store %arg11[%parallel_loop3A_337, %parallel_loop3A_338, %parallel_loop3A_339, %parallel_loop3A_340], %parallel_loop3A_335 {strides = array<i32>} : memref<2x8x8x128xf32, #tpu.memory_space<vmem>>, vector<16xf32>,
        %parallel_loop3A_342 = arith.constant 2336 : i32
        %parallel_loop3A_343 = vector.broadcast %parallel_loop3A_342 : i32 to vector<16xi32>
        %parallel_loop3A_344 = arith.addi %mul3A_13, %parallel_loop3A_343 : vector<16xi32>
        %parallel_loop3A_345 = vector.broadcast %parallel_loop3A_313 : i32 to vector<16xi32>
        %parallel_loop3A_346 = arith.addi %parallel_loop3A_344, %parallel_loop3A_345 : vector<16xi32>
        %parallel_loop3A_347 = tpu.vector_load_idx %arg9[%parallel_loop3A_346] : memref<9344xf32, #tpu.memory_space<vmem>>[vector<16xi32>], vector<16xf32>,
        %parallel_loop3A_348 = arith.constant 1 : i32
        %parallel_loop3A_349 = arith.index_cast %parallel_loop3A_348 : i32 to index
        %parallel_loop3A_350 = arith.index_cast %parallel_loop3A_315 : i32 to index
        %parallel_loop3A_351 = arith.index_cast %parallel_loop3A_317 : i32 to index
        %parallel_loop3A_352 = arith.constant 32 : index
        %parallel_loop3A_353 = tpu.vector_load %arg11[%parallel_loop3A_349, %parallel_loop3A_350, %parallel_loop3A_351, %parallel_loop3A_352] {strides = array<i32>} : memref<2x8x8x128xf32, #tpu.memory_space<vmem>>, vector<16xf32>,
        tpu.vector_store %arg11[%parallel_loop3A_349, %parallel_loop3A_350, %parallel_loop3A_351, %parallel_loop3A_352], %parallel_loop3A_347 {strides = array<i32>} : memref<2x8x8x128xf32, #tpu.memory_space<vmem>>, vector<16xf32>,
        %parallel_loop3A_354 = arith.constant 3504 : i32
        %parallel_loop3A_355 = vector.broadcast %parallel_loop3A_354 : i32 to vector<16xi32>
        %parallel_loop3A_356 = arith.addi %mul3A_13, %parallel_loop3A_355 : vector<16xi32>
        %parallel_loop3A_357 = vector.broadcast %parallel_loop3A_313 : i32 to vector<16xi32>
        %parallel_loop3A_358 = arith.addi %parallel_loop3A_356, %parallel_loop3A_357 : vector<16xi32>
        %parallel_loop3A_359 = tpu.vector_load_idx %arg9[%parallel_loop3A_358] : memref<9344xf32, #tpu.memory_space<vmem>>[vector<16xi32>], vector<16xf32>,
        %parallel_loop3A_360 = arith.constant 1 : i32
        %parallel_loop3A_361 = arith.index_cast %parallel_loop3A_360 : i32 to index
        %parallel_loop3A_362 = arith.index_cast %parallel_loop3A_315 : i32 to index
        %parallel_loop3A_363 = arith.index_cast %parallel_loop3A_317 : i32 to index
        %parallel_loop3A_364 = arith.constant 48 : index
        %parallel_loop3A_365 = tpu.vector_load %arg11[%parallel_loop3A_361, %parallel_loop3A_362, %parallel_loop3A_363, %parallel_loop3A_364] {strides = array<i32>} : memref<2x8x8x128xf32, #tpu.memory_space<vmem>>, vector<16xf32>,
        tpu.vector_store %arg11[%parallel_loop3A_361, %parallel_loop3A_362, %parallel_loop3A_363, %parallel_loop3A_364], %parallel_loop3A_359 {strides = array<i32>} : memref<2x8x8x128xf32, #tpu.memory_space<vmem>>, vector<16xf32>,
        %parallel_loop3A_366 = arith.constant 4672 : i32
        %parallel_loop3A_367 = vector.broadcast %parallel_loop3A_366 : i32 to vector<16xi32>
        %parallel_loop3A_368 = arith.addi %mul3A_13, %parallel_loop3A_367 : vector<16xi32>
        %parallel_loop3A_369 = vector.broadcast %parallel_loop3A_313 : i32 to vector<16xi32>
        %parallel_loop3A_370 = arith.addi %parallel_loop3A_368, %parallel_loop3A_369 : vector<16xi32>
        %parallel_loop3A_371 = tpu.vector_load_idx %arg9[%parallel_loop3A_370] : memref<9344xf32, #tpu.memory_space<vmem>>[vector<16xi32>], vector<16xf32>,
        %parallel_loop3A_372 = arith.constant 1 : i32
        %parallel_loop3A_373 = arith.index_cast %parallel_loop3A_372 : i32 to index
        %parallel_loop3A_374 = arith.index_cast %parallel_loop3A_315 : i32 to index
        %parallel_loop3A_375 = arith.index_cast %parallel_loop3A_317 : i32 to index
        %parallel_loop3A_376 = arith.constant 64 : index
        %parallel_loop3A_377 = tpu.vector_load %arg11[%parallel_loop3A_373, %parallel_loop3A_374, %parallel_loop3A_375, %parallel_loop3A_376] {strides = array<i32>} : memref<2x8x8x128xf32, #tpu.memory_space<vmem>>, vector<16xf32>,
        tpu.vector_store %arg11[%parallel_loop3A_373, %parallel_loop3A_374, %parallel_loop3A_375, %parallel_loop3A_376], %parallel_loop3A_371 {strides = array<i32>} : memref<2x8x8x128xf32, #tpu.memory_space<vmem>>, vector<16xf32>,
        %parallel_loop3A_378 = arith.constant 5840 : i32
        %parallel_loop3A_379 = vector.broadcast %parallel_loop3A_378 : i32 to vector<16xi32>
        %parallel_loop3A_380 = arith.addi %mul3A_13, %parallel_loop3A_379 : vector<16xi32>
        %parallel_loop3A_381 = vector.broadcast %parallel_loop3A_313 : i32 to vector<16xi32>
        %parallel_loop3A_382 = arith.addi %parallel_loop3A_380, %parallel_loop3A_381 : vector<16xi32>
        %parallel_loop3A_383 = tpu.vector_load_idx %arg9[%parallel_loop3A_382] : memref<9344xf32, #tpu.memory_space<vmem>>[vector<16xi32>], vector<16xf32>,
        %parallel_loop3A_384 = arith.constant 1 : i32
        %parallel_loop3A_385 = arith.index_cast %parallel_loop3A_384 : i32 to index
        %parallel_loop3A_386 = arith.index_cast %parallel_loop3A_315 : i32 to index
        %parallel_loop3A_387 = arith.index_cast %parallel_loop3A_317 : i32 to index
        %parallel_loop3A_388 = arith.constant 80 : index
        %parallel_loop3A_389 = tpu.vector_load %arg11[%parallel_loop3A_385, %parallel_loop3A_386, %parallel_loop3A_387, %parallel_loop3A_388] {strides = array<i32>} : memref<2x8x8x128xf32, #tpu.memory_space<vmem>>, vector<16xf32>,
        tpu.vector_store %arg11[%parallel_loop3A_385, %parallel_loop3A_386, %parallel_loop3A_387, %parallel_loop3A_388], %parallel_loop3A_383 {strides = array<i32>} : memref<2x8x8x128xf32, #tpu.memory_space<vmem>>, vector<16xf32>,
        %parallel_loop3A_390 = arith.constant 7008 : i32
        %parallel_loop3A_391 = vector.broadcast %parallel_loop3A_390 : i32 to vector<16xi32>
        %parallel_loop3A_392 = arith.addi %mul3A_13, %parallel_loop3A_391 : vector<16xi32>
        %parallel_loop3A_393 = vector.broadcast %parallel_loop3A_313 : i32 to vector<16xi32>
        %parallel_loop3A_394 = arith.addi %parallel_loop3A_392, %parallel_loop3A_393 : vector<16xi32>
        %parallel_loop3A_395 = tpu.vector_load_idx %arg9[%parallel_loop3A_394] : memref<9344xf32, #tpu.memory_space<vmem>>[vector<16xi32>], vector<16xf32>,
        %parallel_loop3A_396 = arith.constant 1 : i32
        %parallel_loop3A_397 = arith.index_cast %parallel_loop3A_396 : i32 to index
        %parallel_loop3A_398 = arith.index_cast %parallel_loop3A_315 : i32 to index
        %parallel_loop3A_399 = arith.index_cast %parallel_loop3A_317 : i32 to index
        %parallel_loop3A_400 = arith.constant 96 : index
        %parallel_loop3A_401 = tpu.vector_load %arg11[%parallel_loop3A_397, %parallel_loop3A_398, %parallel_loop3A_399, %parallel_loop3A_400] {strides = array<i32>} : memref<2x8x8x128xf32, #tpu.memory_space<vmem>>, vector<16xf32>,
        tpu.vector_store %arg11[%parallel_loop3A_397, %parallel_loop3A_398, %parallel_loop3A_399, %parallel_loop3A_400], %parallel_loop3A_395 {strides = array<i32>} : memref<2x8x8x128xf32, #tpu.memory_space<vmem>>, vector<16xf32>,
        %parallel_loop3A_402 = arith.constant 8176 : i32
        %parallel_loop3A_403 = vector.broadcast %parallel_loop3A_402 : i32 to vector<16xi32>
        %parallel_loop3A_404 = arith.addi %mul3A_13, %parallel_loop3A_403 : vector<16xi32>
        %parallel_loop3A_405 = vector.broadcast %parallel_loop3A_313 : i32 to vector<16xi32>
        %parallel_loop3A_406 = arith.addi %parallel_loop3A_404, %parallel_loop3A_405 : vector<16xi32>
        %parallel_loop3A_407 = tpu.vector_load_idx %arg9[%parallel_loop3A_406] : memref<9344xf32, #tpu.memory_space<vmem>>[vector<16xi32>], vector<16xf32>,
        %parallel_loop3A_408 = arith.constant 1 : i32
        %parallel_loop3A_409 = arith.index_cast %parallel_loop3A_408 : i32 to index
        %parallel_loop3A_410 = arith.index_cast %parallel_loop3A_315 : i32 to index
        %parallel_loop3A_411 = arith.index_cast %parallel_loop3A_317 : i32 to index
        %parallel_loop3A_412 = arith.constant 112 : index
        %parallel_loop3A_413 = tpu.vector_load %arg11[%parallel_loop3A_409, %parallel_loop3A_410, %parallel_loop3A_411, %parallel_loop3A_412] {strides = array<i32>} : memref<2x8x8x128xf32, #tpu.memory_space<vmem>>, vector<16xf32>,
        tpu.vector_store %arg11[%parallel_loop3A_409, %parallel_loop3A_410, %parallel_loop3A_411, %parallel_loop3A_412], %parallel_loop3A_407 {strides = array<i32>} : memref<2x8x8x128xf32, #tpu.memory_space<vmem>>, vector<16xf32>,
        %parallel_loop3A_414 = arith.constant 1 : i32
        %parallel_loop3A_415 = arith.addi %parallel_loop3A_313, %parallel_loop3A_414 : i32
        scf.yield %parallel_loop3A_415 : i32
      } {sc.loop_unroll_factor = 8 : i64, sc.parallel_access}
      %dma_start3A_302 = arith.constant 0 : i32
      %dma_start3A_303 = arith.constant 0 : i32
      %dma_start3A_304 = arith.constant 0 : i32
      %dma_start3A_305 = tpu.memref_slice %arg5[%mul3A_200, %dma_start3A_302, %add3A, %dma_start3A_303, %dma_start3A_304] : memref<200x8x32x8x128xf32, #tpu.memory_space<hbm>> -> memref<2x8x1x8x128xf32, #tpu.memory_space<hbm>>
      %dma_start3A_306 = tpu.memref_squeeze %dma_start3A_305 : memref<2x8x1x8x128xf32, #tpu.memory_space<hbm>> -> memref<2x8x8x128xf32, #tpu.memory_space<hbm>>
      %dma_start3A_307 = arith.constant 0 : i32
      %dma_start3A_308 = arith.constant 0 : i32
      %dma_start3A_309 = arith.constant 0 : i32
      %dma_start3A_310 = tpu.memref_slice %arg5[%mul3A_200, %dma_start3A_307, %add3A, %dma_start3A_308, %dma_start3A_309] : memref<200x8x32x8x128xf32, #tpu.memory_space<hbm>> -> memref<2x8x1x8x128xf32, #tpu.memory_space<hbm>>
      %dma_start3A_311 = tpu.memref_squeeze %dma_start3A_310 : memref<2x8x1x8x128xf32, #tpu.memory_space<hbm>> -> memref<2x8x8x128xf32, #tpu.memory_space<hbm>>
      tpu.enqueue_dma source(%arg11 : memref<2x8x8x128xf32, #tpu.memory_space<vmem>>) target(%dma_start3A_311 : memref<2x8x8x128xf32, #tpu.memory_space<hbm>>) target_semaphore(%arg17 : memref<!tpu.dma_semaphore, #tpu.memory_space<semaphore_mem>>)
    }
    %scan3A_58 = arith.constant 50 : i32
    %dma_wait3A_59 = arith.constant 196 : i32
    %dma_wait3A_60 = arith.constant 0 : i32
    %dma_wait3A_61 = arith.constant 0 : i32
    %dma_wait3A_62 = arith.constant 0 : i32
    %dma_wait3A_63 = tpu.memref_slice %arg5[%dma_wait3A_59, %dma_wait3A_60, %add3A, %dma_wait3A_61, %dma_wait3A_62] : memref<200x8x32x8x128xf32, #tpu.memory_space<hbm>> -> memref<2x8x1x8x128xf32, #tpu.memory_space<hbm>>
    %dma_wait3A_64 = tpu.memref_squeeze %dma_wait3A_63 : memref<2x8x1x8x128xf32, #tpu.memory_space<hbm>> -> memref<2x8x8x128xf32, #tpu.memory_space<hbm>>
    %dma_wait3A_65 = arith.constant 196 : i32
    %dma_wait3A_66 = arith.constant 0 : i32
    %dma_wait3A_67 = arith.constant 0 : i32
    %dma_wait3A_68 = arith.constant 0 : i32
    %dma_wait3A_69 = tpu.memref_slice %arg5[%dma_wait3A_65, %dma_wait3A_66, %add3A, %dma_wait3A_67, %dma_wait3A_68] : memref<200x8x32x8x128xf32, #tpu.memory_space<hbm>> -> memref<2x8x1x8x128xf32, #tpu.memory_space<hbm>>
    %dma_wait3A_70 = tpu.memref_squeeze %dma_wait3A_69 : memref<2x8x1x8x128xf32, #tpu.memory_space<hbm>> -> memref<2x8x8x128xf32, #tpu.memory_space<hbm>>
    tpu.wait_dma2 semaphore(%arg16 : memref<!tpu.dma_semaphore, #tpu.memory_space<semaphore_mem>>) src(%arg10 : memref<2x8x8x128xf32, #tpu.memory_space<vmem>>) dst(%dma_wait3A_70 : memref<2x8x8x128xf32, #tpu.memory_space<hbm>>)
    %dma_wait3A_71 = arith.constant 198 : i32
    %dma_wait3A_72 = arith.constant 0 : i32
    %dma_wait3A_73 = arith.constant 0 : i32
    %dma_wait3A_74 = arith.constant 0 : i32
    %dma_wait3A_75 = tpu.memref_slice %arg5[%dma_wait3A_71, %dma_wait3A_72, %add3A, %dma_wait3A_73, %dma_wait3A_74] : memref<200x8x32x8x128xf32, #tpu.memory_space<hbm>> -> memref<2x8x1x8x128xf32, #tpu.memory_space<hbm>>
    %dma_wait3A_76 = tpu.memref_squeeze %dma_wait3A_75 : memref<2x8x1x8x128xf32, #tpu.memory_space<hbm>> -> memref<2x8x8x128xf32, #tpu.memory_space<hbm>>
    %dma_wait3A_77 = arith.constant 198 : i32
    %dma_wait3A_78 = arith.constant 0 : i32
    %dma_wait3A_79 = arith.constant 0 : i32
    %dma_wait3A_80 = arith.constant 0 : i32
    %dma_wait3A_81 = tpu.memref_slice %arg5[%dma_wait3A_77, %dma_wait3A_78, %add3A, %dma_wait3A_79, %dma_wait3A_80] : memref<200x8x32x8x128xf32, #tpu.memory_space<hbm>> -> memref<2x8x1x8x128xf32, #tpu.memory_space<hbm>>
    %dma_wait3A_82 = tpu.memref_squeeze %dma_wait3A_81 : memref<2x8x1x8x128xf32, #tpu.memory_space<hbm>> -> memref<2x8x8x128xf32, #tpu.memory_space<hbm>>
    tpu.wait_dma2 semaphore(%arg17 : memref<!tpu.dma_semaphore, #tpu.memory_space<semaphore_mem>>) src(%arg11 : memref<2x8x8x128xf32, #tpu.memory_space<vmem>>) dst(%dma_wait3A_82 : memref<2x8x8x128xf32, #tpu.memory_space<hbm>>)
    return
  }
}

</mosaic_0001>

<sc_bundles>
// kernel: kernel.3.cloned.1.call-start
scs
__scs_entry_jumppad:
0x0: {  	(pc) =	sbr.rel $0x88, $3  }
0x1: {  	(tag) =	ssettag $0x0;
	lr =	simm.s32 $0x1  }
0x2: {  	[smem:$0x3F9F] =	sst lr;
	_ =	strace $0xD0000000  }
0x3: {  	_ = 	snop  }
0x4: {  	_ = 	snop  }
0x5: {  	_ = 	snop  }
0x6: {  	_ = 	snop  }
0x7: {  	_ = 	snop  }
__scs_overlays_trampoline_lowered:
0x8: {  	[smem:$0x3FAE] =	sst s0  }
0x9: {  	[smem:$0x3FAF] =	sst s1  }
0xa: {  	[smem:$0x3FB0] =	sst s2  }
0xb: {  	[smem:$0x3FB1] =	sst s3  }
0xc: {  	[smem:$0x3FB2] =	sst s4  }
0xd: {  	[smem:$0x3FB3] =	sst s5  }
0xe: {  	[smem:$0x3FB4] =	sst s6  }
0xf: {  	[smem:$0x3FB5] =	sst s7  }
0x10: {  	[smem:$0x3FB6] =	sst s8  }
0x11: {  	[smem:$0x3FB7] =	sst s9;
	s0 =	simm.s32 @!p0 $0x0  }
0x12: {  	s1 =	sld [smem:$0x3F9D];
	s0 =	simm.s32 @p0 $0x1  }
0x13: {  	[smem:$0x3FB8] =	sst s0;
	s0 =	simm.s32 @!p1 $0x0  }
0x14: {  	s2 =	sld [smem:$0x3F9C];
	s0 =	simm.s32 @p1 $0x1  }
0x15: {  	[smem:$0x3FB9] =	sst s0;
	s0 =	simm.s32 @!p2 $0x0  }
0x16: {  	s3 =	sld [smem:$0x3FDB];
	s0 =	simm.s32 @p2 $0x1  }
0x17: {  	s4 =	simm.s32 $0x1BF5;
	[smem:$0x3FBB] =	sst s0  }
0x18: {  	s0 =	sld [smem:$0x3F9E];
	_ =	swait.ge [sflag:s4], $0x0  }
0x19: {  	s7 =	sld [smem:$0x3F9F]  }
0x1a: {  	s8 =	sadd.s32 $0xFFFFE003, lr  }
0x1b: {  	s9 =	sadd.s32 $0xFFFFFEF7, lr;
	s5 =	simm.s32 $0xFFFFFFFF;
	p2 =	slt.u32 s8, $0xFFFFF086  }
0x1c: {  	p1 =	slt.u32 s9, $0xF7A;
	s5 =	simm.s32 @!p2 $0x0  }
0x1d: {  	s5 =	simm.s32 @p1 $0x1;
	p0 =	seq.s32 s7, s2  }
0x1e: {  	s7 =	smul.u32 @!p0 $0xF7A, s2;
	p2 =	seq.s32 @!p0 s5, $0x0  }
0x1f: {  	s9 =	smul.u32 $0xF7A, s1;
	s8 =	simm.s32 @!p0 $0x1BF5;
	p2 =	por !p2, p0  }
0x20: {  	[sflag:s8] =	ssyncset.s32 @!p0 $0xFFFFF086;
	s6 =	sadd.s32 @!p0 s3, s7;
	s7 =	simm.s32 @!p0 $0x108  }
0x21: {  	s3 =	sadd.s32 s3, s9;
	s6 =	sadd.s32 @!p0 $0x88, s6;
	s7 =	simm.s32 @p2 $0x1082  }
0x22: {  	[simem:s7], [sflag:s8] =	dma.local @!p0 [hbm:s6], $0xF7A  }
0x23: {  	s9 =	sor.u32 $0xD0000000, s2;
	s6 =	simm.s32 $0x108;
	_ =	swait.ge @!p0 [sflag:s8], $0x0  }
0x24: {  	s3 =	sadd.s32 $0x88, s3;
	s6 =	simm.s32 @!p1 $0x1082;
	[sflag:s4] =	ssyncset.s32 $0xFFFFF086  }
0x25: {  	[simem:s6], [sflag:s4] =	dma.local [hbm:s3], $0xF7A  }
0x26: {  	[smem:$0x3F9F] =	sst s1;
	(tag) =	ssettag s2;
	_ =	strace s9  }
0x27: {  	s1 =	sld [smem:$0x3FAF]  }
0x28: {  	s2 =	sld [smem:$0x3FB0]  }
0x29: {  	s4 =	sld [smem:$0x3FB2]  }
0x2a: {  	p0 =	seq.s32 s5, $0x0;
	s5 =	sld [smem:$0x3FB3]  }
0x2b: {  	s6 =	sld [smem:$0x3FB4]  }
0x2c: {  	s7 =	sld [smem:$0x3FB5]  }
0x2d: {  	s3 =	simm.s32 $0x108;
	s8 =	sld [smem:$0x3FB6]  }
0x2e: {  	s3 =	simm.s32 @!p0 $0x1082;
	s9 =	sld [smem:$0x3FB7]  }
0x2f: {  	lr =	sadd.s32 s0, s3;
	s0 =	sld [smem:$0x3FAE]  }
0x30: {  	s3 =	sld [smem:$0x3FB1]  }
0x31: {  	[smem:$0x3FBA] =	sst s10  }
0x32: {  	s10 =	sld [smem:$0x3FB8];
	_ =	sdelay $0x3  }
0x33: {  	p0 =	seq.s32 s10, $0x1;
	s10 =	sld [smem:$0x3FBA];
	_ =	sdelay $0x3  }
0x34: {  	[smem:$0x3FBA] =	sst s10  }
0x35: {  	s10 =	sld [smem:$0x3FB9];
	_ =	sdelay $0x3  }
0x36: {  	p1 =	seq.s32 s10, $0x1;
	s10 =	sld [smem:$0x3FBA];
	_ =	sdelay $0x3  }
0x37: {  	[smem:$0x3FBA] =	sst s10  }
0x38: {  	s10 =	sld [smem:$0x3FBB]  }
0x39: {  	_ = 	snop;
	(pc) =	sbr.ind lr, $3  }
0x3a: {  	_ = 	snop  }
0x3b: {  	_ = 	snop  }
0x3c: {  	p2 =	seq.s32 s10, $0x1;
	s10 =	sld [smem:$0x3FBA]  }
0x3d: {  	_ =	shalt  }
0x3e: {  	_ =	shalt  }
0x3f: {  	_ =	shalt  }
0x40: {  	_ =	shalt  }
0x41: {  	_ =	shalt  }
0x42: {  	_ =	shalt  }
0x43: {  	_ =	shalt  }
0x44: {  	_ =	shalt  }
0x45: {  	_ =	shalt  }
0x46: {  	_ =	shalt  }
0x47: {  	_ =	shalt  }
0x48: {  	_ =	shalt  }
0x49: {  	_ =	shalt  }
0x4a: {  	_ =	shalt  }
0x4b: {  	_ =	shalt  }
0x4c: {  	_ =	shalt  }
0x4d: {  	_ =	shalt  }
0x4e: {  	_ =	shalt  }
0x4f: {  	_ =	shalt  }
0x50: {  	_ =	shalt  }
0x51: {  	_ =	shalt  }
0x52: {  	_ =	shalt  }
0x53: {  	_ =	shalt  }
0x54: {  	_ =	shalt  }
0x55: {  	_ =	shalt  }
0x56: {  	_ =	shalt  }
0x57: {  	_ =	shalt  }
0x58: {  	_ =	shalt  }
0x59: {  	_ =	shalt  }
0x5a: {  	_ =	shalt  }
0x5b: {  	_ =	shalt  }
0x5c: {  	_ =	shalt  }
0x5d: {  	_ =	shalt  }
0x5e: {  	_ =	shalt  }
0x5f: {  	_ =	shalt  }
0x60: {  	_ =	shalt  }
0x61: {  	_ =	shalt  }
0x62: {  	_ =	shalt  }
0x63: {  	_ =	shalt  }
0x64: {  	_ =	shalt  }
0x65: {  	_ =	shalt  }
0x66: {  	_ =	shalt  }
0x67: {  	_ =	shalt  }
0x68: {  	_ =	shalt  }
0x69: {  	_ =	shalt  }
0x6a: {  	_ =	shalt  }
0x6b: {  	_ =	shalt  }
0x6c: {  	_ =	shalt  }
0x6d: {  	_ =	shalt  }
0x6e: {  	_ =	shalt  }
0x6f: {  	_ =	shalt  }
0x70: {  	_ =	shalt  }
0x71: {  	_ =	shalt  }
0x72: {  	_ =	shalt  }
0x73: {  	_ =	shalt  }
0x74: {  	_ =	shalt  }
0x75: {  	_ =	shalt  }
0x76: {  	_ =	shalt  }
0x77: {  	_ =	shalt  }
0x78: {  	_ =	shalt  }
0x79: {  	_ =	shalt  }
0x7a: {  	_ =	shalt  }
0x7b: {  	_ =	shalt  }
0x7c: {  	_ =	shalt  }
0x7d: {  	_ =	shalt  }
0x7e: {  	_ =	shalt  }
0x7f: {  	_ =	shalt  }
0x80: {  	_ =	shalt  }
0x81: {  	_ =	shalt  }
0x82: {  	_ =	shalt  }
0x83: {  	_ =	shalt  }
0x84: {  	_ =	shalt  }
0x85: {  	_ =	shalt  }
0x86: {  	_ =	shalt  }
0x87: {  	_ =	shalt  }
.Lfunc_end0:
.L_simem_size_0:
called_computation_lowered:
.L_overlay_start_0:
0x88: {  	s2 =	sld [smem:$0x3FD9]  }
0x89: {  	s3 =	sld [smem:$0x3FFE];
	_ =	sdelay $0x1  }
0x8a: {  	s1 =	srdreg.scid  }
0x8b: {  	s0 =	sand.u32 $0x1, s1  }
0x8c: {  	s17 =	sshll.u32 s0, $0xA;
	s2 =	sadd.s32 s3, s2  }
0x8d: {  	s2 =	sadd.s32 s2, s17  }
0x8e: {  	[smem:$0x3FC6] =	sst s2  }
0x8f: {  	_ = 	snop  }
0x90: {  	s2 =	sld [smem:$0x3FD0];
	(tm) =	ssettm $0x1  }
0x91: {  	s18 =	sld [smem:$0x3FFB];
	_ =	sdelay $0x3  }
0x92: {  	_ =	strace s18  }
0x93: {  	s3 =	sld [smem:$0x3FFC];
	_ =	sdelay $0x3  }
0x94: {  	_ =	strace s3  }
0x95: {  	s3 =	sld [smem:$0x3FFD];
	_ =	sdelay $0x3  }
0x96: {  	_ =	strace s3  }
0x97: {  	_ =	strace $0x8FFFFFFF  }
0x98: {  	s19 =	sld [smem:$0x3FDB];
	_ =	sdelay $0x1  }
0x99: {  	s4 =	simm.s32 $_scs_section_size  }
0x9a: {  	s5 =	simm.s32 $_size__tile_overlayer_lowered;
	s6 =	simm.s32 $_tile_overlayer_lowered  }
0x9b: {  	s22 =	simm.s32 $0x1BFF;
	s21 =	sshll.u32 s6, $0x1;
	s3 =	sadd.s32 s4, s19  }
0x9c: {  	s7 =	simm.s32 $0x0;
	s20 =	sshll.u32 s5, $0x1;
	s5 =	sadd.s32 s21, s3  }
0x9d: {  	[timem:s7], [sflag:s22] =	dma.local [hbm:s5], s20  }
0x9e: {  	_ =	swait.ge [sflag:s22], s20  }
0x9f: {  	s4 =	ssub.s32 $0x0, s20;
	[sflag:s22] =	ssyncset.done $0x0  }
0xa0: {  	[sflag:s22] =	ssyncadd.s32 s4;
	_ =	sdelay $0x1  }
0xa1: {  	s23 =	simm.s32 $0x1B8B  }
0xa2: {  	_ =	swait.ge [sflag:s23], $0x1  }
0xa3: {  	[sflag:s23] =	ssyncset.done $0x0  }
0xa4: {  	s25 =	simm.s32 $0x1B8E;
	s24 =	sld [smem:$0x3FFE];
	[sflag:s23] =	ssyncadd.s32 $0xFFFFFFFF  }
0xa5: {  	s26 =	simm.s32 $execute0_lowered;
	[smem:$0x3FD2] =	sst s25  }
0xa6: {  	s5 =	sshll.u32 s26, $0x1;
	_ =	strace $0x80000046;
	[dreg:$0x1] =	wrdreg $0xFFFFFFFF  }
0xa7: {  	s28 =	simm.s32 $_size_execute0_lowered;
	s3 =	sadd.s32 s3, s5;
	[dreg:$0x0] =	wrdreg $0x0  }
0xa8: {  	s5 =	sshll.u32 s28, $0x1;
	[dreg:$0x2] =	wrdreg s3  }
0xa9: {  	[dreg:$0x3] =	wrdreg s5  }
0xaa: {  	[dreg:$0x4] =	wrdreg $0xC0  }
0xab: {  	_ =	task [dreg:s7], $0x5FFFF  }
0xac: {  	[dreg:$0x1] =	wrdreg $0xFFFFFFFF  }
0xad: {  	[dreg:$0x0] =	wrdreg $0x60  }
0xae: {  	[dreg:$0x2] =	wrdreg s24  }
0xaf: {  	[dreg:$0x3] =	wrdreg s2  }
0xb0: {  	[dreg:$0x4] =	wrdreg $0x9  }
0xb1: {  	_ =	task.clear_ibuf [dreg:s7], $0x5FFFF;
	_ =	strace $0x90000046  }
0xb2: {  	s29 =	simm.s32 $0x9;
	_ =	strace $0x80000048  }
0xb3: {  	_ =	swait.ge [sflag:s29], $0x1  }
0xb4: {  	[sflag:s29] =	ssyncadd.s32 $0xFFFFFFFF  }
0xb5: {  	_ =	strace $0x90000048  }
0xb6: {  	_ =	sfence  }
0xb7: {  	s30 =	sld [smem:$0x0];
	_ =	sdelay $0x2  }
0xb8: {  	s31 =	sshll.u32 s1, $0xD;
	s1 =	sshrl.u32 s1, $0x2  }
0xb9: {  	s3 =	sand.u32 $0x4000, s31;
	s1 =	sadd.s32 s1, s30  }
0xba: {  	s0 =	sor.u32 s3, s0;
	s1 =	sshll.u32 s1, $0x11  }
0xbb: {  	s0 =	sor.u32 s1, s0  }
0xbc: {  	s0 =	sadd.s32 $0x8F2B, s0  }
0xbd: {  	[sflag:s0] =	ssyncadd.remote.s32 $0x1  }
0xbe: {  	_ =	sfence.sel $0xFFFF  }
0xbf: {  	[dreg:$0x0] =	wrdreg $0xFFFFFFFF;
	(pc) =	sbr.abs _section_cstart, $3  }
0xc0: {  	[dreg:$0x1] =	wrdreg $0xFFFFFFFF  }
0xc1: {  	_ =	task.clear_ibuf [dreg:s7], $0x2FFFF;
	_ =	strace $0x9FFFFFFF  }
0xc2: {  	(tm) =	ssettm $0x7FFFFFFF  }
0xc3: {  	_ =	shalt  }
tec
execute0_lowered:
.L_overlay_start_1:
0x0: {  	(tag) =	ssettag $0x1  }
0x1: {  	s0 =	rddreg [dreg:$0x0]  }
0x2: {  	s1 =	srdreg.scid;
	s3 =	stileid.u32  }
0x3: {  	s2 =	rddreg [dreg:$0x1];
	s9 =	simm.s32 $0x80;
	s12 =	simm.s32 $0x6  }
0x4: {  	s13 =	simm.s32 $0x1;
	s20 =	simm.s32 $0x2;
	s21 =	simm.s32 $0xE400  }
0x5: {  	s22 =	simm.s32 $0x400;
	s23 =	simm.s32 $0x8000;
	s24 =	simm.s32 $0x10880  }
0x6: {  	s25 =	simm.s32 $0x3;
	s28 =	simm.s32 $0x4;
	s29 =	simm.s32 $0x5  }
0x7: {  	s1 =	sand.u32 $0x1, s1;
	s4 =	sshll.u32 s3, $0x1;
	s3 =	simm.s32 $0x0  }
0x8: {  	v0 =	vlaneseq.u32;
	s5 =	sor.u32 s1, s4;
	[smem:$0x7FF] =	sst s3;
	s1 =	ssub.s32 $0x2, s1  }
0x9: {  	v0 =	vmul.u32 $0x49, v0;
	s4 =	sshll.u32 s5, $0x4;
	_ =	strace $0x80000047;
	s7 =	sshrl.u32 s1, $0x1  }
0xa: {  	s6 =	sadd.s32 s4, s0;
	s4 =	sadd.s32 $0x19E00, s0;
	s0 =	sadd.s32 $0x600, s0  }
0xb: {  	v1 =	vadd.s32 $0x490, v0;
	s26 =	ssub.s32 s1, s7;
	[dreg:$0x3] =	wrdreg s0;
	s31 =	sadd.s32 $0xE00, s6  }
0xc: {  	s30 =	simm.s32 $0x0;
	v2 =	vadd.s32 $0x920, v0;
	v3 =	vadd.s32 $0xDB0, v0;
	v4 =	vadd.s32 $0x1240, v0;
	s0 =	smax.u32 s26, $0x1;
	[dreg:$0x4] =	wrdreg s31  }
0xd: {  	v5 =	vadd.s32 $0x16D0, v0;
	v6 =	vadd.s32 $0x1B60, v0;
	v7 =	vadd.s32 $0x1FF0, v0;
	s7 =	sshll.u32 s5, $0xA;
	s26 =	simm.s32 $0x14880;
	[dreg:$0x5] =	wrdreg s0  }
.LBB2_1:
0xe: {  	s0 =	rddreg [dreg:$0x4];
	s1 =	simm.s32 $0x1000  }
0xf: {  	[tilespmem:s3], [sflag:$0x1] =	stream.strided.gather [hbm4b:s0+s9], $0x6400, s1, s9, $0x38;
	[tilespmem:$0x1BA80] =	vst v63  }
0x10: {  	s10 =	rddreg [dreg:$0x3];
	s11 =	simm.s32 $0x18880  }
0x11: {  	[tilespmem:s11], [sflag:$0x6] =	stream.linear.gather [hbm4b:s10+s3], $0x3200, $0x38;
	[tilespmem:$0x1BA80] =	vst v63  }
0x12: {  	_ =	swait.ge [sflag:s12], $0x3200  }
0x13: {  	[sflag:s12] =	ssyncset.done $0x0  }
0x14: {  	[sflag:s12] =	ssyncadd.s32 $0xFFFFCE00  }
0x15: {  	_ =	swait.ge [sflag:s13], $0x6400  }
0x16: {  	[sflag:s13] =	ssyncset.done $0x0  }
0x17: {  	s14 =	simm.s32 $0x6400;
	[sflag:s13] =	ssyncadd.s32 $0xFFFF9C00  }
0x18: {  	[tilespmem:s14], [sflag:$0x2] =	stream.indirect.gather [hbm4b:s4+s9], $0x40, s3, s9, $0xb8;
	[tilespmem:$0x1BA80] =	vst v63  }
0x19: {  	s15 =	simm.s32 $0x8400  }
0x1a: {  	[tilespmem:s15], [sflag:$0x2] =	stream.indirect.gather [hbm4b:s4+s9], $0x40, s9, s9, $0xb8;
	[tilespmem:$0x1BA80] =	vst v63  }
0x1b: {  	s16 =	simm.s32 $0x100;
	s17 =	simm.s32 $0xA400  }
0x1c: {  	[tilespmem:s17], [sflag:$0x3] =	stream.indirect.gather [hbm4b:s4+s9], $0x40, s16, s9, $0xb8;
	[tilespmem:$0x1BA80] =	vst v63  }
0x1d: {  	s18 =	simm.s32 $0x180;
	s19 =	simm.s32 $0xC400;
	s31 =	simm.s32 $0x0  }
0x1e: {  	[tilespmem:s19], [sflag:$0x3] =	stream.indirect.gather [hbm4b:s4+s9], $0x40, s18, s9, $0xb8;
	[tilespmem:$0x1BA80] =	vst v63  }
.LBB2_2:
0x1f: {  	_ =	swait.ge [sflag:s20], $0x2000  }
0x20: {  	[sflag:s20] =	ssyncset.done $0x0  }
0x21: {  	[sflag:s20] =	ssyncadd.s32 $0xFFFFE000  }
0x22: {  	_ =	swait.ge [sflag:s20], $0x2000  }
0x23: {  	p1 =	seq.s32 s31, $0x0;
	[sflag:s20] =	ssyncset.done $0x0  }
0x24: {  	s0 =	simm.s32 @!p1 $0x4;
	[sflag:s20] =	ssyncadd.s32 $0xFFFFE000  }
0x25: {  	_ =	swait.ge @!p1 [sflag:s0], $0x4000  }
0x26: {  	s1 =	sshll.u32 s31, $0x8;
	[sflag:s0] =	ssyncset.done @!p1 $0x0  }
0x27: {  	s1 =	sand.u32 $0x3FFFFF00, s1;
	[sflag:s0] =	ssyncadd.s32 @!p1 $0xFFFFC000  }
0x28: {  	v10 =	vld [tilespmem:s1+$0x18880]  }
0x29: {  	s5 =	simm.s32 $0x6500;
	v11 =	vld [tilespmem:s1+$0x18890]  }
0x2a: {  	v12 =	vld [tilespmem:s5+$0xC0]  }
0x2b: {  	v13 =	vld [tilespmem:s5+$0xFFFFFF40]  }
0x2c: {  	v9 =	vld [tilespmem:s1+$0x188A0]  }
0x2d: {  	v14 =	vld [tilespmem:s5+$0xFFFFFF80]  }
0x2e: {  	v15 =	vld [tilespmem:s5+$0xFFFFFFC0]  }
0x2f: {  	v16 =	vld [tilespmem:s5+$0x0];
	v12 =	vmul.f32 $8.000000000e+00, v12  }
0x30: {  	v17 =	vld [tilespmem:s5+$0x40];
	v13 =	vmul.f32 $8.000000000e+00, v13  }
0x31: {  	v18 =	vld [tilespmem:s5+$0x80];
	v12 =	vadd.f32 v12, v10  }
0x32: {  	s0 =	simm.s32 $0xE524;
	v19 =	vld [tilespmem:s5+$0xFFFFFF00];
	v14 =	vmul.f32 $8.000000000e+00, v14;
	v13 =	vadd.f32 v13, v10  }
0x33: {  	v8 =	vld [tilespmem:s1+$0x188B0];
	[tilespmem:s0+$0xDB] =	vst v12;
	v12 =	vmul.f32 $8.000000000e+00, v15  }
0x34: {  	v14 =	vadd.f32 v14, v10;
	[tilespmem:s0+$0xFFFFFF25] =	vst v13;
	v15 =	vmul.f32 $8.000000000e+00, v16;
	v13 =	vld [tilespmem:s5+$0xD0]  }
0x35: {  	v17 =	vmul.f32 $8.000000000e+00, v17;
	v16 =	vld [tilespmem:s5+$0xFFFFFF50];
	v12 =	vadd.f32 v12, v10  }
0x36: {  	[tilespmem:s0+$0xFFFFFF6E] =	vst v14;
	v14 =	vadd.f32 v15, v10;
	v15 =	vmul.f32 $8.000000000e+00, v18  }
0x37: {  	v18 =	vmul.f32 $8.000000000e+00, v19;
	v19 =	vld [tilespmem:s5+$0xFFFFFF90];
	[tilespmem:s0+$0xFFFFFFB7] =	vst v12;
	v12 =	vadd.f32 v17, v10  }
0x38: {  	[tilespmem:s0+$0x0] =	vst v14;
	v14 =	vadd.f32 v15, v10;
	v17 =	vld [tilespmem:s5+$0xFFFFFFD0]  }
0x39: {  	v15 =	vadd.f32 v18, v10;
	v18 =	vld [tilespmem:s5+$0x10];
	v13 =	vmul.f32 $8.000000000e+00, v13;
	[tilespmem:s0+$0x49] =	vst v12  }
0x3a: {  	v12 =	vmul.f32 $8.000000000e+00, v16;
	[tilespmem:s0+$0x92] =	vst v14;
	v16 =	vld [tilespmem:s5+$0x50]  }
0x3b: {  	[tilespmem:s0+$0xFFFFFEDC] =	vst v15;
	v14 =	vld [tilespmem:s5+$0x90];
	v13 =	vadd.f32 v13, v11  }
0x3c: {  	v15 =	vld [tilespmem:s5+$0xFFFFFF10];
	v19 =	vmul.f32 $8.000000000e+00, v19;
	v12 =	vadd.f32 v12, v11  }
0x3d: {  	[tilespmem:s0+$0xEB] =	vst v13;
	v13 =	vmul.f32 $8.000000000e+00, v17  }
0x3e: {  	[tilespmem:s0+$0xFFFFFF35] =	vst v12;
	v17 =	vadd.f32 v19, v11;
	v18 =	vmul.f32 $8.000000000e+00, v18;
	v12 =	vld [tilespmem:s5+$0xE0]  }
0x3f: {  	v19 =	vld [tilespmem:s5+$0xFFFFFF60];
	v13 =	vadd.f32 v13, v11;
	v16 =	vmul.f32 $8.000000000e+00, v16  }
0x40: {  	[tilespmem:s0+$0xFFFFFF7E] =	vst v17;
	v17 =	vadd.f32 v18, v11;
	v14 =	vmul.f32 $8.000000000e+00, v14  }
0x41: {  	v15 =	vmul.f32 $8.000000000e+00, v15;
	v18 =	vld [tilespmem:s5+$0xFFFFFFA0];
	[tilespmem:s0+$0xFFFFFFC7] =	vst v13;
	v13 =	vadd.f32 v16, v11  }
0x42: {  	[tilespmem:s0+$0x10] =	vst v17;
	v14 =	vadd.f32 v14, v11;
	v16 =	vld [tilespmem:s5+$0xFFFFFFE0]  }
0x43: {  	v15 =	vadd.f32 v15, v11;
	v17 =	vld [tilespmem:s5+$0x20];
	v12 =	vmul.f32 $8.000000000e+00, v12;
	[tilespmem:s0+$0x59] =	vst v13  }
0x44: {  	v13 =	vmul.f32 $8.000000000e+00, v19;
	[tilespmem:s0+$0xA2] =	vst v14;
	v19 =	vld [tilespmem:s5+$0x60]  }
0x45: {  	[tilespmem:s0+$0xFFFFFEEC] =	vst v15;
	v14 =	vld [tilespmem:s5+$0xA0];
	v12 =	vadd.f32 v12, v9  }
0x46: {  	s10 =	simm.s32 $0x6700;
	v15 =	vld [tilespmem:s5+$0xFFFFFF20];
	v13 =	vadd.f32 v13, v9;
	v18 =	vmul.f32 $8.000000000e+00, v18  }
0x47: {  	v20 =	vld [tilespmem:s10+$0xC0];
	[tilespmem:s0+$0xFB] =	vst v12;
	v12 =	vmul.f32 $8.000000000e+00, v16  }
0x48: {  	[tilespmem:s0+$0xFFFFFF45] =	vst v13;
	v16 =	vadd.f32 v18, v9;
	v17 =	vmul.f32 $8.000000000e+00, v17;
	v13 =	vld [tilespmem:s5+$0xF0]  }
0x49: {  	v18 =	vld [tilespmem:s5+$0xFFFFFF70];
	v12 =	vadd.f32 v12, v9;
	v19 =	vmul.f32 $8.000000000e+00, v19  }
0x4a: {  	[tilespmem:s0+$0xFFFFFF8E] =	vst v16;
	v16 =	vadd.f32 v17, v9;
	v14 =	vmul.f32 $8.000000000e+00, v14;
	v17 =	vld [tilespmem:s10+$0xFFFFFF40]  }
0x4b: {  	v15 =	vmul.f32 $8.000000000e+00, v15;
	[tilespmem:s0+$0xFFFFFFD7] =	vst v12;
	v12 =	vadd.f32 v19, v9;
	v19 =	vld [tilespmem:s10+$0xFFFFFF80]  }
0x4c: {  	v20 =	vmul.f32 $8.000000000e+00, v20;
	[tilespmem:s0+$0x20] =	vst v16;
	v14 =	vadd.f32 v14, v9;
	v16 =	vld [tilespmem:s10+$0xFFFFFFC0]  }
0x4d: {  	v15 =	vadd.f32 v15, v9;
	v13 =	vmul.f32 $8.000000000e+00, v13;
	[tilespmem:s0+$0x69] =	vst v12;
	v12 =	vld [tilespmem:s10+$0x0]  }
0x4e: {  	v20 =	vadd.f32 v20, v10;
	v18 =	vmul.f32 $8.000000000e+00, v18;
	[tilespmem:s0+$0xB2] =	vst v14;
	v14 =	vld [tilespmem:s10+$0x40]  }
0x4f: {  	s11 =	simm.s32 $0xE76C;
	[tilespmem:s0+$0xFFFFFEFC] =	vst v15;
	v15 =	vmul.f32 $8.000000000e+00, v17;
	v17 =	vld [tilespmem:s10+$0x80];
	v13 =	vadd.f32 v13, v8  }
0x50: {  	v21 =	vld [tilespmem:s10+$0xFFFFFF00];
	[tilespmem:s11+$0xDB] =	vst v20;
	v18 =	vadd.f32 v18, v8;
	v19 =	vmul.f32 $8.000000000e+00, v19  }
0x51: {  	[tilespmem:s0+$0x10B] =	vst v13;
	v13 =	vadd.f32 v15, v10;
	v15 =	vmul.f32 $8.000000000e+00, v16;
	v16 =	vld [tilespmem:s5+$0xFFFFFF30]  }
0x52: {  	[tilespmem:s0+$0xFFFFFF55] =	vst v18;
	v18 =	vadd.f32 v19, v10;
	v12 =	vmul.f32 $8.000000000e+00, v12;
	v19 =	vld [tilespmem:s5+$0xFFFFFFB0]  }
0x53: {  	v14 =	vmul.f32 $8.000000000e+00, v14;
	[tilespmem:s11+$0xFFFFFF25] =	vst v13;
	v13 =	vadd.f32 v15, v10;
	v15 =	vld [tilespmem:s10+$0xD0]  }
0x54: {  	v17 =	vmul.f32 $8.000000000e+00, v17;
	v20 =	vld [tilespmem:s10+$0xFFFFFF50];
	[tilespmem:s11+$0xFFFFFF6E] =	vst v18;
	v12 =	vadd.f32 v12, v10  }
0x55: {  	v18 =	vmul.f32 $8.000000000e+00, v21;
	v21 =	vld [tilespmem:s10+$0xFFFFFF90];
	[tilespmem:s11+$0xFFFFFFB7] =	vst v13;
	v13 =	vadd.f32 v14, v10  }
0x56: {  	v14 =	vld [tilespmem:s10+$0xFFFFFFD0];
	[tilespmem:s11+$0x0] =	vst v12;
	v12 =	vadd.f32 v17, v10;
	v16 =	vmul.f32 $8.000000000e+00, v16  }
0x57: {  	v17 =	vadd.f32 v18, v10;
	v18 =	vld [tilespmem:s10+$0x10];
	[tilespmem:s11+$0x49] =	vst v13;
	v13 =	vmul.f32 $8.000000000e+00, v19  }
0x58: {  	v19 =	vld [tilespmem:s10+$0x50];
	[tilespmem:s11+$0x92] =	vst v12;
	v12 =	vmul.f32 $8.000000000e+00, v15;
	v15 =	vadd.f32 v16, v8  }
0x59: {  	[tilespmem:s11+$0xFFFFFEDC] =	vst v17;
	v16 =	vmul.f32 $8.000000000e+00, v20;
	v17 =	vld [tilespmem:s10+$0x90];
	v13 =	vadd.f32 v13, v8  }
0x5a: {  	v20 =	vld [tilespmem:s10+$0xFFFFFF10];
	v21 =	vmul.f32 $8.000000000e+00, v21;
	v12 =	vadd.f32 v12, v11;
	[tilespmem:s0+$0xFFFFFF0C] =	vst v15  }
0x5b: {  	v15 =	vadd.f32 v16, v11;
	v14 =	vmul.f32 $8.000000000e+00, v14;
	[tilespmem:s0+$0xFFFFFF9E] =	vst v13;
	v13 =	vld [tilespmem:s5+$0xFFFFFFF0]  }
0x5c: {  	v16 =	vadd.f32 v21, v11;
	v18 =	vmul.f32 $8.000000000e+00, v18;
	[tilespmem:s11+$0xEB] =	vst v12;
	v12 =	vld [tilespmem:s5+$0x30]  }
0x5d: {  	[tilespmem:s11+$0xFFFFFF35] =	vst v15;
	v14 =	vadd.f32 v14, v11;
	v15 =	vmul.f32 $8.000000000e+00, v19;
	v19 =	vld [tilespmem:s10+$0xE0]  }
0x5e: {  	v21 =	vld [tilespmem:s10+$0xFFFFFF60];
	[tilespmem:s11+$0xFFFFFF7E] =	vst v16;
	v16 =	vadd.f32 v18, v11;
	v17 =	vmul.f32 $8.000000000e+00, v17  }
0x5f: {  	v18 =	vmul.f32 $8.000000000e+00, v20;
	v20 =	vld [tilespmem:s10+$0xFFFFFFA0];
	[tilespmem:s11+$0xFFFFFFC7] =	vst v14;
	v14 =	vadd.f32 v15, v11  }
0x60: {  	v15 =	vld [tilespmem:s10+$0xFFFFFFE0];
	[tilespmem:s11+$0x10] =	vst v16;
	v16 =	vadd.f32 v17, v11;
	v13 =	vmul.f32 $8.000000000e+00, v13  }
0x61: {  	v17 =	vadd.f32 v18, v11;
	v18 =	vld [tilespmem:s10+$0x20];
	[tilespmem:s11+$0x59] =	vst v14;
	v12 =	vmul.f32 $8.000000000e+00, v12  }
0x62: {  	v22 =	vld [tilespmem:s10+$0x60];
	[tilespmem:s11+$0xA2] =	vst v16;
	v14 =	vmul.f32 $8.000000000e+00, v19;
	v16 =	vadd.f32 v13, v8  }
0x63: {  	[tilespmem:s11+$0xFFFFFEEC] =	vst v17;
	v17 =	vmul.f32 $8.000000000e+00, v21;
	v21 =	vld [tilespmem:s10+$0xA0];
	v12 =	vadd.f32 v12, v8  }
0x64: {  	v13 =	vld [tilespmem:s10+$0xFFFFFF20];
	v19 =	vmul.f32 $8.000000000e+00, v20;
	v20 =	vadd.f32 v14, v9;
	[tilespmem:s0+$0xFFFFFFE7] =	vst v16  }
0x65: {  	v14 =	vld [tilespmem:s5+$0x70];
	v16 =	vadd.f32 v17, v9;
	v17 =	vmul.f32 $8.000000000e+00, v15;
	[tilespmem:s0+$0x30] =	vst v12  }
0x66: {  	v15 =	vld [tilespmem:s5+$0xB0];
	v19 =	vadd.f32 v19, v9;
	v23 =	vmul.f32 $8.000000000e+00, v18;
	[tilespmem:s11+$0xFB] =	vst v20  }
0x67: {  	[tilespmem:s11+$0xFFFFFF45] =	vst v16;
	v17 =	vadd.f32 v17, v9;
	v16 =	vld [tilespmem:s10+$0xF0];
	v18 =	vmul.f32 $8.000000000e+00, v22  }
0x68: {  	s6 =	simm.s32 $0x6900;
	s5 =	simm.s32 $0x8;
	v12 =	vld [tilespmem:s10+$0xFFFFFF70];
	[tilespmem:s11+$0xFFFFFF8E] =	vst v19;
	v19 =	vadd.f32 v23, v9;
	v20 =	vmul.f32 $8.000000000e+00, v21  }
.LBB2_3:
0x69: {  	v21 =	vld [tilespmem:s6+$0xC0];
	s5 =	sadd.s32 $0x8, s5;
	v13 =	vmul.f32 $8.000000000e+00, v13;
	[tilespmem:s11+$0xFFFFFFD7] =	vst v17;
	v17 =	vadd.f32 v18, v9  }
0x6a: {  	v18 =	vld [tilespmem:s6+$0xFFFFFF40];
	p0 =	slt.u32 s5, $0x78;
	[tilespmem:s11+$0x20] =	vst v19;
	v19 =	vadd.f32 v20, v9;
	v14 =	vmul.f32 $8.000000000e+00, v14  }
0x6b: {  	v20 =	vld [tilespmem:s6+$0xFFFFFF80];
	v13 =	vadd.f32 v13, v9;
	[tilespmem:s11+$0x69] =	vst v17;
	v15 =	vmul.f32 $8.000000000e+00, v15  }
0x6c: {  	v17 =	vld [tilespmem:s6+$0xFFFFFFC0];
	[tilespmem:s11+$0xB2] =	vst v19;
	v16 =	vmul.f32 $8.000000000e+00, v16;
	v14 =	vadd.f32 v14, v8  }
0x6d: {  	v19 =	vld [tilespmem:s6+$0x0];
	[tilespmem:s11+$0xFFFFFEFC] =	vst v13;
	v12 =	vmul.f32 $8.000000000e+00, v12;
	v13 =	vadd.f32 v15, v8  }
0x6e: {  	v15 =	vld [tilespmem:s6+$0x40];
	v21 =	vmul.f32 $8.000000000e+00, v21;
	v16 =	vadd.f32 v16, v8;
	[tilespmem:s0+$0x79] =	vst v14  }
0x6f: {  	v14 =	vmul.f32 $8.000000000e+00, v18;
	v18 =	vld [tilespmem:s6+$0x80];
	v12 =	vadd.f32 v12, v8;
	[tilespmem:s0+$0xC2] =	vst v13;
	s0 =	smov.u32 s11  }
0x70: {  	v13 =	vld [tilespmem:s6+$0xFFFFFF00];
	v20 =	vmul.f32 $8.000000000e+00, v20;
	v21 =	vadd.f32 v21, v10;
	[tilespmem:s11+$0x10B] =	vst v16  }
0x71: {  	s11 =	sadd.s32 $0x248, s11;
	v14 =	vadd.f32 v14, v10;
	v16 =	vmul.f32 $8.000000000e+00, v17;
	v17 =	vld [tilespmem:s10+$0xFFFFFF30];
	[tilespmem:s0+$0xFFFFFF55] =	vst v12  }
0x72: {  	v12 =	vadd.f32 v20, v10;
	v19 =	vmul.f32 $8.000000000e+00, v19;
	[tilespmem:s11+$0xDB] =	vst v21;
	v20 =	vld [tilespmem:s10+$0xFFFFFFB0]  }
0x73: {  	[tilespmem:s11+$0xFFFFFF25] =	vst v14;
	v14 =	vadd.f32 v16, v10;
	v15 =	vmul.f32 $8.000000000e+00, v15;
	v16 =	vld [tilespmem:s6+$0xD0]  }
0x74: {  	v21 =	vld [tilespmem:s6+$0xFFFFFF50];
	[tilespmem:s11+$0xFFFFFF6E] =	vst v12;
	v12 =	vadd.f32 v19, v10;
	v18 =	vmul.f32 $8.000000000e+00, v18  }
0x75: {  	v13 =	vmul.f32 $8.000000000e+00, v13;
	v19 =	vld [tilespmem:s6+$0xFFFFFF90];
	[tilespmem:s11+$0xFFFFFFB7] =	vst v14;
	v14 =	vadd.f32 v15, v10  }
0x76: {  	v15 =	vld [tilespmem:s6+$0xFFFFFFD0];
	[tilespmem:s11+$0x0] =	vst v12;
	v12 =	vadd.f32 v18, v10;
	v17 =	vmul.f32 $8.000000000e+00, v17  }
0x77: {  	v13 =	vadd.f32 v13, v10;
	v18 =	vld [tilespmem:s6+$0x10];
	[tilespmem:s11+$0x49] =	vst v14;
	v14 =	vmul.f32 $8.000000000e+00, v20  }
0x78: {  	v20 =	vld [tilespmem:s6+$0x50];
	[tilespmem:s11+$0x92] =	vst v12;
	v12 =	vmul.f32 $8.000000000e+00, v16;
	v16 =	vadd.f32 v17, v8  }
0x79: {  	[tilespmem:s11+$0xFFFFFEDC] =	vst v13;
	v13 =	vmul.f32 $8.000000000e+00, v21;
	v17 =	vld [tilespmem:s6+$0x90];
	v14 =	vadd.f32 v14, v8  }
0x7a: {  	v21 =	vld [tilespmem:s6+$0xFFFFFF10];
	v19 =	vmul.f32 $8.000000000e+00, v19;
	v12 =	vadd.f32 v12, v11;
	[tilespmem:s0+$0xFFFFFF0C] =	vst v16  }
0x7b: {  	v13 =	vadd.f32 v13, v11;
	v15 =	vmul.f32 $8.000000000e+00, v15;
	[tilespmem:s0+$0xFFFFFF9E] =	vst v14;
	v14 =	vld [tilespmem:s10+$0xFFFFFFF0]  }
0x7c: {  	v16 =	vadd.f32 v19, v11;
	v18 =	vmul.f32 $8.000000000e+00, v18;
	[tilespmem:s11+$0xEB] =	vst v12;
	v12 =	vld [tilespmem:s10+$0x30]  }
0x7d: {  	[tilespmem:s11+$0xFFFFFF35] =	vst v13;
	v13 =	vadd.f32 v15, v11;
	v15 =	vmul.f32 $8.000000000e+00, v20;
	v19 =	vld [tilespmem:s6+$0xE0]  }
0x7e: {  	v20 =	vld [tilespmem:s6+$0xFFFFFF60];
	[tilespmem:s11+$0xFFFFFF7E] =	vst v16;
	v16 =	vadd.f32 v18, v11;
	v17 =	vmul.f32 $8.000000000e+00, v17  }
0x7f: {  	v18 =	vmul.f32 $8.000000000e+00, v21;
	v21 =	vld [tilespmem:s6+$0xFFFFFFA0];
	[tilespmem:s11+$0xFFFFFFC7] =	vst v13;
	v13 =	vadd.f32 v15, v11  }
0x80: {  	v15 =	vld [tilespmem:s6+$0xFFFFFFE0];
	[tilespmem:s11+$0x10] =	vst v16;
	v16 =	vadd.f32 v17, v11;
	v14 =	vmul.f32 $8.000000000e+00, v14  }
0x81: {  	v17 =	vadd.f32 v18, v11;
	v18 =	vld [tilespmem:s6+$0x20];
	[tilespmem:s11+$0x59] =	vst v13;
	v12 =	vmul.f32 $8.000000000e+00, v12  }
0x82: {  	v22 =	vld [tilespmem:s6+$0x60];
	[tilespmem:s11+$0xA2] =	vst v16;
	v16 =	vmul.f32 $8.000000000e+00, v19;
	v14 =	vadd.f32 v14, v8  }
0x83: {  	[tilespmem:s11+$0xFFFFFEEC] =	vst v17;
	v17 =	vmul.f32 $8.000000000e+00, v20;
	v20 =	vld [tilespmem:s6+$0xA0];
	v12 =	vadd.f32 v12, v8  }
.Ltmp0:
0x84: {  	v13 =	vld [tilespmem:s6+$0xFFFFFF20];
	v19 =	vmul.f32 $8.000000000e+00, v21;
	v16 =	vadd.f32 v16, v9;
	[tilespmem:s0+$0xFFFFFFE7] =	vst v14;
	(pc) =	sbr.rel @p0 .LBB2_3-.Ltmp0, $4  }
0x85: {  	v17 =	vadd.f32 v17, v9;
	v21 =	vmul.f32 $8.000000000e+00, v15;
	[tilespmem:s0+$0x30] =	vst v12;
	v14 =	vld [tilespmem:s10+$0x70]  }
0x86: {  	v19 =	vadd.f32 v19, v9;
	v23 =	vmul.f32 $8.000000000e+00, v18;
	[tilespmem:s11+$0xFB] =	vst v16;
	v15 =	vld [tilespmem:s10+$0xB0];
	s10 =	smov.u32 s6  }
0x87: {  	[tilespmem:s11+$0xFFFFFF45] =	vst v17;
	v17 =	vadd.f32 v21, v9;
	v18 =	vmul.f32 $8.000000000e+00, v22;
	v16 =	vld [tilespmem:s6+$0xF0]  }
0x88: {  	s6 =	sadd.s32 $0x200, s6;
	v12 =	vld [tilespmem:s10+$0xFFFFFF70];
	[tilespmem:s11+$0xFFFFFF8E] =	vst v19;
	v19 =	vadd.f32 v23, v9;
	v20 =	vmul.f32 $8.000000000e+00, v20  }
0x89: {  	v10 =	vmul.f32 $8.000000000e+00, v13;
	_ =	sdelay $0x1  }
0x8a: {  	v10 =	vadd.f32 v10, v9;
	_ =	sdelay $0x1  }
0x8b: {  	[tilespmem:s11+$0xFFFFFEFC] =	vst v10  }
0x8c: {  	v10 =	vld [tilespmem:s10+$0xFFFFFF30]  }
0x8d: {  	[tilespmem:s11+$0xFFFFFFD7] =	vst v17;
	v11 =	vadd.f32 v18, v9;
	v13 =	vmul.f32 $8.000000000e+00, v14;
	v14 =	vld [tilespmem:s10+$0xFFFFFFB0]  }
0x8e: {  	[tilespmem:s11+$0x20] =	vst v19;
	v17 =	vld [tilespmem:s10+$0xFFFFFFF0];
	v9 =	vadd.f32 v20, v9;
	v15 =	vmul.f32 $8.000000000e+00, v15  }
0x8f: {  	[tilespmem:s11+$0x69] =	vst v11;
	v11 =	vmul.f32 $8.000000000e+00, v16;
	v13 =	vadd.f32 v13, v8;
	v16 =	vld [tilespmem:s10+$0x30]  }
0x90: {  	[tilespmem:s11+$0xB2] =	vst v9;
	v9 =	vmul.f32 $8.000000000e+00, v12;
	v12 =	vadd.f32 v15, v8;
	v15 =	vld [tilespmem:s10+$0x70]  }
0x91: {  	v11 =	vadd.f32 v11, v8;
	[tilespmem:s0+$0x79] =	vst v13;
	v13 =	vld [tilespmem:s10+$0xB0];
	v10 =	vmul.f32 $8.000000000e+00, v10  }
0x92: {  	v9 =	vadd.f32 v9, v8;
	[tilespmem:s0+$0xC2] =	vst v12;
	v12 =	vmul.f32 $8.000000000e+00, v14  }
0x93: {  	[tilespmem:s11+$0x10B] =	vst v11;
	v11 =	vmul.f32 $8.000000000e+00, v17;
	v10 =	vadd.f32 v10, v8  }
0x94: {  	[tilespmem:s11+$0xFFFFFF55] =	vst v9;
	v9 =	vadd.f32 v12, v8;
	v12 =	vmul.f32 $8.000000000e+00, v16  }
0x95: {  	[tilespmem:s11+$0xFFFFFF0C] =	vst v10;
	v10 =	vadd.f32 v11, v8;
	v11 =	vmul.f32 $8.000000000e+00, v15  }
0x96: {  	[tilespmem:s11+$0xFFFFFF9E] =	vst v9;
	v9 =	vadd.f32 v12, v8;
	v12 =	vmul.f32 $8.000000000e+00, v13  }
0x97: {  	p0 =	seq.s32 s31, $0x31;
	[tilespmem:s11+$0xFFFFFFE7] =	vst v10;
	v10 =	vadd.f32 v11, v8  }
0x98: {  	s17 =	simm.s32 $0x2;
	s19 =	simm.s32 $0x4;
	s0 =	sshll.u32 @!p0 s31, $0x9;
	[tilespmem:s11+$0x30] =	vst v9;
	v8 =	vadd.f32 v12, v8  }
0x99: {  	s18 =	simm.s32 $0x3;
	s14 =	simm.s32 $0x6;
	s0 =	sand.u32 @!p0 $0x3FFFFE00, s0;
	v13 =	vadd.s32 s19, v0;
	[tilespmem:s11+$0x79] =	vst v10  }
0x9a: {  	s6 =	simm.s32 @!p0 $0x80;
	s8 =	simm.s32 @!p0 $0x6400;
	s5 =	sadd.s32 @!p0 $0x200, s0;
	v15 =	vadd.s32 s14, v0;
	[tilespmem:s11+$0xC2] =	vst v8  }
0x9b: {  	v12 =	vadd.s32 s18, v0;
	[tilespmem:s8], [sflag:$0x2] =	stream.indirect.gather @!p0 [hbm4b:s4+s6], $0x40, s5, s6, $0xb8;
	[tilespmem:$0x1BA80] =	vst v63  }
0x9c: {  	v11 =	vadd.s32 s17, v0;
	s8 =	simm.s32 $0x7  }
0x9d: {  	s16 =	simm.s32 $0x1;
	v9 =	vadd.s32 s8, v0  }
0x9e: {  	s15 =	simm.s32 $0x5;
	v10 =	vadd.s32 s16, v0;
	v13 =	vld.idx.msk [tilespmem:v13+s21+$0x0], $0xffff  }
0x9f: {  	v14 =	vadd.s32 s15, v0;
	s5 =	simm.s32 $0x0;
	v15 =	vld.idx.msk [tilespmem:v15+s21+$0x0], $0xffff  }
0xa0: {  	v8 =	vadd.s32 s5, v0;
	v12 =	vld.idx.msk [tilespmem:v12+s21+$0x0], $0xffff  }
0xa1: {  	v19 =	vadd.s32 s18, v1;
	v11 =	vld.idx.msk [tilespmem:v11+s21+$0x0], $0xffff  }
0xa2: {  	v20 =	vadd.s32 s19, v1;
	s11 =	simm.s32 $0x10A80;
	v9 =	vld.idx.msk [tilespmem:v9+s21+$0x0], $0xffff  }
0xa3: {  	v16 =	vadd.s32 s8, v1;
	v10 =	vld.idx.msk [tilespmem:v10+s21+$0x0], $0xffff;
	[tilespmem:s11+$0x0] =	vst v13  }
0xa4: {  	v17 =	vadd.s32 s16, v1;
	v14 =	vld.idx.msk [tilespmem:v14+s21+$0x0], $0xffff;
	[tilespmem:s11+$0x100] =	vst v15  }
0xa5: {  	v18 =	vadd.s32 s17, v1;
	v8 =	vld.idx.msk [tilespmem:v8+s21+$0x0], $0xffff;
	[tilespmem:s11+$0xFFFFFF80] =	vst v12  }
0xa6: {  	[tilespmem:s11+$0xFFFFFF00] =	vst v11;
	v11 =	vadd.s32 s14, v1;
	v19 =	vld.idx.msk [tilespmem:v19+s21+$0x0], $0xffff  }
0xa7: {  	v15 =	vadd.s32 s18, v2;
	v20 =	vld.idx.msk [tilespmem:v20+s21+$0x0], $0xffff;
	[tilespmem:s11+$0x180] =	vst v9  }
0xa8: {  	[tilespmem:s11+$0xFFFFFE80] =	vst v10;
	v9 =	vadd.s32 s15, v1;
	v10 =	vld.idx.msk [tilespmem:v16+s21+$0x0], $0xffff  }
0xa9: {  	[tilespmem:s11+$0x80] =	vst v14;
	v12 =	vadd.s32 s8, v2;
	v16 =	vld.idx.msk [tilespmem:v17+s21+$0x0], $0xffff  }
0xaa: {  	[tilespmem:s11+$0xFFFFFE00] =	vst v8;
	v17 =	vld.idx.msk [tilespmem:v18+s21+$0x0], $0xffff;
	v18 =	vadd.s32 s5, v1  }
0xab: {  	v13 =	vadd.s32 s16, v2;
	v11 =	vld.idx.msk [tilespmem:v11+s21+$0x0], $0xffff;
	[tilespmem:s11+$0xFFFFFF90] =	vst v19  }
0xac: {  	v14 =	vadd.s32 s17, v2;
	[tilespmem:s11+$0x10] =	vst v20;
	v15 =	vld.idx.msk [tilespmem:v15+s21+$0x0], $0xffff  }
0xad: {  	v8 =	vadd.s32 s19, v2;
	v9 =	vld.idx.msk [tilespmem:v9+s21+$0x0], $0xffff;
	[tilespmem:s11+$0x190] =	vst v10  }
0xae: {  	[tilespmem:s11+$0xFFFFFE90] =	vst v16;
	v16 =	vadd.s32 s15, v2;
	v10 =	vld.idx.msk [tilespmem:v12+s21+$0x0], $0xffff  }
0xaf: {  	[tilespmem:s11+$0xFFFFFF10] =	vst v17;
	v17 =	vadd.s32 s8, v3;
	v12 =	vld.idx.msk [tilespmem:v18+s21+$0x0], $0xffff  }
0xb0: {  	[tilespmem:s11+$0x110] =	vst v11;
	v13 =	vld.idx.msk [tilespmem:v13+s21+$0x0], $0xffff;
	v18 =	vadd.s32 s14, v2  }
0xb1: {  	v19 =	vadd.s32 s5, v2;
	v14 =	vld.idx.msk [tilespmem:v14+s21+$0x0], $0xffff;
	[tilespmem:s11+$0xFFFFFFA0] =	vst v15  }
0xb2: {  	v20 =	vadd.s32 s16, v3;
	v8 =	vld.idx.msk [tilespmem:v8+s21+$0x0], $0xffff;
	[tilespmem:s11+$0x90] =	vst v9  }
0xb3: {  	v9 =	vadd.s32 s17, v3;
	v16 =	vld.idx.msk [tilespmem:v16+s21+$0x0], $0xffff;
	[tilespmem:s11+$0x1A0] =	vst v10  }
0xb4: {  	v10 =	vadd.s32 s18, v3;
	[tilespmem:s11+$0xFFFFFE10] =	vst v12;
	v11 =	vld.idx.msk [tilespmem:v17+s21+$0x0], $0xffff  }
0xb5: {  	v12 =	vadd.s32 s19, v3;
	[tilespmem:s11+$0xFFFFFEA0] =	vst v13;
	v17 =	vld.idx.msk [tilespmem:v18+s21+$0x0], $0xffff  }
0xb6: {  	[tilespmem:s11+$0xFFFFFF20] =	vst v14;
	v14 =	vadd.s32 s15, v3;
	v18 =	vld.idx.msk [tilespmem:v19+s21+$0x0], $0xffff  }
0xb7: {  	[tilespmem:s11+$0x20] =	vst v8;
	v13 =	vadd.s32 s8, v4;
	v19 =	vld.idx.msk [tilespmem:v20+s21+$0x0], $0xffff  }
0xb8: {  	v15 =	vadd.s32 s14, v3;
	v9 =	vld.idx.msk [tilespmem:v9+s21+$0x0], $0xffff;
	[tilespmem:s11+$0xA0] =	vst v16  }
0xb9: {  	v20 =	vadd.s32 s5, v3;
	v10 =	vld.idx.msk [tilespmem:v10+s21+$0x0], $0xffff;
	[tilespmem:s11+$0x1B0] =	vst v11  }
0xba: {  	v8 =	vadd.s32 s16, v4;
	v12 =	vld.idx.msk [tilespmem:v12+s21+$0x0], $0xffff;
	[tilespmem:s11+$0x120] =	vst v17  }
0xbb: {  	v14 =	vld.idx.msk [tilespmem:v14+s21+$0x0], $0xffff;
	v11 =	vadd.s32 s17, v4;
	[tilespmem:s11+$0xFFFFFE20] =	vst v18  }
0xbc: {  	v16 =	vadd.s32 s18, v4;
	[tilespmem:s11+$0xFFFFFEB0] =	vst v19;
	v13 =	vld.idx.msk [tilespmem:v13+s21+$0x0], $0xffff  }
0xbd: {  	v19 =	vadd.s32 s19, v4;
	v15 =	vld.idx.msk [tilespmem:v15+s21+$0x0], $0xffff;
	[tilespmem:s11+$0xFFFFFF30] =	vst v9  }
0xbe: {  	v17 =	vadd.s32 s8, v5;
	v18 =	vld.idx.msk [tilespmem:v20+s21+$0x0], $0xffff;
	[tilespmem:s11+$0xFFFFFFB0] =	vst v10  }
0xbf: {  	v8 =	vld.idx.msk [tilespmem:v8+s21+$0x0], $0xffff;
	v9 =	vadd.s32 s15, v4;
	[tilespmem:s11+$0x30] =	vst v12  }
0xc0: {  	v20 =	vadd.s32 s5, v4;
	[tilespmem:s11+$0xB0] =	vst v14;
	v11 =	vld.idx.msk [tilespmem:v11+s21+$0x0], $0xffff  }
0xc1: {  	v10 =	vadd.s32 s14, v4;
	v16 =	vld.idx.msk [tilespmem:v16+s21+$0x0], $0xffff;
	[tilespmem:s11+$0x1C0] =	vst v13  }
0xc2: {  	v19 =	vld.idx.msk [tilespmem:v19+s21+$0x0], $0xffff;
	v13 =	vadd.s32 s16, v5;
	[tilespmem:s11+$0x130] =	vst v15  }
0xc3: {  	[tilespmem:s11+$0xFFFFFE30] =	vst v18;
	v15 =	vadd.s32 s18, v5;
	v12 =	vld.idx.msk [tilespmem:v17+s21+$0x0], $0xffff  }
0xc4: {  	[tilespmem:s11+$0xFFFFFEC0] =	vst v8;
	v8 =	vadd.s32 s19, v5;
	v9 =	vld.idx.msk [tilespmem:v9+s21+$0x0], $0xffff  }
0xc5: {  	v17 =	vadd.s32 s17, v5;
	v18 =	vld.idx.msk [tilespmem:v20+s21+$0x0], $0xffff  }
0xc6: {  	v14 =	vadd.s32 s8, v6;
	v10 =	vld.idx.msk [tilespmem:v10+s21+$0x0], $0xffff;
	[tilespmem:s11+$0xFFFFFF40] =	vst v11  }
0xc7: {  	v11 =	vadd.s32 s15, v5;
	[tilespmem:s11+$0xFFFFFFC0] =	vst v16;
	v13 =	vld.idx.msk [tilespmem:v13+s21+$0x0], $0xffff  }
0xc8: {  	v20 =	vadd.s32 s14, v5;
	[tilespmem:s11+$0x40] =	vst v19;
	v15 =	vld.idx.msk [tilespmem:v15+s21+$0x0], $0xffff  }
0xc9: {  	v8 =	vld.idx.msk [tilespmem:v8+s21+$0x0], $0xffff;
	[tilespmem:s11+$0x1D0] =	vst v12;
	v12 =	vadd.s32 s5, v5  }
0xca: {  	v16 =	vadd.s32 s16, v6;
	v17 =	vld.idx.msk [tilespmem:v17+s21+$0x0], $0xffff;
	[tilespmem:s11+$0xC0] =	vst v9  }
0xcb: {  	v19 =	vadd.s32 s17, v6;
	[tilespmem:s11+$0xFFFFFE40] =	vst v18;
	v14 =	vld.idx.msk [tilespmem:v14+s21+$0x0], $0xffff  }
0xcc: {  	v9 =	vadd.s32 s8, v7;
	[tilespmem:s11+$0x140] =	vst v10;
	v11 =	vld.idx.msk [tilespmem:v11+s21+$0x0], $0xffff  }
0xcd: {  	s10 =	simm.s32 $0x8;
	v10 =	vadd.s32 s18, v6;
	v18 =	vld.idx.msk [tilespmem:v20+s21+$0x0], $0xffff;
	[tilespmem:s11+$0xFFFFFED0] =	vst v13  }
0xce: {  	[tilespmem:s11+$0xFFFFFFD0] =	vst v15;
	v15 =	vadd.s32 s10, v0;
	v20 =	vld.idx.msk [tilespmem:v12+s21+$0x0], $0xffff  }
0xcf: {  	v12 =	vadd.s32 s19, v6;
	v16 =	vld.idx.msk [tilespmem:v16+s21+$0x0], $0xffff;
	[tilespmem:s11+$0xFFFFFF50] =	vst v17  }
0xd0: {  	v21 =	vadd.s32 s15, v6;
	[tilespmem:s11+$0x1E0] =	vst v14;
	v22 =	vld.idx.msk [tilespmem:v19+s21+$0x0], $0xffff  }
0xd1: {  	v14 =	vadd.s32 s14, v6;
	v17 =	vld.idx.msk [tilespmem:v9+s21+$0x0], $0xffff  }
0xd2: {  	v24 =	vadd.s32 s16, v7;
	[tilespmem:s11+$0x50] =	vst v8;
	v23 =	vld.idx.msk [tilespmem:v10+s21+$0x0], $0xffff  }
0xd3: {  	v9 =	vadd.s32 s5, v6;
	[tilespmem:s11+$0xD0] =	vst v11;
	v8 =	vld.idx.msk [tilespmem:v15+s21+$0x0], $0xffff  }
0xd4: {  	v25 =	vadd.s32 s17, v7;
	[tilespmem:s11+$0x150] =	vst v18;
	v13 =	vld.idx.msk [tilespmem:v12+s21+$0x0], $0xffff  }
0xd5: {  	v19 =	vadd.s32 s18, v7;
	v12 =	vld.idx.msk [tilespmem:v21+s21+$0x0], $0xffff;
	[tilespmem:s11+$0xFFFFFE50] =	vst v20  }
0xd6: {  	v18 =	vadd.s32 s19, v7;
	[tilespmem:s11+$0xFFFFFEE0] =	vst v16;
	v10 =	vld.idx.msk [tilespmem:v14+s21+$0x0], $0xffff  }
0xd7: {  	v11 =	vld.idx.msk [tilespmem:v24+s21+$0x0], $0xffff;
	[tilespmem:s11+$0x1F0] =	vst v17;
	v17 =	vadd.s32 s15, v7  }
0xd8: {  	v16 =	vadd.s32 s14, v7;
	[tilespmem:s11+$0xFFFFFF60] =	vst v22;
	v9 =	vld.idx.msk [tilespmem:v9+s21+$0x0], $0xffff  }
0xd9: {  	v15 =	vadd.s32 s5, v7;
	s14 =	simm.s32 $0xF;
	s15 =	simm.s32 $0x10;
	v14 =	vld.idx.msk [tilespmem:v25+s21+$0x0], $0xffff;
	[tilespmem:s11+$0xFFFFFFE0] =	vst v23  }
.LBB2_5:
0xda: {  	p2 =	slt.u32 s15, $0x38;
	s16 =	sadd.s32 $0x1, s10;
	v20 =	vadd.s32 s14, v0;
	v19 =	vld.idx.msk [tilespmem:v19+s21+$0x0], $0xffff;
	[tilespmem:s11+$0x60] =	vst v13  }
0xdb: {  	s17 =	sadd.s32 $0x2, s10;
	v13 =	vadd.s32 s16, v0;
	v18 =	vld.idx.msk [tilespmem:v18+s21+$0x0], $0xffff;
	[tilespmem:s11+$0xE0] =	vst v12  }
0xdc: {  	s18 =	sadd.s32 $0x3, s10;
	v12 =	vadd.s32 s17, v0;
	v17 =	vld.idx.msk [tilespmem:v17+s21+$0x0], $0xffff;
	[tilespmem:s11+$0x160] =	vst v10  }
0xdd: {  	s19 =	sadd.s32 $0x4, s10;
	v10 =	vadd.s32 s18, v0;
	[tilespmem:s11+$0xFFFFFE60] =	vst v9;
	v9 =	vld.idx.msk [tilespmem:v16+s21+$0x0], $0xffff  }
0xde: {  	s5 =	sadd.s32 $0x5, s10;
	v16 =	vadd.s32 s19, v0;
	v15 =	vld.idx.msk [tilespmem:v15+s21+$0x0], $0xffff;
	[tilespmem:s11+$0xFFFFFEF0] =	vst v11  }
0xdf: {  	s6 =	sadd.s32 $0x6, s10;
	v11 =	vadd.s32 s5, v0;
	v20 =	vld.idx.msk [tilespmem:v20+s21+$0x0], $0xffff;
	[tilespmem:s11+$0xFFFFFF70] =	vst v14  }
0xe0: {  	v14 =	vadd.s32 s6, v0;
	v13 =	vld.idx.msk [tilespmem:v13+s21+$0x0], $0xffff;
	[tilespmem:s11+$0xFFFFFFF0] =	vst v19  }
0xe1: {  	v19 =	vadd.s32 s14, v1;
	v12 =	vld.idx.msk [tilespmem:v12+s21+$0x0], $0xffff;
	[tilespmem:s11+$0x70] =	vst v18  }
0xe2: {  	v18 =	vadd.s32 s16, v1;
	v10 =	vld.idx.msk [tilespmem:v10+s21+$0x0], $0xffff;
	[tilespmem:s11+$0xF0] =	vst v17  }
0xe3: {  	v17 =	vadd.s32 s17, v1;
	v16 =	vld.idx.msk [tilespmem:v16+s21+$0x0], $0xffff;
	[tilespmem:s11+$0x170] =	vst v9  }
0xe4: {  	v9 =	vadd.s32 s18, v1;
	v11 =	vld.idx.msk [tilespmem:v11+s21+$0x0], $0xffff;
	[tilespmem:s11+$0xFFFFFE70] =	vst v15;
	s11 =	sadd.s32 $0x400, s11  }
0xe5: {  	v15 =	vadd.s32 s19, v1;
	v14 =	vld.idx.msk [tilespmem:v14+s21+$0x0], $0xffff;
	[tilespmem:s11+$0x180] =	vst v20  }
0xe6: {  	[tilespmem:s11+$0xFFFFFE80] =	vst v13;
	v13 =	vadd.s32 s5, v1;
	v19 =	vld.idx.msk [tilespmem:v19+s21+$0x0], $0xffff  }
0xe7: {  	v18 =	vld.idx.msk [tilespmem:v18+s21+$0x0], $0xffff;
	[tilespmem:s11+$0xFFFFFF00] =	vst v12;
	v12 =	vadd.s32 s6, v1  }
0xe8: {  	v17 =	vld.idx.msk [tilespmem:v17+s21+$0x0], $0xffff;
	[tilespmem:s11+$0xFFFFFF80] =	vst v10;
	v10 =	vadd.s32 s14, v2  }
0xe9: {  	v20 =	vadd.s32 s10, v1;
	v9 =	vld.idx.msk [tilespmem:v9+s21+$0x0], $0xffff;
	[tilespmem:s11+$0x0] =	vst v16  }
0xea: {  	v16 =	vadd.s32 s16, v2;
	v15 =	vld.idx.msk [tilespmem:v15+s21+$0x0], $0xffff;
	[tilespmem:s11+$0x80] =	vst v11  }
0xeb: {  	v11 =	vadd.s32 s17, v2;
	v13 =	vld.idx.msk [tilespmem:v13+s21+$0x0], $0xffff;
	[tilespmem:s11+$0x100] =	vst v14  }
0xec: {  	v14 =	vadd.s32 s18, v2;
	v12 =	vld.idx.msk [tilespmem:v12+s21+$0x0], $0xffff;
	[tilespmem:s11+$0x190] =	vst v19  }
0xed: {  	[tilespmem:s11+$0xFFFFFE00] =	vst v8;
	v8 =	vadd.s32 s19, v2;
	v10 =	vld.idx.msk [tilespmem:v10+s21+$0x0], $0xffff  }
0xee: {  	v19 =	vld.idx.msk [tilespmem:v20+s21+$0x0], $0xffff;
	[tilespmem:s11+$0xFFFFFE90] =	vst v18;
	v18 =	vadd.s32 s5, v2  }
0xef: {  	v16 =	vld.idx.msk [tilespmem:v16+s21+$0x0], $0xffff;
	[tilespmem:s11+$0xFFFFFF10] =	vst v17;
	v17 =	vadd.s32 s14, v3  }
0xf0: {  	v11 =	vld.idx.msk [tilespmem:v11+s21+$0x0], $0xffff;
	[tilespmem:s11+$0xFFFFFF90] =	vst v9;
	v9 =	vadd.s32 s6, v2  }
0xf1: {  	v20 =	vadd.s32 s10, v2;
	v14 =	vld.idx.msk [tilespmem:v14+s21+$0x0], $0xffff;
	[tilespmem:s11+$0x10] =	vst v15  }
0xf2: {  	v15 =	vadd.s32 s16, v3;
	v8 =	vld.idx.msk [tilespmem:v8+s21+$0x0], $0xffff;
	[tilespmem:s11+$0x90] =	vst v13  }
0xf3: {  	v13 =	vadd.s32 s17, v3;
	v18 =	vld.idx.msk [tilespmem:v18+s21+$0x0], $0xffff;
	[tilespmem:s11+$0x1A0] =	vst v10  }
0xf4: {  	v10 =	vadd.s32 s18, v3;
	[tilespmem:s11+$0x110] =	vst v12;
	v12 =	vld.idx.msk [tilespmem:v17+s21+$0x0], $0xffff  }
0xf5: {  	v17 =	vadd.s32 s19, v3;
	[tilespmem:s11+$0xFFFFFE10] =	vst v19;
	v9 =	vld.idx.msk [tilespmem:v9+s21+$0x0], $0xffff  }
0xf6: {  	v19 =	vld.idx.msk [tilespmem:v20+s21+$0x0], $0xffff;
	[tilespmem:s11+$0xFFFFFEA0] =	vst v16;
	v16 =	vadd.s32 s14, v4  }
0xf7: {  	v15 =	vld.idx.msk [tilespmem:v15+s21+$0x0], $0xffff;
	[tilespmem:s11+$0xFFFFFF20] =	vst v11;
	v11 =	vadd.s32 s5, v3  }
0xf8: {  	v13 =	vld.idx.msk [tilespmem:v13+s21+$0x0], $0xffff;
	[tilespmem:s11+$0xFFFFFFA0] =	vst v14;
	v14 =	vadd.s32 s6, v3  }
0xf9: {  	v20 =	vadd.s32 s10, v3;
	v10 =	vld.idx.msk [tilespmem:v10+s21+$0x0], $0xffff;
	[tilespmem:s11+$0x20] =	vst v8  }
0xfa: {  	v8 =	vadd.s32 s16, v4;
	v17 =	vld.idx.msk [tilespmem:v17+s21+$0x0], $0xffff;
	[tilespmem:s11+$0x1B0] =	vst v12  }
0xfb: {  	v12 =	vadd.s32 s17, v4;
	[tilespmem:s11+$0xA0] =	vst v18;
	v16 =	vld.idx.msk [tilespmem:v16+s21+$0x0], $0xffff  }
0xfc: {  	v18 =	vadd.s32 s18, v4;
	v11 =	vld.idx.msk [tilespmem:v11+s21+$0x0], $0xffff;
	[tilespmem:s11+$0x120] =	vst v9  }
0xfd: {  	[tilespmem:s11+$0xFFFFFE20] =	vst v19;
	v9 =	vld.idx.msk [tilespmem:v14+s21+$0x0], $0xffff;
	v14 =	vadd.s32 s14, v5  }
0xfe: {  	v19 =	vld.idx.msk [tilespmem:v20+s21+$0x0], $0xffff;
	[tilespmem:s11+$0xFFFFFEB0] =	vst v15;
	v15 =	vadd.s32 s19, v4  }
0xff: {  	v8 =	vld.idx.msk [tilespmem:v8+s21+$0x0], $0xffff;
	[tilespmem:s11+$0xFFFFFF30] =	vst v13;
	v13 =	vadd.s32 s5, v4  }
0x100: {  	v12 =	vld.idx.msk [tilespmem:v12+s21+$0x0], $0xffff;
	[tilespmem:s11+$0xFFFFFFB0] =	vst v10;
	v10 =	vadd.s32 s6, v4  }
0x101: {  	v20 =	vadd.s32 s10, v4;
	v18 =	vld.idx.msk [tilespmem:v18+s21+$0x0], $0xffff;
	[tilespmem:s11+$0x1C0] =	vst v16  }
0x102: {  	v16 =	vadd.s32 s16, v5;
	[tilespmem:s11+$0x30] =	vst v17;
	v14 =	vld.idx.msk [tilespmem:v14+s21+$0x0], $0xffff  }
0x103: {  	v17 =	vadd.s32 s17, v5;
	v15 =	vld.idx.msk [tilespmem:v15+s21+$0x0], $0xffff;
	[tilespmem:s11+$0xB0] =	vst v11  }
0x104: {  	v11 =	vld.idx.msk [tilespmem:v13+s21+$0x0], $0xffff;
	[tilespmem:s11+$0x130] =	vst v9;
	v9 =	vadd.s32 s14, v6  }
0x105: {  	v13 =	vadd.s32 s18, v5;
	[tilespmem:s11+$0xFFFFFE30] =	vst v19;
	v10 =	vld.idx.msk [tilespmem:v10+s21+$0x0], $0xffff  }
0x106: {  	v19 =	vld.idx.msk [tilespmem:v20+s21+$0x0], $0xffff;
	[tilespmem:s11+$0xFFFFFEC0] =	vst v8;
	v8 =	vadd.s32 s19, v5  }
0x107: {  	v16 =	vld.idx.msk [tilespmem:v16+s21+$0x0], $0xffff;
	[tilespmem:s11+$0xFFFFFF40] =	vst v12;
	v12 =	vadd.s32 s5, v5  }
0x108: {  	v20 =	vadd.s32 s6, v5;
	v17 =	vld.idx.msk [tilespmem:v17+s21+$0x0], $0xffff;
	[tilespmem:s11+$0x1D0] =	vst v14  }
0x109: {  	v14 =	vadd.s32 s10, v5;
	[tilespmem:s11+$0xFFFFFFC0] =	vst v18;
	v9 =	vld.idx.msk [tilespmem:v9+s21+$0x0], $0xffff  }
0x10a: {  	v18 =	vadd.s32 s16, v6;
	v13 =	vld.idx.msk [tilespmem:v13+s21+$0x0], $0xffff;
	[tilespmem:s11+$0x40] =	vst v15  }
0x10b: {  	v8 =	vld.idx.msk [tilespmem:v8+s21+$0x0], $0xffff;
	[tilespmem:s11+$0xC0] =	vst v11;
	v11 =	vadd.s32 s14, v7  }
0x10c: {  	v15 =	vadd.s32 s17, v6;
	v12 =	vld.idx.msk [tilespmem:v12+s21+$0x0], $0xffff;
	[tilespmem:s11+$0x140] =	vst v10  }
0x10d: {  	v10 =	vadd.s32 s18, v6;
	[tilespmem:s11+$0xFFFFFE40] =	vst v19;
	v19 =	vld.idx.msk [tilespmem:v20+s21+$0x0], $0xffff  }
0x10e: {  	v14 =	vld.idx.msk [tilespmem:v14+s21+$0x0], $0xffff;
	[tilespmem:s11+$0xFFFFFED0] =	vst v16;
	v16 =	vadd.s32 s19, v6  }
0x10f: {  	v20 =	vld.idx.msk [tilespmem:v18+s21+$0x0], $0xffff;
	v18 =	vadd.s32 s5, v6;
	[tilespmem:s11+$0x1E0] =	vst v9  }
0x110: {  	v9 =	vadd.s32 s6, v6;
	[tilespmem:s11+$0xFFFFFF50] =	vst v17;
	v11 =	vld.idx.msk [tilespmem:v11+s21+$0x0], $0xffff  }
0x111: {  	v17 =	vadd.s32 s10, v6;
	v15 =	vld.idx.msk [tilespmem:v15+s21+$0x0], $0xffff;
	[tilespmem:s11+$0xFFFFFFD0] =	vst v13  }
0x112: {  	v21 =	vadd.s32 s15, v0;
	v22 =	vld.idx.msk [tilespmem:v10+s21+$0x0], $0xffff;
	[tilespmem:s11+$0x50] =	vst v8  }
0x113: {  	v23 =	vadd.s32 s16, v7;
	v13 =	vld.idx.msk [tilespmem:v16+s21+$0x0], $0xffff;
	[tilespmem:s11+$0xD0] =	vst v12  }
0x114: {  	v24 =	vadd.s32 s17, v7;
	v12 =	vld.idx.msk [tilespmem:v18+s21+$0x0], $0xffff;
	[tilespmem:s11+$0x150] =	vst v19  }
.Ltmp1:
0x115: {  	v19 =	vadd.s32 s18, v7;
	[tilespmem:s11+$0xFFFFFE50] =	vst v14;
	v10 =	vld.idx.msk [tilespmem:v9+s21+$0x0], $0xffff;
	(pc) =	sbr.rel @p2 .LBB2_5-.Ltmp1, $4  }
0x116: {  	v18 =	vadd.s32 s19, v7;
	v9 =	vld.idx.msk [tilespmem:v17+s21+$0x0], $0xffff;
	[tilespmem:s11+$0x1F0] =	vst v11  }
0x117: {  	v17 =	vadd.s32 s5, v7;
	v8 =	vld.idx.msk [tilespmem:v21+s21+$0x0], $0xffff;
	[tilespmem:s11+$0xFFFFFEE0] =	vst v20  }
0x118: {  	v16 =	vadd.s32 s6, v7;
	v11 =	vld.idx.msk [tilespmem:v23+s21+$0x0], $0xffff;
	[tilespmem:s11+$0xFFFFFF60] =	vst v15  }
0x119: {  	s14 =	sadd.s32 $0x7, s15;
	v15 =	vadd.s32 s10, v7;
	s10 =	smov.u32 s15;
	s15 =	sadd.s32 $0x8, s15;
	v14 =	vld.idx.msk [tilespmem:v24+s21+$0x0], $0xffff;
	[tilespmem:s11+$0xFFFFFFE0] =	vst v22  }
0x11a: {  	_ =	sdelay $0x1  }
0x11b: {  	[tilespmem:s11+$0x60] =	vst v13  }
0x11c: {  	[tilespmem:s11+$0xE0] =	vst v12  }
0x11d: {  	s5 =	sadd.s32 $0x1, s10;
	v13 =	vadd.s32 s14, v0;
	v19 =	vld.idx.msk [tilespmem:v19+s21+$0x0], $0xffff;
	[tilespmem:s11+$0x160] =	vst v10  }
0x11e: {  	s8 =	sadd.s32 $0x2, s10;
	s6 =	sadd.s32 $0x400, s11;
	v12 =	vadd.s32 s5, v0;
	v18 =	vld.idx.msk [tilespmem:v18+s21+$0x0], $0xffff;
	[tilespmem:s11+$0xFFFFFE60] =	vst v9  }
0x11f: {  	s15 =	sadd.s32 $0x3, s10;
	v10 =	vadd.s32 s8, v0;
	v17 =	vld.idx.msk [tilespmem:v17+s21+$0x0], $0xffff;
	[tilespmem:s6+$0xFFFFFE00] =	vst v8  }
0x120: {  	s16 =	sadd.s32 $0x4, s10;
	v9 =	vadd.s32 s15, v0;
	v16 =	vld.idx.msk [tilespmem:v16+s21+$0x0], $0xffff;
	[tilespmem:s11+$0xFFFFFEF0] =	vst v11  }
0x121: {  	s17 =	sadd.s32 $0x5, s10;
	v15 =	vld.idx.msk [tilespmem:v15+s21+$0x0], $0xffff;
	v11 =	vadd.s32 s16, v0;
	[tilespmem:s11+$0xFFFFFF70] =	vst v14  }
0x122: {  	s18 =	sadd.s32 $0x6, s10;
	v14 =	vadd.s32 s17, v0;
	v13 =	vld.idx.msk [tilespmem:v13+s21+$0x0], $0xffff;
	[tilespmem:s11+$0xFFFFFFF0] =	vst v19  }
0x123: {  	v19 =	vadd.s32 s18, v0;
	v12 =	vld.idx.msk [tilespmem:v12+s21+$0x0], $0xffff;
	[tilespmem:s11+$0x70] =	vst v18  }
0x124: {  	v10 =	vld.idx.msk [tilespmem:v10+s21+$0x0], $0xffff;
	v18 =	vadd.s32 s14, v1;
	[tilespmem:s11+$0xF0] =	vst v17  }
0x125: {  	v9 =	vld.idx.msk [tilespmem:v9+s21+$0x0], $0xffff;
	[tilespmem:s11+$0x170] =	vst v16;
	v16 =	vadd.s32 s5, v1  }
0x126: {  	[tilespmem:s11+$0xFFFFFE70] =	vst v15;
	v15 =	vadd.s32 s8, v1;
	v11 =	vld.idx.msk [tilespmem:v11+s21+$0x0], $0xffff  }
0x127: {  	v14 =	vld.idx.msk [tilespmem:v14+s21+$0x0], $0xffff;
	[tilespmem:s6+$0x180] =	vst v13;
	v13 =	vadd.s32 s15, v1  }
0x128: {  	v17 =	vld.idx.msk [tilespmem:v19+s21+$0x0], $0xffff;
	[tilespmem:s6+$0xFFFFFE80] =	vst v12;
	v12 =	vadd.s32 s16, v1  }
0x129: {  	v18 =	vld.idx.msk [tilespmem:v18+s21+$0x0], $0xffff;
	[tilespmem:s6+$0xFFFFFF00] =	vst v10;
	v10 =	vadd.s32 s17, v1  }
0x12a: {  	[tilespmem:s6+$0xFFFFFF80] =	vst v9;
	v9 =	vld.idx.msk [tilespmem:v16+s21+$0x0], $0xffff;
	v16 =	vadd.s32 s14, v2  }
0x12b: {  	v15 =	vld.idx.msk [tilespmem:v15+s21+$0x0], $0xffff;
	[tilespmem:s6+$0x0] =	vst v11;
	v11 =	vadd.s32 s18, v1  }
0x12c: {  	[tilespmem:s6+$0x80] =	vst v14;
	v14 =	vadd.s32 s10, v1;
	v13 =	vld.idx.msk [tilespmem:v13+s21+$0x0], $0xffff  }
0x12d: {  	[tilespmem:s6+$0x100] =	vst v17;
	v17 =	vadd.s32 s5, v2;
	v12 =	vld.idx.msk [tilespmem:v12+s21+$0x0], $0xffff  }
0x12e: {  	[tilespmem:s6+$0x190] =	vst v18;
	v18 =	vadd.s32 s8, v2;
	v10 =	vld.idx.msk [tilespmem:v10+s21+$0x0], $0xffff  }
0x12f: {  	v8 =	vadd.s32 s15, v2;
	v16 =	vld.idx.msk [tilespmem:v16+s21+$0x0], $0xffff;
	[tilespmem:s6+$0xFFFFFE90] =	vst v9  }
0x130: {  	[tilespmem:s6+$0xFFFFFF10] =	vst v15;
	v9 =	vld.idx.msk [tilespmem:v11+s21+$0x0], $0xffff;
	v11 =	vadd.s32 s16, v2  }
0x131: {  	v15 =	vadd.s32 s14, v3;
	v14 =	vld.idx.msk [tilespmem:v14+s21+$0x0], $0xffff;
	[tilespmem:s6+$0xFFFFFF90] =	vst v13  }
0x132: {  	v13 =	vadd.s32 s17, v2;
	v17 =	vld.idx.msk [tilespmem:v17+s21+$0x0], $0xffff;
	[tilespmem:s6+$0x10] =	vst v12  }
0x133: {  	v12 =	vld.idx.msk [tilespmem:v18+s21+$0x0], $0xffff;
	v18 =	vadd.s32 s18, v2;
	[tilespmem:s6+$0x90] =	vst v10  }
0x134: {  	v10 =	vadd.s32 s10, v2;
	v8 =	vld.idx.msk [tilespmem:v8+s21+$0x0], $0xffff;
	[tilespmem:s6+$0x1A0] =	vst v16  }
0x135: {  	v16 =	vadd.s32 s5, v3;
	v11 =	vld.idx.msk [tilespmem:v11+s21+$0x0], $0xffff;
	[tilespmem:s6+$0x110] =	vst v9  }
0x136: {  	v9 =	vadd.s32 s8, v3;
	v15 =	vld.idx.msk [tilespmem:v15+s21+$0x0], $0xffff;
	[tilespmem:s6+$0xFFFFFE10] =	vst v14  }
0x137: {  	v14 =	vadd.s32 s15, v3;
	v13 =	vld.idx.msk [tilespmem:v13+s21+$0x0], $0xffff;
	[tilespmem:s6+$0xFFFFFEA0] =	vst v17  }
0x138: {  	v17 =	vld.idx.msk [tilespmem:v18+s21+$0x0], $0xffff;
	v18 =	vadd.s32 s14, v4;
	[tilespmem:s6+$0xFFFFFF20] =	vst v12  }
0x139: {  	v12 =	vadd.s32 s16, v3;
	v10 =	vld.idx.msk [tilespmem:v10+s21+$0x0], $0xffff;
	[tilespmem:s6+$0xFFFFFFA0] =	vst v8  }
0x13a: {  	v8 =	vld.idx.msk [tilespmem:v16+s21+$0x0], $0xffff;
	v16 =	vadd.s32 s17, v3;
	[tilespmem:s6+$0x20] =	vst v11  }
0x13b: {  	v9 =	vld.idx.msk [tilespmem:v9+s21+$0x0], $0xffff;
	v11 =	vadd.s32 s18, v3;
	[tilespmem:s6+$0x1B0] =	vst v15  }
0x13c: {  	v15 =	vadd.s32 s10, v3;
	v14 =	vld.idx.msk [tilespmem:v14+s21+$0x0], $0xffff;
	[tilespmem:s6+$0xA0] =	vst v13  }
0x13d: {  	v13 =	vadd.s32 s5, v4;
	v18 =	vld.idx.msk [tilespmem:v18+s21+$0x0], $0xffff;
	[tilespmem:s6+$0x120] =	vst v17  }
0x13e: {  	v12 =	vld.idx.msk [tilespmem:v12+s21+$0x0], $0xffff;
	v17 =	vadd.s32 s8, v4;
	[tilespmem:s6+$0xFFFFFE20] =	vst v10  }
0x13f: {  	v10 =	vld.idx.msk [tilespmem:v16+s21+$0x0], $0xffff;
	v16 =	vadd.s32 s14, v5;
	[tilespmem:s6+$0xFFFFFEB0] =	vst v8  }
0x140: {  	v8 =	vadd.s32 s15, v4;
	v11 =	vld.idx.msk [tilespmem:v11+s21+$0x0], $0xffff;
	[tilespmem:s6+$0xFFFFFF30] =	vst v9  }
0x141: {  	v9 =	vld.idx.msk [tilespmem:v15+s21+$0x0], $0xffff;
	v15 =	vadd.s32 s16, v4;
	[tilespmem:s6+$0xFFFFFFB0] =	vst v14  }
0x142: {  	v14 =	vadd.s32 s17, v4;
	v13 =	vld.idx.msk [tilespmem:v13+s21+$0x0], $0xffff;
	[tilespmem:s6+$0x1C0] =	vst v18  }
0x143: {  	v17 =	vld.idx.msk [tilespmem:v17+s21+$0x0], $0xffff;
	v18 =	vadd.s32 s18, v4;
	[tilespmem:s6+$0x30] =	vst v12  }
0x144: {  	v12 =	vadd.s32 s10, v4;
	v16 =	vld.idx.msk [tilespmem:v16+s21+$0x0], $0xffff;
	[tilespmem:s6+$0xB0] =	vst v10  }
0x145: {  	v8 =	vld.idx.msk [tilespmem:v8+s21+$0x0], $0xffff;
	v10 =	vadd.s32 s5, v5;
	[tilespmem:s6+$0x130] =	vst v11  }
0x146: {  	v11 =	vld.idx.msk [tilespmem:v15+s21+$0x0], $0xffff;
	v15 =	vadd.s32 s14, v6;
	[tilespmem:s6+$0xFFFFFE30] =	vst v9  }
0x147: {  	v9 =	vadd.s32 s8, v5;
	v14 =	vld.idx.msk [tilespmem:v14+s21+$0x0], $0xffff;
	[tilespmem:s6+$0xFFFFFEC0] =	vst v13  }
0x148: {  	v13 =	vadd.s32 s15, v5;
	v18 =	vld.idx.msk [tilespmem:v18+s21+$0x0], $0xffff;
	[tilespmem:s6+$0xFFFFFF40] =	vst v17  }
0x149: {  	v12 =	vld.idx.msk [tilespmem:v12+s21+$0x0], $0xffff;
	v17 =	vadd.s32 s16, v5;
	[tilespmem:s6+$0x1D0] =	vst v16  }
0x14a: {  	v10 =	vld.idx.msk [tilespmem:v10+s21+$0x0], $0xffff;
	v16 =	vadd.s32 s17, v5;
	[tilespmem:s6+$0xFFFFFFC0] =	vst v8  }
0x14b: {  	v8 =	vadd.s32 s18, v5;
	v15 =	vld.idx.msk [tilespmem:v15+s21+$0x0], $0xffff;
	[tilespmem:s6+$0x40] =	vst v11  }
0x14c: {  	v9 =	vld.idx.msk [tilespmem:v9+s21+$0x0], $0xffff;
	v11 =	vadd.s32 s10, v5;
	[tilespmem:s6+$0xC0] =	vst v14  }
0x14d: {  	v14 =	vadd.s32 s14, v7;
	v13 =	vld.idx.msk [tilespmem:v13+s21+$0x0], $0xffff;
	[tilespmem:s6+$0x140] =	vst v18  }
0x14e: {  	v18 =	vadd.s32 s5, v6;
	v17 =	vld.idx.msk [tilespmem:v17+s21+$0x0], $0xffff;
	[tilespmem:s6+$0xFFFFFE40] =	vst v12  }
0x14f: {  	v12 =	vadd.s32 s8, v6;
	v16 =	vld.idx.msk [tilespmem:v16+s21+$0x0], $0xffff;
	[tilespmem:s6+$0xFFFFFED0] =	vst v10  }
0x150: {  	v10 =	vadd.s32 s15, v6;
	v8 =	vld.idx.msk [tilespmem:v8+s21+$0x0], $0xffff;
	[tilespmem:s6+$0x1E0] =	vst v15  }
0x151: {  	v11 =	vld.idx.msk [tilespmem:v11+s21+$0x0], $0xffff;
	v15 =	vadd.s32 s16, v6;
	[tilespmem:s6+$0xFFFFFF50] =	vst v9  }
0x152: {  	v9 =	vadd.s32 s17, v6;
	v14 =	vld.idx.msk [tilespmem:v14+s21+$0x0], $0xffff;
	[tilespmem:s6+$0xFFFFFFD0] =	vst v13  }
0x153: {  	v13 =	vld.idx.msk [tilespmem:v18+s21+$0x0], $0xffff;
	v18 =	vadd.s32 s18, v6;
	[tilespmem:s6+$0x50] =	vst v17  }
0x154: {  	v17 =	vadd.s32 s10, v6;
	v12 =	vld.idx.msk [tilespmem:v12+s21+$0x0], $0xffff;
	[tilespmem:s6+$0xD0] =	vst v16  }
0x155: {  	v10 =	vld.idx.msk [tilespmem:v10+s21+$0x0], $0xffff;
	v16 =	vadd.s32 s5, v7;
	[tilespmem:s6+$0x150] =	vst v8  }
0x156: {  	v8 =	vld.idx.msk [tilespmem:v15+s21+$0x0], $0xffff;
	v15 =	vadd.s32 s8, v7;
	[tilespmem:s6+$0xFFFFFE50] =	vst v11  }
0x157: {  	v9 =	vld.idx.msk [tilespmem:v9+s21+$0x0], $0xffff;
	v11 =	vadd.s32 s15, v7;
	[tilespmem:s6+$0x1F0] =	vst v14  }
0x158: {  	v14 =	vld.idx.msk [tilespmem:v18+s21+$0x0], $0xffff;
	v18 =	vadd.s32 s16, v7;
	[tilespmem:s6+$0xFFFFFEE0] =	vst v13  }
0x159: {  	v13 =	vld.idx.msk [tilespmem:v17+s21+$0x0], $0xffff;
	v17 =	vadd.s32 s17, v7;
	[tilespmem:s6+$0xFFFFFF60] =	vst v12  }
0x15a: {  	v12 =	vld.idx.msk [tilespmem:v16+s21+$0x0], $0xffff;
	v16 =	vadd.s32 s18, v7;
	[tilespmem:s6+$0xFFFFFFE0] =	vst v10  }
0x15b: {  	v10 =	vadd.s32 s10, v7;
	v15 =	vld.idx.msk [tilespmem:v15+s21+$0x0], $0xffff;
	[tilespmem:s6+$0x60] =	vst v8  }
0x15c: {  	v8 =	vld.idx.msk [tilespmem:v11+s21+$0x0], $0xffff;
	[tilespmem:s6+$0xE0] =	vst v9  }
0x15d: {  	v9 =	vld.idx.msk [tilespmem:v18+s21+$0x0], $0xffff;
	[tilespmem:s6+$0x160] =	vst v14  }
0x15e: {  	v11 =	vld.idx.msk [tilespmem:v17+s21+$0x0], $0xffff;
	[tilespmem:s6+$0xFFFFFE60] =	vst v13  }
0x15f: {  	v13 =	vld.idx.msk [tilespmem:v16+s21+$0x0], $0xffff;
	[tilespmem:s6+$0xFFFFFEF0] =	vst v12  }
0x160: {  	v10 =	vld.idx.msk [tilespmem:v10+s21+$0x0], $0xffff;
	[tilespmem:s6+$0xFFFFFF70] =	vst v15  }
0x161: {  	[tilespmem:s6+$0xFFFFFFF0] =	vst v8  }
0x162: {  	[tilespmem:s6+$0x70] =	vst v9  }
0x163: {  	[tilespmem:s6+$0xF0] =	vst v11  }
0x164: {  	[tilespmem:s6+$0x170] =	vst v13  }
0x165: {  	[tilespmem:s6+$0xFFFFFE70] =	vst v10  }
0x166: {  	v10 =	vld [tilespmem:s1+$0x188C0]  }
0x167: {  	s19 =	simm.s32 $0x85F0;
	v11 =	vld [tilespmem:s1+$0x188D0]  }
0x168: {  	v12 =	vld [tilespmem:s19+$0xFFFFFFD0]  }
0x169: {  	v13 =	vld [tilespmem:s19+$0xFFFFFE50]  }
0x16a: {  	v9 =	vld [tilespmem:s1+$0x188E0]  }
0x16b: {  	v14 =	vld [tilespmem:s19+$0xFFFFFE90]  }
0x16c: {  	v15 =	vld [tilespmem:s19+$0xFFFFFED0]  }
0x16d: {  	v16 =	vld [tilespmem:s19+$0xFFFFFF10];
	v12 =	vmul.f32 $8.000000000e+00, v12  }
0x16e: {  	v17 =	vld [tilespmem:s19+$0xFFFFFF50];
	v13 =	vmul.f32 $8.000000000e+00, v13  }
0x16f: {  	v18 =	vld [tilespmem:s19+$0xFFFFFF90];
	v12 =	vadd.f32 v12, v10  }
0x170: {  	s10 =	simm.s32 $0xE524;
	v19 =	vld [tilespmem:s19+$0xFFFFFE10];
	v14 =	vmul.f32 $8.000000000e+00, v14;
	v13 =	vadd.f32 v13, v10  }
0x171: {  	v8 =	vld [tilespmem:s1+$0x188F0];
	[tilespmem:s10+$0xDB] =	vst v12;
	v12 =	vmul.f32 $8.000000000e+00, v15  }
0x172: {  	v14 =	vadd.f32 v14, v10;
	[tilespmem:s10+$0xFFFFFF25] =	vst v13;
	v15 =	vmul.f32 $8.000000000e+00, v16;
	v13 =	vld [tilespmem:s19+$0xFFFFFFE0]  }
0x173: {  	v17 =	vmul.f32 $8.000000000e+00, v17;
	v16 =	vld [tilespmem:s19+$0xFFFFFE60];
	v12 =	vadd.f32 v12, v10  }
0x174: {  	[tilespmem:s10+$0xFFFFFF6E] =	vst v14;
	v14 =	vadd.f32 v15, v10;
	v15 =	vmul.f32 $8.000000000e+00, v18  }
0x175: {  	v18 =	vmul.f32 $8.000000000e+00, v19;
	v19 =	vld [tilespmem:s19+$0xFFFFFEA0];
	[tilespmem:s10+$0xFFFFFFB7] =	vst v12;
	v12 =	vadd.f32 v17, v10  }
0x176: {  	[tilespmem:s10+$0x0] =	vst v14;
	v14 =	vadd.f32 v15, v10;
	v17 =	vld [tilespmem:s19+$0xFFFFFEE0]  }
0x177: {  	v15 =	vadd.f32 v18, v10;
	v18 =	vld [tilespmem:s19+$0xFFFFFF20];
	v13 =	vmul.f32 $8.000000000e+00, v13;
	[tilespmem:s10+$0x49] =	vst v12  }
0x178: {  	v12 =	vmul.f32 $8.000000000e+00, v16;
	[tilespmem:s10+$0x92] =	vst v14;
	v16 =	vld [tilespmem:s19+$0xFFFFFF60]  }
0x179: {  	[tilespmem:s10+$0xFFFFFEDC] =	vst v15;
	v14 =	vld [tilespmem:s19+$0xFFFFFFA0];
	v13 =	vadd.f32 v13, v11  }
0x17a: {  	v15 =	vld [tilespmem:s19+$0xFFFFFE20];
	v19 =	vmul.f32 $8.000000000e+00, v19;
	v12 =	vadd.f32 v12, v11  }
0x17b: {  	[tilespmem:s10+$0xEB] =	vst v13;
	v13 =	vmul.f32 $8.000000000e+00, v17  }
0x17c: {  	[tilespmem:s10+$0xFFFFFF35] =	vst v12;
	v17 =	vadd.f32 v19, v11;
	v18 =	vmul.f32 $8.000000000e+00, v18;
	v12 =	vld [tilespmem:s19+$0xFFFFFFF0]  }
0x17d: {  	v19 =	vld [tilespmem:s19+$0xFFFFFE70];
	v13 =	vadd.f32 v13, v11;
	v16 =	vmul.f32 $8.000000000e+00, v16  }
0x17e: {  	[tilespmem:s10+$0xFFFFFF7E] =	vst v17;
	v17 =	vadd.f32 v18, v11;
	v14 =	vmul.f32 $8.000000000e+00, v14  }
0x17f: {  	v15 =	vmul.f32 $8.000000000e+00, v15;
	v18 =	vld [tilespmem:s19+$0xFFFFFEB0];
	[tilespmem:s10+$0xFFFFFFC7] =	vst v13;
	v13 =	vadd.f32 v16, v11  }
0x180: {  	[tilespmem:s10+$0x10] =	vst v17;
	v14 =	vadd.f32 v14, v11;
	v16 =	vld [tilespmem:s19+$0xFFFFFEF0]  }
0x181: {  	v15 =	vadd.f32 v15, v11;
	v17 =	vld [tilespmem:s19+$0xFFFFFF30];
	v12 =	vmul.f32 $8.000000000e+00, v12;
	[tilespmem:s10+$0x59] =	vst v13  }
0x182: {  	v13 =	vmul.f32 $8.000000000e+00, v19;
	[tilespmem:s10+$0xA2] =	vst v14;
	v19 =	vld [tilespmem:s19+$0xFFFFFF70]  }
0x183: {  	[tilespmem:s10+$0xFFFFFEEC] =	vst v15;
	v14 =	vld [tilespmem:s19+$0xFFFFFFB0];
	v12 =	vadd.f32 v12, v9  }
0x184: {  	s11 =	simm.s32 $0x87F0;
	v15 =	vld [tilespmem:s19+$0xFFFFFE30];
	v13 =	vadd.f32 v13, v9;
	v18 =	vmul.f32 $8.000000000e+00, v18  }
0x185: {  	v20 =	vld [tilespmem:s11+$0xFFFFFFD0];
	[tilespmem:s10+$0xFB] =	vst v12;
	v12 =	vmul.f32 $8.000000000e+00, v16  }
0x186: {  	[tilespmem:s10+$0xFFFFFF45] =	vst v13;
	v16 =	vadd.f32 v18, v9;
	v17 =	vmul.f32 $8.000000000e+00, v17;
	v13 =	vld [tilespmem:s19+$0x0]  }
0x187: {  	v18 =	vld [tilespmem:s19+$0xFFFFFE80];
	v12 =	vadd.f32 v12, v9;
	v19 =	vmul.f32 $8.000000000e+00, v19  }
0x188: {  	[tilespmem:s10+$0xFFFFFF8E] =	vst v16;
	v16 =	vadd.f32 v17, v9;
	v14 =	vmul.f32 $8.000000000e+00, v14;
	v17 =	vld [tilespmem:s11+$0xFFFFFE50]  }
0x189: {  	v15 =	vmul.f32 $8.000000000e+00, v15;
	[tilespmem:s10+$0xFFFFFFD7] =	vst v12;
	v12 =	vadd.f32 v19, v9;
	v19 =	vld [tilespmem:s11+$0xFFFFFE90]  }
0x18a: {  	v20 =	vmul.f32 $8.000000000e+00, v20;
	[tilespmem:s10+$0x20] =	vst v16;
	v14 =	vadd.f32 v14, v9;
	v16 =	vld [tilespmem:s11+$0xFFFFFED0]  }
0x18b: {  	v15 =	vadd.f32 v15, v9;
	v13 =	vmul.f32 $8.000000000e+00, v13;
	[tilespmem:s10+$0x69] =	vst v12;
	v12 =	vld [tilespmem:s11+$0xFFFFFF10]  }
0x18c: {  	v20 =	vadd.f32 v20, v10;
	v18 =	vmul.f32 $8.000000000e+00, v18;
	[tilespmem:s10+$0xB2] =	vst v14;
	v14 =	vld [tilespmem:s11+$0xFFFFFF50]  }
0x18d: {  	s14 =	simm.s32 $0xE76C;
	[tilespmem:s10+$0xFFFFFEFC] =	vst v15;
	v15 =	vmul.f32 $8.000000000e+00, v17;
	v17 =	vld [tilespmem:s11+$0xFFFFFF90];
	v13 =	vadd.f32 v13, v8  }
0x18e: {  	v21 =	vld [tilespmem:s11+$0xFFFFFE10];
	[tilespmem:s14+$0xDB] =	vst v20;
	v18 =	vadd.f32 v18, v8;
	v19 =	vmul.f32 $8.000000000e+00, v19  }
0x18f: {  	[tilespmem:s10+$0x10B] =	vst v13;
	v13 =	vadd.f32 v15, v10;
	v15 =	vmul.f32 $8.000000000e+00, v16;
	v16 =	vld [tilespmem:s19+$0xFFFFFE40]  }
0x190: {  	[tilespmem:s10+$0xFFFFFF55] =	vst v18;
	v18 =	vadd.f32 v19, v10;
	v12 =	vmul.f32 $8.000000000e+00, v12;
	v19 =	vld [tilespmem:s19+$0xFFFFFEC0]  }
0x191: {  	v14 =	vmul.f32 $8.000000000e+00, v14;
	[tilespmem:s14+$0xFFFFFF25] =	vst v13;
	v13 =	vadd.f32 v15, v10;
	v15 =	vld [tilespmem:s11+$0xFFFFFFE0]  }
0x192: {  	v17 =	vmul.f32 $8.000000000e+00, v17;
	v20 =	vld [tilespmem:s11+$0xFFFFFE60];
	[tilespmem:s14+$0xFFFFFF6E] =	vst v18;
	v12 =	vadd.f32 v12, v10  }
0x193: {  	v18 =	vmul.f32 $8.000000000e+00, v21;
	v21 =	vld [tilespmem:s11+$0xFFFFFEA0];
	[tilespmem:s14+$0xFFFFFFB7] =	vst v13;
	v13 =	vadd.f32 v14, v10  }
0x194: {  	v14 =	vld [tilespmem:s11+$0xFFFFFEE0];
	[tilespmem:s14+$0x0] =	vst v12;
	v12 =	vadd.f32 v17, v10;
	v16 =	vmul.f32 $8.000000000e+00, v16  }
0x195: {  	v17 =	vadd.f32 v18, v10;
	v18 =	vld [tilespmem:s11+$0xFFFFFF20];
	[tilespmem:s14+$0x49] =	vst v13;
	v13 =	vmul.f32 $8.000000000e+00, v19  }
0x196: {  	v19 =	vld [tilespmem:s11+$0xFFFFFF60];
	[tilespmem:s14+$0x92] =	vst v12;
	v12 =	vmul.f32 $8.000000000e+00, v15;
	v15 =	vadd.f32 v16, v8  }
0x197: {  	[tilespmem:s14+$0xFFFFFEDC] =	vst v17;
	v16 =	vmul.f32 $8.000000000e+00, v20;
	v17 =	vld [tilespmem:s11+$0xFFFFFFA0];
	v13 =	vadd.f32 v13, v8  }
0x198: {  	v20 =	vld [tilespmem:s11+$0xFFFFFE20];
	v21 =	vmul.f32 $8.000000000e+00, v21;
	v12 =	vadd.f32 v12, v11;
	[tilespmem:s10+$0xFFFFFF0C] =	vst v15  }
0x199: {  	v15 =	vadd.f32 v16, v11;
	v14 =	vmul.f32 $8.000000000e+00, v14;
	[tilespmem:s10+$0xFFFFFF9E] =	vst v13;
	v13 =	vld [tilespmem:s19+$0xFFFFFF00]  }
0x19a: {  	v16 =	vadd.f32 v21, v11;
	v18 =	vmul.f32 $8.000000000e+00, v18;
	[tilespmem:s14+$0xEB] =	vst v12;
	v12 =	vld [tilespmem:s19+$0xFFFFFF40]  }
0x19b: {  	[tilespmem:s14+$0xFFFFFF35] =	vst v15;
	v14 =	vadd.f32 v14, v11;
	v15 =	vmul.f32 $8.000000000e+00, v19;
	v19 =	vld [tilespmem:s11+$0xFFFFFFF0]  }
0x19c: {  	v21 =	vld [tilespmem:s11+$0xFFFFFE70];
	[tilespmem:s14+$0xFFFFFF7E] =	vst v16;
	v16 =	vadd.f32 v18, v11;
	v17 =	vmul.f32 $8.000000000e+00, v17  }
0x19d: {  	v18 =	vmul.f32 $8.000000000e+00, v20;
	v20 =	vld [tilespmem:s11+$0xFFFFFEB0];
	[tilespmem:s14+$0xFFFFFFC7] =	vst v14;
	v14 =	vadd.f32 v15, v11  }
0x19e: {  	v15 =	vld [tilespmem:s11+$0xFFFFFEF0];
	[tilespmem:s14+$0x10] =	vst v16;
	v16 =	vadd.f32 v17, v11;
	v13 =	vmul.f32 $8.000000000e+00, v13  }
0x19f: {  	v17 =	vadd.f32 v18, v11;
	v18 =	vld [tilespmem:s11+$0xFFFFFF30];
	[tilespmem:s14+$0x59] =	vst v14;
	v12 =	vmul.f32 $8.000000000e+00, v12  }
0x1a0: {  	v22 =	vld [tilespmem:s11+$0xFFFFFF70];
	[tilespmem:s14+$0xA2] =	vst v16;
	v14 =	vmul.f32 $8.000000000e+00, v19;
	v16 =	vadd.f32 v13, v8  }
0x1a1: {  	[tilespmem:s14+$0xFFFFFEEC] =	vst v17;
	v17 =	vmul.f32 $8.000000000e+00, v21;
	v21 =	vld [tilespmem:s11+$0xFFFFFFB0];
	v12 =	vadd.f32 v12, v8  }
0x1a2: {  	v13 =	vld [tilespmem:s11+$0xFFFFFE30];
	v19 =	vmul.f32 $8.000000000e+00, v20;
	v20 =	vadd.f32 v14, v9;
	[tilespmem:s10+$0xFFFFFFE7] =	vst v16  }
0x1a3: {  	v14 =	vld [tilespmem:s19+$0xFFFFFF80];
	v16 =	vadd.f32 v17, v9;
	v17 =	vmul.f32 $8.000000000e+00, v15;
	[tilespmem:s10+$0x30] =	vst v12  }
0x1a4: {  	v15 =	vld [tilespmem:s19+$0xFFFFFFC0];
	v19 =	vadd.f32 v19, v9;
	v23 =	vmul.f32 $8.000000000e+00, v18;
	[tilespmem:s14+$0xFB] =	vst v20  }
0x1a5: {  	[tilespmem:s14+$0xFFFFFF45] =	vst v16;
	v17 =	vadd.f32 v17, v9;
	v16 =	vld [tilespmem:s11+$0x0];
	v18 =	vmul.f32 $8.000000000e+00, v22  }
0x1a6: {  	s5 =	simm.s32 $0x8;
	s6 =	simm.s32 $0x89F0;
	v12 =	vld [tilespmem:s11+$0xFFFFFE80];
	[tilespmem:s14+$0xFFFFFF8E] =	vst v19;
	v19 =	vadd.f32 v23, v9;
	v20 =	vmul.f32 $8.000000000e+00, v21  }
.LBB2_7:
0x1a7: {  	v21 =	vld [tilespmem:s6+$0xFFFFFFD0];
	s5 =	sadd.s32 $0x8, s5;
	v13 =	vmul.f32 $8.000000000e+00, v13;
	[tilespmem:s14+$0xFFFFFFD7] =	vst v17;
	v17 =	vadd.f32 v18, v9  }
0x1a8: {  	v18 =	vld [tilespmem:s6+$0xFFFFFE50];
	p2 =	slt.u32 s5, $0x78;
	[tilespmem:s14+$0x20] =	vst v19;
	v19 =	vadd.f32 v20, v9;
	v14 =	vmul.f32 $8.000000000e+00, v14  }
0x1a9: {  	v20 =	vld [tilespmem:s6+$0xFFFFFE90];
	v13 =	vadd.f32 v13, v9;
	[tilespmem:s14+$0x69] =	vst v17;
	v15 =	vmul.f32 $8.000000000e+00, v15  }
0x1aa: {  	v17 =	vld [tilespmem:s6+$0xFFFFFED0];
	[tilespmem:s14+$0xB2] =	vst v19;
	v16 =	vmul.f32 $8.000000000e+00, v16;
	v14 =	vadd.f32 v14, v8  }
0x1ab: {  	v19 =	vld [tilespmem:s6+$0xFFFFFF10];
	[tilespmem:s14+$0xFFFFFEFC] =	vst v13;
	v12 =	vmul.f32 $8.000000000e+00, v12;
	v13 =	vadd.f32 v15, v8  }
0x1ac: {  	v15 =	vld [tilespmem:s6+$0xFFFFFF50];
	v21 =	vmul.f32 $8.000000000e+00, v21;
	v16 =	vadd.f32 v16, v8;
	[tilespmem:s10+$0x79] =	vst v14  }
0x1ad: {  	v14 =	vmul.f32 $8.000000000e+00, v18;
	v18 =	vld [tilespmem:s6+$0xFFFFFF90];
	v12 =	vadd.f32 v12, v8;
	[tilespmem:s10+$0xC2] =	vst v13;
	s10 =	smov.u32 s14  }
0x1ae: {  	v13 =	vld [tilespmem:s6+$0xFFFFFE10];
	v20 =	vmul.f32 $8.000000000e+00, v20;
	v21 =	vadd.f32 v21, v10;
	[tilespmem:s14+$0x10B] =	vst v16  }
0x1af: {  	s14 =	sadd.s32 $0x248, s14;
	v14 =	vadd.f32 v14, v10;
	v16 =	vmul.f32 $8.000000000e+00, v17;
	v17 =	vld [tilespmem:s11+$0xFFFFFE40];
	[tilespmem:s10+$0xFFFFFF55] =	vst v12  }
0x1b0: {  	v12 =	vadd.f32 v20, v10;
	v19 =	vmul.f32 $8.000000000e+00, v19;
	[tilespmem:s14+$0xDB] =	vst v21;
	v20 =	vld [tilespmem:s11+$0xFFFFFEC0]  }
0x1b1: {  	[tilespmem:s14+$0xFFFFFF25] =	vst v14;
	v14 =	vadd.f32 v16, v10;
	v15 =	vmul.f32 $8.000000000e+00, v15;
	v16 =	vld [tilespmem:s6+$0xFFFFFFE0]  }
0x1b2: {  	v21 =	vld [tilespmem:s6+$0xFFFFFE60];
	[tilespmem:s14+$0xFFFFFF6E] =	vst v12;
	v12 =	vadd.f32 v19, v10;
	v18 =	vmul.f32 $8.000000000e+00, v18  }
0x1b3: {  	v13 =	vmul.f32 $8.000000000e+00, v13;
	v19 =	vld [tilespmem:s6+$0xFFFFFEA0];
	[tilespmem:s14+$0xFFFFFFB7] =	vst v14;
	v14 =	vadd.f32 v15, v10  }
0x1b4: {  	v15 =	vld [tilespmem:s6+$0xFFFFFEE0];
	[tilespmem:s14+$0x0] =	vst v12;
	v12 =	vadd.f32 v18, v10;
	v17 =	vmul.f32 $8.000000000e+00, v17  }
0x1b5: {  	v13 =	vadd.f32 v13, v10;
	v18 =	vld [tilespmem:s6+$0xFFFFFF20];
	[tilespmem:s14+$0x49] =	vst v14;
	v14 =	vmul.f32 $8.000000000e+00, v20  }
0x1b6: {  	v20 =	vld [tilespmem:s6+$0xFFFFFF60];
	[tilespmem:s14+$0x92] =	vst v12;
	v12 =	vmul.f32 $8.000000000e+00, v16;
	v16 =	vadd.f32 v17, v8  }
0x1b7: {  	[tilespmem:s14+$0xFFFFFEDC] =	vst v13;
	v13 =	vmul.f32 $8.000000000e+00, v21;
	v17 =	vld [tilespmem:s6+$0xFFFFFFA0];
	v14 =	vadd.f32 v14, v8  }
0x1b8: {  	v21 =	vld [tilespmem:s6+$0xFFFFFE20];
	v19 =	vmul.f32 $8.000000000e+00, v19;
	v12 =	vadd.f32 v12, v11;
	[tilespmem:s10+$0xFFFFFF0C] =	vst v16  }
0x1b9: {  	v13 =	vadd.f32 v13, v11;
	v15 =	vmul.f32 $8.000000000e+00, v15;
	[tilespmem:s10+$0xFFFFFF9E] =	vst v14;
	v14 =	vld [tilespmem:s11+$0xFFFFFF00]  }
0x1ba: {  	v16 =	vadd.f32 v19, v11;
	v18 =	vmul.f32 $8.000000000e+00, v18;
	[tilespmem:s14+$0xEB] =	vst v12;
	v12 =	vld [tilespmem:s11+$0xFFFFFF40]  }
0x1bb: {  	[tilespmem:s14+$0xFFFFFF35] =	vst v13;
	v13 =	vadd.f32 v15, v11;
	v15 =	vmul.f32 $8.000000000e+00, v20;
	v19 =	vld [tilespmem:s6+$0xFFFFFFF0]  }
0x1bc: {  	v20 =	vld [tilespmem:s6+$0xFFFFFE70];
	[tilespmem:s14+$0xFFFFFF7E] =	vst v16;
	v16 =	vadd.f32 v18, v11;
	v17 =	vmul.f32 $8.000000000e+00, v17  }
0x1bd: {  	v18 =	vmul.f32 $8.000000000e+00, v21;
	v21 =	vld [tilespmem:s6+$0xFFFFFEB0];
	[tilespmem:s14+$0xFFFFFFC7] =	vst v13;
	v13 =	vadd.f32 v15, v11  }
0x1be: {  	v15 =	vld [tilespmem:s6+$0xFFFFFEF0];
	[tilespmem:s14+$0x10] =	vst v16;
	v16 =	vadd.f32 v17, v11;
	v14 =	vmul.f32 $8.000000000e+00, v14  }
0x1bf: {  	v17 =	vadd.f32 v18, v11;
	v18 =	vld [tilespmem:s6+$0xFFFFFF30];
	[tilespmem:s14+$0x59] =	vst v13;
	v12 =	vmul.f32 $8.000000000e+00, v12  }
0x1c0: {  	v22 =	vld [tilespmem:s6+$0xFFFFFF70];
	[tilespmem:s14+$0xA2] =	vst v16;
	v16 =	vmul.f32 $8.000000000e+00, v19;
	v14 =	vadd.f32 v14, v8  }
0x1c1: {  	[tilespmem:s14+$0xFFFFFEEC] =	vst v17;
	v17 =	vmul.f32 $8.000000000e+00, v20;
	v20 =	vld [tilespmem:s6+$0xFFFFFFB0];
	v12 =	vadd.f32 v12, v8  }
.Ltmp2:
0x1c2: {  	v13 =	vld [tilespmem:s6+$0xFFFFFE30];
	v19 =	vmul.f32 $8.000000000e+00, v21;
	v16 =	vadd.f32 v16, v9;
	[tilespmem:s10+$0xFFFFFFE7] =	vst v14;
	(pc) =	sbr.rel @p2 .LBB2_7-.Ltmp2, $4  }
0x1c3: {  	v17 =	vadd.f32 v17, v9;
	v21 =	vmul.f32 $8.000000000e+00, v15;
	[tilespmem:s10+$0x30] =	vst v12;
	v14 =	vld [tilespmem:s11+$0xFFFFFF80]  }
0x1c4: {  	v19 =	vadd.f32 v19, v9;
	v23 =	vmul.f32 $8.000000000e+00, v18;
	[tilespmem:s14+$0xFB] =	vst v16;
	v15 =	vld [tilespmem:s11+$0xFFFFFFC0];
	s11 =	smov.u32 s6  }
0x1c5: {  	[tilespmem:s14+$0xFFFFFF45] =	vst v17;
	v17 =	vadd.f32 v21, v9;
	v18 =	vmul.f32 $8.000000000e+00, v22;
	v16 =	vld [tilespmem:s6+$0x0]  }
0x1c6: {  	s6 =	sadd.s32 $0x200, s6;
	v12 =	vld [tilespmem:s11+$0xFFFFFE80];
	[tilespmem:s14+$0xFFFFFF8E] =	vst v19;
	v19 =	vadd.f32 v23, v9;
	v20 =	vmul.f32 $8.000000000e+00, v20  }
0x1c7: {  	v10 =	vmul.f32 $8.000000000e+00, v13;
	_ =	sdelay $0x1  }
0x1c8: {  	v10 =	vadd.f32 v10, v9;
	_ =	sdelay $0x1  }
0x1c9: {  	[tilespmem:s14+$0xFFFFFEFC] =	vst v10  }
0x1ca: {  	v10 =	vld [tilespmem:s11+$0xFFFFFE40]  }
0x1cb: {  	[tilespmem:s14+$0xFFFFFFD7] =	vst v17;
	v11 =	vadd.f32 v18, v9;
	v13 =	vmul.f32 $8.000000000e+00, v14;
	v14 =	vld [tilespmem:s11+$0xFFFFFEC0]  }
0x1cc: {  	[tilespmem:s14+$0x20] =	vst v19;
	v17 =	vld [tilespmem:s11+$0xFFFFFF00];
	v9 =	vadd.f32 v20, v9;
	v15 =	vmul.f32 $8.000000000e+00, v15  }
0x1cd: {  	[tilespmem:s14+$0x69] =	vst v11;
	v11 =	vmul.f32 $8.000000000e+00, v16;
	v13 =	vadd.f32 v13, v8;
	v16 =	vld [tilespmem:s11+$0xFFFFFF40]  }
0x1ce: {  	[tilespmem:s14+$0xB2] =	vst v9;
	v9 =	vmul.f32 $8.000000000e+00, v12;
	v12 =	vadd.f32 v15, v8;
	v15 =	vld [tilespmem:s11+$0xFFFFFF80]  }
0x1cf: {  	v11 =	vadd.f32 v11, v8;
	[tilespmem:s10+$0x79] =	vst v13;
	v13 =	vld [tilespmem:s11+$0xFFFFFFC0];
	v10 =	vmul.f32 $8.000000000e+00, v10  }
0x1d0: {  	v9 =	vadd.f32 v9, v8;
	[tilespmem:s10+$0xC2] =	vst v12;
	v12 =	vmul.f32 $8.000000000e+00, v14  }
0x1d1: {  	[tilespmem:s14+$0x10B] =	vst v11;
	v11 =	vmul.f32 $8.000000000e+00, v17;
	v10 =	vadd.f32 v10, v8  }
0x1d2: {  	[tilespmem:s14+$0xFFFFFF55] =	vst v9;
	v9 =	vadd.f32 v12, v8;
	v12 =	vmul.f32 $8.000000000e+00, v16  }
0x1d3: {  	[tilespmem:s14+$0xFFFFFF0C] =	vst v10;
	v10 =	vadd.f32 v11, v8;
	v11 =	vmul.f32 $8.000000000e+00, v15  }
0x1d4: {  	[tilespmem:s14+$0xFFFFFF9E] =	vst v9;
	v9 =	vadd.f32 v12, v8;
	v12 =	vmul.f32 $8.000000000e+00, v13  }
0x1d5: {  	[tilespmem:s14+$0xFFFFFFE7] =	vst v10;
	v10 =	vadd.f32 v11, v8  }
0x1d6: {  	s18 =	simm.s32 $0x4;
	[tilespmem:s14+$0x30] =	vst v9;
	v8 =	vadd.f32 v12, v8  }
0x1d7: {  	s5 =	sadd.s32 @!p0 $0x280, s0;
	s6 =	simm.s32 @!p0 $0x80;
	s17 =	simm.s32 $0x2;
	v13 =	vadd.s32 s18, v0;
	[tilespmem:s14+$0x79] =	vst v10  }
0x1d8: {  	s8 =	simm.s32 @!p0 $0x8400;
	s16 =	simm.s32 $0x1;
	v11 =	vadd.s32 s17, v0;
	[tilespmem:s14+$0xC2] =	vst v8;
	s14 =	simm.s32 $0x3  }
0x1d9: {  	v10 =	vadd.s32 s16, v0;
	[tilespmem:s8], [sflag:$0x2] =	stream.indirect.gather @!p0 [hbm4b:s4+s6], $0x40, s5, s6, $0xb8;
	[tilespmem:$0x1BA80] =	vst v63  }
0x1da: {  	s8 =	simm.s32 $0x7;
	v12 =	vadd.s32 s14, v0  }
0x1db: {  	s5 =	simm.s32 $0x0;
	v9 =	vadd.s32 s8, v0  }
0x1dc: {  	s15 =	simm.s32 $0x5;
	v8 =	vadd.s32 s5, v0;
	v13 =	vld.idx.msk [tilespmem:v13+s21+$0x0], $0xffff  }
0x1dd: {  	s19 =	simm.s32 $0x6;
	v14 =	vadd.s32 s15, v0;
	v11 =	vld.idx.msk [tilespmem:v11+s21+$0x0], $0xffff  }
0x1de: {  	v15 =	vadd.s32 s19, v0;
	v10 =	vld.idx.msk [tilespmem:v10+s21+$0x0], $0xffff  }
0x1df: {  	v20 =	vadd.s32 s18, v1;
	v12 =	vld.idx.msk [tilespmem:v12+s21+$0x0], $0xffff  }
0x1e0: {  	s11 =	simm.s32 $0x12C70;
	v19 =	vadd.s32 s14, v1;
	v9 =	vld.idx.msk [tilespmem:v9+s21+$0x0], $0xffff  }
0x1e1: {  	v16 =	vadd.s32 s8, v1;
	v8 =	vld.idx.msk [tilespmem:v8+s21+$0x0], $0xffff;
	[tilespmem:s11+$0xFFFFFE10] =	vst v13  }
0x1e2: {  	v17 =	vadd.s32 s16, v1;
	v14 =	vld.idx.msk [tilespmem:v14+s21+$0x0], $0xffff;
	[tilespmem:s11+$0xFFFFFD10] =	vst v11  }
0x1e3: {  	v18 =	vadd.s32 s17, v1;
	v15 =	vld.idx.msk [tilespmem:v15+s21+$0x0], $0xffff;
	[tilespmem:s11+$0xFFFFFC90] =	vst v10  }
0x1e4: {  	v11 =	vadd.s32 s19, v1;
	v20 =	vld.idx.msk [tilespmem:v20+s21+$0x0], $0xffff;
	[tilespmem:s11+$0xFFFFFD90] =	vst v12  }
0x1e5: {  	[tilespmem:s11+$0xFFFFFF90] =	vst v9;
	v9 =	vadd.s32 s15, v1;
	v19 =	vld.idx.msk [tilespmem:v19+s21+$0x0], $0xffff  }
0x1e6: {  	[tilespmem:s11+$0xFFFFFC10] =	vst v8;
	v8 =	vadd.s32 s18, v2;
	v10 =	vld.idx.msk [tilespmem:v16+s21+$0x0], $0xffff  }
0x1e7: {  	[tilespmem:s11+$0xFFFFFE90] =	vst v14;
	v12 =	vadd.s32 s8, v2;
	v16 =	vld.idx.msk [tilespmem:v17+s21+$0x0], $0xffff  }
0x1e8: {  	[tilespmem:s11+$0xFFFFFF10] =	vst v15;
	v17 =	vld.idx.msk [tilespmem:v18+s21+$0x0], $0xffff;
	v18 =	vadd.s32 s5, v1  }
0x1e9: {  	v13 =	vadd.s32 s16, v2;
	v11 =	vld.idx.msk [tilespmem:v11+s21+$0x0], $0xffff;
	[tilespmem:s11+$0xFFFFFE20] =	vst v20  }
0x1ea: {  	v14 =	vadd.s32 s17, v2;
	v9 =	vld.idx.msk [tilespmem:v9+s21+$0x0], $0xffff;
	[tilespmem:s11+$0xFFFFFDA0] =	vst v19  }
0x1eb: {  	v15 =	vadd.s32 s14, v2;
	v8 =	vld.idx.msk [tilespmem:v8+s21+$0x0], $0xffff;
	[tilespmem:s11+$0xFFFFFFA0] =	vst v10  }
0x1ec: {  	[tilespmem:s11+$0xFFFFFCA0] =	vst v16;
	v16 =	vadd.s32 s15, v2;
	v10 =	vld.idx.msk [tilespmem:v12+s21+$0x0], $0xffff  }
0x1ed: {  	[tilespmem:s11+$0xFFFFFD20] =	vst v17;
	v17 =	vadd.s32 s8, v3;
	v12 =	vld.idx.msk [tilespmem:v18+s21+$0x0], $0xffff  }
0x1ee: {  	[tilespmem:s11+$0xFFFFFF20] =	vst v11;
	v13 =	vld.idx.msk [tilespmem:v13+s21+$0x0], $0xffff;
	v18 =	vadd.s32 s19, v2  }
0x1ef: {  	v19 =	vadd.s32 s5, v2;
	v14 =	vld.idx.msk [tilespmem:v14+s21+$0x0], $0xffff;
	[tilespmem:s11+$0xFFFFFEA0] =	vst v9  }
0x1f0: {  	v20 =	vadd.s32 s16, v3;
	v15 =	vld.idx.msk [tilespmem:v15+s21+$0x0], $0xffff;
	[tilespmem:s11+$0xFFFFFE30] =	vst v8  }
0x1f1: {  	v9 =	vadd.s32 s17, v3;
	v16 =	vld.idx.msk [tilespmem:v16+s21+$0x0], $0xffff;
	[tilespmem:s11+$0xFFFFFFB0] =	vst v10  }
0x1f2: {  	v10 =	vadd.s32 s14, v3;
	[tilespmem:s11+$0xFFFFFC20] =	vst v12;
	v11 =	vld.idx.msk [tilespmem:v17+s21+$0x0], $0xffff  }
0x1f3: {  	v12 =	vadd.s32 s18, v3;
	[tilespmem:s11+$0xFFFFFCB0] =	vst v13;
	v17 =	vld.idx.msk [tilespmem:v18+s21+$0x0], $0xffff  }
0x1f4: {  	[tilespmem:s11+$0xFFFFFD30] =	vst v14;
	v14 =	vadd.s32 s15, v3;
	v18 =	vld.idx.msk [tilespmem:v19+s21+$0x0], $0xffff  }
0x1f5: {  	[tilespmem:s11+$0xFFFFFDB0] =	vst v15;
	v13 =	vadd.s32 s8, v4;
	v19 =	vld.idx.msk [tilespmem:v20+s21+$0x0], $0xffff  }
0x1f6: {  	v15 =	vadd.s32 s19, v3;
	v9 =	vld.idx.msk [tilespmem:v9+s21+$0x0], $0xffff;
	[tilespmem:s11+$0xFFFFFEB0] =	vst v16  }
0x1f7: {  	v20 =	vadd.s32 s5, v3;
	v10 =	vld.idx.msk [tilespmem:v10+s21+$0x0], $0xffff;
	[tilespmem:s11+$0xFFFFFFC0] =	vst v11  }
0x1f8: {  	v8 =	vadd.s32 s16, v4;
	v12 =	vld.idx.msk [tilespmem:v12+s21+$0x0], $0xffff;
	[tilespmem:s11+$0xFFFFFF30] =	vst v17  }
0x1f9: {  	v14 =	vld.idx.msk [tilespmem:v14+s21+$0x0], $0xffff;
	v11 =	vadd.s32 s17, v4;
	[tilespmem:s11+$0xFFFFFC30] =	vst v18  }
0x1fa: {  	v16 =	vadd.s32 s14, v4;
	[tilespmem:s11+$0xFFFFFCC0] =	vst v19;
	v13 =	vld.idx.msk [tilespmem:v13+s21+$0x0], $0xffff  }
0x1fb: {  	v19 =	vadd.s32 s18, v4;
	v15 =	vld.idx.msk [tilespmem:v15+s21+$0x0], $0xffff;
	[tilespmem:s11+$0xFFFFFD40] =	vst v9  }
0x1fc: {  	v17 =	vadd.s32 s8, v5;
	v18 =	vld.idx.msk [tilespmem:v20+s21+$0x0], $0xffff;
	[tilespmem:s11+$0xFFFFFDC0] =	vst v10  }
0x1fd: {  	v8 =	vld.idx.msk [tilespmem:v8+s21+$0x0], $0xffff;
	v9 =	vadd.s32 s15, v4;
	[tilespmem:s11+$0xFFFFFE40] =	vst v12  }
0x1fe: {  	v20 =	vadd.s32 s5, v4;
	[tilespmem:s11+$0xFFFFFEC0] =	vst v14;
	v11 =	vld.idx.msk [tilespmem:v11+s21+$0x0], $0xffff  }
0x1ff: {  	v10 =	vadd.s32 s19, v4;
	v16 =	vld.idx.msk [tilespmem:v16+s21+$0x0], $0xffff;
	[tilespmem:s11+$0xFFFFFFD0] =	vst v13  }
0x200: {  	v19 =	vld.idx.msk [tilespmem:v19+s21+$0x0], $0xffff;
	v13 =	vadd.s32 s16, v5;
	[tilespmem:s11+$0xFFFFFF40] =	vst v15  }
0x201: {  	[tilespmem:s11+$0xFFFFFC40] =	vst v18;
	v15 =	vadd.s32 s14, v5;
	v12 =	vld.idx.msk [tilespmem:v17+s21+$0x0], $0xffff  }
0x202: {  	[tilespmem:s11+$0xFFFFFCD0] =	vst v8;
	v8 =	vadd.s32 s18, v5;
	v9 =	vld.idx.msk [tilespmem:v9+s21+$0x0], $0xffff  }
0x203: {  	v17 =	vadd.s32 s17, v5;
	v18 =	vld.idx.msk [tilespmem:v20+s21+$0x0], $0xffff  }
0x204: {  	v14 =	vadd.s32 s8, v6;
	v10 =	vld.idx.msk [tilespmem:v10+s21+$0x0], $0xffff;
	[tilespmem:s11+$0xFFFFFD50] =	vst v11  }
0x205: {  	v11 =	vadd.s32 s15, v5;
	[tilespmem:s11+$0xFFFFFDD0] =	vst v16;
	v13 =	vld.idx.msk [tilespmem:v13+s21+$0x0], $0xffff  }
0x206: {  	v20 =	vadd.s32 s19, v5;
	[tilespmem:s11+$0xFFFFFE50] =	vst v19;
	v15 =	vld.idx.msk [tilespmem:v15+s21+$0x0], $0xffff  }
0x207: {  	v8 =	vld.idx.msk [tilespmem:v8+s21+$0x0], $0xffff;
	[tilespmem:s11+$0xFFFFFFE0] =	vst v12;
	v12 =	vadd.s32 s5, v5  }
0x208: {  	v16 =	vadd.s32 s16, v6;
	v17 =	vld.idx.msk [tilespmem:v17+s21+$0x0], $0xffff;
	[tilespmem:s11+$0xFFFFFED0] =	vst v9  }
0x209: {  	v19 =	vadd.s32 s17, v6;
	[tilespmem:s11+$0xFFFFFC50] =	vst v18;
	v14 =	vld.idx.msk [tilespmem:v14+s21+$0x0], $0xffff  }
0x20a: {  	v9 =	vadd.s32 s8, v7;
	[tilespmem:s11+$0xFFFFFF50] =	vst v10;
	v11 =	vld.idx.msk [tilespmem:v11+s21+$0x0], $0xffff  }
0x20b: {  	s10 =	simm.s32 $0x8;
	v10 =	vadd.s32 s14, v6;
	v18 =	vld.idx.msk [tilespmem:v20+s21+$0x0], $0xffff;
	[tilespmem:s11+$0xFFFFFCE0] =	vst v13  }
0x20c: {  	[tilespmem:s11+$0xFFFFFDE0] =	vst v15;
	v15 =	vadd.s32 s10, v0;
	v20 =	vld.idx.msk [tilespmem:v12+s21+$0x0], $0xffff  }
0x20d: {  	v12 =	vadd.s32 s18, v6;
	v16 =	vld.idx.msk [tilespmem:v16+s21+$0x0], $0xffff;
	[tilespmem:s11+$0xFFFFFD60] =	vst v17  }
0x20e: {  	v21 =	vadd.s32 s15, v6;
	[tilespmem:s11+$0xFFFFFFF0] =	vst v14;
	v22 =	vld.idx.msk [tilespmem:v19+s21+$0x0], $0xffff  }
0x20f: {  	v14 =	vadd.s32 s19, v6;
	v17 =	vld.idx.msk [tilespmem:v9+s21+$0x0], $0xffff  }
0x210: {  	v24 =	vadd.s32 s16, v7;
	[tilespmem:s11+$0xFFFFFE60] =	vst v8;
	v23 =	vld.idx.msk [tilespmem:v10+s21+$0x0], $0xffff  }
0x211: {  	v9 =	vadd.s32 s5, v6;
	[tilespmem:s11+$0xFFFFFEE0] =	vst v11;
	v8 =	vld.idx.msk [tilespmem:v15+s21+$0x0], $0xffff  }
0x212: {  	v25 =	vadd.s32 s17, v7;
	[tilespmem:s11+$0xFFFFFF60] =	vst v18;
	v13 =	vld.idx.msk [tilespmem:v12+s21+$0x0], $0xffff  }
0x213: {  	v19 =	vadd.s32 s14, v7;
	v12 =	vld.idx.msk [tilespmem:v21+s21+$0x0], $0xffff;
	[tilespmem:s11+$0xFFFFFC60] =	vst v20  }
0x214: {  	v18 =	vadd.s32 s18, v7;
	[tilespmem:s11+$0xFFFFFCF0] =	vst v16;
	v10 =	vld.idx.msk [tilespmem:v14+s21+$0x0], $0xffff  }
0x215: {  	v11 =	vld.idx.msk [tilespmem:v24+s21+$0x0], $0xffff;
	[tilespmem:s11+$0x0] =	vst v17;
	v17 =	vadd.s32 s15, v7  }
0x216: {  	v16 =	vadd.s32 s19, v7;
	[tilespmem:s11+$0xFFFFFD70] =	vst v22;
	v9 =	vld.idx.msk [tilespmem:v9+s21+$0x0], $0xffff  }
0x217: {  	s14 =	simm.s32 $0xF;
	v15 =	vadd.s32 s5, v7;
	s15 =	simm.s32 $0x10;
	v14 =	vld.idx.msk [tilespmem:v25+s21+$0x0], $0xffff;
	[tilespmem:s11+$0xFFFFFDF0] =	vst v23  }
.LBB2_9:
0x218: {  	p2 =	slt.u32 s15, $0x38;
	s16 =	sadd.s32 $0x1, s10;
	v20 =	vadd.s32 s14, v0;
	v19 =	vld.idx.msk [tilespmem:v19+s21+$0x0], $0xffff;
	[tilespmem:s11+$0xFFFFFE70] =	vst v13  }
0x219: {  	s17 =	sadd.s32 $0x2, s10;
	v13 =	vadd.s32 s16, v0;
	v18 =	vld.idx.msk [tilespmem:v18+s21+$0x0], $0xffff;
	[tilespmem:s11+$0xFFFFFEF0] =	vst v12  }
0x21a: {  	s18 =	sadd.s32 $0x3, s10;
	v12 =	vadd.s32 s17, v0;
	v17 =	vld.idx.msk [tilespmem:v17+s21+$0x0], $0xffff;
	[tilespmem:s11+$0xFFFFFF70] =	vst v10  }
0x21b: {  	s5 =	sadd.s32 $0x4, s10;
	v10 =	vadd.s32 s18, v0;
	[tilespmem:s11+$0xFFFFFC70] =	vst v9;
	v9 =	vld.idx.msk [tilespmem:v16+s21+$0x0], $0xffff  }
0x21c: {  	s19 =	sadd.s32 $0x5, s10;
	v16 =	vadd.s32 s5, v0;
	v15 =	vld.idx.msk [tilespmem:v15+s21+$0x0], $0xffff;
	[tilespmem:s11+$0xFFFFFD00] =	vst v11  }
0x21d: {  	s6 =	sadd.s32 $0x6, s10;
	v11 =	vadd.s32 s19, v0;
	v20 =	vld.idx.msk [tilespmem:v20+s21+$0x0], $0xffff;
	[tilespmem:s11+$0xFFFFFD80] =	vst v14  }
0x21e: {  	v14 =	vadd.s32 s6, v0;
	v13 =	vld.idx.msk [tilespmem:v13+s21+$0x0], $0xffff;
	[tilespmem:s11+$0xFFFFFE00] =	vst v19  }
0x21f: {  	v19 =	vadd.s32 s14, v1;
	v12 =	vld.idx.msk [tilespmem:v12+s21+$0x0], $0xffff;
	[tilespmem:s11+$0xFFFFFE80] =	vst v18  }
0x220: {  	v18 =	vadd.s32 s16, v1;
	v10 =	vld.idx.msk [tilespmem:v10+s21+$0x0], $0xffff;
	[tilespmem:s11+$0xFFFFFF00] =	vst v17  }
0x221: {  	v17 =	vadd.s32 s17, v1;
	v16 =	vld.idx.msk [tilespmem:v16+s21+$0x0], $0xffff;
	[tilespmem:s11+$0xFFFFFF80] =	vst v9  }
0x222: {  	v9 =	vadd.s32 s18, v1;
	v11 =	vld.idx.msk [tilespmem:v11+s21+$0x0], $0xffff;
	[tilespmem:s11+$0xFFFFFC80] =	vst v15;
	s11 =	sadd.s32 $0x400, s11  }
0x223: {  	v15 =	vadd.s32 s5, v1;
	v14 =	vld.idx.msk [tilespmem:v14+s21+$0x0], $0xffff;
	[tilespmem:s11+$0xFFFFFF90] =	vst v20  }
0x224: {  	[tilespmem:s11+$0xFFFFFC90] =	vst v13;
	v13 =	vadd.s32 s19, v1;
	v19 =	vld.idx.msk [tilespmem:v19+s21+$0x0], $0xffff  }
0x225: {  	v18 =	vld.idx.msk [tilespmem:v18+s21+$0x0], $0xffff;
	[tilespmem:s11+$0xFFFFFD10] =	vst v12;
	v12 =	vadd.s32 s6, v1  }
0x226: {  	v17 =	vld.idx.msk [tilespmem:v17+s21+$0x0], $0xffff;
	[tilespmem:s11+$0xFFFFFD90] =	vst v10;
	v10 =	vadd.s32 s14, v2  }
0x227: {  	v20 =	vadd.s32 s10, v1;
	v9 =	vld.idx.msk [tilespmem:v9+s21+$0x0], $0xffff;
	[tilespmem:s11+$0xFFFFFE10] =	vst v16  }
0x228: {  	v16 =	vadd.s32 s16, v2;
	v15 =	vld.idx.msk [tilespmem:v15+s21+$0x0], $0xffff;
	[tilespmem:s11+$0xFFFFFE90] =	vst v11  }
0x229: {  	v11 =	vadd.s32 s17, v2;
	v13 =	vld.idx.msk [tilespmem:v13+s21+$0x0], $0xffff;
	[tilespmem:s11+$0xFFFFFF10] =	vst v14  }
0x22a: {  	v14 =	vadd.s32 s18, v2;
	v12 =	vld.idx.msk [tilespmem:v12+s21+$0x0], $0xffff;
	[tilespmem:s11+$0xFFFFFFA0] =	vst v19  }
0x22b: {  	[tilespmem:s11+$0xFFFFFC10] =	vst v8;
	v8 =	vadd.s32 s5, v2;
	v10 =	vld.idx.msk [tilespmem:v10+s21+$0x0], $0xffff  }
0x22c: {  	v19 =	vld.idx.msk [tilespmem:v20+s21+$0x0], $0xffff;
	[tilespmem:s11+$0xFFFFFCA0] =	vst v18;
	v18 =	vadd.s32 s19, v2  }
0x22d: {  	v16 =	vld.idx.msk [tilespmem:v16+s21+$0x0], $0xffff;
	[tilespmem:s11+$0xFFFFFD20] =	vst v17;
	v17 =	vadd.s32 s14, v3  }
0x22e: {  	v11 =	vld.idx.msk [tilespmem:v11+s21+$0x0], $0xffff;
	[tilespmem:s11+$0xFFFFFDA0] =	vst v9;
	v9 =	vadd.s32 s6, v2  }
0x22f: {  	v20 =	vadd.s32 s10, v2;
	v14 =	vld.idx.msk [tilespmem:v14+s21+$0x0], $0xffff;
	[tilespmem:s11+$0xFFFFFE20] =	vst v15  }
0x230: {  	v15 =	vadd.s32 s16, v3;
	v8 =	vld.idx.msk [tilespmem:v8+s21+$0x0], $0xffff;
	[tilespmem:s11+$0xFFFFFEA0] =	vst v13  }
0x231: {  	v13 =	vadd.s32 s17, v3;
	v18 =	vld.idx.msk [tilespmem:v18+s21+$0x0], $0xffff;
	[tilespmem:s11+$0xFFFFFFB0] =	vst v10  }
0x232: {  	v10 =	vadd.s32 s18, v3;
	[tilespmem:s11+$0xFFFFFF20] =	vst v12;
	v12 =	vld.idx.msk [tilespmem:v17+s21+$0x0], $0xffff  }
0x233: {  	v17 =	vadd.s32 s5, v3;
	[tilespmem:s11+$0xFFFFFC20] =	vst v19;
	v9 =	vld.idx.msk [tilespmem:v9+s21+$0x0], $0xffff  }
0x234: {  	v19 =	vld.idx.msk [tilespmem:v20+s21+$0x0], $0xffff;
	[tilespmem:s11+$0xFFFFFCB0] =	vst v16;
	v16 =	vadd.s32 s14, v4  }
0x235: {  	v15 =	vld.idx.msk [tilespmem:v15+s21+$0x0], $0xffff;
	[tilespmem:s11+$0xFFFFFD30] =	vst v11;
	v11 =	vadd.s32 s19, v3  }
0x236: {  	v13 =	vld.idx.msk [tilespmem:v13+s21+$0x0], $0xffff;
	[tilespmem:s11+$0xFFFFFDB0] =	vst v14;
	v14 =	vadd.s32 s6, v3  }
0x237: {  	v20 =	vadd.s32 s10, v3;
	v10 =	vld.idx.msk [tilespmem:v10+s21+$0x0], $0xffff;
	[tilespmem:s11+$0xFFFFFE30] =	vst v8  }
0x238: {  	v8 =	vadd.s32 s16, v4;
	v17 =	vld.idx.msk [tilespmem:v17+s21+$0x0], $0xffff;
	[tilespmem:s11+$0xFFFFFFC0] =	vst v12  }
0x239: {  	v12 =	vadd.s32 s17, v4;
	[tilespmem:s11+$0xFFFFFEB0] =	vst v18;
	v16 =	vld.idx.msk [tilespmem:v16+s21+$0x0], $0xffff  }
0x23a: {  	v18 =	vadd.s32 s18, v4;
	v11 =	vld.idx.msk [tilespmem:v11+s21+$0x0], $0xffff;
	[tilespmem:s11+$0xFFFFFF30] =	vst v9  }
0x23b: {  	[tilespmem:s11+$0xFFFFFC30] =	vst v19;
	v9 =	vld.idx.msk [tilespmem:v14+s21+$0x0], $0xffff;
	v14 =	vadd.s32 s14, v5  }
0x23c: {  	v19 =	vld.idx.msk [tilespmem:v20+s21+$0x0], $0xffff;
	[tilespmem:s11+$0xFFFFFCC0] =	vst v15;
	v15 =	vadd.s32 s5, v4  }
0x23d: {  	v8 =	vld.idx.msk [tilespmem:v8+s21+$0x0], $0xffff;
	[tilespmem:s11+$0xFFFFFD40] =	vst v13;
	v13 =	vadd.s32 s19, v4  }
0x23e: {  	v12 =	vld.idx.msk [tilespmem:v12+s21+$0x0], $0xffff;
	[tilespmem:s11+$0xFFFFFDC0] =	vst v10;
	v10 =	vadd.s32 s6, v4  }
0x23f: {  	v20 =	vadd.s32 s10, v4;
	v18 =	vld.idx.msk [tilespmem:v18+s21+$0x0], $0xffff;
	[tilespmem:s11+$0xFFFFFFD0] =	vst v16  }
0x240: {  	v16 =	vadd.s32 s16, v5;
	[tilespmem:s11+$0xFFFFFE40] =	vst v17;
	v14 =	vld.idx.msk [tilespmem:v14+s21+$0x0], $0xffff  }
0x241: {  	v17 =	vadd.s32 s17, v5;
	v15 =	vld.idx.msk [tilespmem:v15+s21+$0x0], $0xffff;
	[tilespmem:s11+$0xFFFFFEC0] =	vst v11  }
0x242: {  	v11 =	vld.idx.msk [tilespmem:v13+s21+$0x0], $0xffff;
	[tilespmem:s11+$0xFFFFFF40] =	vst v9;
	v9 =	vadd.s32 s14, v6  }
0x243: {  	v13 =	vadd.s32 s18, v5;
	[tilespmem:s11+$0xFFFFFC40] =	vst v19;
	v10 =	vld.idx.msk [tilespmem:v10+s21+$0x0], $0xffff  }
0x244: {  	v19 =	vld.idx.msk [tilespmem:v20+s21+$0x0], $0xffff;
	[tilespmem:s11+$0xFFFFFCD0] =	vst v8;
	v8 =	vadd.s32 s5, v5  }
0x245: {  	v16 =	vld.idx.msk [tilespmem:v16+s21+$0x0], $0xffff;
	[tilespmem:s11+$0xFFFFFD50] =	vst v12;
	v12 =	vadd.s32 s19, v5  }
0x246: {  	v20 =	vadd.s32 s6, v5;
	v17 =	vld.idx.msk [tilespmem:v17+s21+$0x0], $0xffff;
	[tilespmem:s11+$0xFFFFFFE0] =	vst v14  }
0x247: {  	v14 =	vadd.s32 s10, v5;
	[tilespmem:s11+$0xFFFFFDD0] =	vst v18;
	v9 =	vld.idx.msk [tilespmem:v9+s21+$0x0], $0xffff  }
0x248: {  	v18 =	vadd.s32 s16, v6;
	v13 =	vld.idx.msk [tilespmem:v13+s21+$0x0], $0xffff;
	[tilespmem:s11+$0xFFFFFE50] =	vst v15  }
0x249: {  	v8 =	vld.idx.msk [tilespmem:v8+s21+$0x0], $0xffff;
	[tilespmem:s11+$0xFFFFFED0] =	vst v11;
	v11 =	vadd.s32 s14, v7  }
0x24a: {  	v15 =	vadd.s32 s17, v6;
	v12 =	vld.idx.msk [tilespmem:v12+s21+$0x0], $0xffff;
	[tilespmem:s11+$0xFFFFFF50] =	vst v10  }
0x24b: {  	v10 =	vadd.s32 s18, v6;
	[tilespmem:s11+$0xFFFFFC50] =	vst v19;
	v19 =	vld.idx.msk [tilespmem:v20+s21+$0x0], $0xffff  }
0x24c: {  	v14 =	vld.idx.msk [tilespmem:v14+s21+$0x0], $0xffff;
	[tilespmem:s11+$0xFFFFFCE0] =	vst v16;
	v16 =	vadd.s32 s5, v6  }
0x24d: {  	v20 =	vld.idx.msk [tilespmem:v18+s21+$0x0], $0xffff;
	v18 =	vadd.s32 s19, v6;
	[tilespmem:s11+$0xFFFFFFF0] =	vst v9  }
0x24e: {  	v9 =	vadd.s32 s6, v6;
	[tilespmem:s11+$0xFFFFFD60] =	vst v17;
	v11 =	vld.idx.msk [tilespmem:v11+s21+$0x0], $0xffff  }
0x24f: {  	v17 =	vadd.s32 s10, v6;
	v15 =	vld.idx.msk [tilespmem:v15+s21+$0x0], $0xffff;
	[tilespmem:s11+$0xFFFFFDE0] =	vst v13  }
0x250: {  	v21 =	vadd.s32 s15, v0;
	v22 =	vld.idx.msk [tilespmem:v10+s21+$0x0], $0xffff;
	[tilespmem:s11+$0xFFFFFE60] =	vst v8  }
0x251: {  	v23 =	vadd.s32 s16, v7;
	v13 =	vld.idx.msk [tilespmem:v16+s21+$0x0], $0xffff;
	[tilespmem:s11+$0xFFFFFEE0] =	vst v12  }
0x252: {  	v24 =	vadd.s32 s17, v7;
	v12 =	vld.idx.msk [tilespmem:v18+s21+$0x0], $0xffff;
	[tilespmem:s11+$0xFFFFFF60] =	vst v19  }
.Ltmp3:
0x253: {  	v19 =	vadd.s32 s18, v7;
	[tilespmem:s11+$0xFFFFFC60] =	vst v14;
	v10 =	vld.idx.msk [tilespmem:v9+s21+$0x0], $0xffff;
	(pc) =	sbr.rel @p2 .LBB2_9-.Ltmp3, $4  }
0x254: {  	v18 =	vadd.s32 s5, v7;
	v9 =	vld.idx.msk [tilespmem:v17+s21+$0x0], $0xffff;
	[tilespmem:s11+$0x0] =	vst v11  }
0x255: {  	v17 =	vadd.s32 s19, v7;
	v8 =	vld.idx.msk [tilespmem:v21+s21+$0x0], $0xffff;
	[tilespmem:s11+$0xFFFFFCF0] =	vst v20  }
0x256: {  	v16 =	vadd.s32 s6, v7;
	v11 =	vld.idx.msk [tilespmem:v23+s21+$0x0], $0xffff;
	[tilespmem:s11+$0xFFFFFD70] =	vst v15  }
0x257: {  	s14 =	sadd.s32 $0x7, s15;
	v15 =	vadd.s32 s10, v7;
	s10 =	smov.u32 s15;
	s15 =	sadd.s32 $0x8, s15;
	v14 =	vld.idx.msk [tilespmem:v24+s21+$0x0], $0xffff;
	[tilespmem:s11+$0xFFFFFDF0] =	vst v22  }
0x258: {  	_ =	sdelay $0x1  }
0x259: {  	[tilespmem:s11+$0xFFFFFE70] =	vst v13  }
0x25a: {  	[tilespmem:s11+$0xFFFFFEF0] =	vst v12  }
0x25b: {  	s6 =	sadd.s32 $0x1, s10;
	v13 =	vadd.s32 s14, v0;
	v19 =	vld.idx.msk [tilespmem:v19+s21+$0x0], $0xffff;
	[tilespmem:s11+$0xFFFFFF70] =	vst v10  }
0x25c: {  	s8 =	sadd.s32 $0x2, s10;
	s5 =	sadd.s32 $0x400, s11;
	v12 =	vadd.s32 s6, v0;
	v18 =	vld.idx.msk [tilespmem:v18+s21+$0x0], $0xffff;
	[tilespmem:s11+$0xFFFFFC70] =	vst v9  }
0x25d: {  	s15 =	sadd.s32 $0x3, s10;
	v10 =	vadd.s32 s8, v0;
	v17 =	vld.idx.msk [tilespmem:v17+s21+$0x0], $0xffff;
	[tilespmem:s5+$0xFFFFFC10] =	vst v8  }
0x25e: {  	s16 =	sadd.s32 $0x4, s10;
	v9 =	vadd.s32 s15, v0;
	v16 =	vld.idx.msk [tilespmem:v16+s21+$0x0], $0xffff;
	[tilespmem:s11+$0xFFFFFD00] =	vst v11  }
0x25f: {  	s17 =	sadd.s32 $0x5, s10;
	v15 =	vld.idx.msk [tilespmem:v15+s21+$0x0], $0xffff;
	v11 =	vadd.s32 s16, v0;
	[tilespmem:s11+$0xFFFFFD80] =	vst v14  }
0x260: {  	s18 =	sadd.s32 $0x6, s10;
	v14 =	vadd.s32 s17, v0;
	v13 =	vld.idx.msk [tilespmem:v13+s21+$0x0], $0xffff;
	[tilespmem:s11+$0xFFFFFE00] =	vst v19  }
0x261: {  	v19 =	vadd.s32 s18, v0;
	v12 =	vld.idx.msk [tilespmem:v12+s21+$0x0], $0xffff;
	[tilespmem:s11+$0xFFFFFE80] =	vst v18  }
0x262: {  	v10 =	vld.idx.msk [tilespmem:v10+s21+$0x0], $0xffff;
	v18 =	vadd.s32 s14, v1;
	[tilespmem:s11+$0xFFFFFF00] =	vst v17  }
0x263: {  	v9 =	vld.idx.msk [tilespmem:v9+s21+$0x0], $0xffff;
	[tilespmem:s11+$0xFFFFFF80] =	vst v16;
	v16 =	vadd.s32 s6, v1  }
0x264: {  	[tilespmem:s11+$0xFFFFFC80] =	vst v15;
	v15 =	vadd.s32 s8, v1;
	v11 =	vld.idx.msk [tilespmem:v11+s21+$0x0], $0xffff  }
0x265: {  	v14 =	vld.idx.msk [tilespmem:v14+s21+$0x0], $0xffff;
	[tilespmem:s5+$0xFFFFFF90] =	vst v13;
	v13 =	vadd.s32 s15, v1  }
0x266: {  	v17 =	vld.idx.msk [tilespmem:v19+s21+$0x0], $0xffff;
	[tilespmem:s5+$0xFFFFFC90] =	vst v12;
	v12 =	vadd.s32 s16, v1  }
0x267: {  	v18 =	vld.idx.msk [tilespmem:v18+s21+$0x0], $0xffff;
	[tilespmem:s5+$0xFFFFFD10] =	vst v10;
	v10 =	vadd.s32 s17, v1  }
0x268: {  	[tilespmem:s5+$0xFFFFFD90] =	vst v9;
	v9 =	vld.idx.msk [tilespmem:v16+s21+$0x0], $0xffff;
	v16 =	vadd.s32 s14, v2  }
0x269: {  	v15 =	vld.idx.msk [tilespmem:v15+s21+$0x0], $0xffff;
	[tilespmem:s5+$0xFFFFFE10] =	vst v11;
	v11 =	vadd.s32 s18, v1  }
0x26a: {  	[tilespmem:s5+$0xFFFFFE90] =	vst v14;
	v14 =	vadd.s32 s10, v1;
	v13 =	vld.idx.msk [tilespmem:v13+s21+$0x0], $0xffff  }
0x26b: {  	[tilespmem:s5+$0xFFFFFF10] =	vst v17;
	v17 =	vadd.s32 s6, v2;
	v12 =	vld.idx.msk [tilespmem:v12+s21+$0x0], $0xffff  }
0x26c: {  	[tilespmem:s5+$0xFFFFFFA0] =	vst v18;
	v18 =	vadd.s32 s8, v2;
	v10 =	vld.idx.msk [tilespmem:v10+s21+$0x0], $0xffff  }
0x26d: {  	v8 =	vadd.s32 s15, v2;
	v16 =	vld.idx.msk [tilespmem:v16+s21+$0x0], $0xffff;
	[tilespmem:s5+$0xFFFFFCA0] =	vst v9  }
0x26e: {  	[tilespmem:s5+$0xFFFFFD20] =	vst v15;
	v9 =	vld.idx.msk [tilespmem:v11+s21+$0x0], $0xffff;
	v11 =	vadd.s32 s16, v2  }
0x26f: {  	v15 =	vadd.s32 s14, v3;
	v14 =	vld.idx.msk [tilespmem:v14+s21+$0x0], $0xffff;
	[tilespmem:s5+$0xFFFFFDA0] =	vst v13  }
0x270: {  	v13 =	vadd.s32 s17, v2;
	v17 =	vld.idx.msk [tilespmem:v17+s21+$0x0], $0xffff;
	[tilespmem:s5+$0xFFFFFE20] =	vst v12  }
0x271: {  	v12 =	vld.idx.msk [tilespmem:v18+s21+$0x0], $0xffff;
	v18 =	vadd.s32 s18, v2;
	[tilespmem:s5+$0xFFFFFEA0] =	vst v10  }
0x272: {  	v10 =	vadd.s32 s10, v2;
	v8 =	vld.idx.msk [tilespmem:v8+s21+$0x0], $0xffff;
	[tilespmem:s5+$0xFFFFFFB0] =	vst v16  }
0x273: {  	v16 =	vadd.s32 s6, v3;
	v11 =	vld.idx.msk [tilespmem:v11+s21+$0x0], $0xffff;
	[tilespmem:s5+$0xFFFFFF20] =	vst v9  }
0x274: {  	v9 =	vadd.s32 s8, v3;
	v15 =	vld.idx.msk [tilespmem:v15+s21+$0x0], $0xffff;
	[tilespmem:s5+$0xFFFFFC20] =	vst v14  }
0x275: {  	v14 =	vadd.s32 s15, v3;
	v13 =	vld.idx.msk [tilespmem:v13+s21+$0x0], $0xffff;
	[tilespmem:s5+$0xFFFFFCB0] =	vst v17  }
0x276: {  	v17 =	vld.idx.msk [tilespmem:v18+s21+$0x0], $0xffff;
	v18 =	vadd.s32 s14, v4;
	[tilespmem:s5+$0xFFFFFD30] =	vst v12  }
0x277: {  	v12 =	vadd.s32 s16, v3;
	v10 =	vld.idx.msk [tilespmem:v10+s21+$0x0], $0xffff;
	[tilespmem:s5+$0xFFFFFDB0] =	vst v8  }
0x278: {  	v8 =	vld.idx.msk [tilespmem:v16+s21+$0x0], $0xffff;
	v16 =	vadd.s32 s17, v3;
	[tilespmem:s5+$0xFFFFFE30] =	vst v11  }
0x279: {  	v9 =	vld.idx.msk [tilespmem:v9+s21+$0x0], $0xffff;
	v11 =	vadd.s32 s18, v3;
	[tilespmem:s5+$0xFFFFFFC0] =	vst v15  }
0x27a: {  	v15 =	vadd.s32 s10, v3;
	v14 =	vld.idx.msk [tilespmem:v14+s21+$0x0], $0xffff;
	[tilespmem:s5+$0xFFFFFEB0] =	vst v13  }
0x27b: {  	v13 =	vadd.s32 s6, v4;
	v18 =	vld.idx.msk [tilespmem:v18+s21+$0x0], $0xffff;
	[tilespmem:s5+$0xFFFFFF30] =	vst v17  }
0x27c: {  	v12 =	vld.idx.msk [tilespmem:v12+s21+$0x0], $0xffff;
	v17 =	vadd.s32 s8, v4;
	[tilespmem:s5+$0xFFFFFC30] =	vst v10  }
0x27d: {  	v10 =	vld.idx.msk [tilespmem:v16+s21+$0x0], $0xffff;
	v16 =	vadd.s32 s14, v5;
	[tilespmem:s5+$0xFFFFFCC0] =	vst v8  }
0x27e: {  	v8 =	vadd.s32 s15, v4;
	v11 =	vld.idx.msk [tilespmem:v11+s21+$0x0], $0xffff;
	[tilespmem:s5+$0xFFFFFD40] =	vst v9  }
0x27f: {  	v9 =	vld.idx.msk [tilespmem:v15+s21+$0x0], $0xffff;
	v15 =	vadd.s32 s16, v4;
	[tilespmem:s5+$0xFFFFFDC0] =	vst v14  }
0x280: {  	v14 =	vadd.s32 s17, v4;
	v13 =	vld.idx.msk [tilespmem:v13+s21+$0x0], $0xffff;
	[tilespmem:s5+$0xFFFFFFD0] =	vst v18  }
0x281: {  	v17 =	vld.idx.msk [tilespmem:v17+s21+$0x0], $0xffff;
	v18 =	vadd.s32 s18, v4;
	[tilespmem:s5+$0xFFFFFE40] =	vst v12  }
0x282: {  	v12 =	vadd.s32 s10, v4;
	v16 =	vld.idx.msk [tilespmem:v16+s21+$0x0], $0xffff;
	[tilespmem:s5+$0xFFFFFEC0] =	vst v10  }
0x283: {  	v8 =	vld.idx.msk [tilespmem:v8+s21+$0x0], $0xffff;
	v10 =	vadd.s32 s6, v5;
	[tilespmem:s5+$0xFFFFFF40] =	vst v11  }
0x284: {  	v11 =	vld.idx.msk [tilespmem:v15+s21+$0x0], $0xffff;
	v15 =	vadd.s32 s14, v6;
	[tilespmem:s5+$0xFFFFFC40] =	vst v9  }
0x285: {  	v9 =	vadd.s32 s8, v5;
	v14 =	vld.idx.msk [tilespmem:v14+s21+$0x0], $0xffff;
	[tilespmem:s5+$0xFFFFFCD0] =	vst v13  }
0x286: {  	v13 =	vadd.s32 s15, v5;
	v18 =	vld.idx.msk [tilespmem:v18+s21+$0x0], $0xffff;
	[tilespmem:s5+$0xFFFFFD50] =	vst v17  }
0x287: {  	v12 =	vld.idx.msk [tilespmem:v12+s21+$0x0], $0xffff;
	v17 =	vadd.s32 s16, v5;
	[tilespmem:s5+$0xFFFFFFE0] =	vst v16  }
0x288: {  	v10 =	vld.idx.msk [tilespmem:v10+s21+$0x0], $0xffff;
	v16 =	vadd.s32 s17, v5;
	[tilespmem:s5+$0xFFFFFDD0] =	vst v8  }
0x289: {  	v8 =	vadd.s32 s18, v5;
	v15 =	vld.idx.msk [tilespmem:v15+s21+$0x0], $0xffff;
	[tilespmem:s5+$0xFFFFFE50] =	vst v11  }
0x28a: {  	v9 =	vld.idx.msk [tilespmem:v9+s21+$0x0], $0xffff;
	v11 =	vadd.s32 s10, v5;
	[tilespmem:s5+$0xFFFFFED0] =	vst v14  }
0x28b: {  	v14 =	vadd.s32 s14, v7;
	v13 =	vld.idx.msk [tilespmem:v13+s21+$0x0], $0xffff;
	[tilespmem:s5+$0xFFFFFF50] =	vst v18  }
0x28c: {  	v18 =	vadd.s32 s6, v6;
	v17 =	vld.idx.msk [tilespmem:v17+s21+$0x0], $0xffff;
	[tilespmem:s5+$0xFFFFFC50] =	vst v12  }
0x28d: {  	v12 =	vadd.s32 s8, v6;
	v16 =	vld.idx.msk [tilespmem:v16+s21+$0x0], $0xffff;
	[tilespmem:s5+$0xFFFFFCE0] =	vst v10  }
0x28e: {  	v10 =	vadd.s32 s15, v6;
	v8 =	vld.idx.msk [tilespmem:v8+s21+$0x0], $0xffff;
	[tilespmem:s5+$0xFFFFFFF0] =	vst v15  }
0x28f: {  	v11 =	vld.idx.msk [tilespmem:v11+s21+$0x0], $0xffff;
	v15 =	vadd.s32 s16, v6;
	[tilespmem:s5+$0xFFFFFD60] =	vst v9  }
0x290: {  	v9 =	vadd.s32 s17, v6;
	v14 =	vld.idx.msk [tilespmem:v14+s21+$0x0], $0xffff;
	[tilespmem:s5+$0xFFFFFDE0] =	vst v13  }
0x291: {  	v13 =	vld.idx.msk [tilespmem:v18+s21+$0x0], $0xffff;
	v18 =	vadd.s32 s18, v6;
	[tilespmem:s5+$0xFFFFFE60] =	vst v17  }
0x292: {  	v17 =	vadd.s32 s10, v6;
	v12 =	vld.idx.msk [tilespmem:v12+s21+$0x0], $0xffff;
	[tilespmem:s5+$0xFFFFFEE0] =	vst v16  }
0x293: {  	v10 =	vld.idx.msk [tilespmem:v10+s21+$0x0], $0xffff;
	v16 =	vadd.s32 s6, v7;
	[tilespmem:s5+$0xFFFFFF60] =	vst v8  }
0x294: {  	v8 =	vld.idx.msk [tilespmem:v15+s21+$0x0], $0xffff;
	v15 =	vadd.s32 s8, v7;
	[tilespmem:s5+$0xFFFFFC60] =	vst v11  }
0x295: {  	v9 =	vld.idx.msk [tilespmem:v9+s21+$0x0], $0xffff;
	v11 =	vadd.s32 s15, v7;
	[tilespmem:s5+$0x0] =	vst v14  }
0x296: {  	v14 =	vld.idx.msk [tilespmem:v18+s21+$0x0], $0xffff;
	v18 =	vadd.s32 s16, v7;
	[tilespmem:s5+$0xFFFFFCF0] =	vst v13  }
0x297: {  	v13 =	vld.idx.msk [tilespmem:v17+s21+$0x0], $0xffff;
	v17 =	vadd.s32 s17, v7;
	[tilespmem:s5+$0xFFFFFD70] =	vst v12  }
0x298: {  	v12 =	vld.idx.msk [tilespmem:v16+s21+$0x0], $0xffff;
	v16 =	vadd.s32 s18, v7;
	[tilespmem:s5+$0xFFFFFDF0] =	vst v10  }
0x299: {  	v10 =	vadd.s32 s10, v7;
	v15 =	vld.idx.msk [tilespmem:v15+s21+$0x0], $0xffff;
	[tilespmem:s5+$0xFFFFFE70] =	vst v8  }
0x29a: {  	v8 =	vld.idx.msk [tilespmem:v11+s21+$0x0], $0xffff;
	[tilespmem:s5+$0xFFFFFEF0] =	vst v9  }
0x29b: {  	v9 =	vld.idx.msk [tilespmem:v18+s21+$0x0], $0xffff;
	[tilespmem:s5+$0xFFFFFF70] =	vst v14  }
0x29c: {  	v11 =	vld.idx.msk [tilespmem:v17+s21+$0x0], $0xffff;
	[tilespmem:s5+$0xFFFFFC70] =	vst v13  }
0x29d: {  	v13 =	vld.idx.msk [tilespmem:v16+s21+$0x0], $0xffff;
	[tilespmem:s5+$0xFFFFFD00] =	vst v12  }
0x29e: {  	v10 =	vld.idx.msk [tilespmem:v10+s21+$0x0], $0xffff;
	[tilespmem:s5+$0xFFFFFD80] =	vst v15  }
0x29f: {  	[tilespmem:s5+$0xFFFFFE00] =	vst v8  }
0x2a0: {  	s15 =	sshll.u32 s31, $0x14;
	[tilespmem:s5+$0xFFFFFE80] =	vst v9  }
0x2a1: {  	s6 =	sor.u32 s7, s15;
	[tilespmem:s5+$0xFFFFFF00] =	vst v11  }
0x2a2: {  	s6 =	sshrl.u32 s6, $0x3;
	[tilespmem:s5+$0xFFFFFF80] =	vst v13  }
0x2a3: {  	s16 =	sadd.s32 s2, s6;
	[tilespmem:s5+$0xFFFFFC80] =	vst v10  }
0x2a4: {  	[hbm4b:s16+s22] =	stream.strided.scatter [tilespmem:s24], [sflag:$0x4], $0x4000, s23, s22, $0x38;
	[tilespmem:$0x1BA80] =	vst v63  }
0x2a5: {  	_ =	swait.ge [sflag:s25], $0x2000  }
0x2a6: {  	[sflag:s25] =	ssyncset.done $0x0  }
0x2a7: {  	[sflag:s25] =	ssyncadd.s32 $0xFFFFE000  }
0x2a8: {  	_ =	swait.ge [sflag:s25], $0x2000  }
0x2a9: {  	[sflag:s25] =	ssyncset.done $0x0  }
0x2aa: {  	s17 =	sshll.u32 s31, $0x2;
	s6 =	simm.s32 @!p1 $0x5;
	[sflag:s25] =	ssyncadd.s32 $0xFFFFE000  }
0x2ab: {  	s10 =	sor.u32 $0x2, s17;
	_ =	swait.ge @!p1 [sflag:s6], $0x4000  }
0x2ac: {  	s5 =	sshll.u32 s10, $0x6;
	[sflag:s6] =	ssyncset.done @!p1 $0x0  }
0x2ad: {  	s18 =	sand.u32 $0x3FFFFFC0, s5;
	[sflag:s6] =	ssyncadd.s32 @!p1 $0xFFFFC000  }
0x2ae: {  	v10 =	vld [tilespmem:s18+$0x18880]  }
0x2af: {  	s19 =	simm.s32 $0xA500;
	v11 =	vld [tilespmem:s18+$0x18890]  }
0x2b0: {  	v12 =	vld [tilespmem:s19+$0xC0]  }
0x2b1: {  	v13 =	vld [tilespmem:s19+$0xFFFFFF40]  }
0x2b2: {  	v9 =	vld [tilespmem:s18+$0x188A0]  }
0x2b3: {  	v14 =	vld [tilespmem:s19+$0xFFFFFF80]  }
0x2b4: {  	v15 =	vld [tilespmem:s19+$0xFFFFFFC0]  }
0x2b5: {  	v16 =	vld [tilespmem:s19+$0x0];
	v12 =	vmul.f32 $8.000000000e+00, v12  }
0x2b6: {  	v17 =	vld [tilespmem:s19+$0x40];
	v13 =	vmul.f32 $8.000000000e+00, v13  }
0x2b7: {  	v18 =	vld [tilespmem:s19+$0x80];
	v12 =	vadd.f32 v12, v10  }
0x2b8: {  	s11 =	simm.s32 $0xE524;
	v19 =	vld [tilespmem:s19+$0xFFFFFF00];
	v14 =	vmul.f32 $8.000000000e+00, v14;
	v13 =	vadd.f32 v13, v10  }
0x2b9: {  	v8 =	vld [tilespmem:s18+$0x188B0];
	[tilespmem:s11+$0xDB] =	vst v12;
	v12 =	vmul.f32 $8.000000000e+00, v15  }
0x2ba: {  	v14 =	vadd.f32 v14, v10;
	[tilespmem:s11+$0xFFFFFF25] =	vst v13;
	v15 =	vmul.f32 $8.000000000e+00, v16;
	v13 =	vld [tilespmem:s19+$0xD0]  }
0x2bb: {  	v17 =	vmul.f32 $8.000000000e+00, v17;
	v16 =	vld [tilespmem:s19+$0xFFFFFF50];
	v12 =	vadd.f32 v12, v10  }
0x2bc: {  	[tilespmem:s11+$0xFFFFFF6E] =	vst v14;
	v14 =	vadd.f32 v15, v10;
	v15 =	vmul.f32 $8.000000000e+00, v18  }
0x2bd: {  	v18 =	vmul.f32 $8.000000000e+00, v19;
	v19 =	vld [tilespmem:s19+$0xFFFFFF90];
	[tilespmem:s11+$0xFFFFFFB7] =	vst v12;
	v12 =	vadd.f32 v17, v10  }
0x2be: {  	[tilespmem:s11+$0x0] =	vst v14;
	v14 =	vadd.f32 v15, v10;
	v17 =	vld [tilespmem:s19+$0xFFFFFFD0]  }
0x2bf: {  	v15 =	vadd.f32 v18, v10;
	v18 =	vld [tilespmem:s19+$0x10];
	v13 =	vmul.f32 $8.000000000e+00, v13;
	[tilespmem:s11+$0x49] =	vst v12  }
0x2c0: {  	v12 =	vmul.f32 $8.000000000e+00, v16;
	[tilespmem:s11+$0x92] =	vst v14;
	v16 =	vld [tilespmem:s19+$0x50]  }
0x2c1: {  	[tilespmem:s11+$0xFFFFFEDC] =	vst v15;
	v14 =	vld [tilespmem:s19+$0x90];
	v13 =	vadd.f32 v13, v11  }
0x2c2: {  	v15 =	vld [tilespmem:s19+$0xFFFFFF10];
	v19 =	vmul.f32 $8.000000000e+00, v19;
	v12 =	vadd.f32 v12, v11  }
0x2c3: {  	[tilespmem:s11+$0xEB] =	vst v13;
	v13 =	vmul.f32 $8.000000000e+00, v17  }
0x2c4: {  	[tilespmem:s11+$0xFFFFFF35] =	vst v12;
	v17 =	vadd.f32 v19, v11;
	v18 =	vmul.f32 $8.000000000e+00, v18;
	v12 =	vld [tilespmem:s19+$0xE0]  }
0x2c5: {  	v19 =	vld [tilespmem:s19+$0xFFFFFF60];
	v13 =	vadd.f32 v13, v11;
	v16 =	vmul.f32 $8.000000000e+00, v16  }
0x2c6: {  	[tilespmem:s11+$0xFFFFFF7E] =	vst v17;
	v17 =	vadd.f32 v18, v11;
	v14 =	vmul.f32 $8.000000000e+00, v14  }
0x2c7: {  	v15 =	vmul.f32 $8.000000000e+00, v15;
	v18 =	vld [tilespmem:s19+$0xFFFFFFA0];
	[tilespmem:s11+$0xFFFFFFC7] =	vst v13;
	v13 =	vadd.f32 v16, v11  }
0x2c8: {  	[tilespmem:s11+$0x10] =	vst v17;
	v14 =	vadd.f32 v14, v11;
	v16 =	vld [tilespmem:s19+$0xFFFFFFE0]  }
0x2c9: {  	v15 =	vadd.f32 v15, v11;
	v17 =	vld [tilespmem:s19+$0x20];
	v12 =	vmul.f32 $8.000000000e+00, v12;
	[tilespmem:s11+$0x59] =	vst v13  }
0x2ca: {  	v13 =	vmul.f32 $8.000000000e+00, v19;
	[tilespmem:s11+$0xA2] =	vst v14;
	v19 =	vld [tilespmem:s19+$0x60]  }
0x2cb: {  	[tilespmem:s11+$0xFFFFFEEC] =	vst v15;
	v14 =	vld [tilespmem:s19+$0xA0];
	v12 =	vadd.f32 v12, v9  }
0x2cc: {  	s14 =	simm.s32 $0xA700;
	v15 =	vld [tilespmem:s19+$0xFFFFFF20];
	v13 =	vadd.f32 v13, v9;
	v18 =	vmul.f32 $8.000000000e+00, v18  }
0x2cd: {  	v20 =	vld [tilespmem:s14+$0xC0];
	[tilespmem:s11+$0xFB] =	vst v12;
	v12 =	vmul.f32 $8.000000000e+00, v16  }
0x2ce: {  	[tilespmem:s11+$0xFFFFFF45] =	vst v13;
	v16 =	vadd.f32 v18, v9;
	v17 =	vmul.f32 $8.000000000e+00, v17;
	v13 =	vld [tilespmem:s19+$0xF0]  }
0x2cf: {  	v18 =	vld [tilespmem:s19+$0xFFFFFF70];
	v12 =	vadd.f32 v12, v9;
	v19 =	vmul.f32 $8.000000000e+00, v19  }
0x2d0: {  	[tilespmem:s11+$0xFFFFFF8E] =	vst v16;
	v16 =	vadd.f32 v17, v9;
	v14 =	vmul.f32 $8.000000000e+00, v14;
	v17 =	vld [tilespmem:s14+$0xFFFFFF40]  }
0x2d1: {  	v15 =	vmul.f32 $8.000000000e+00, v15;
	[tilespmem:s11+$0xFFFFFFD7] =	vst v12;
	v12 =	vadd.f32 v19, v9;
	v19 =	vld [tilespmem:s14+$0xFFFFFF80]  }
0x2d2: {  	v20 =	vmul.f32 $8.000000000e+00, v20;
	[tilespmem:s11+$0x20] =	vst v16;
	v14 =	vadd.f32 v14, v9;
	v16 =	vld [tilespmem:s14+$0xFFFFFFC0]  }
0x2d3: {  	v15 =	vadd.f32 v15, v9;
	v13 =	vmul.f32 $8.000000000e+00, v13;
	[tilespmem:s11+$0x69] =	vst v12;
	v12 =	vld [tilespmem:s14+$0x0]  }
0x2d4: {  	v20 =	vadd.f32 v20, v10;
	v18 =	vmul.f32 $8.000000000e+00, v18;
	[tilespmem:s11+$0xB2] =	vst v14;
	v14 =	vld [tilespmem:s14+$0x40]  }
0x2d5: {  	s15 =	simm.s32 $0xE76C;
	[tilespmem:s11+$0xFFFFFEFC] =	vst v15;
	v15 =	vmul.f32 $8.000000000e+00, v17;
	v17 =	vld [tilespmem:s14+$0x80];
	v13 =	vadd.f32 v13, v8  }
0x2d6: {  	v21 =	vld [tilespmem:s14+$0xFFFFFF00];
	[tilespmem:s15+$0xDB] =	vst v20;
	v18 =	vadd.f32 v18, v8;
	v19 =	vmul.f32 $8.000000000e+00, v19  }
0x2d7: {  	[tilespmem:s11+$0x10B] =	vst v13;
	v13 =	vadd.f32 v15, v10;
	v15 =	vmul.f32 $8.000000000e+00, v16;
	v16 =	vld [tilespmem:s19+$0xFFFFFF30]  }
0x2d8: {  	[tilespmem:s11+$0xFFFFFF55] =	vst v18;
	v18 =	vadd.f32 v19, v10;
	v12 =	vmul.f32 $8.000000000e+00, v12;
	v19 =	vld [tilespmem:s19+$0xFFFFFFB0]  }
0x2d9: {  	v14 =	vmul.f32 $8.000000000e+00, v14;
	[tilespmem:s15+$0xFFFFFF25] =	vst v13;
	v13 =	vadd.f32 v15, v10;
	v15 =	vld [tilespmem:s14+$0xD0]  }
0x2da: {  	v17 =	vmul.f32 $8.000000000e+00, v17;
	v20 =	vld [tilespmem:s14+$0xFFFFFF50];
	[tilespmem:s15+$0xFFFFFF6E] =	vst v18;
	v12 =	vadd.f32 v12, v10  }
0x2db: {  	v18 =	vmul.f32 $8.000000000e+00, v21;
	v21 =	vld [tilespmem:s14+$0xFFFFFF90];
	[tilespmem:s15+$0xFFFFFFB7] =	vst v13;
	v13 =	vadd.f32 v14, v10  }
0x2dc: {  	v14 =	vld [tilespmem:s14+$0xFFFFFFD0];
	[tilespmem:s15+$0x0] =	vst v12;
	v12 =	vadd.f32 v17, v10;
	v16 =	vmul.f32 $8.000000000e+00, v16  }
0x2dd: {  	v17 =	vadd.f32 v18, v10;
	v18 =	vld [tilespmem:s14+$0x10];
	[tilespmem:s15+$0x49] =	vst v13;
	v13 =	vmul.f32 $8.000000000e+00, v19  }
0x2de: {  	v19 =	vld [tilespmem:s14+$0x50];
	[tilespmem:s15+$0x92] =	vst v12;
	v12 =	vmul.f32 $8.000000000e+00, v15;
	v15 =	vadd.f32 v16, v8  }
0x2df: {  	[tilespmem:s15+$0xFFFFFEDC] =	vst v17;
	v16 =	vmul.f32 $8.000000000e+00, v20;
	v17 =	vld [tilespmem:s14+$0x90];
	v13 =	vadd.f32 v13, v8  }
0x2e0: {  	v20 =	vld [tilespmem:s14+$0xFFFFFF10];
	v21 =	vmul.f32 $8.000000000e+00, v21;
	v12 =	vadd.f32 v12, v11;
	[tilespmem:s11+$0xFFFFFF0C] =	vst v15  }
0x2e1: {  	v15 =	vadd.f32 v16, v11;
	v14 =	vmul.f32 $8.000000000e+00, v14;
	[tilespmem:s11+$0xFFFFFF9E] =	vst v13;
	v13 =	vld [tilespmem:s19+$0xFFFFFFF0]  }
0x2e2: {  	v16 =	vadd.f32 v21, v11;
	v18 =	vmul.f32 $8.000000000e+00, v18;
	[tilespmem:s15+$0xEB] =	vst v12;
	v12 =	vld [tilespmem:s19+$0x30]  }
0x2e3: {  	[tilespmem:s15+$0xFFFFFF35] =	vst v15;
	v14 =	vadd.f32 v14, v11;
	v15 =	vmul.f32 $8.000000000e+00, v19;
	v19 =	vld [tilespmem:s14+$0xE0]  }
0x2e4: {  	v21 =	vld [tilespmem:s14+$0xFFFFFF60];
	[tilespmem:s15+$0xFFFFFF7E] =	vst v16;
	v16 =	vadd.f32 v18, v11;
	v17 =	vmul.f32 $8.000000000e+00, v17  }
0x2e5: {  	v18 =	vmul.f32 $8.000000000e+00, v20;
	v20 =	vld [tilespmem:s14+$0xFFFFFFA0];
	[tilespmem:s15+$0xFFFFFFC7] =	vst v14;
	v14 =	vadd.f32 v15, v11  }
0x2e6: {  	v15 =	vld [tilespmem:s14+$0xFFFFFFE0];
	[tilespmem:s15+$0x10] =	vst v16;
	v16 =	vadd.f32 v17, v11;
	v13 =	vmul.f32 $8.000000000e+00, v13  }
0x2e7: {  	v17 =	vadd.f32 v18, v11;
	v18 =	vld [tilespmem:s14+$0x20];
	[tilespmem:s15+$0x59] =	vst v14;
	v12 =	vmul.f32 $8.000000000e+00, v12  }
0x2e8: {  	v22 =	vld [tilespmem:s14+$0x60];
	[tilespmem:s15+$0xA2] =	vst v16;
	v14 =	vmul.f32 $8.000000000e+00, v19;
	v16 =	vadd.f32 v13, v8  }
0x2e9: {  	[tilespmem:s15+$0xFFFFFEEC] =	vst v17;
	v17 =	vmul.f32 $8.000000000e+00, v21;
	v21 =	vld [tilespmem:s14+$0xA0];
	v12 =	vadd.f32 v12, v8  }
0x2ea: {  	v13 =	vld [tilespmem:s14+$0xFFFFFF20];
	v19 =	vmul.f32 $8.000000000e+00, v20;
	v20 =	vadd.f32 v14, v9;
	[tilespmem:s11+$0xFFFFFFE7] =	vst v16  }
0x2eb: {  	v14 =	vld [tilespmem:s19+$0x70];
	v16 =	vadd.f32 v17, v9;
	v17 =	vmul.f32 $8.000000000e+00, v15;
	[tilespmem:s11+$0x30] =	vst v12  }
0x2ec: {  	v15 =	vld [tilespmem:s19+$0xB0];
	v19 =	vadd.f32 v19, v9;
	v23 =	vmul.f32 $8.000000000e+00, v18;
	[tilespmem:s15+$0xFB] =	vst v20  }
0x2ed: {  	[tilespmem:s15+$0xFFFFFF45] =	vst v16;
	v17 =	vadd.f32 v17, v9;
	v16 =	vld [tilespmem:s14+$0xF0];
	v18 =	vmul.f32 $8.000000000e+00, v22  }
0x2ee: {  	s5 =	simm.s32 $0x8;
	s6 =	simm.s32 $0xA900;
	v12 =	vld [tilespmem:s14+$0xFFFFFF70];
	[tilespmem:s15+$0xFFFFFF8E] =	vst v19;
	v19 =	vadd.f32 v23, v9;
	v20 =	vmul.f32 $8.000000000e+00, v21  }
.LBB2_11:
0x2ef: {  	v21 =	vld [tilespmem:s6+$0xC0];
	s5 =	sadd.s32 $0x8, s5;
	v13 =	vmul.f32 $8.000000000e+00, v13;
	[tilespmem:s15+$0xFFFFFFD7] =	vst v17;
	v17 =	vadd.f32 v18, v9  }
0x2f0: {  	v18 =	vld [tilespmem:s6+$0xFFFFFF40];
	p1 =	slt.u32 s5, $0x78;
	[tilespmem:s15+$0x20] =	vst v19;
	v19 =	vadd.f32 v20, v9;
	v14 =	vmul.f32 $8.000000000e+00, v14  }
0x2f1: {  	v20 =	vld [tilespmem:s6+$0xFFFFFF80];
	v13 =	vadd.f32 v13, v9;
	[tilespmem:s15+$0x69] =	vst v17;
	v15 =	vmul.f32 $8.000000000e+00, v15  }
0x2f2: {  	v17 =	vld [tilespmem:s6+$0xFFFFFFC0];
	[tilespmem:s15+$0xB2] =	vst v19;
	v16 =	vmul.f32 $8.000000000e+00, v16;
	v14 =	vadd.f32 v14, v8  }
0x2f3: {  	v19 =	vld [tilespmem:s6+$0x0];
	[tilespmem:s15+$0xFFFFFEFC] =	vst v13;
	v12 =	vmul.f32 $8.000000000e+00, v12;
	v13 =	vadd.f32 v15, v8  }
0x2f4: {  	v15 =	vld [tilespmem:s6+$0x40];
	v21 =	vmul.f32 $8.000000000e+00, v21;
	v16 =	vadd.f32 v16, v8;
	[tilespmem:s11+$0x79] =	vst v14  }
0x2f5: {  	v14 =	vmul.f32 $8.000000000e+00, v18;
	v18 =	vld [tilespmem:s6+$0x80];
	v12 =	vadd.f32 v12, v8;
	[tilespmem:s11+$0xC2] =	vst v13;
	s11 =	smov.u32 s15  }
0x2f6: {  	v13 =	vld [tilespmem:s6+$0xFFFFFF00];
	v20 =	vmul.f32 $8.000000000e+00, v20;
	v21 =	vadd.f32 v21, v10;
	[tilespmem:s15+$0x10B] =	vst v16  }
0x2f7: {  	s15 =	sadd.s32 $0x248, s15;
	v14 =	vadd.f32 v14, v10;
	v16 =	vmul.f32 $8.000000000e+00, v17;
	v17 =	vld [tilespmem:s14+$0xFFFFFF30];
	[tilespmem:s11+$0xFFFFFF55] =	vst v12  }
0x2f8: {  	v12 =	vadd.f32 v20, v10;
	v19 =	vmul.f32 $8.000000000e+00, v19;
	[tilespmem:s15+$0xDB] =	vst v21;
	v20 =	vld [tilespmem:s14+$0xFFFFFFB0]  }
0x2f9: {  	[tilespmem:s15+$0xFFFFFF25] =	vst v14;
	v14 =	vadd.f32 v16, v10;
	v15 =	vmul.f32 $8.000000000e+00, v15;
	v16 =	vld [tilespmem:s6+$0xD0]  }
0x2fa: {  	v21 =	vld [tilespmem:s6+$0xFFFFFF50];
	[tilespmem:s15+$0xFFFFFF6E] =	vst v12;
	v12 =	vadd.f32 v19, v10;
	v18 =	vmul.f32 $8.000000000e+00, v18  }
0x2fb: {  	v13 =	vmul.f32 $8.000000000e+00, v13;
	v19 =	vld [tilespmem:s6+$0xFFFFFF90];
	[tilespmem:s15+$0xFFFFFFB7] =	vst v14;
	v14 =	vadd.f32 v15, v10  }
0x2fc: {  	v15 =	vld [tilespmem:s6+$0xFFFFFFD0];
	[tilespmem:s15+$0x0] =	vst v12;
	v12 =	vadd.f32 v18, v10;
	v17 =	vmul.f32 $8.000000000e+00, v17  }
0x2fd: {  	v13 =	vadd.f32 v13, v10;
	v18 =	vld [tilespmem:s6+$0x10];
	[tilespmem:s15+$0x49] =	vst v14;
	v14 =	vmul.f32 $8.000000000e+00, v20  }
0x2fe: {  	v20 =	vld [tilespmem:s6+$0x50];
	[tilespmem:s15+$0x92] =	vst v12;
	v12 =	vmul.f32 $8.000000000e+00, v16;
	v16 =	vadd.f32 v17, v8  }
0x2ff: {  	[tilespmem:s15+$0xFFFFFEDC] =	vst v13;
	v13 =	vmul.f32 $8.000000000e+00, v21;
	v17 =	vld [tilespmem:s6+$0x90];
	v14 =	vadd.f32 v14, v8  }
0x300: {  	v21 =	vld [tilespmem:s6+$0xFFFFFF10];
	v19 =	vmul.f32 $8.000000000e+00, v19;
	v12 =	vadd.f32 v12, v11;
	[tilespmem:s11+$0xFFFFFF0C] =	vst v16  }
0x301: {  	v13 =	vadd.f32 v13, v11;
	v15 =	vmul.f32 $8.000000000e+00, v15;
	[tilespmem:s11+$0xFFFFFF9E] =	vst v14;
	v14 =	vld [tilespmem:s14+$0xFFFFFFF0]  }
0x302: {  	v16 =	vadd.f32 v19, v11;
	v18 =	vmul.f32 $8.000000000e+00, v18;
	[tilespmem:s15+$0xEB] =	vst v12;
	v12 =	vld [tilespmem:s14+$0x30]  }
0x303: {  	[tilespmem:s15+$0xFFFFFF35] =	vst v13;
	v13 =	vadd.f32 v15, v11;
	v15 =	vmul.f32 $8.000000000e+00, v20;
	v19 =	vld [tilespmem:s6+$0xE0]  }
0x304: {  	v20 =	vld [tilespmem:s6+$0xFFFFFF60];
	[tilespmem:s15+$0xFFFFFF7E] =	vst v16;
	v16 =	vadd.f32 v18, v11;
	v17 =	vmul.f32 $8.000000000e+00, v17  }
0x305: {  	v18 =	vmul.f32 $8.000000000e+00, v21;
	v21 =	vld [tilespmem:s6+$0xFFFFFFA0];
	[tilespmem:s15+$0xFFFFFFC7] =	vst v13;
	v13 =	vadd.f32 v15, v11  }
0x306: {  	v15 =	vld [tilespmem:s6+$0xFFFFFFE0];
	[tilespmem:s15+$0x10] =	vst v16;
	v16 =	vadd.f32 v17, v11;
	v14 =	vmul.f32 $8.000000000e+00, v14  }
0x307: {  	v17 =	vadd.f32 v18, v11;
	v18 =	vld [tilespmem:s6+$0x20];
	[tilespmem:s15+$0x59] =	vst v13;
	v12 =	vmul.f32 $8.000000000e+00, v12  }
0x308: {  	v22 =	vld [tilespmem:s6+$0x60];
	[tilespmem:s15+$0xA2] =	vst v16;
	v16 =	vmul.f32 $8.000000000e+00, v19;
	v14 =	vadd.f32 v14, v8  }
0x309: {  	[tilespmem:s15+$0xFFFFFEEC] =	vst v17;
	v17 =	vmul.f32 $8.000000000e+00, v20;
	v20 =	vld [tilespmem:s6+$0xA0];
	v12 =	vadd.f32 v12, v8  }
.Ltmp4:
0x30a: {  	v13 =	vld [tilespmem:s6+$0xFFFFFF20];
	v19 =	vmul.f32 $8.000000000e+00, v21;
	v16 =	vadd.f32 v16, v9;
	[tilespmem:s11+$0xFFFFFFE7] =	vst v14;
	(pc) =	sbr.rel @p1 .LBB2_11-.Ltmp4, $4  }
0x30b: {  	v17 =	vadd.f32 v17, v9;
	v21 =	vmul.f32 $8.000000000e+00, v15;
	[tilespmem:s11+$0x30] =	vst v12;
	v14 =	vld [tilespmem:s14+$0x70]  }
0x30c: {  	v19 =	vadd.f32 v19, v9;
	v23 =	vmul.f32 $8.000000000e+00, v18;
	[tilespmem:s15+$0xFB] =	vst v16;
	v15 =	vld [tilespmem:s14+$0xB0];
	s14 =	smov.u32 s6  }
0x30d: {  	[tilespmem:s15+$0xFFFFFF45] =	vst v17;
	v17 =	vadd.f32 v21, v9;
	v18 =	vmul.f32 $8.000000000e+00, v22;
	v16 =	vld [tilespmem:s6+$0xF0]  }
0x30e: {  	s6 =	sadd.s32 $0x200, s6;
	v12 =	vld [tilespmem:s14+$0xFFFFFF70];
	[tilespmem:s15+$0xFFFFFF8E] =	vst v19;
	v19 =	vadd.f32 v23, v9;
	v20 =	vmul.f32 $8.000000000e+00, v20  }
0x30f: {  	v10 =	vmul.f32 $8.000000000e+00, v13;
	_ =	sdelay $0x1  }
0x310: {  	v10 =	vadd.f32 v10, v9;
	_ =	sdelay $0x1  }
0x311: {  	[tilespmem:s15+$0xFFFFFEFC] =	vst v10  }
0x312: {  	v10 =	vld [tilespmem:s14+$0xFFFFFF30]  }
0x313: {  	[tilespmem:s15+$0xFFFFFFD7] =	vst v17;
	v11 =	vadd.f32 v18, v9;
	v13 =	vmul.f32 $8.000000000e+00, v14;
	v14 =	vld [tilespmem:s14+$0xFFFFFFB0]  }
0x314: {  	[tilespmem:s15+$0x20] =	vst v19;
	v17 =	vld [tilespmem:s14+$0xFFFFFFF0];
	v9 =	vadd.f32 v20, v9;
	v15 =	vmul.f32 $8.000000000e+00, v15  }
0x315: {  	[tilespmem:s15+$0x69] =	vst v11;
	v11 =	vmul.f32 $8.000000000e+00, v16;
	v13 =	vadd.f32 v13, v8;
	v16 =	vld [tilespmem:s14+$0x30]  }
0x316: {  	[tilespmem:s15+$0xB2] =	vst v9;
	v9 =	vmul.f32 $8.000000000e+00, v12;
	v12 =	vadd.f32 v15, v8;
	v15 =	vld [tilespmem:s14+$0x70]  }
0x317: {  	v11 =	vadd.f32 v11, v8;
	[tilespmem:s11+$0x79] =	vst v13;
	v13 =	vld [tilespmem:s14+$0xB0];
	v10 =	vmul.f32 $8.000000000e+00, v10  }
0x318: {  	v9 =	vadd.f32 v9, v8;
	[tilespmem:s11+$0xC2] =	vst v12;
	v12 =	vmul.f32 $8.000000000e+00, v14  }
0x319: {  	[tilespmem:s15+$0x10B] =	vst v11;
	v11 =	vmul.f32 $8.000000000e+00, v17;
	v10 =	vadd.f32 v10, v8  }
0x31a: {  	[tilespmem:s15+$0xFFFFFF55] =	vst v9;
	v9 =	vadd.f32 v12, v8;
	v12 =	vmul.f32 $8.000000000e+00, v16  }
0x31b: {  	[tilespmem:s15+$0xFFFFFF0C] =	vst v10;
	v10 =	vadd.f32 v11, v8;
	v11 =	vmul.f32 $8.000000000e+00, v15  }
0x31c: {  	[tilespmem:s15+$0xFFFFFF9E] =	vst v9;
	v9 =	vadd.f32 v12, v8;
	v12 =	vmul.f32 $8.000000000e+00, v13  }
0x31d: {  	[tilespmem:s15+$0xFFFFFFE7] =	vst v10;
	v10 =	vadd.f32 v11, v8  }
0x31e: {  	[tilespmem:s15+$0x30] =	vst v9;
	v8 =	vadd.f32 v12, v8  }
0x31f: {  	s5 =	sadd.s32 @!p0 $0x300, s0;
	s6 =	simm.s32 @!p0 $0x80;
	s16 =	simm.s32 $0x5;
	[tilespmem:s15+$0x79] =	vst v10  }
0x320: {  	s8 =	simm.s32 @!p0 $0xA400;
	s18 =	simm.s32 $0x2;
	v14 =	vadd.s32 s16, v0;
	[tilespmem:s15+$0xC2] =	vst v8;
	s15 =	simm.s32 $0x4  }
0x321: {  	v11 =	vadd.s32 s18, v0;
	[tilespmem:s8], [sflag:$0x3] =	stream.indirect.gather @!p0 [hbm4b:s4+s6], $0x40, s5, s6, $0xb8;
	[tilespmem:$0x1BA80] =	vst v63  }
0x322: {  	s8 =	simm.s32 $0x7;
	v13 =	vadd.s32 s15, v0  }
0x323: {  	s17 =	simm.s32 $0x1;
	v9 =	vadd.s32 s8, v0  }
0x324: {  	v10 =	vadd.s32 s17, v0;
	s5 =	simm.s32 $0x0  }
0x325: {  	s6 =	simm.s32 $0x3;
	v8 =	vadd.s32 s5, v0;
	v14 =	vld.idx.msk [tilespmem:v14+s21+$0x0], $0xffff  }
0x326: {  	s19 =	simm.s32 $0x6;
	v12 =	vadd.s32 s6, v0;
	v11 =	vld.idx.msk [tilespmem:v11+s21+$0x0], $0xffff  }
0x327: {  	v15 =	vadd.s32 s19, v0;
	v13 =	vld.idx.msk [tilespmem:v13+s21+$0x0], $0xffff  }
0x328: {  	v20 =	vadd.s32 s15, v1;
	v9 =	vld.idx.msk [tilespmem:v9+s21+$0x0], $0xffff  }
0x329: {  	s14 =	simm.s32 $0x14A80;
	v16 =	vadd.s32 s8, v1;
	v10 =	vld.idx.msk [tilespmem:v10+s21+$0x0], $0xffff  }
0x32a: {  	v17 =	vadd.s32 s17, v1;
	v8 =	vld.idx.msk [tilespmem:v8+s21+$0x0], $0xffff;
	[tilespmem:s14+$0x80] =	vst v14  }
0x32b: {  	v18 =	vadd.s32 s18, v1;
	v12 =	vld.idx.msk [tilespmem:v12+s21+$0x0], $0xffff;
	[tilespmem:s14+$0xFFFFFF00] =	vst v11  }
0x32c: {  	v19 =	vadd.s32 s6, v1;
	v15 =	vld.idx.msk [tilespmem:v15+s21+$0x0], $0xffff;
	[tilespmem:s14+$0x0] =	vst v13  }
0x32d: {  	v11 =	vadd.s32 s19, v1;
	[tilespmem:s14+$0x180] =	vst v9;
	v20 =	vld.idx.msk [tilespmem:v20+s21+$0x0], $0xffff  }
0x32e: {  	[tilespmem:s14+$0xFFFFFE80] =	vst v10;
	v9 =	vadd.s32 s16, v1;
	v10 =	vld.idx.msk [tilespmem:v16+s21+$0x0], $0xffff  }
0x32f: {  	[tilespmem:s14+$0xFFFFFE00] =	vst v8;
	v8 =	vadd.s32 s15, v2;
	v16 =	vld.idx.msk [tilespmem:v17+s21+$0x0], $0xffff  }
0x330: {  	[tilespmem:s14+$0xFFFFFF80] =	vst v12;
	v12 =	vadd.s32 s8, v2;
	v17 =	vld.idx.msk [tilespmem:v18+s21+$0x0], $0xffff  }
0x331: {  	[tilespmem:s14+$0x100] =	vst v15;
	v18 =	vadd.s32 s5, v1;
	v19 =	vld.idx.msk [tilespmem:v19+s21+$0x0], $0xffff  }
0x332: {  	v13 =	vadd.s32 s17, v2;
	v11 =	vld.idx.msk [tilespmem:v11+s21+$0x0], $0xffff;
	[tilespmem:s14+$0x10] =	vst v20  }
0x333: {  	v14 =	vadd.s32 s18, v2;
	v9 =	vld.idx.msk [tilespmem:v9+s21+$0x0], $0xffff;
	[tilespmem:s14+$0x190] =	vst v10  }
0x334: {  	v15 =	vadd.s32 s6, v2;
	[tilespmem:s14+$0xFFFFFE90] =	vst v16;
	v8 =	vld.idx.msk [tilespmem:v8+s21+$0x0], $0xffff  }
0x335: {  	v16 =	vadd.s32 s16, v2;
	[tilespmem:s14+$0xFFFFFF10] =	vst v17;
	v10 =	vld.idx.msk [tilespmem:v12+s21+$0x0], $0xffff  }
0x336: {  	v17 =	vadd.s32 s8, v3;
	[tilespmem:s14+$0xFFFFFF90] =	vst v19;
	v12 =	vld.idx.msk [tilespmem:v18+s21+$0x0], $0xffff  }
0x337: {  	[tilespmem:s14+$0x110] =	vst v11;
	v13 =	vld.idx.msk [tilespmem:v13+s21+$0x0], $0xffff;
	v18 =	vadd.s32 s19, v2  }
0x338: {  	v19 =	vadd.s32 s5, v2;
	v14 =	vld.idx.msk [tilespmem:v14+s21+$0x0], $0xffff;
	[tilespmem:s14+$0x90] =	vst v9  }
0x339: {  	v20 =	vadd.s32 s17, v3;
	v15 =	vld.idx.msk [tilespmem:v15+s21+$0x0], $0xffff;
	[tilespmem:s14+$0x20] =	vst v8  }
0x33a: {  	v9 =	vadd.s32 s18, v3;
	v16 =	vld.idx.msk [tilespmem:v16+s21+$0x0], $0xffff;
	[tilespmem:s14+$0x1A0] =	vst v10  }
0x33b: {  	v10 =	vadd.s32 s6, v3;
	[tilespmem:s14+$0xFFFFFE10] =	vst v12;
	v11 =	vld.idx.msk [tilespmem:v17+s21+$0x0], $0xffff  }
0x33c: {  	v12 =	vadd.s32 s15, v3;
	[tilespmem:s14+$0xFFFFFEA0] =	vst v13;
	v17 =	vld.idx.msk [tilespmem:v18+s21+$0x0], $0xffff  }
0x33d: {  	[tilespmem:s14+$0xFFFFFF20] =	vst v14;
	v14 =	vadd.s32 s16, v3;
	v18 =	vld.idx.msk [tilespmem:v19+s21+$0x0], $0xffff  }
0x33e: {  	v13 =	vadd.s32 s8, v4;
	[tilespmem:s14+$0xFFFFFFA0] =	vst v15;
	v19 =	vld.idx.msk [tilespmem:v20+s21+$0x0], $0xffff  }
0x33f: {  	v15 =	vadd.s32 s19, v3;
	v9 =	vld.idx.msk [tilespmem:v9+s21+$0x0], $0xffff;
	[tilespmem:s14+$0xA0] =	vst v16  }
0x340: {  	v20 =	vadd.s32 s5, v3;
	v10 =	vld.idx.msk [tilespmem:v10+s21+$0x0], $0xffff;
	[tilespmem:s14+$0x1B0] =	vst v11  }
0x341: {  	v8 =	vadd.s32 s17, v4;
	v12 =	vld.idx.msk [tilespmem:v12+s21+$0x0], $0xffff;
	[tilespmem:s14+$0x120] =	vst v17  }
0x342: {  	v14 =	vld.idx.msk [tilespmem:v14+s21+$0x0], $0xffff;
	v11 =	vadd.s32 s18, v4;
	[tilespmem:s14+$0xFFFFFE20] =	vst v18  }
0x343: {  	v16 =	vadd.s32 s6, v4;
	[tilespmem:s14+$0xFFFFFEB0] =	vst v19;
	v13 =	vld.idx.msk [tilespmem:v13+s21+$0x0], $0xffff  }
0x344: {  	v19 =	vadd.s32 s15, v4;
	v15 =	vld.idx.msk [tilespmem:v15+s21+$0x0], $0xffff;
	[tilespmem:s14+$0xFFFFFF30] =	vst v9  }
0x345: {  	v17 =	vadd.s32 s8, v5;
	v18 =	vld.idx.msk [tilespmem:v20+s21+$0x0], $0xffff;
	[tilespmem:s14+$0xFFFFFFB0] =	vst v10  }
0x346: {  	v8 =	vld.idx.msk [tilespmem:v8+s21+$0x0], $0xffff;
	v9 =	vadd.s32 s16, v4;
	[tilespmem:s14+$0x30] =	vst v12  }
0x347: {  	v20 =	vadd.s32 s5, v4;
	[tilespmem:s14+$0xB0] =	vst v14;
	v11 =	vld.idx.msk [tilespmem:v11+s21+$0x0], $0xffff  }
0x348: {  	v10 =	vadd.s32 s19, v4;
	v16 =	vld.idx.msk [tilespmem:v16+s21+$0x0], $0xffff;
	[tilespmem:s14+$0x1C0] =	vst v13  }
0x349: {  	v19 =	vld.idx.msk [tilespmem:v19+s21+$0x0], $0xffff;
	v13 =	vadd.s32 s17, v5;
	[tilespmem:s14+$0x130] =	vst v15  }
0x34a: {  	[tilespmem:s14+$0xFFFFFE30] =	vst v18;
	v15 =	vadd.s32 s6, v5;
	v12 =	vld.idx.msk [tilespmem:v17+s21+$0x0], $0xffff  }
0x34b: {  	[tilespmem:s14+$0xFFFFFEC0] =	vst v8;
	v8 =	vadd.s32 s15, v5;
	v9 =	vld.idx.msk [tilespmem:v9+s21+$0x0], $0xffff  }
0x34c: {  	v17 =	vadd.s32 s18, v5;
	v18 =	vld.idx.msk [tilespmem:v20+s21+$0x0], $0xffff  }
0x34d: {  	v14 =	vadd.s32 s8, v6;
	v10 =	vld.idx.msk [tilespmem:v10+s21+$0x0], $0xffff;
	[tilespmem:s14+$0xFFFFFF40] =	vst v11  }
0x34e: {  	v11 =	vadd.s32 s16, v5;
	[tilespmem:s14+$0xFFFFFFC0] =	vst v16;
	v13 =	vld.idx.msk [tilespmem:v13+s21+$0x0], $0xffff  }
0x34f: {  	v20 =	vadd.s32 s19, v5;
	[tilespmem:s14+$0x40] =	vst v19;
	v15 =	vld.idx.msk [tilespmem:v15+s21+$0x0], $0xffff  }
0x350: {  	v8 =	vld.idx.msk [tilespmem:v8+s21+$0x0], $0xffff;
	[tilespmem:s14+$0x1D0] =	vst v12;
	v12 =	vadd.s32 s5, v5  }
0x351: {  	v16 =	vadd.s32 s17, v6;
	v17 =	vld.idx.msk [tilespmem:v17+s21+$0x0], $0xffff;
	[tilespmem:s14+$0xC0] =	vst v9  }
0x352: {  	v19 =	vadd.s32 s18, v6;
	[tilespmem:s14+$0xFFFFFE40] =	vst v18;
	v14 =	vld.idx.msk [tilespmem:v14+s21+$0x0], $0xffff  }
0x353: {  	v9 =	vadd.s32 s8, v7;
	[tilespmem:s14+$0x140] =	vst v10;
	v11 =	vld.idx.msk [tilespmem:v11+s21+$0x0], $0xffff  }
0x354: {  	s11 =	simm.s32 $0x8;
	v10 =	vadd.s32 s6, v6;
	v18 =	vld.idx.msk [tilespmem:v20+s21+$0x0], $0xffff;
	[tilespmem:s14+$0xFFFFFED0] =	vst v13  }
0x355: {  	[tilespmem:s14+$0xFFFFFFD0] =	vst v15;
	v15 =	vadd.s32 s11, v0;
	v20 =	vld.idx.msk [tilespmem:v12+s21+$0x0], $0xffff  }
0x356: {  	v12 =	vadd.s32 s15, v6;
	v16 =	vld.idx.msk [tilespmem:v16+s21+$0x0], $0xffff;
	[tilespmem:s14+$0xFFFFFF50] =	vst v17  }
0x357: {  	v21 =	vadd.s32 s16, v6;
	[tilespmem:s14+$0x1E0] =	vst v14;
	v22 =	vld.idx.msk [tilespmem:v19+s21+$0x0], $0xffff  }
0x358: {  	v14 =	vadd.s32 s19, v6;
	v17 =	vld.idx.msk [tilespmem:v9+s21+$0x0], $0xffff  }
0x359: {  	v24 =	vadd.s32 s17, v7;
	[tilespmem:s14+$0x50] =	vst v8;
	v23 =	vld.idx.msk [tilespmem:v10+s21+$0x0], $0xffff  }
0x35a: {  	v9 =	vadd.s32 s5, v6;
	[tilespmem:s14+$0xD0] =	vst v11;
	v8 =	vld.idx.msk [tilespmem:v15+s21+$0x0], $0xffff  }
0x35b: {  	v25 =	vadd.s32 s18, v7;
	[tilespmem:s14+$0x150] =	vst v18;
	v13 =	vld.idx.msk [tilespmem:v12+s21+$0x0], $0xffff  }
0x35c: {  	v19 =	vadd.s32 s6, v7;
	v12 =	vld.idx.msk [tilespmem:v21+s21+$0x0], $0xffff;
	[tilespmem:s14+$0xFFFFFE50] =	vst v20  }
0x35d: {  	v18 =	vadd.s32 s15, v7;
	[tilespmem:s14+$0xFFFFFEE0] =	vst v16;
	v10 =	vld.idx.msk [tilespmem:v14+s21+$0x0], $0xffff  }
0x35e: {  	v11 =	vld.idx.msk [tilespmem:v24+s21+$0x0], $0xffff;
	[tilespmem:s14+$0x1F0] =	vst v17;
	v17 =	vadd.s32 s16, v7  }
0x35f: {  	v16 =	vadd.s32 s19, v7;
	[tilespmem:s14+$0xFFFFFF60] =	vst v22;
	v9 =	vld.idx.msk [tilespmem:v9+s21+$0x0], $0xffff  }
0x360: {  	s15 =	simm.s32 $0xF;
	v15 =	vadd.s32 s5, v7;
	s16 =	simm.s32 $0x10;
	v14 =	vld.idx.msk [tilespmem:v25+s21+$0x0], $0xffff;
	[tilespmem:s14+$0xFFFFFFE0] =	vst v23  }
.LBB2_13:
0x361: {  	p1 =	slt.u32 s16, $0x38;
	s17 =	sadd.s32 $0x1, s11;
	v20 =	vadd.s32 s15, v0;
	v19 =	vld.idx.msk [tilespmem:v19+s21+$0x0], $0xffff;
	[tilespmem:s14+$0x60] =	vst v13  }
0x362: {  	s18 =	sadd.s32 $0x2, s11;
	v13 =	vadd.s32 s17, v0;
	v18 =	vld.idx.msk [tilespmem:v18+s21+$0x0], $0xffff;
	[tilespmem:s14+$0xE0] =	vst v12  }
0x363: {  	s19 =	sadd.s32 $0x3, s11;
	v12 =	vadd.s32 s18, v0;
	v17 =	vld.idx.msk [tilespmem:v17+s21+$0x0], $0xffff;
	[tilespmem:s14+$0x160] =	vst v10  }
0x364: {  	s5 =	sadd.s32 $0x4, s11;
	v10 =	vadd.s32 s19, v0;
	[tilespmem:s14+$0xFFFFFE60] =	vst v9;
	v9 =	vld.idx.msk [tilespmem:v16+s21+$0x0], $0xffff  }
0x365: {  	s6 =	sadd.s32 $0x5, s11;
	v16 =	vadd.s32 s5, v0;
	v15 =	vld.idx.msk [tilespmem:v15+s21+$0x0], $0xffff;
	[tilespmem:s14+$0xFFFFFEF0] =	vst v11  }
0x366: {  	s8 =	sadd.s32 $0x6, s11;
	v11 =	vadd.s32 s6, v0;
	v20 =	vld.idx.msk [tilespmem:v20+s21+$0x0], $0xffff;
	[tilespmem:s14+$0xFFFFFF70] =	vst v14  }
0x367: {  	v14 =	vadd.s32 s8, v0;
	v13 =	vld.idx.msk [tilespmem:v13+s21+$0x0], $0xffff;
	[tilespmem:s14+$0xFFFFFFF0] =	vst v19  }
0x368: {  	v19 =	vadd.s32 s15, v1;
	v12 =	vld.idx.msk [tilespmem:v12+s21+$0x0], $0xffff;
	[tilespmem:s14+$0x70] =	vst v18  }
0x369: {  	v18 =	vadd.s32 s17, v1;
	v10 =	vld.idx.msk [tilespmem:v10+s21+$0x0], $0xffff;
	[tilespmem:s14+$0xF0] =	vst v17  }
0x36a: {  	v17 =	vadd.s32 s18, v1;
	v16 =	vld.idx.msk [tilespmem:v16+s21+$0x0], $0xffff;
	[tilespmem:s14+$0x170] =	vst v9  }
0x36b: {  	v9 =	vadd.s32 s19, v1;
	v11 =	vld.idx.msk [tilespmem:v11+s21+$0x0], $0xffff;
	[tilespmem:s14+$0xFFFFFE70] =	vst v15;
	s14 =	sadd.s32 $0x400, s14  }
0x36c: {  	v15 =	vadd.s32 s5, v1;
	v14 =	vld.idx.msk [tilespmem:v14+s21+$0x0], $0xffff;
	[tilespmem:s14+$0x180] =	vst v20  }
0x36d: {  	[tilespmem:s14+$0xFFFFFE80] =	vst v13;
	v13 =	vadd.s32 s6, v1;
	v19 =	vld.idx.msk [tilespmem:v19+s21+$0x0], $0xffff  }
0x36e: {  	v18 =	vld.idx.msk [tilespmem:v18+s21+$0x0], $0xffff;
	[tilespmem:s14+$0xFFFFFF00] =	vst v12;
	v12 =	vadd.s32 s8, v1  }
0x36f: {  	v17 =	vld.idx.msk [tilespmem:v17+s21+$0x0], $0xffff;
	[tilespmem:s14+$0xFFFFFF80] =	vst v10;
	v10 =	vadd.s32 s15, v2  }
0x370: {  	v20 =	vadd.s32 s11, v1;
	v9 =	vld.idx.msk [tilespmem:v9+s21+$0x0], $0xffff;
	[tilespmem:s14+$0x0] =	vst v16  }
0x371: {  	v16 =	vadd.s32 s17, v2;
	v15 =	vld.idx.msk [tilespmem:v15+s21+$0x0], $0xffff;
	[tilespmem:s14+$0x80] =	vst v11  }
0x372: {  	v11 =	vadd.s32 s18, v2;
	v13 =	vld.idx.msk [tilespmem:v13+s21+$0x0], $0xffff;
	[tilespmem:s14+$0x100] =	vst v14  }
0x373: {  	v14 =	vadd.s32 s19, v2;
	v12 =	vld.idx.msk [tilespmem:v12+s21+$0x0], $0xffff;
	[tilespmem:s14+$0x190] =	vst v19  }
0x374: {  	[tilespmem:s14+$0xFFFFFE00] =	vst v8;
	v8 =	vadd.s32 s5, v2;
	v10 =	vld.idx.msk [tilespmem:v10+s21+$0x0], $0xffff  }
0x375: {  	v19 =	vld.idx.msk [tilespmem:v20+s21+$0x0], $0xffff;
	[tilespmem:s14+$0xFFFFFE90] =	vst v18;
	v18 =	vadd.s32 s6, v2  }
0x376: {  	v16 =	vld.idx.msk [tilespmem:v16+s21+$0x0], $0xffff;
	[tilespmem:s14+$0xFFFFFF10] =	vst v17;
	v17 =	vadd.s32 s15, v3  }
0x377: {  	v11 =	vld.idx.msk [tilespmem:v11+s21+$0x0], $0xffff;
	[tilespmem:s14+$0xFFFFFF90] =	vst v9;
	v9 =	vadd.s32 s8, v2  }
0x378: {  	v20 =	vadd.s32 s11, v2;
	v14 =	vld.idx.msk [tilespmem:v14+s21+$0x0], $0xffff;
	[tilespmem:s14+$0x10] =	vst v15  }
0x379: {  	v15 =	vadd.s32 s17, v3;
	v8 =	vld.idx.msk [tilespmem:v8+s21+$0x0], $0xffff;
	[tilespmem:s14+$0x90] =	vst v13  }
0x37a: {  	v13 =	vadd.s32 s18, v3;
	v18 =	vld.idx.msk [tilespmem:v18+s21+$0x0], $0xffff;
	[tilespmem:s14+$0x1A0] =	vst v10  }
0x37b: {  	v10 =	vadd.s32 s19, v3;
	[tilespmem:s14+$0x110] =	vst v12;
	v12 =	vld.idx.msk [tilespmem:v17+s21+$0x0], $0xffff  }
0x37c: {  	v17 =	vadd.s32 s5, v3;
	[tilespmem:s14+$0xFFFFFE10] =	vst v19;
	v9 =	vld.idx.msk [tilespmem:v9+s21+$0x0], $0xffff  }
0x37d: {  	v19 =	vld.idx.msk [tilespmem:v20+s21+$0x0], $0xffff;
	[tilespmem:s14+$0xFFFFFEA0] =	vst v16;
	v16 =	vadd.s32 s15, v4  }
0x37e: {  	v15 =	vld.idx.msk [tilespmem:v15+s21+$0x0], $0xffff;
	[tilespmem:s14+$0xFFFFFF20] =	vst v11;
	v11 =	vadd.s32 s6, v3  }
0x37f: {  	v13 =	vld.idx.msk [tilespmem:v13+s21+$0x0], $0xffff;
	[tilespmem:s14+$0xFFFFFFA0] =	vst v14;
	v14 =	vadd.s32 s8, v3  }
0x380: {  	v20 =	vadd.s32 s11, v3;
	v10 =	vld.idx.msk [tilespmem:v10+s21+$0x0], $0xffff;
	[tilespmem:s14+$0x20] =	vst v8  }
0x381: {  	v8 =	vadd.s32 s17, v4;
	v17 =	vld.idx.msk [tilespmem:v17+s21+$0x0], $0xffff;
	[tilespmem:s14+$0x1B0] =	vst v12  }
0x382: {  	v12 =	vadd.s32 s18, v4;
	[tilespmem:s14+$0xA0] =	vst v18;
	v16 =	vld.idx.msk [tilespmem:v16+s21+$0x0], $0xffff  }
0x383: {  	v18 =	vadd.s32 s19, v4;
	v11 =	vld.idx.msk [tilespmem:v11+s21+$0x0], $0xffff;
	[tilespmem:s14+$0x120] =	vst v9  }
0x384: {  	[tilespmem:s14+$0xFFFFFE20] =	vst v19;
	v9 =	vld.idx.msk [tilespmem:v14+s21+$0x0], $0xffff;
	v14 =	vadd.s32 s15, v5  }
0x385: {  	v19 =	vld.idx.msk [tilespmem:v20+s21+$0x0], $0xffff;
	[tilespmem:s14+$0xFFFFFEB0] =	vst v15;
	v15 =	vadd.s32 s5, v4  }
0x386: {  	v8 =	vld.idx.msk [tilespmem:v8+s21+$0x0], $0xffff;
	[tilespmem:s14+$0xFFFFFF30] =	vst v13;
	v13 =	vadd.s32 s6, v4  }
0x387: {  	v12 =	vld.idx.msk [tilespmem:v12+s21+$0x0], $0xffff;
	[tilespmem:s14+$0xFFFFFFB0] =	vst v10;
	v10 =	vadd.s32 s8, v4  }
0x388: {  	v20 =	vadd.s32 s11, v4;
	v18 =	vld.idx.msk [tilespmem:v18+s21+$0x0], $0xffff;
	[tilespmem:s14+$0x1C0] =	vst v16  }
0x389: {  	v16 =	vadd.s32 s17, v5;
	[tilespmem:s14+$0x30] =	vst v17;
	v14 =	vld.idx.msk [tilespmem:v14+s21+$0x0], $0xffff  }
0x38a: {  	v17 =	vadd.s32 s18, v5;
	v15 =	vld.idx.msk [tilespmem:v15+s21+$0x0], $0xffff;
	[tilespmem:s14+$0xB0] =	vst v11  }
0x38b: {  	v11 =	vld.idx.msk [tilespmem:v13+s21+$0x0], $0xffff;
	[tilespmem:s14+$0x130] =	vst v9;
	v9 =	vadd.s32 s15, v6  }
0x38c: {  	v13 =	vadd.s32 s19, v5;
	[tilespmem:s14+$0xFFFFFE30] =	vst v19;
	v10 =	vld.idx.msk [tilespmem:v10+s21+$0x0], $0xffff  }
0x38d: {  	v19 =	vld.idx.msk [tilespmem:v20+s21+$0x0], $0xffff;
	[tilespmem:s14+$0xFFFFFEC0] =	vst v8;
	v8 =	vadd.s32 s5, v5  }
0x38e: {  	v16 =	vld.idx.msk [tilespmem:v16+s21+$0x0], $0xffff;
	[tilespmem:s14+$0xFFFFFF40] =	vst v12;
	v12 =	vadd.s32 s6, v5  }
0x38f: {  	v20 =	vadd.s32 s8, v5;
	v17 =	vld.idx.msk [tilespmem:v17+s21+$0x0], $0xffff;
	[tilespmem:s14+$0x1D0] =	vst v14  }
0x390: {  	v14 =	vadd.s32 s11, v5;
	[tilespmem:s14+$0xFFFFFFC0] =	vst v18;
	v9 =	vld.idx.msk [tilespmem:v9+s21+$0x0], $0xffff  }
0x391: {  	v18 =	vadd.s32 s17, v6;
	v13 =	vld.idx.msk [tilespmem:v13+s21+$0x0], $0xffff;
	[tilespmem:s14+$0x40] =	vst v15  }
0x392: {  	v8 =	vld.idx.msk [tilespmem:v8+s21+$0x0], $0xffff;
	[tilespmem:s14+$0xC0] =	vst v11;
	v11 =	vadd.s32 s15, v7  }
0x393: {  	v15 =	vadd.s32 s18, v6;
	v12 =	vld.idx.msk [tilespmem:v12+s21+$0x0], $0xffff;
	[tilespmem:s14+$0x140] =	vst v10  }
0x394: {  	v10 =	vadd.s32 s19, v6;
	[tilespmem:s14+$0xFFFFFE40] =	vst v19;
	v19 =	vld.idx.msk [tilespmem:v20+s21+$0x0], $0xffff  }
0x395: {  	v14 =	vld.idx.msk [tilespmem:v14+s21+$0x0], $0xffff;
	[tilespmem:s14+$0xFFFFFED0] =	vst v16;
	v16 =	vadd.s32 s5, v6  }
0x396: {  	v20 =	vld.idx.msk [tilespmem:v18+s21+$0x0], $0xffff;
	v18 =	vadd.s32 s6, v6;
	[tilespmem:s14+$0x1E0] =	vst v9  }
0x397: {  	v9 =	vadd.s32 s8, v6;
	[tilespmem:s14+$0xFFFFFF50] =	vst v17;
	v11 =	vld.idx.msk [tilespmem:v11+s21+$0x0], $0xffff  }
0x398: {  	v17 =	vadd.s32 s11, v6;
	v15 =	vld.idx.msk [tilespmem:v15+s21+$0x0], $0xffff;
	[tilespmem:s14+$0xFFFFFFD0] =	vst v13  }
0x399: {  	v21 =	vadd.s32 s16, v0;
	v22 =	vld.idx.msk [tilespmem:v10+s21+$0x0], $0xffff;
	[tilespmem:s14+$0x50] =	vst v8  }
0x39a: {  	v23 =	vadd.s32 s17, v7;
	v13 =	vld.idx.msk [tilespmem:v16+s21+$0x0], $0xffff;
	[tilespmem:s14+$0xD0] =	vst v12  }
0x39b: {  	v24 =	vadd.s32 s18, v7;
	v12 =	vld.idx.msk [tilespmem:v18+s21+$0x0], $0xffff;
	[tilespmem:s14+$0x150] =	vst v19  }
.Ltmp5:
0x39c: {  	v19 =	vadd.s32 s19, v7;
	[tilespmem:s14+$0xFFFFFE50] =	vst v14;
	v10 =	vld.idx.msk [tilespmem:v9+s21+$0x0], $0xffff;
	(pc) =	sbr.rel @p1 .LBB2_13-.Ltmp5, $4  }
0x39d: {  	v18 =	vadd.s32 s5, v7;
	v9 =	vld.idx.msk [tilespmem:v17+s21+$0x0], $0xffff;
	[tilespmem:s14+$0x1F0] =	vst v11  }
0x39e: {  	v17 =	vadd.s32 s6, v7;
	v8 =	vld.idx.msk [tilespmem:v21+s21+$0x0], $0xffff;
	[tilespmem:s14+$0xFFFFFEE0] =	vst v20  }
0x39f: {  	v16 =	vadd.s32 s8, v7;
	v11 =	vld.idx.msk [tilespmem:v23+s21+$0x0], $0xffff;
	[tilespmem:s14+$0xFFFFFF60] =	vst v15  }
0x3a0: {  	s15 =	sadd.s32 $0x7, s16;
	v15 =	vadd.s32 s11, v7;
	s11 =	smov.u32 s16;
	s16 =	sadd.s32 $0x8, s16;
	v14 =	vld.idx.msk [tilespmem:v24+s21+$0x0], $0xffff;
	[tilespmem:s14+$0xFFFFFFE0] =	vst v22  }
0x3a1: {  	_ =	sdelay $0x1  }
0x3a2: {  	[tilespmem:s14+$0x60] =	vst v13  }
0x3a3: {  	[tilespmem:s14+$0xE0] =	vst v12  }
0x3a4: {  	s5 =	sadd.s32 $0x1, s11;
	v13 =	vadd.s32 s15, v0;
	v19 =	vld.idx.msk [tilespmem:v19+s21+$0x0], $0xffff;
	[tilespmem:s14+$0x160] =	vst v10  }
0x3a5: {  	s8 =	sadd.s32 $0x2, s11;
	s6 =	sadd.s32 $0x400, s14;
	v12 =	vadd.s32 s5, v0;
	v18 =	vld.idx.msk [tilespmem:v18+s21+$0x0], $0xffff;
	[tilespmem:s14+$0xFFFFFE60] =	vst v9  }
0x3a6: {  	s16 =	sadd.s32 $0x3, s11;
	v10 =	vadd.s32 s8, v0;
	v17 =	vld.idx.msk [tilespmem:v17+s21+$0x0], $0xffff;
	[tilespmem:s6+$0xFFFFFE00] =	vst v8  }
0x3a7: {  	s17 =	sadd.s32 $0x4, s11;
	v9 =	vadd.s32 s16, v0;
	v16 =	vld.idx.msk [tilespmem:v16+s21+$0x0], $0xffff;
	[tilespmem:s14+$0xFFFFFEF0] =	vst v11  }
0x3a8: {  	s18 =	sadd.s32 $0x5, s11;
	v15 =	vld.idx.msk [tilespmem:v15+s21+$0x0], $0xffff;
	v11 =	vadd.s32 s17, v0;
	[tilespmem:s14+$0xFFFFFF70] =	vst v14  }
0x3a9: {  	s19 =	sadd.s32 $0x6, s11;
	v14 =	vadd.s32 s18, v0;
	v13 =	vld.idx.msk [tilespmem:v13+s21+$0x0], $0xffff;
	[tilespmem:s14+$0xFFFFFFF0] =	vst v19  }
0x3aa: {  	v19 =	vadd.s32 s19, v0;
	v12 =	vld.idx.msk [tilespmem:v12+s21+$0x0], $0xffff;
	[tilespmem:s14+$0x70] =	vst v18  }
0x3ab: {  	v10 =	vld.idx.msk [tilespmem:v10+s21+$0x0], $0xffff;
	v18 =	vadd.s32 s15, v1;
	[tilespmem:s14+$0xF0] =	vst v17  }
0x3ac: {  	v9 =	vld.idx.msk [tilespmem:v9+s21+$0x0], $0xffff;
	[tilespmem:s14+$0x170] =	vst v16;
	v16 =	vadd.s32 s5, v1  }
0x3ad: {  	[tilespmem:s14+$0xFFFFFE70] =	vst v15;
	v15 =	vadd.s32 s8, v1;
	v11 =	vld.idx.msk [tilespmem:v11+s21+$0x0], $0xffff  }
0x3ae: {  	v14 =	vld.idx.msk [tilespmem:v14+s21+$0x0], $0xffff;
	[tilespmem:s6+$0x180] =	vst v13;
	v13 =	vadd.s32 s16, v1  }
0x3af: {  	v17 =	vld.idx.msk [tilespmem:v19+s21+$0x0], $0xffff;
	[tilespmem:s6+$0xFFFFFE80] =	vst v12;
	v12 =	vadd.s32 s17, v1  }
0x3b0: {  	v18 =	vld.idx.msk [tilespmem:v18+s21+$0x0], $0xffff;
	[tilespmem:s6+$0xFFFFFF00] =	vst v10;
	v10 =	vadd.s32 s18, v1  }
0x3b1: {  	[tilespmem:s6+$0xFFFFFF80] =	vst v9;
	v9 =	vld.idx.msk [tilespmem:v16+s21+$0x0], $0xffff;
	v16 =	vadd.s32 s15, v2  }
0x3b2: {  	v15 =	vld.idx.msk [tilespmem:v15+s21+$0x0], $0xffff;
	[tilespmem:s6+$0x0] =	vst v11;
	v11 =	vadd.s32 s19, v1  }
0x3b3: {  	[tilespmem:s6+$0x80] =	vst v14;
	v14 =	vadd.s32 s11, v1;
	v13 =	vld.idx.msk [tilespmem:v13+s21+$0x0], $0xffff  }
0x3b4: {  	[tilespmem:s6+$0x100] =	vst v17;
	v17 =	vadd.s32 s5, v2;
	v12 =	vld.idx.msk [tilespmem:v12+s21+$0x0], $0xffff  }
0x3b5: {  	[tilespmem:s6+$0x190] =	vst v18;
	v18 =	vadd.s32 s8, v2;
	v10 =	vld.idx.msk [tilespmem:v10+s21+$0x0], $0xffff  }
0x3b6: {  	v8 =	vadd.s32 s16, v2;
	v16 =	vld.idx.msk [tilespmem:v16+s21+$0x0], $0xffff;
	[tilespmem:s6+$0xFFFFFE90] =	vst v9  }
0x3b7: {  	[tilespmem:s6+$0xFFFFFF10] =	vst v15;
	v9 =	vld.idx.msk [tilespmem:v11+s21+$0x0], $0xffff;
	v11 =	vadd.s32 s17, v2  }
0x3b8: {  	v15 =	vadd.s32 s15, v3;
	v14 =	vld.idx.msk [tilespmem:v14+s21+$0x0], $0xffff;
	[tilespmem:s6+$0xFFFFFF90] =	vst v13  }
0x3b9: {  	v13 =	vadd.s32 s18, v2;
	v17 =	vld.idx.msk [tilespmem:v17+s21+$0x0], $0xffff;
	[tilespmem:s6+$0x10] =	vst v12  }
0x3ba: {  	v12 =	vld.idx.msk [tilespmem:v18+s21+$0x0], $0xffff;
	v18 =	vadd.s32 s19, v2;
	[tilespmem:s6+$0x90] =	vst v10  }
0x3bb: {  	v10 =	vadd.s32 s11, v2;
	v8 =	vld.idx.msk [tilespmem:v8+s21+$0x0], $0xffff;
	[tilespmem:s6+$0x1A0] =	vst v16  }
0x3bc: {  	v16 =	vadd.s32 s5, v3;
	v11 =	vld.idx.msk [tilespmem:v11+s21+$0x0], $0xffff;
	[tilespmem:s6+$0x110] =	vst v9  }
0x3bd: {  	v9 =	vadd.s32 s8, v3;
	v15 =	vld.idx.msk [tilespmem:v15+s21+$0x0], $0xffff;
	[tilespmem:s6+$0xFFFFFE10] =	vst v14  }
0x3be: {  	v14 =	vadd.s32 s16, v3;
	v13 =	vld.idx.msk [tilespmem:v13+s21+$0x0], $0xffff;
	[tilespmem:s6+$0xFFFFFEA0] =	vst v17  }
0x3bf: {  	v17 =	vld.idx.msk [tilespmem:v18+s21+$0x0], $0xffff;
	v18 =	vadd.s32 s15, v4;
	[tilespmem:s6+$0xFFFFFF20] =	vst v12  }
0x3c0: {  	v12 =	vadd.s32 s17, v3;
	v10 =	vld.idx.msk [tilespmem:v10+s21+$0x0], $0xffff;
	[tilespmem:s6+$0xFFFFFFA0] =	vst v8  }
0x3c1: {  	v8 =	vld.idx.msk [tilespmem:v16+s21+$0x0], $0xffff;
	v16 =	vadd.s32 s18, v3;
	[tilespmem:s6+$0x20] =	vst v11  }
0x3c2: {  	v9 =	vld.idx.msk [tilespmem:v9+s21+$0x0], $0xffff;
	v11 =	vadd.s32 s19, v3;
	[tilespmem:s6+$0x1B0] =	vst v15  }
0x3c3: {  	v15 =	vadd.s32 s11, v3;
	v14 =	vld.idx.msk [tilespmem:v14+s21+$0x0], $0xffff;
	[tilespmem:s6+$0xA0] =	vst v13  }
0x3c4: {  	v13 =	vadd.s32 s5, v4;
	v18 =	vld.idx.msk [tilespmem:v18+s21+$0x0], $0xffff;
	[tilespmem:s6+$0x120] =	vst v17  }
0x3c5: {  	v12 =	vld.idx.msk [tilespmem:v12+s21+$0x0], $0xffff;
	v17 =	vadd.s32 s8, v4;
	[tilespmem:s6+$0xFFFFFE20] =	vst v10  }
0x3c6: {  	v10 =	vld.idx.msk [tilespmem:v16+s21+$0x0], $0xffff;
	v16 =	vadd.s32 s15, v5;
	[tilespmem:s6+$0xFFFFFEB0] =	vst v8  }
0x3c7: {  	v8 =	vadd.s32 s16, v4;
	v11 =	vld.idx.msk [tilespmem:v11+s21+$0x0], $0xffff;
	[tilespmem:s6+$0xFFFFFF30] =	vst v9  }
0x3c8: {  	v9 =	vld.idx.msk [tilespmem:v15+s21+$0x0], $0xffff;
	v15 =	vadd.s32 s17, v4;
	[tilespmem:s6+$0xFFFFFFB0] =	vst v14  }
0x3c9: {  	v14 =	vadd.s32 s18, v4;
	v13 =	vld.idx.msk [tilespmem:v13+s21+$0x0], $0xffff;
	[tilespmem:s6+$0x1C0] =	vst v18  }
0x3ca: {  	v17 =	vld.idx.msk [tilespmem:v17+s21+$0x0], $0xffff;
	v18 =	vadd.s32 s19, v4;
	[tilespmem:s6+$0x30] =	vst v12  }
0x3cb: {  	v12 =	vadd.s32 s11, v4;
	v16 =	vld.idx.msk [tilespmem:v16+s21+$0x0], $0xffff;
	[tilespmem:s6+$0xB0] =	vst v10  }
0x3cc: {  	v8 =	vld.idx.msk [tilespmem:v8+s21+$0x0], $0xffff;
	v10 =	vadd.s32 s5, v5;
	[tilespmem:s6+$0x130] =	vst v11  }
0x3cd: {  	v11 =	vld.idx.msk [tilespmem:v15+s21+$0x0], $0xffff;
	v15 =	vadd.s32 s15, v6;
	[tilespmem:s6+$0xFFFFFE30] =	vst v9  }
0x3ce: {  	v9 =	vadd.s32 s8, v5;
	v14 =	vld.idx.msk [tilespmem:v14+s21+$0x0], $0xffff;
	[tilespmem:s6+$0xFFFFFEC0] =	vst v13  }
0x3cf: {  	v13 =	vadd.s32 s16, v5;
	v18 =	vld.idx.msk [tilespmem:v18+s21+$0x0], $0xffff;
	[tilespmem:s6+$0xFFFFFF40] =	vst v17  }
0x3d0: {  	v12 =	vld.idx.msk [tilespmem:v12+s21+$0x0], $0xffff;
	v17 =	vadd.s32 s17, v5;
	[tilespmem:s6+$0x1D0] =	vst v16  }
0x3d1: {  	v10 =	vld.idx.msk [tilespmem:v10+s21+$0x0], $0xffff;
	v16 =	vadd.s32 s18, v5;
	[tilespmem:s6+$0xFFFFFFC0] =	vst v8  }
0x3d2: {  	v8 =	vadd.s32 s19, v5;
	v15 =	vld.idx.msk [tilespmem:v15+s21+$0x0], $0xffff;
	[tilespmem:s6+$0x40] =	vst v11  }
0x3d3: {  	v9 =	vld.idx.msk [tilespmem:v9+s21+$0x0], $0xffff;
	v11 =	vadd.s32 s11, v5;
	[tilespmem:s6+$0xC0] =	vst v14  }
0x3d4: {  	v14 =	vadd.s32 s15, v7;
	v13 =	vld.idx.msk [tilespmem:v13+s21+$0x0], $0xffff;
	[tilespmem:s6+$0x140] =	vst v18  }
0x3d5: {  	v18 =	vadd.s32 s5, v6;
	v17 =	vld.idx.msk [tilespmem:v17+s21+$0x0], $0xffff;
	[tilespmem:s6+$0xFFFFFE40] =	vst v12  }
0x3d6: {  	v12 =	vadd.s32 s8, v6;
	v16 =	vld.idx.msk [tilespmem:v16+s21+$0x0], $0xffff;
	[tilespmem:s6+$0xFFFFFED0] =	vst v10  }
0x3d7: {  	v10 =	vadd.s32 s16, v6;
	v8 =	vld.idx.msk [tilespmem:v8+s21+$0x0], $0xffff;
	[tilespmem:s6+$0x1E0] =	vst v15  }
0x3d8: {  	v11 =	vld.idx.msk [tilespmem:v11+s21+$0x0], $0xffff;
	v15 =	vadd.s32 s17, v6;
	[tilespmem:s6+$0xFFFFFF50] =	vst v9  }
0x3d9: {  	v9 =	vadd.s32 s18, v6;
	v14 =	vld.idx.msk [tilespmem:v14+s21+$0x0], $0xffff;
	[tilespmem:s6+$0xFFFFFFD0] =	vst v13  }
0x3da: {  	v13 =	vld.idx.msk [tilespmem:v18+s21+$0x0], $0xffff;
	v18 =	vadd.s32 s19, v6;
	[tilespmem:s6+$0x50] =	vst v17  }
0x3db: {  	v17 =	vadd.s32 s11, v6;
	v12 =	vld.idx.msk [tilespmem:v12+s21+$0x0], $0xffff;
	[tilespmem:s6+$0xD0] =	vst v16  }
0x3dc: {  	v10 =	vld.idx.msk [tilespmem:v10+s21+$0x0], $0xffff;
	v16 =	vadd.s32 s5, v7;
	[tilespmem:s6+$0x150] =	vst v8  }
0x3dd: {  	v8 =	vld.idx.msk [tilespmem:v15+s21+$0x0], $0xffff;
	v15 =	vadd.s32 s8, v7;
	[tilespmem:s6+$0xFFFFFE50] =	vst v11  }
0x3de: {  	v9 =	vld.idx.msk [tilespmem:v9+s21+$0x0], $0xffff;
	v11 =	vadd.s32 s16, v7;
	[tilespmem:s6+$0x1F0] =	vst v14  }
0x3df: {  	v14 =	vld.idx.msk [tilespmem:v18+s21+$0x0], $0xffff;
	v18 =	vadd.s32 s17, v7;
	[tilespmem:s6+$0xFFFFFEE0] =	vst v13  }
0x3e0: {  	v13 =	vld.idx.msk [tilespmem:v17+s21+$0x0], $0xffff;
	v17 =	vadd.s32 s18, v7;
	[tilespmem:s6+$0xFFFFFF60] =	vst v12  }
0x3e1: {  	v12 =	vld.idx.msk [tilespmem:v16+s21+$0x0], $0xffff;
	v16 =	vadd.s32 s19, v7;
	[tilespmem:s6+$0xFFFFFFE0] =	vst v10  }
0x3e2: {  	v10 =	vadd.s32 s11, v7;
	v15 =	vld.idx.msk [tilespmem:v15+s21+$0x0], $0xffff;
	[tilespmem:s6+$0x60] =	vst v8  }
0x3e3: {  	v8 =	vld.idx.msk [tilespmem:v11+s21+$0x0], $0xffff;
	[tilespmem:s6+$0xE0] =	vst v9  }
0x3e4: {  	v9 =	vld.idx.msk [tilespmem:v18+s21+$0x0], $0xffff;
	[tilespmem:s6+$0x160] =	vst v14  }
0x3e5: {  	v11 =	vld.idx.msk [tilespmem:v17+s21+$0x0], $0xffff;
	[tilespmem:s6+$0xFFFFFE60] =	vst v13  }
0x3e6: {  	v13 =	vld.idx.msk [tilespmem:v16+s21+$0x0], $0xffff;
	[tilespmem:s6+$0xFFFFFEF0] =	vst v12  }
0x3e7: {  	v10 =	vld.idx.msk [tilespmem:v10+s21+$0x0], $0xffff;
	[tilespmem:s6+$0xFFFFFF70] =	vst v15  }
0x3e8: {  	[tilespmem:s6+$0xFFFFFFF0] =	vst v8  }
0x3e9: {  	[tilespmem:s6+$0x70] =	vst v9  }
0x3ea: {  	[tilespmem:s6+$0xF0] =	vst v11  }
0x3eb: {  	[tilespmem:s6+$0x170] =	vst v13  }
0x3ec: {  	[tilespmem:s6+$0xFFFFFE70] =	vst v10  }
0x3ed: {  	v10 =	vld [tilespmem:s1+$0x18940]  }
0x3ee: {  	s19 =	simm.s32 $0xC5F0;
	v11 =	vld [tilespmem:s1+$0x18950]  }
0x3ef: {  	v12 =	vld [tilespmem:s19+$0xFFFFFFD0]  }
0x3f0: {  	v13 =	vld [tilespmem:s19+$0xFFFFFE50]  }
0x3f1: {  	v9 =	vld [tilespmem:s1+$0x18960]  }
0x3f2: {  	v8 =	vld [tilespmem:s1+$0x18970]  }
0x3f3: {  	v14 =	vld [tilespmem:s19+$0xFFFFFE90]  }
0x3f4: {  	v15 =	vld [tilespmem:s19+$0xFFFFFED0]  }
0x3f5: {  	v16 =	vld [tilespmem:s19+$0xFFFFFF10];
	v12 =	vmul.f32 $8.000000000e+00, v12  }
0x3f6: {  	v17 =	vld [tilespmem:s19+$0xFFFFFF50];
	v13 =	vmul.f32 $8.000000000e+00, v13  }
0x3f7: {  	v18 =	vld [tilespmem:s19+$0xFFFFFF90];
	v12 =	vadd.f32 v12, v10  }
0x3f8: {  	s1 =	simm.s32 $0xE524;
	v19 =	vld [tilespmem:s19+$0xFFFFFE10];
	v14 =	vmul.f32 $8.000000000e+00, v14;
	v13 =	vadd.f32 v13, v10  }
0x3f9: {  	[tilespmem:s1+$0xDB] =	vst v12;
	v12 =	vmul.f32 $8.000000000e+00, v15  }
0x3fa: {  	v14 =	vadd.f32 v14, v10;
	[tilespmem:s1+$0xFFFFFF25] =	vst v13;
	v15 =	vmul.f32 $8.000000000e+00, v16;
	v13 =	vld [tilespmem:s19+$0xFFFFFFE0]  }
0x3fb: {  	v17 =	vmul.f32 $8.000000000e+00, v17;
	v16 =	vld [tilespmem:s19+$0xFFFFFE60];
	v12 =	vadd.f32 v12, v10  }
0x3fc: {  	[tilespmem:s1+$0xFFFFFF6E] =	vst v14;
	v14 =	vadd.f32 v15, v10;
	v15 =	vmul.f32 $8.000000000e+00, v18  }
0x3fd: {  	v18 =	vmul.f32 $8.000000000e+00, v19;
	v19 =	vld [tilespmem:s19+$0xFFFFFEA0];
	[tilespmem:s1+$0xFFFFFFB7] =	vst v12;
	v12 =	vadd.f32 v17, v10  }
0x3fe: {  	[tilespmem:s1+$0x0] =	vst v14;
	v14 =	vadd.f32 v15, v10;
	v17 =	vld [tilespmem:s19+$0xFFFFFEE0]  }
0x3ff: {  	v15 =	vadd.f32 v18, v10;
	v18 =	vld [tilespmem:s19+$0xFFFFFF20];
	v13 =	vmul.f32 $8.000000000e+00, v13;
	[tilespmem:s1+$0x49] =	vst v12  }
0x400: {  	v12 =	vmul.f32 $8.000000000e+00, v16;
	[tilespmem:s1+$0x92] =	vst v14;
	v16 =	vld [tilespmem:s19+$0xFFFFFF60]  }
0x401: {  	[tilespmem:s1+$0xFFFFFEDC] =	vst v15;
	v14 =	vld [tilespmem:s19+$0xFFFFFFA0];
	v13 =	vadd.f32 v13, v11  }
0x402: {  	v15 =	vld [tilespmem:s19+$0xFFFFFE20];
	v19 =	vmul.f32 $8.000000000e+00, v19;
	v12 =	vadd.f32 v12, v11  }
0x403: {  	[tilespmem:s1+$0xEB] =	vst v13;
	v13 =	vmul.f32 $8.000000000e+00, v17  }
0x404: {  	[tilespmem:s1+$0xFFFFFF35] =	vst v12;
	v17 =	vadd.f32 v19, v11;
	v18 =	vmul.f32 $8.000000000e+00, v18;
	v12 =	vld [tilespmem:s19+$0xFFFFFFF0]  }
0x405: {  	v19 =	vld [tilespmem:s19+$0xFFFFFE70];
	v13 =	vadd.f32 v13, v11;
	v16 =	vmul.f32 $8.000000000e+00, v16  }
0x406: {  	[tilespmem:s1+$0xFFFFFF7E] =	vst v17;
	v17 =	vadd.f32 v18, v11;
	v14 =	vmul.f32 $8.000000000e+00, v14  }
0x407: {  	v15 =	vmul.f32 $8.000000000e+00, v15;
	v18 =	vld [tilespmem:s19+$0xFFFFFEB0];
	[tilespmem:s1+$0xFFFFFFC7] =	vst v13;
	v13 =	vadd.f32 v16, v11  }
0x408: {  	[tilespmem:s1+$0x10] =	vst v17;
	v14 =	vadd.f32 v14, v11;
	v16 =	vld [tilespmem:s19+$0xFFFFFEF0]  }
0x409: {  	v15 =	vadd.f32 v15, v11;
	v17 =	vld [tilespmem:s19+$0xFFFFFF30];
	v12 =	vmul.f32 $8.000000000e+00, v12;
	[tilespmem:s1+$0x59] =	vst v13  }
0x40a: {  	v13 =	vmul.f32 $8.000000000e+00, v19;
	[tilespmem:s1+$0xA2] =	vst v14;
	v19 =	vld [tilespmem:s19+$0xFFFFFF70]  }
0x40b: {  	[tilespmem:s1+$0xFFFFFEEC] =	vst v15;
	v14 =	vld [tilespmem:s19+$0xFFFFFFB0];
	v12 =	vadd.f32 v12, v9  }
0x40c: {  	s11 =	simm.s32 $0xC7F0;
	v15 =	vld [tilespmem:s19+$0xFFFFFE30];
	v13 =	vadd.f32 v13, v9;
	v18 =	vmul.f32 $8.000000000e+00, v18  }
0x40d: {  	v20 =	vld [tilespmem:s11+$0xFFFFFFD0];
	[tilespmem:s1+$0xFB] =	vst v12;
	v12 =	vmul.f32 $8.000000000e+00, v16  }
0x40e: {  	[tilespmem:s1+$0xFFFFFF45] =	vst v13;
	v16 =	vadd.f32 v18, v9;
	v17 =	vmul.f32 $8.000000000e+00, v17;
	v13 =	vld [tilespmem:s19+$0x0]  }
0x40f: {  	v18 =	vld [tilespmem:s19+$0xFFFFFE80];
	v12 =	vadd.f32 v12, v9;
	v19 =	vmul.f32 $8.000000000e+00, v19  }
0x410: {  	[tilespmem:s1+$0xFFFFFF8E] =	vst v16;
	v16 =	vadd.f32 v17, v9;
	v14 =	vmul.f32 $8.000000000e+00, v14;
	v17 =	vld [tilespmem:s11+$0xFFFFFE50]  }
0x411: {  	v15 =	vmul.f32 $8.000000000e+00, v15;
	[tilespmem:s1+$0xFFFFFFD7] =	vst v12;
	v12 =	vadd.f32 v19, v9;
	v19 =	vld [tilespmem:s11+$0xFFFFFE90]  }
0x412: {  	v20 =	vmul.f32 $8.000000000e+00, v20;
	[tilespmem:s1+$0x20] =	vst v16;
	v14 =	vadd.f32 v14, v9;
	v16 =	vld [tilespmem:s11+$0xFFFFFED0]  }
0x413: {  	v15 =	vadd.f32 v15, v9;
	v13 =	vmul.f32 $8.000000000e+00, v13;
	[tilespmem:s1+$0x69] =	vst v12;
	v12 =	vld [tilespmem:s11+$0xFFFFFF10]  }
0x414: {  	v20 =	vadd.f32 v20, v10;
	v18 =	vmul.f32 $8.000000000e+00, v18;
	[tilespmem:s1+$0xB2] =	vst v14;
	v14 =	vld [tilespmem:s11+$0xFFFFFF50]  }
0x415: {  	s14 =	simm.s32 $0xE76C;
	[tilespmem:s1+$0xFFFFFEFC] =	vst v15;
	v15 =	vmul.f32 $8.000000000e+00, v17;
	v17 =	vld [tilespmem:s11+$0xFFFFFF90];
	v13 =	vadd.f32 v13, v8  }
0x416: {  	v21 =	vld [tilespmem:s11+$0xFFFFFE10];
	[tilespmem:s14+$0xDB] =	vst v20;
	v18 =	vadd.f32 v18, v8;
	v19 =	vmul.f32 $8.000000000e+00, v19  }
0x417: {  	[tilespmem:s1+$0x10B] =	vst v13;
	v13 =	vadd.f32 v15, v10;
	v15 =	vmul.f32 $8.000000000e+00, v16;
	v16 =	vld [tilespmem:s19+$0xFFFFFE40]  }
0x418: {  	[tilespmem:s1+$0xFFFFFF55] =	vst v18;
	v18 =	vadd.f32 v19, v10;
	v12 =	vmul.f32 $8.000000000e+00, v12;
	v19 =	vld [tilespmem:s19+$0xFFFFFEC0]  }
0x419: {  	v14 =	vmul.f32 $8.000000000e+00, v14;
	[tilespmem:s14+$0xFFFFFF25] =	vst v13;
	v13 =	vadd.f32 v15, v10;
	v15 =	vld [tilespmem:s11+$0xFFFFFFE0]  }
0x41a: {  	v17 =	vmul.f32 $8.000000000e+00, v17;
	v20 =	vld [tilespmem:s11+$0xFFFFFE60];
	[tilespmem:s14+$0xFFFFFF6E] =	vst v18;
	v12 =	vadd.f32 v12, v10  }
0x41b: {  	v18 =	vmul.f32 $8.000000000e+00, v21;
	v21 =	vld [tilespmem:s11+$0xFFFFFEA0];
	[tilespmem:s14+$0xFFFFFFB7] =	vst v13;
	v13 =	vadd.f32 v14, v10  }
0x41c: {  	v14 =	vld [tilespmem:s11+$0xFFFFFEE0];
	[tilespmem:s14+$0x0] =	vst v12;
	v12 =	vadd.f32 v17, v10;
	v16 =	vmul.f32 $8.000000000e+00, v16  }
0x41d: {  	v17 =	vadd.f32 v18, v10;
	v18 =	vld [tilespmem:s11+$0xFFFFFF20];
	[tilespmem:s14+$0x49] =	vst v13;
	v13 =	vmul.f32 $8.000000000e+00, v19  }
0x41e: {  	v19 =	vld [tilespmem:s11+$0xFFFFFF60];
	[tilespmem:s14+$0x92] =	vst v12;
	v12 =	vmul.f32 $8.000000000e+00, v15;
	v15 =	vadd.f32 v16, v8  }
0x41f: {  	[tilespmem:s14+$0xFFFFFEDC] =	vst v17;
	v16 =	vmul.f32 $8.000000000e+00, v20;
	v17 =	vld [tilespmem:s11+$0xFFFFFFA0];
	v13 =	vadd.f32 v13, v8  }
0x420: {  	v20 =	vld [tilespmem:s11+$0xFFFFFE20];
	v21 =	vmul.f32 $8.000000000e+00, v21;
	v12 =	vadd.f32 v12, v11;
	[tilespmem:s1+$0xFFFFFF0C] =	vst v15  }
0x421: {  	v15 =	vadd.f32 v16, v11;
	v14 =	vmul.f32 $8.000000000e+00, v14;
	[tilespmem:s1+$0xFFFFFF9E] =	vst v13;
	v13 =	vld [tilespmem:s19+$0xFFFFFF00]  }
0x422: {  	v16 =	vadd.f32 v21, v11;
	v18 =	vmul.f32 $8.000000000e+00, v18;
	[tilespmem:s14+$0xEB] =	vst v12;
	v12 =	vld [tilespmem:s19+$0xFFFFFF40]  }
0x423: {  	[tilespmem:s14+$0xFFFFFF35] =	vst v15;
	v14 =	vadd.f32 v14, v11;
	v15 =	vmul.f32 $8.000000000e+00, v19;
	v19 =	vld [tilespmem:s11+$0xFFFFFFF0]  }
0x424: {  	v21 =	vld [tilespmem:s11+$0xFFFFFE70];
	[tilespmem:s14+$0xFFFFFF7E] =	vst v16;
	v16 =	vadd.f32 v18, v11;
	v17 =	vmul.f32 $8.000000000e+00, v17  }
0x425: {  	v18 =	vmul.f32 $8.000000000e+00, v20;
	v20 =	vld [tilespmem:s11+$0xFFFFFEB0];
	[tilespmem:s14+$0xFFFFFFC7] =	vst v14;
	v14 =	vadd.f32 v15, v11  }
0x426: {  	v15 =	vld [tilespmem:s11+$0xFFFFFEF0];
	[tilespmem:s14+$0x10] =	vst v16;
	v16 =	vadd.f32 v17, v11;
	v13 =	vmul.f32 $8.000000000e+00, v13  }
0x427: {  	v17 =	vadd.f32 v18, v11;
	v18 =	vld [tilespmem:s11+$0xFFFFFF30];
	[tilespmem:s14+$0x59] =	vst v14;
	v12 =	vmul.f32 $8.000000000e+00, v12  }
0x428: {  	v22 =	vld [tilespmem:s11+$0xFFFFFF70];
	[tilespmem:s14+$0xA2] =	vst v16;
	v14 =	vmul.f32 $8.000000000e+00, v19;
	v16 =	vadd.f32 v13, v8  }
0x429: {  	[tilespmem:s14+$0xFFFFFEEC] =	vst v17;
	v17 =	vmul.f32 $8.000000000e+00, v21;
	v21 =	vld [tilespmem:s11+$0xFFFFFFB0];
	v12 =	vadd.f32 v12, v8  }
0x42a: {  	v13 =	vld [tilespmem:s11+$0xFFFFFE30];
	v19 =	vmul.f32 $8.000000000e+00, v20;
	v20 =	vadd.f32 v14, v9;
	[tilespmem:s1+$0xFFFFFFE7] =	vst v16  }
0x42b: {  	v14 =	vld [tilespmem:s19+$0xFFFFFF80];
	v16 =	vadd.f32 v17, v9;
	v17 =	vmul.f32 $8.000000000e+00, v15;
	[tilespmem:s1+$0x30] =	vst v12  }
0x42c: {  	v15 =	vld [tilespmem:s19+$0xFFFFFFC0];
	v19 =	vadd.f32 v19, v9;
	v23 =	vmul.f32 $8.000000000e+00, v18;
	[tilespmem:s14+$0xFB] =	vst v20  }
0x42d: {  	[tilespmem:s14+$0xFFFFFF45] =	vst v16;
	v17 =	vadd.f32 v17, v9;
	v16 =	vld [tilespmem:s11+$0x0];
	v18 =	vmul.f32 $8.000000000e+00, v22  }
0x42e: {  	s5 =	simm.s32 $0x8;
	s6 =	simm.s32 $0xC9F0;
	v12 =	vld [tilespmem:s11+$0xFFFFFE80];
	[tilespmem:s14+$0xFFFFFF8E] =	vst v19;
	v19 =	vadd.f32 v23, v9;
	v20 =	vmul.f32 $8.000000000e+00, v21  }
.LBB2_15:
0x42f: {  	v21 =	vld [tilespmem:s6+$0xFFFFFFD0];
	s5 =	sadd.s32 $0x8, s5;
	v13 =	vmul.f32 $8.000000000e+00, v13;
	[tilespmem:s14+$0xFFFFFFD7] =	vst v17;
	v17 =	vadd.f32 v18, v9  }
0x430: {  	v18 =	vld [tilespmem:s6+$0xFFFFFE50];
	p1 =	slt.u32 s5, $0x78;
	[tilespmem:s14+$0x20] =	vst v19;
	v19 =	vadd.f32 v20, v9;
	v14 =	vmul.f32 $8.000000000e+00, v14  }
0x431: {  	v20 =	vld [tilespmem:s6+$0xFFFFFE90];
	v13 =	vadd.f32 v13, v9;
	[tilespmem:s14+$0x69] =	vst v17;
	v15 =	vmul.f32 $8.000000000e+00, v15  }
0x432: {  	v17 =	vld [tilespmem:s6+$0xFFFFFED0];
	[tilespmem:s14+$0xB2] =	vst v19;
	v16 =	vmul.f32 $8.000000000e+00, v16;
	v14 =	vadd.f32 v14, v8  }
0x433: {  	v19 =	vld [tilespmem:s6+$0xFFFFFF10];
	[tilespmem:s14+$0xFFFFFEFC] =	vst v13;
	v12 =	vmul.f32 $8.000000000e+00, v12;
	v13 =	vadd.f32 v15, v8  }
0x434: {  	v15 =	vld [tilespmem:s6+$0xFFFFFF50];
	v21 =	vmul.f32 $8.000000000e+00, v21;
	v16 =	vadd.f32 v16, v8;
	[tilespmem:s1+$0x79] =	vst v14  }
0x435: {  	v14 =	vmul.f32 $8.000000000e+00, v18;
	v18 =	vld [tilespmem:s6+$0xFFFFFF90];
	v12 =	vadd.f32 v12, v8;
	[tilespmem:s1+$0xC2] =	vst v13;
	s1 =	smov.u32 s14  }
0x436: {  	v13 =	vld [tilespmem:s6+$0xFFFFFE10];
	v20 =	vmul.f32 $8.000000000e+00, v20;
	v21 =	vadd.f32 v21, v10;
	[tilespmem:s14+$0x10B] =	vst v16  }
0x437: {  	s14 =	sadd.s32 $0x248, s14;
	v14 =	vadd.f32 v14, v10;
	v16 =	vmul.f32 $8.000000000e+00, v17;
	v17 =	vld [tilespmem:s11+$0xFFFFFE40];
	[tilespmem:s1+$0xFFFFFF55] =	vst v12  }
0x438: {  	v12 =	vadd.f32 v20, v10;
	v19 =	vmul.f32 $8.000000000e+00, v19;
	[tilespmem:s14+$0xDB] =	vst v21;
	v20 =	vld [tilespmem:s11+$0xFFFFFEC0]  }
0x439: {  	[tilespmem:s14+$0xFFFFFF25] =	vst v14;
	v14 =	vadd.f32 v16, v10;
	v15 =	vmul.f32 $8.000000000e+00, v15;
	v16 =	vld [tilespmem:s6+$0xFFFFFFE0]  }
0x43a: {  	v21 =	vld [tilespmem:s6+$0xFFFFFE60];
	[tilespmem:s14+$0xFFFFFF6E] =	vst v12;
	v12 =	vadd.f32 v19, v10;
	v18 =	vmul.f32 $8.000000000e+00, v18  }
0x43b: {  	v13 =	vmul.f32 $8.000000000e+00, v13;
	v19 =	vld [tilespmem:s6+$0xFFFFFEA0];
	[tilespmem:s14+$0xFFFFFFB7] =	vst v14;
	v14 =	vadd.f32 v15, v10  }
0x43c: {  	v15 =	vld [tilespmem:s6+$0xFFFFFEE0];
	[tilespmem:s14+$0x0] =	vst v12;
	v12 =	vadd.f32 v18, v10;
	v17 =	vmul.f32 $8.000000000e+00, v17  }
0x43d: {  	v13 =	vadd.f32 v13, v10;
	v18 =	vld [tilespmem:s6+$0xFFFFFF20];
	[tilespmem:s14+$0x49] =	vst v14;
	v14 =	vmul.f32 $8.000000000e+00, v20  }
0x43e: {  	v20 =	vld [tilespmem:s6+$0xFFFFFF60];
	[tilespmem:s14+$0x92] =	vst v12;
	v12 =	vmul.f32 $8.000000000e+00, v16;
	v16 =	vadd.f32 v17, v8  }
0x43f: {  	[tilespmem:s14+$0xFFFFFEDC] =	vst v13;
	v13 =	vmul.f32 $8.000000000e+00, v21;
	v17 =	vld [tilespmem:s6+$0xFFFFFFA0];
	v14 =	vadd.f32 v14, v8  }
0x440: {  	v21 =	vld [tilespmem:s6+$0xFFFFFE20];
	v19 =	vmul.f32 $8.000000000e+00, v19;
	v12 =	vadd.f32 v12, v11;
	[tilespmem:s1+$0xFFFFFF0C] =	vst v16  }
0x441: {  	v13 =	vadd.f32 v13, v11;
	v15 =	vmul.f32 $8.000000000e+00, v15;
	[tilespmem:s1+$0xFFFFFF9E] =	vst v14;
	v14 =	vld [tilespmem:s11+$0xFFFFFF00]  }
0x442: {  	v16 =	vadd.f32 v19, v11;
	v18 =	vmul.f32 $8.000000000e+00, v18;
	[tilespmem:s14+$0xEB] =	vst v12;
	v12 =	vld [tilespmem:s11+$0xFFFFFF40]  }
0x443: {  	[tilespmem:s14+$0xFFFFFF35] =	vst v13;
	v13 =	vadd.f32 v15, v11;
	v15 =	vmul.f32 $8.000000000e+00, v20;
	v19 =	vld [tilespmem:s6+$0xFFFFFFF0]  }
0x444: {  	v20 =	vld [tilespmem:s6+$0xFFFFFE70];
	[tilespmem:s14+$0xFFFFFF7E] =	vst v16;
	v16 =	vadd.f32 v18, v11;
	v17 =	vmul.f32 $8.000000000e+00, v17  }
0x445: {  	v18 =	vmul.f32 $8.000000000e+00, v21;
	v21 =	vld [tilespmem:s6+$0xFFFFFEB0];
	[tilespmem:s14+$0xFFFFFFC7] =	vst v13;
	v13 =	vadd.f32 v15, v11  }
0x446: {  	v15 =	vld [tilespmem:s6+$0xFFFFFEF0];
	[tilespmem:s14+$0x10] =	vst v16;
	v16 =	vadd.f32 v17, v11;
	v14 =	vmul.f32 $8.000000000e+00, v14  }
0x447: {  	v17 =	vadd.f32 v18, v11;
	v18 =	vld [tilespmem:s6+$0xFFFFFF30];
	[tilespmem:s14+$0x59] =	vst v13;
	v12 =	vmul.f32 $8.000000000e+00, v12  }
0x448: {  	v22 =	vld [tilespmem:s6+$0xFFFFFF70];
	[tilespmem:s14+$0xA2] =	vst v16;
	v16 =	vmul.f32 $8.000000000e+00, v19;
	v14 =	vadd.f32 v14, v8  }
0x449: {  	[tilespmem:s14+$0xFFFFFEEC] =	vst v17;
	v17 =	vmul.f32 $8.000000000e+00, v20;
	v20 =	vld [tilespmem:s6+$0xFFFFFFB0];
	v12 =	vadd.f32 v12, v8  }
.Ltmp6:
0x44a: {  	v13 =	vld [tilespmem:s6+$0xFFFFFE30];
	v19 =	vmul.f32 $8.000000000e+00, v21;
	v16 =	vadd.f32 v16, v9;
	[tilespmem:s1+$0xFFFFFFE7] =	vst v14;
	(pc) =	sbr.rel @p1 .LBB2_15-.Ltmp6, $4  }
0x44b: {  	v17 =	vadd.f32 v17, v9;
	v21 =	vmul.f32 $8.000000000e+00, v15;
	[tilespmem:s1+$0x30] =	vst v12;
	v14 =	vld [tilespmem:s11+$0xFFFFFF80]  }
0x44c: {  	v19 =	vadd.f32 v19, v9;
	v23 =	vmul.f32 $8.000000000e+00, v18;
	[tilespmem:s14+$0xFB] =	vst v16;
	v15 =	vld [tilespmem:s11+$0xFFFFFFC0];
	s11 =	smov.u32 s6  }
0x44d: {  	[tilespmem:s14+$0xFFFFFF45] =	vst v17;
	v17 =	vadd.f32 v21, v9;
	v18 =	vmul.f32 $8.000000000e+00, v22;
	v16 =	vld [tilespmem:s6+$0x0]  }
0x44e: {  	s6 =	sadd.s32 $0x200, s6;
	v12 =	vld [tilespmem:s11+$0xFFFFFE80];
	[tilespmem:s14+$0xFFFFFF8E] =	vst v19;
	v19 =	vadd.f32 v23, v9;
	v20 =	vmul.f32 $8.000000000e+00, v20  }
0x44f: {  	v10 =	vmul.f32 $8.000000000e+00, v13;
	_ =	sdelay $0x1  }
0x450: {  	v10 =	vadd.f32 v10, v9  }
0x451: {  	[tilespmem:s14+$0xFFFFFFD7] =	vst v17  }
0x452: {  	v11 =	vadd.f32 v18, v9;
	v13 =	vmul.f32 $8.000000000e+00, v14;
	v14 =	vld [tilespmem:s11+$0xFFFFFEC0];
	[tilespmem:s14+$0xFFFFFEFC] =	vst v10  }
0x453: {  	[tilespmem:s14+$0x20] =	vst v19;
	v9 =	vadd.f32 v20, v9;
	v15 =	vmul.f32 $8.000000000e+00, v15;
	v10 =	vld [tilespmem:s11+$0xFFFFFE40]  }
0x454: {  	[tilespmem:s14+$0x69] =	vst v11;
	v11 =	vmul.f32 $8.000000000e+00, v16;
	v16 =	vld [tilespmem:s11+$0xFFFFFF40]  }
0x455: {  	v17 =	vld [tilespmem:s11+$0xFFFFFF00];
	[tilespmem:s14+$0xB2] =	vst v9;
	v9 =	vmul.f32 $8.000000000e+00, v12;
	v12 =	vadd.f32 v15, v8  }
0x456: {  	v13 =	vadd.f32 v13, v8  }
0x457: {  	v15 =	vld [tilespmem:s11+$0xFFFFFF80];
	v9 =	vadd.f32 v9, v8;
	[tilespmem:s1+$0xC2] =	vst v12;
	v12 =	vmul.f32 $8.000000000e+00, v14  }
0x458: {  	v11 =	vadd.f32 v11, v8;
	[tilespmem:s1+$0x79] =	vst v13;
	v13 =	vld [tilespmem:s11+$0xFFFFFFC0];
	v10 =	vmul.f32 $8.000000000e+00, v10  }
0x459: {  	[tilespmem:s14+$0xFFFFFF55] =	vst v9;
	v9 =	vadd.f32 v12, v8;
	v12 =	vmul.f32 $8.000000000e+00, v16  }
0x45a: {  	[tilespmem:s14+$0x10B] =	vst v11;
	v11 =	vmul.f32 $8.000000000e+00, v17;
	v10 =	vadd.f32 v10, v8  }
0x45b: {  	[tilespmem:s14+$0xFFFFFF9E] =	vst v9;
	v9 =	vadd.f32 v12, v8  }
0x45c: {  	[tilespmem:s14+$0xFFFFFF0C] =	vst v10;
	v10 =	vadd.f32 v11, v8;
	v11 =	vmul.f32 $8.000000000e+00, v15  }
0x45d: {  	s17 =	simm.s32 $0x7;
	v12 =	vmul.f32 $8.000000000e+00, v13;
	[tilespmem:s14+$0x30] =	vst v9  }
0x45e: {  	s6 =	simm.s32 $0x4;
	v9 =	vadd.s32 s17, v0;
	[tilespmem:s14+$0xFFFFFFE7] =	vst v10;
	v10 =	vadd.f32 v11, v8  }
0x45f: {  	s19 =	simm.s32 $0x6;
	v13 =	vadd.s32 s6, v0;
	v8 =	vadd.f32 v12, v8  }
0x460: {  	s0 =	sadd.s32 @!p0 $0x380, s0;
	s5 =	simm.s32 @!p0 $0xC400;
	s8 =	simm.s32 $0x3;
	v15 =	vadd.s32 s19, v0;
	[tilespmem:s14+$0x79] =	vst v10  }
0x461: {  	s15 =	simm.s32 $0x1;
	s16 =	simm.s32 $0x2;
	s1 =	simm.s32 @!p0 $0x80;
	v12 =	vadd.s32 s8, v0;
	[tilespmem:s14+$0xC2] =	vst v8  }
0x462: {  	v11 =	vadd.s32 s16, v0;
	[tilespmem:s5], [sflag:$0x3] =	stream.indirect.gather @!p0 [hbm4b:s4+s1], $0x40, s0, s1, $0xb8;
	[tilespmem:$0x1BA80] =	vst v63  }
0x463: {  	s18 =	simm.s32 $0x5;
	v10 =	vadd.s32 s15, v0;
	v9 =	vld.idx.msk [tilespmem:v9+s21+$0x0], $0xffff  }
0x464: {  	v14 =	vadd.s32 s18, v0;
	s5 =	simm.s32 $0x0;
	v13 =	vld.idx.msk [tilespmem:v13+s21+$0x0], $0xffff  }
0x465: {  	v8 =	vadd.s32 s5, v0;
	v15 =	vld.idx.msk [tilespmem:v15+s21+$0x0], $0xffff  }
0x466: {  	v20 =	vadd.s32 s6, v1;
	v12 =	vld.idx.msk [tilespmem:v12+s21+$0x0], $0xffff  }
0x467: {  	v19 =	vadd.s32 s8, v1;
	s1 =	simm.s32 $0x16C70;
	v11 =	vld.idx.msk [tilespmem:v11+s21+$0x0], $0xffff  }
0x468: {  	v16 =	vadd.s32 s17, v1;
	v10 =	vld.idx.msk [tilespmem:v10+s21+$0x0], $0xffff;
	[tilespmem:s1+$0xFFFFFF90] =	vst v9  }
0x469: {  	v17 =	vadd.s32 s15, v1;
	v14 =	vld.idx.msk [tilespmem:v14+s21+$0x0], $0xffff;
	[tilespmem:s1+$0xFFFFFE10] =	vst v13  }
0x46a: {  	v18 =	vadd.s32 s16, v1;
	v8 =	vld.idx.msk [tilespmem:v8+s21+$0x0], $0xffff;
	[tilespmem:s1+$0xFFFFFF10] =	vst v15  }
0x46b: {  	v9 =	vadd.s32 s18, v1;
	[tilespmem:s1+$0xFFFFFD90] =	vst v12;
	v20 =	vld.idx.msk [tilespmem:v20+s21+$0x0], $0xffff  }
0x46c: {  	[tilespmem:s1+$0xFFFFFD10] =	vst v11;
	v11 =	vadd.s32 s19, v1;
	v19 =	vld.idx.msk [tilespmem:v19+s21+$0x0], $0xffff  }
0x46d: {  	v15 =	vadd.s32 s8, v2;
	[tilespmem:s1+$0xFFFFFC90] =	vst v10;
	v10 =	vld.idx.msk [tilespmem:v16+s21+$0x0], $0xffff  }
0x46e: {  	v12 =	vadd.s32 s17, v2;
	v16 =	vld.idx.msk [tilespmem:v17+s21+$0x0], $0xffff  }
0x46f: {  	[tilespmem:s1+$0xFFFFFE90] =	vst v14;
	v17 =	vld.idx.msk [tilespmem:v18+s21+$0x0], $0xffff;
	v18 =	vadd.s32 s5, v1  }
0x470: {  	v13 =	vadd.s32 s15, v2;
	v9 =	vld.idx.msk [tilespmem:v9+s21+$0x0], $0xffff;
	[tilespmem:s1+$0xFFFFFC10] =	vst v8  }
0x471: {  	v14 =	vadd.s32 s16, v2;
	v11 =	vld.idx.msk [tilespmem:v11+s21+$0x0], $0xffff;
	[tilespmem:s1+$0xFFFFFDA0] =	vst v19  }
0x472: {  	v8 =	vadd.s32 s6, v2;
	[tilespmem:s1+$0xFFFFFFA0] =	vst v10;
	v15 =	vld.idx.msk [tilespmem:v15+s21+$0x0], $0xffff  }
0x473: {  	v10 =	vld.idx.msk [tilespmem:v12+s21+$0x0], $0xffff;
	[tilespmem:s1+$0xFFFFFCA0] =	vst v16;
	v16 =	vadd.s32 s18, v2  }
0x474: {  	v12 =	vld.idx.msk [tilespmem:v18+s21+$0x0], $0xffff;
	[tilespmem:s1+$0xFFFFFD20] =	vst v17;
	v17 =	vadd.s32 s17, v3  }
0x475: {  	[tilespmem:s1+$0xFFFFFE20] =	vst v20;
	v18 =	vadd.s32 s19, v2;
	v13 =	vld.idx.msk [tilespmem:v13+s21+$0x0], $0xffff  }
0x476: {  	v19 =	vadd.s32 s5, v2;
	v14 =	vld.idx.msk [tilespmem:v14+s21+$0x0], $0xffff;
	[tilespmem:s1+$0xFFFFFEA0] =	vst v9  }
0x477: {  	v20 =	vadd.s32 s15, v3;
	v8 =	vld.idx.msk [tilespmem:v8+s21+$0x0], $0xffff;
	[tilespmem:s1+$0xFFFFFF20] =	vst v11  }
0x478: {  	v9 =	vadd.s32 s16, v3;
	v16 =	vld.idx.msk [tilespmem:v16+s21+$0x0], $0xffff;
	[tilespmem:s1+$0xFFFFFFB0] =	vst v10  }
0x479: {  	v10 =	vadd.s32 s8, v3;
	[tilespmem:s1+$0xFFFFFC20] =	vst v12;
	v11 =	vld.idx.msk [tilespmem:v17+s21+$0x0], $0xffff  }
0x47a: {  	v12 =	vadd.s32 s6, v3;
	v17 =	vld.idx.msk [tilespmem:v18+s21+$0x0], $0xffff;
	[tilespmem:s1+$0xFFFFFCB0] =	vst v13  }
0x47b: {  	v18 =	vld.idx.msk [tilespmem:v19+s21+$0x0], $0xffff;
	[tilespmem:s1+$0xFFFFFD30] =	vst v14;
	v14 =	vadd.s32 s18, v3  }
0x47c: {  	[tilespmem:s1+$0xFFFFFDB0] =	vst v15;
	v13 =	vadd.s32 s17, v4;
	v19 =	vld.idx.msk [tilespmem:v20+s21+$0x0], $0xffff  }
0x47d: {  	v15 =	vadd.s32 s19, v3;
	[tilespmem:s1+$0xFFFFFE30] =	vst v8;
	v9 =	vld.idx.msk [tilespmem:v9+s21+$0x0], $0xffff  }
0x47e: {  	v20 =	vadd.s32 s5, v3;
	v10 =	vld.idx.msk [tilespmem:v10+s21+$0x0], $0xffff;
	[tilespmem:s1+$0xFFFFFEB0] =	vst v16  }
0x47f: {  	v8 =	vadd.s32 s15, v4;
	v12 =	vld.idx.msk [tilespmem:v12+s21+$0x0], $0xffff;
	[tilespmem:s1+$0xFFFFFFC0] =	vst v11  }
0x480: {  	v11 =	vadd.s32 s16, v4;
	v14 =	vld.idx.msk [tilespmem:v14+s21+$0x0], $0xffff;
	[tilespmem:s1+$0xFFFFFF30] =	vst v17  }
0x481: {  	v16 =	vadd.s32 s8, v4;
	[tilespmem:s1+$0xFFFFFC30] =	vst v18;
	v13 =	vld.idx.msk [tilespmem:v13+s21+$0x0], $0xffff  }
0x482: {  	v15 =	vld.idx.msk [tilespmem:v15+s21+$0x0], $0xffff;
	[tilespmem:s1+$0xFFFFFCC0] =	vst v19;
	v19 =	vadd.s32 s6, v4  }
0x483: {  	v18 =	vld.idx.msk [tilespmem:v20+s21+$0x0], $0xffff;
	[tilespmem:s1+$0xFFFFFD40] =	vst v9;
	v9 =	vadd.s32 s18, v4  }
0x484: {  	v17 =	vadd.s32 s17, v5;
	v8 =	vld.idx.msk [tilespmem:v8+s21+$0x0], $0xffff;
	[tilespmem:s1+$0xFFFFFDC0] =	vst v10  }
0x485: {  	v20 =	vadd.s32 s5, v4;
	[tilespmem:s1+$0xFFFFFE40] =	vst v12;
	v11 =	vld.idx.msk [tilespmem:v11+s21+$0x0], $0xffff  }
0x486: {  	v10 =	vadd.s32 s19, v4;
	v16 =	vld.idx.msk [tilespmem:v16+s21+$0x0], $0xffff;
	[tilespmem:s1+$0xFFFFFEC0] =	vst v14  }
0x487: {  	[tilespmem:s1+$0xFFFFFFD0] =	vst v13;
	v13 =	vadd.s32 s15, v5;
	v19 =	vld.idx.msk [tilespmem:v19+s21+$0x0], $0xffff  }
0x488: {  	v9 =	vld.idx.msk [tilespmem:v9+s21+$0x0], $0xffff;
	[tilespmem:s1+$0xFFFFFF40] =	vst v15;
	v15 =	vadd.s32 s8, v5  }
0x489: {  	[tilespmem:s1+$0xFFFFFC40] =	vst v18;
	v12 =	vld.idx.msk [tilespmem:v17+s21+$0x0], $0xffff;
	v17 =	vadd.s32 s16, v5  }
0x48a: {  	v18 =	vld.idx.msk [tilespmem:v20+s21+$0x0], $0xffff;
	[tilespmem:s1+$0xFFFFFCD0] =	vst v8;
	v8 =	vadd.s32 s6, v5  }
0x48b: {  	v14 =	vadd.s32 s17, v6;
	v10 =	vld.idx.msk [tilespmem:v10+s21+$0x0], $0xffff;
	[tilespmem:s1+$0xFFFFFD50] =	vst v11  }
0x48c: {  	v11 =	vadd.s32 s18, v5;
	[tilespmem:s1+$0xFFFFFDD0] =	vst v16;
	v13 =	vld.idx.msk [tilespmem:v13+s21+$0x0], $0xffff  }
0x48d: {  	v20 =	vadd.s32 s19, v5;
	v15 =	vld.idx.msk [tilespmem:v15+s21+$0x0], $0xffff;
	[tilespmem:s1+$0xFFFFFE50] =	vst v19  }
0x48e: {  	v17 =	vld.idx.msk [tilespmem:v17+s21+$0x0], $0xffff;
	[tilespmem:s1+$0xFFFFFFE0] =	vst v12;
	v12 =	vadd.s32 s5, v5  }
0x48f: {  	v16 =	vadd.s32 s15, v6;
	[tilespmem:s1+$0xFFFFFED0] =	vst v9;
	v8 =	vld.idx.msk [tilespmem:v8+s21+$0x0], $0xffff  }
0x490: {  	v19 =	vadd.s32 s16, v6;
	[tilespmem:s1+$0xFFFFFC50] =	vst v18;
	v14 =	vld.idx.msk [tilespmem:v14+s21+$0x0], $0xffff  }
0x491: {  	v9 =	vadd.s32 s17, v7;
	[tilespmem:s1+$0xFFFFFF50] =	vst v10;
	v11 =	vld.idx.msk [tilespmem:v11+s21+$0x0], $0xffff  }
0x492: {  	s0 =	simm.s32 $0x8;
	v10 =	vadd.s32 s8, v6;
	v18 =	vld.idx.msk [tilespmem:v20+s21+$0x0], $0xffff;
	[tilespmem:s1+$0xFFFFFCE0] =	vst v13  }
0x493: {  	[tilespmem:s1+$0xFFFFFDE0] =	vst v15;
	v15 =	vadd.s32 s0, v0;
	v20 =	vld.idx.msk [tilespmem:v12+s21+$0x0], $0xffff  }
0x494: {  	v12 =	vadd.s32 s6, v6;
	v16 =	vld.idx.msk [tilespmem:v16+s21+$0x0], $0xffff;
	[tilespmem:s1+$0xFFFFFD60] =	vst v17  }
0x495: {  	v21 =	vadd.s32 s18, v6;
	[tilespmem:s1+$0xFFFFFFF0] =	vst v14;
	v22 =	vld.idx.msk [tilespmem:v19+s21+$0x0], $0xffff  }
0x496: {  	v14 =	vadd.s32 s19, v6;
	v17 =	vld.idx.msk [tilespmem:v9+s21+$0x0], $0xffff  }
0x497: {  	v24 =	vadd.s32 s15, v7;
	[tilespmem:s1+$0xFFFFFE60] =	vst v8;
	v23 =	vld.idx.msk [tilespmem:v10+s21+$0x0], $0xffff  }
0x498: {  	v9 =	vadd.s32 s5, v6;
	[tilespmem:s1+$0xFFFFFEE0] =	vst v11;
	v8 =	vld.idx.msk [tilespmem:v15+s21+$0x0], $0xffff  }
0x499: {  	v25 =	vadd.s32 s16, v7;
	[tilespmem:s1+$0xFFFFFF60] =	vst v18;
	v13 =	vld.idx.msk [tilespmem:v12+s21+$0x0], $0xffff  }
0x49a: {  	v19 =	vadd.s32 s8, v7;
	v12 =	vld.idx.msk [tilespmem:v21+s21+$0x0], $0xffff;
	[tilespmem:s1+$0xFFFFFC60] =	vst v20  }
0x49b: {  	v18 =	vadd.s32 s6, v7;
	[tilespmem:s1+$0xFFFFFCF0] =	vst v16;
	v10 =	vld.idx.msk [tilespmem:v14+s21+$0x0], $0xffff  }
0x49c: {  	v11 =	vld.idx.msk [tilespmem:v24+s21+$0x0], $0xffff;
	[tilespmem:s1+$0x0] =	vst v17;
	v17 =	vadd.s32 s18, v7  }
0x49d: {  	v16 =	vadd.s32 s19, v7;
	[tilespmem:s1+$0xFFFFFD70] =	vst v22;
	v9 =	vld.idx.msk [tilespmem:v9+s21+$0x0], $0xffff  }
0x49e: {  	s11 =	simm.s32 $0xF;
	s14 =	simm.s32 $0x10;
	v15 =	vadd.s32 s5, v7;
	v14 =	vld.idx.msk [tilespmem:v25+s21+$0x0], $0xffff;
	[tilespmem:s1+$0xFFFFFDF0] =	vst v23  }
.LBB2_17:
0x49f: {  	p0 =	slt.u32 s14, $0x38;
	s15 =	sadd.s32 $0x1, s0;
	v20 =	vadd.s32 s11, v0;
	v19 =	vld.idx.msk [tilespmem:v19+s21+$0x0], $0xffff;
	[tilespmem:s1+$0xFFFFFE70] =	vst v13  }
0x4a0: {  	s16 =	sadd.s32 $0x2, s0;
	v13 =	vadd.s32 s15, v0;
	v18 =	vld.idx.msk [tilespmem:v18+s21+$0x0], $0xffff;
	[tilespmem:s1+$0xFFFFFEF0] =	vst v12  }
0x4a1: {  	s17 =	sadd.s32 $0x3, s0;
	v12 =	vadd.s32 s16, v0;
	v17 =	vld.idx.msk [tilespmem:v17+s21+$0x0], $0xffff;
	[tilespmem:s1+$0xFFFFFF70] =	vst v10  }
0x4a2: {  	s5 =	sadd.s32 $0x4, s0;
	v10 =	vadd.s32 s17, v0;
	[tilespmem:s1+$0xFFFFFC70] =	vst v9;
	v9 =	vld.idx.msk [tilespmem:v16+s21+$0x0], $0xffff  }
0x4a3: {  	s6 =	sadd.s32 $0x5, s0;
	v16 =	vadd.s32 s5, v0;
	v15 =	vld.idx.msk [tilespmem:v15+s21+$0x0], $0xffff;
	[tilespmem:s1+$0xFFFFFD00] =	vst v11  }
0x4a4: {  	s8 =	sadd.s32 $0x6, s0;
	v11 =	vadd.s32 s6, v0;
	v20 =	vld.idx.msk [tilespmem:v20+s21+$0x0], $0xffff;
	[tilespmem:s1+$0xFFFFFD80] =	vst v14  }
0x4a5: {  	v14 =	vadd.s32 s8, v0;
	v13 =	vld.idx.msk [tilespmem:v13+s21+$0x0], $0xffff;
	[tilespmem:s1+$0xFFFFFE00] =	vst v19  }
0x4a6: {  	v19 =	vadd.s32 s11, v1;
	v12 =	vld.idx.msk [tilespmem:v12+s21+$0x0], $0xffff;
	[tilespmem:s1+$0xFFFFFE80] =	vst v18  }
0x4a7: {  	v18 =	vadd.s32 s15, v1;
	v10 =	vld.idx.msk [tilespmem:v10+s21+$0x0], $0xffff;
	[tilespmem:s1+$0xFFFFFF00] =	vst v17  }
0x4a8: {  	v17 =	vadd.s32 s16, v1;
	v16 =	vld.idx.msk [tilespmem:v16+s21+$0x0], $0xffff;
	[tilespmem:s1+$0xFFFFFF80] =	vst v9  }
0x4a9: {  	v9 =	vadd.s32 s17, v1;
	v11 =	vld.idx.msk [tilespmem:v11+s21+$0x0], $0xffff;
	[tilespmem:s1+$0xFFFFFC80] =	vst v15;
	s1 =	sadd.s32 $0x400, s1  }
0x4aa: {  	v15 =	vadd.s32 s5, v1;
	v14 =	vld.idx.msk [tilespmem:v14+s21+$0x0], $0xffff;
	[tilespmem:s1+$0xFFFFFF90] =	vst v20  }
0x4ab: {  	[tilespmem:s1+$0xFFFFFC90] =	vst v13;
	v13 =	vadd.s32 s6, v1;
	v19 =	vld.idx.msk [tilespmem:v19+s21+$0x0], $0xffff  }
0x4ac: {  	v18 =	vld.idx.msk [tilespmem:v18+s21+$0x0], $0xffff;
	[tilespmem:s1+$0xFFFFFD10] =	vst v12;
	v12 =	vadd.s32 s8, v1  }
0x4ad: {  	v17 =	vld.idx.msk [tilespmem:v17+s21+$0x0], $0xffff;
	[tilespmem:s1+$0xFFFFFD90] =	vst v10;
	v10 =	vadd.s32 s11, v2  }
0x4ae: {  	v20 =	vadd.s32 s0, v1;
	v9 =	vld.idx.msk [tilespmem:v9+s21+$0x0], $0xffff;
	[tilespmem:s1+$0xFFFFFE10] =	vst v16  }
0x4af: {  	v16 =	vadd.s32 s15, v2;
	v15 =	vld.idx.msk [tilespmem:v15+s21+$0x0], $0xffff;
	[tilespmem:s1+$0xFFFFFE90] =	vst v11  }
0x4b0: {  	v11 =	vadd.s32 s16, v2;
	v13 =	vld.idx.msk [tilespmem:v13+s21+$0x0], $0xffff;
	[tilespmem:s1+$0xFFFFFF10] =	vst v14  }
0x4b1: {  	v14 =	vadd.s32 s17, v2;
	v12 =	vld.idx.msk [tilespmem:v12+s21+$0x0], $0xffff;
	[tilespmem:s1+$0xFFFFFFA0] =	vst v19  }
0x4b2: {  	[tilespmem:s1+$0xFFFFFC10] =	vst v8;
	v8 =	vadd.s32 s5, v2;
	v10 =	vld.idx.msk [tilespmem:v10+s21+$0x0], $0xffff  }
0x4b3: {  	v19 =	vld.idx.msk [tilespmem:v20+s21+$0x0], $0xffff;
	[tilespmem:s1+$0xFFFFFCA0] =	vst v18;
	v18 =	vadd.s32 s6, v2  }
0x4b4: {  	v16 =	vld.idx.msk [tilespmem:v16+s21+$0x0], $0xffff;
	[tilespmem:s1+$0xFFFFFD20] =	vst v17;
	v17 =	vadd.s32 s11, v3  }
0x4b5: {  	v11 =	vld.idx.msk [tilespmem:v11+s21+$0x0], $0xffff;
	[tilespmem:s1+$0xFFFFFDA0] =	vst v9;
	v9 =	vadd.s32 s8, v2  }
0x4b6: {  	v20 =	vadd.s32 s0, v2;
	v14 =	vld.idx.msk [tilespmem:v14+s21+$0x0], $0xffff;
	[tilespmem:s1+$0xFFFFFE20] =	vst v15  }
0x4b7: {  	v15 =	vadd.s32 s15, v3;
	v8 =	vld.idx.msk [tilespmem:v8+s21+$0x0], $0xffff;
	[tilespmem:s1+$0xFFFFFEA0] =	vst v13  }
0x4b8: {  	v13 =	vadd.s32 s16, v3;
	v18 =	vld.idx.msk [tilespmem:v18+s21+$0x0], $0xffff;
	[tilespmem:s1+$0xFFFFFFB0] =	vst v10  }
0x4b9: {  	v10 =	vadd.s32 s17, v3;
	[tilespmem:s1+$0xFFFFFF20] =	vst v12;
	v12 =	vld.idx.msk [tilespmem:v17+s21+$0x0], $0xffff  }
0x4ba: {  	v17 =	vadd.s32 s5, v3;
	[tilespmem:s1+$0xFFFFFC20] =	vst v19;
	v9 =	vld.idx.msk [tilespmem:v9+s21+$0x0], $0xffff  }
0x4bb: {  	v19 =	vld.idx.msk [tilespmem:v20+s21+$0x0], $0xffff;
	[tilespmem:s1+$0xFFFFFCB0] =	vst v16;
	v16 =	vadd.s32 s11, v4  }
0x4bc: {  	v15 =	vld.idx.msk [tilespmem:v15+s21+$0x0], $0xffff;
	[tilespmem:s1+$0xFFFFFD30] =	vst v11;
	v11 =	vadd.s32 s6, v3  }
0x4bd: {  	v13 =	vld.idx.msk [tilespmem:v13+s21+$0x0], $0xffff;
	[tilespmem:s1+$0xFFFFFDB0] =	vst v14;
	v14 =	vadd.s32 s8, v3  }
0x4be: {  	v20 =	vadd.s32 s0, v3;
	v10 =	vld.idx.msk [tilespmem:v10+s21+$0x0], $0xffff;
	[tilespmem:s1+$0xFFFFFE30] =	vst v8  }
0x4bf: {  	v8 =	vadd.s32 s15, v4;
	v17 =	vld.idx.msk [tilespmem:v17+s21+$0x0], $0xffff;
	[tilespmem:s1+$0xFFFFFFC0] =	vst v12  }
0x4c0: {  	v12 =	vadd.s32 s16, v4;
	[tilespmem:s1+$0xFFFFFEB0] =	vst v18;
	v16 =	vld.idx.msk [tilespmem:v16+s21+$0x0], $0xffff  }
0x4c1: {  	v18 =	vadd.s32 s17, v4;
	v11 =	vld.idx.msk [tilespmem:v11+s21+$0x0], $0xffff;
	[tilespmem:s1+$0xFFFFFF30] =	vst v9  }
0x4c2: {  	[tilespmem:s1+$0xFFFFFC30] =	vst v19;
	v9 =	vld.idx.msk [tilespmem:v14+s21+$0x0], $0xffff;
	v14 =	vadd.s32 s11, v5  }
0x4c3: {  	v19 =	vld.idx.msk [tilespmem:v20+s21+$0x0], $0xffff;
	[tilespmem:s1+$0xFFFFFCC0] =	vst v15;
	v15 =	vadd.s32 s5, v4  }
0x4c4: {  	v8 =	vld.idx.msk [tilespmem:v8+s21+$0x0], $0xffff;
	[tilespmem:s1+$0xFFFFFD40] =	vst v13;
	v13 =	vadd.s32 s6, v4  }
0x4c5: {  	v12 =	vld.idx.msk [tilespmem:v12+s21+$0x0], $0xffff;
	[tilespmem:s1+$0xFFFFFDC0] =	vst v10;
	v10 =	vadd.s32 s8, v4  }
0x4c6: {  	v20 =	vadd.s32 s0, v4;
	v18 =	vld.idx.msk [tilespmem:v18+s21+$0x0], $0xffff;
	[tilespmem:s1+$0xFFFFFFD0] =	vst v16  }
0x4c7: {  	v16 =	vadd.s32 s15, v5;
	[tilespmem:s1+$0xFFFFFE40] =	vst v17;
	v14 =	vld.idx.msk [tilespmem:v14+s21+$0x0], $0xffff  }
0x4c8: {  	v17 =	vadd.s32 s16, v5;
	v15 =	vld.idx.msk [tilespmem:v15+s21+$0x0], $0xffff;
	[tilespmem:s1+$0xFFFFFEC0] =	vst v11  }
0x4c9: {  	v11 =	vld.idx.msk [tilespmem:v13+s21+$0x0], $0xffff;
	[tilespmem:s1+$0xFFFFFF40] =	vst v9;
	v9 =	vadd.s32 s11, v6  }
0x4ca: {  	v13 =	vadd.s32 s17, v5;
	[tilespmem:s1+$0xFFFFFC40] =	vst v19;
	v10 =	vld.idx.msk [tilespmem:v10+s21+$0x0], $0xffff  }
0x4cb: {  	v19 =	vld.idx.msk [tilespmem:v20+s21+$0x0], $0xffff;
	[tilespmem:s1+$0xFFFFFCD0] =	vst v8;
	v8 =	vadd.s32 s5, v5  }
0x4cc: {  	v16 =	vld.idx.msk [tilespmem:v16+s21+$0x0], $0xffff;
	[tilespmem:s1+$0xFFFFFD50] =	vst v12;
	v12 =	vadd.s32 s6, v5  }
0x4cd: {  	v20 =	vadd.s32 s8, v5;
	v17 =	vld.idx.msk [tilespmem:v17+s21+$0x0], $0xffff;
	[tilespmem:s1+$0xFFFFFFE0] =	vst v14  }
0x4ce: {  	v14 =	vadd.s32 s0, v5;
	[tilespmem:s1+$0xFFFFFDD0] =	vst v18;
	v9 =	vld.idx.msk [tilespmem:v9+s21+$0x0], $0xffff  }
0x4cf: {  	v18 =	vadd.s32 s15, v6;
	v13 =	vld.idx.msk [tilespmem:v13+s21+$0x0], $0xffff;
	[tilespmem:s1+$0xFFFFFE50] =	vst v15  }
0x4d0: {  	v8 =	vld.idx.msk [tilespmem:v8+s21+$0x0], $0xffff;
	[tilespmem:s1+$0xFFFFFED0] =	vst v11;
	v11 =	vadd.s32 s11, v7  }
0x4d1: {  	v15 =	vadd.s32 s16, v6;
	v12 =	vld.idx.msk [tilespmem:v12+s21+$0x0], $0xffff;
	[tilespmem:s1+$0xFFFFFF50] =	vst v10  }
0x4d2: {  	v10 =	vadd.s32 s17, v6;
	[tilespmem:s1+$0xFFFFFC50] =	vst v19;
	v19 =	vld.idx.msk [tilespmem:v20+s21+$0x0], $0xffff  }
0x4d3: {  	v14 =	vld.idx.msk [tilespmem:v14+s21+$0x0], $0xffff;
	[tilespmem:s1+$0xFFFFFCE0] =	vst v16;
	v16 =	vadd.s32 s5, v6  }
0x4d4: {  	v20 =	vld.idx.msk [tilespmem:v18+s21+$0x0], $0xffff;
	v18 =	vadd.s32 s6, v6;
	[tilespmem:s1+$0xFFFFFFF0] =	vst v9  }
0x4d5: {  	v9 =	vadd.s32 s8, v6;
	[tilespmem:s1+$0xFFFFFD60] =	vst v17;
	v11 =	vld.idx.msk [tilespmem:v11+s21+$0x0], $0xffff  }
0x4d6: {  	v17 =	vadd.s32 s0, v6;
	v15 =	vld.idx.msk [tilespmem:v15+s21+$0x0], $0xffff;
	[tilespmem:s1+$0xFFFFFDE0] =	vst v13  }
0x4d7: {  	v21 =	vadd.s32 s14, v0;
	v22 =	vld.idx.msk [tilespmem:v10+s21+$0x0], $0xffff;
	[tilespmem:s1+$0xFFFFFE60] =	vst v8  }
0x4d8: {  	v23 =	vadd.s32 s15, v7;
	v13 =	vld.idx.msk [tilespmem:v16+s21+$0x0], $0xffff;
	[tilespmem:s1+$0xFFFFFEE0] =	vst v12  }
0x4d9: {  	v24 =	vadd.s32 s16, v7;
	v12 =	vld.idx.msk [tilespmem:v18+s21+$0x0], $0xffff;
	[tilespmem:s1+$0xFFFFFF60] =	vst v19  }
.Ltmp7:
0x4da: {  	v19 =	vadd.s32 s17, v7;
	[tilespmem:s1+$0xFFFFFC60] =	vst v14;
	v10 =	vld.idx.msk [tilespmem:v9+s21+$0x0], $0xffff;
	(pc) =	sbr.rel @p0 .LBB2_17-.Ltmp7, $4  }
0x4db: {  	v18 =	vadd.s32 s5, v7;
	v9 =	vld.idx.msk [tilespmem:v17+s21+$0x0], $0xffff;
	[tilespmem:s1+$0x0] =	vst v11  }
0x4dc: {  	v17 =	vadd.s32 s6, v7;
	v8 =	vld.idx.msk [tilespmem:v21+s21+$0x0], $0xffff;
	[tilespmem:s1+$0xFFFFFCF0] =	vst v20  }
0x4dd: {  	v16 =	vadd.s32 s8, v7;
	v11 =	vld.idx.msk [tilespmem:v23+s21+$0x0], $0xffff;
	[tilespmem:s1+$0xFFFFFD70] =	vst v15  }
0x4de: {  	s11 =	sadd.s32 $0x7, s14;
	v15 =	vadd.s32 s0, v7;
	s0 =	smov.u32 s14;
	s14 =	sadd.s32 $0x8, s14;
	v14 =	vld.idx.msk [tilespmem:v24+s21+$0x0], $0xffff;
	[tilespmem:s1+$0xFFFFFDF0] =	vst v22  }
0x4df: {  	_ =	sdelay $0x1  }
0x4e0: {  	[tilespmem:s1+$0xFFFFFE70] =	vst v13  }
0x4e1: {  	[tilespmem:s1+$0xFFFFFEF0] =	vst v12  }
0x4e2: {  	s5 =	sadd.s32 $0x1, s0;
	v32 =	vadd.s32 s11, v0;
	v19 =	vld.idx.msk [tilespmem:v19+s21+$0x0], $0xffff;
	[tilespmem:s1+$0xFFFFFF70] =	vst v10  }
0x4e3: {  	s6 =	sadd.s32 $0x2, s0;
	s18 =	sadd.s32 $0x400, s1;
	v33 =	vadd.s32 s5, v0;
	v18 =	vld.idx.msk [tilespmem:v18+s21+$0x0], $0xffff;
	[tilespmem:s1+$0xFFFFFC70] =	vst v9  }
0x4e4: {  	s15 =	sadd.s32 $0x5, s0;
	v34 =	vadd.s32 s6, v0;
	v17 =	vld.idx.msk [tilespmem:v17+s21+$0x0], $0xffff;
	[tilespmem:s18+$0xFFFFFC10] =	vst v8  }
0x4e5: {  	s8 =	sadd.s32 $0x3, s0;
	v16 =	vld.idx.msk [tilespmem:v16+s21+$0x0], $0xffff;
	v37 =	vadd.s32 s15, v0;
	[tilespmem:s1+$0xFFFFFD00] =	vst v11  }
0x4e6: {  	s14 =	sadd.s32 $0x4, s0;
	v35 =	vadd.s32 s8, v0;
	v15 =	vld.idx.msk [tilespmem:v15+s21+$0x0], $0xffff;
	[tilespmem:s1+$0xFFFFFD80] =	vst v14  }
0x4e7: {  	s16 =	sadd.s32 $0x6, s0;
	v36 =	vadd.s32 s14, v0;
	v13 =	vld.idx.msk [tilespmem:v32+s21+$0x0], $0xffff;
	[tilespmem:s1+$0xFFFFFE00] =	vst v19  }
0x4e8: {  	v38 =	vadd.s32 s16, v0;
	v12 =	vld.idx.msk [tilespmem:v33+s21+$0x0], $0xffff;
	[tilespmem:s1+$0xFFFFFE80] =	vst v18  }
0x4e9: {  	v39 =	vadd.s32 s11, v1;
	v10 =	vld.idx.msk [tilespmem:v34+s21+$0x0], $0xffff;
	[tilespmem:s1+$0xFFFFFF00] =	vst v17  }
0x4ea: {  	v49 =	vadd.s32 s0, v1;
	[tilespmem:s1+$0xFFFFFF80] =	vst v16;
	v14 =	vld.idx.msk [tilespmem:v37+s21+$0x0], $0xffff  }
0x4eb: {  	v40 =	vadd.s32 s5, v1;
	v9 =	vld.idx.msk [tilespmem:v35+s21+$0x0], $0xffff;
	[tilespmem:s1+$0xFFFFFC80] =	vst v15  }
0x4ec: {  	v41 =	vadd.s32 s6, v1;
	v11 =	vld.idx.msk [tilespmem:v36+s21+$0x0], $0xffff;
	[tilespmem:s18+$0xFFFFFF90] =	vst v13  }
0x4ed: {  	v45 =	vadd.s32 s15, v1;
	v43 =	vld.idx.msk [tilespmem:v38+s21+$0x0], $0xffff;
	[tilespmem:s18+$0xFFFFFC90] =	vst v12  }
0x4ee: {  	v42 =	vadd.s32 s8, v1;
	v18 =	vld.idx.msk [tilespmem:v39+s21+$0x0], $0xffff;
	[tilespmem:s18+$0xFFFFFD10] =	vst v10  }
0x4ef: {  	v44 =	vadd.s32 s14, v1;
	[tilespmem:s18+$0xFFFFFE90] =	vst v14;
	v14 =	vld.idx.msk [tilespmem:v49+s21+$0x0], $0xffff  }
0x4f0: {  	v48 =	vadd.s32 s16, v1;
	[tilespmem:s18+$0xFFFFFD90] =	vst v9;
	v46 =	vld.idx.msk [tilespmem:v40+s21+$0x0], $0xffff  }
0x4f1: {  	v47 =	vadd.s32 s11, v2;
	[tilespmem:s18+$0xFFFFFE10] =	vst v11;
	v15 =	vld.idx.msk [tilespmem:v41+s21+$0x0], $0xffff  }
0x4f2: {  	v58 =	vadd.s32 s0, v2;
	[tilespmem:s18+$0xFFFFFF10] =	vst v43;
	v10 =	vld.idx.msk [tilespmem:v45+s21+$0x0], $0xffff  }
0x4f3: {  	v50 =	vadd.s32 s5, v2;
	v13 =	vld.idx.msk [tilespmem:v42+s21+$0x0], $0xffff;
	[tilespmem:s18+$0xFFFFFFA0] =	vst v18  }
0x4f4: {  	v51 =	vadd.s32 s6, v2;
	v12 =	vld.idx.msk [tilespmem:v44+s21+$0x0], $0xffff;
	[tilespmem:s18+$0xFFFFFC20] =	vst v14  }
0x4f5: {  	v8 =	vadd.s32 s8, v2;
	v52 =	vld.idx.msk [tilespmem:v48+s21+$0x0], $0xffff;
	[tilespmem:s18+$0xFFFFFCA0] =	vst v46  }
0x4f6: {  	v53 =	vadd.s32 s14, v2;
	v16 =	vld.idx.msk [tilespmem:v47+s21+$0x0], $0xffff;
	[tilespmem:s18+$0xFFFFFD20] =	vst v15  }
0x4f7: {  	v55 =	vadd.s32 s15, v2;
	[tilespmem:s18+$0xFFFFFEA0] =	vst v10;
	v10 =	vld.idx.msk [tilespmem:v58+s21+$0x0], $0xffff  }
0x4f8: {  	v57 =	vadd.s32 s16, v2;
	[tilespmem:s18+$0xFFFFFDA0] =	vst v13;
	v17 =	vld.idx.msk [tilespmem:v50+s21+$0x0], $0xffff  }
0x4f9: {  	v54 =	vadd.s32 s11, v3;
	[tilespmem:s18+$0xFFFFFE20] =	vst v12;
	v56 =	vld.idx.msk [tilespmem:v51+s21+$0x0], $0xffff  }
0x4fa: {  	v24 =	vadd.s32 s0, v3;
	[tilespmem:s18+$0xFFFFFF20] =	vst v52;
	v8 =	vld.idx.msk [tilespmem:v8+s21+$0x0], $0xffff  }
0x4fb: {  	v59 =	vadd.s32 s5, v3;
	v11 =	vld.idx.msk [tilespmem:v53+s21+$0x0], $0xffff;
	[tilespmem:s18+$0xFFFFFFB0] =	vst v16  }
0x4fc: {  	v60 =	vadd.s32 s6, v3;
	v13 =	vld.idx.msk [tilespmem:v55+s21+$0x0], $0xffff;
	[tilespmem:s18+$0xFFFFFC30] =	vst v10  }
0x4fd: {  	v21 =	vadd.s32 s14, v3;
	v62 =	vld.idx.msk [tilespmem:v57+s21+$0x0], $0xffff;
	[tilespmem:s18+$0xFFFFFCB0] =	vst v17  }
0x4fe: {  	v61 =	vadd.s32 s8, v3;
	v15 =	vld.idx.msk [tilespmem:v54+s21+$0x0], $0xffff;
	[tilespmem:s18+$0xFFFFFD30] =	vst v56  }
0x4ff: {  	v22 =	vadd.s32 s15, v3;
	[tilespmem:s18+$0xFFFFFDB0] =	vst v8;
	v29 =	vld.idx.msk [tilespmem:v24+s21+$0x0], $0xffff  }
0x500: {  	v23 =	vadd.s32 s16, v3;
	[tilespmem:s18+$0xFFFFFE30] =	vst v11;
	v8 =	vld.idx.msk [tilespmem:v59+s21+$0x0], $0xffff  }
0x501: {  	v63 =	vadd.s32 s11, v4;
	[tilespmem:s18+$0xFFFFFEB0] =	vst v13;
	v9 =	vld.idx.msk [tilespmem:v60+s21+$0x0], $0xffff  }
0x502: {  	v33 =	vadd.s32 s0, v4;
	[tilespmem:s18+$0xFFFFFF30] =	vst v62;
	v12 =	vld.idx.msk [tilespmem:v21+s21+$0x0], $0xffff  }
0x503: {  	v25 =	vadd.s32 s5, v4;
	v14 =	vld.idx.msk [tilespmem:v61+s21+$0x0], $0xffff;
	[tilespmem:s18+$0xFFFFFFC0] =	vst v15  }
0x504: {  	v26 =	vadd.s32 s6, v4;
	v27 =	vld.idx.msk [tilespmem:v22+s21+$0x0], $0xffff;
	[tilespmem:s18+$0xFFFFFC40] =	vst v29  }
0x505: {  	v30 =	vadd.s32 s14, v4;
	v11 =	vld.idx.msk [tilespmem:v23+s21+$0x0], $0xffff;
	[tilespmem:s18+$0xFFFFFCC0] =	vst v8  }
0x506: {  	v31 =	vadd.s32 s15, v4;
	v18 =	vld.idx.msk [tilespmem:v63+s21+$0x0], $0xffff;
	[tilespmem:s18+$0xFFFFFD40] =	vst v9  }
0x507: {  	v8 =	vadd.s32 s8, v4;
	[tilespmem:s18+$0xFFFFFE40] =	vst v12;
	v12 =	vld.idx.msk [tilespmem:v33+s21+$0x0], $0xffff  }
0x508: {  	v32 =	vadd.s32 s16, v4;
	[tilespmem:s18+$0xFFFFFDC0] =	vst v14;
	v13 =	vld.idx.msk [tilespmem:v25+s21+$0x0], $0xffff  }
0x509: {  	v28 =	vadd.s32 s11, v5;
	[tilespmem:s18+$0xFFFFFEC0] =	vst v27;
	v17 =	vld.idx.msk [tilespmem:v26+s21+$0x0], $0xffff  }
0x50a: {  	v41 =	vadd.s32 s0, v5;
	[tilespmem:s18+$0xFFFFFF40] =	vst v11;
	v35 =	vld.idx.msk [tilespmem:v30+s21+$0x0], $0xffff  }
0x50b: {  	v34 =	vadd.s32 s5, v5;
	v14 =	vld.idx.msk [tilespmem:v31+s21+$0x0], $0xffff;
	[tilespmem:s18+$0xFFFFFFD0] =	vst v18  }
0x50c: {  	v37 =	vadd.s32 s6, v5;
	v8 =	vld.idx.msk [tilespmem:v8+s21+$0x0], $0xffff;
	[tilespmem:s18+$0xFFFFFC50] =	vst v12  }
0x50d: {  	v39 =	vadd.s32 s14, v5;
	v18 =	vld.idx.msk [tilespmem:v32+s21+$0x0], $0xffff;
	[tilespmem:s18+$0xFFFFFCD0] =	vst v13  }
0x50e: {  	v38 =	vadd.s32 s8, v5;
	v16 =	vld.idx.msk [tilespmem:v28+s21+$0x0], $0xffff;
	[tilespmem:s18+$0xFFFFFD50] =	vst v17  }
0x50f: {  	v40 =	vadd.s32 s15, v5;
	[tilespmem:s18+$0xFFFFFE50] =	vst v35;
	v11 =	vld.idx.msk [tilespmem:v41+s21+$0x0], $0xffff  }
0x510: {  	v36 =	vadd.s32 s11, v6;
	[tilespmem:s18+$0xFFFFFED0] =	vst v14;
	v10 =	vld.idx.msk [tilespmem:v34+s21+$0x0], $0xffff  }
0x511: {  	v50 =	vadd.s32 s0, v6;
	v9 =	vld.idx.msk [tilespmem:v37+s21+$0x0], $0xffff;
	[tilespmem:s18+$0xFFFFFDD0] =	vst v8  }
0x512: {  	v43 =	vadd.s32 s5, v6;
	v17 =	vld.idx.msk [tilespmem:v39+s21+$0x0], $0xffff;
	[tilespmem:s18+$0xFFFFFF50] =	vst v18  }
0x513: {  	v44 =	vadd.s32 s6, v6;
	[tilespmem:s18+$0xFFFFFFE0] =	vst v16;
	v13 =	vld.idx.msk [tilespmem:v38+s21+$0x0], $0xffff  }
0x514: {  	v8 =	vadd.s32 s16, v5;
	v16 =	vld.idx.msk [tilespmem:v40+s21+$0x0], $0xffff;
	[tilespmem:s18+$0xFFFFFC60] =	vst v11  }
0x515: {  	v45 =	vadd.s32 s8, v6;
	v15 =	vld.idx.msk [tilespmem:v36+s21+$0x0], $0xffff;
	[tilespmem:s18+$0xFFFFFCE0] =	vst v10  }
0x516: {  	v47 =	vadd.s32 s15, v6;
	[tilespmem:s18+$0xFFFFFD60] =	vst v9;
	v56 =	vld.idx.msk [tilespmem:v50+s21+$0x0], $0xffff  }
0x517: {  	v42 =	vadd.s32 s11, v7;
	[tilespmem:s18+$0xFFFFFE60] =	vst v17;
	v48 =	vld.idx.msk [tilespmem:v43+s21+$0x0], $0xffff  }
0x518: {  	v51 =	vadd.s32 s5, v7;
	v12 =	vld.idx.msk [tilespmem:v44+s21+$0x0], $0xffff;
	[tilespmem:s18+$0xFFFFFDE0] =	vst v13  }
0x519: {  	v46 =	vadd.s32 s14, v6;
	v8 =	vld.idx.msk [tilespmem:v8+s21+$0x0], $0xffff;
	[tilespmem:s18+$0xFFFFFEE0] =	vst v16  }
0x51a: {  	v49 =	vadd.s32 s16, v6;
	[tilespmem:s18+$0xFFFFFFF0] =	vst v15;
	v10 =	vld.idx.msk [tilespmem:v45+s21+$0x0], $0xffff  }
0x51b: {  	v52 =	vadd.s32 s6, v7;
	v9 =	vld.idx.msk [tilespmem:v47+s21+$0x0], $0xffff;
	[tilespmem:s18+$0xFFFFFC70] =	vst v56  }
0x51c: {  	v60 =	vadd.s32 s0, v7;
	v14 =	vld.idx.msk [tilespmem:v42+s21+$0x0], $0xffff;
	[tilespmem:s18+$0xFFFFFCF0] =	vst v48  }
0x51d: {  	v57 =	vadd.s32 s15, v7;
	[tilespmem:s18+$0xFFFFFD70] =	vst v12;
	v58 =	vld.idx.msk [tilespmem:v51+s21+$0x0], $0xffff  }
0x51e: {  	v53 =	vadd.s32 s8, v7;
	[tilespmem:s18+$0xFFFFFF60] =	vst v8;
	v8 =	vld.idx.msk [tilespmem:v46+s21+$0x0], $0xffff  }
0x51f: {  	v55 =	vadd.s32 s14, v7;
	v54 =	vld.idx.msk [tilespmem:v49+s21+$0x0], $0xffff;
	[tilespmem:s18+$0xFFFFFDF0] =	vst v10  }
0x520: {  	v59 =	vadd.s32 s16, v7;
	v15 =	vld.idx.msk [tilespmem:v52+s21+$0x0], $0xffff;
	[tilespmem:s18+$0xFFFFFEF0] =	vst v9  }
0x521: {  	v10 =	vld.idx.msk [tilespmem:v60+s21+$0x0], $0xffff;
	[tilespmem:s18+$0x0] =	vst v14  }
0x522: {  	v62 =	vld.idx.msk [tilespmem:v57+s21+$0x0], $0xffff;
	[tilespmem:s18+$0xFFFFFD00] =	vst v58  }
0x523: {  	[tilespmem:s18+$0xFFFFFE70] =	vst v8;
	v8 =	vld.idx.msk [tilespmem:v53+s21+$0x0], $0xffff  }
0x524: {  	v61 =	vld.idx.msk [tilespmem:v55+s21+$0x0], $0xffff;
	[tilespmem:s18+$0xFFFFFF70] =	vst v54  }
0x525: {  	s31 =	sadd.s32 $0x1, s31;
	[tilespmem:s18+$0xFFFFFD80] =	vst v15;
	v63 =	vld.idx.msk [tilespmem:v59+s21+$0x0], $0xffff  }
0x526: {  	p0 =	sne.s32 s31, $0x32;
	[tilespmem:s18+$0xFFFFFC80] =	vst v10  }
.Ltmp8:
0x527: {  	s19 =	sshll.u32 s10, $0x12;
	[tilespmem:s18+$0xFFFFFF00] =	vst v62;
	(pc) =	sbr.rel @p0 .LBB2_2-.Ltmp8, $4  }
0x528: {  	s0 =	sor.u32 s7, s19;
	[tilespmem:s18+$0xFFFFFE00] =	vst v8  }
0x529: {  	s0 =	sshrl.u32 s0, $0x3;
	[tilespmem:s18+$0xFFFFFE80] =	vst v61  }
0x52a: {  	s0 =	sadd.s32 s2, s0;
	[tilespmem:s18+$0xFFFFFF80] =	vst v63  }
0x52b: {  	[hbm4b:s0+s22] =	stream.strided.scatter [tilespmem:s26], [sflag:$0x5], $0x4000, s23, s22, $0x38;
	[tilespmem:$0x1BA80] =	vst v63  }
0x52c: {  	_ =	swait.ge [sflag:s28], $0x4000  }
0x52d: {  	[sflag:s28] =	ssyncset.done $0x0  }
0x52e: {  	[sflag:s28] =	ssyncadd.s32 $0xFFFFC000  }
0x52f: {  	_ =	swait.ge [sflag:s29], $0x4000  }
0x530: {  	s30 =	sadd.s32 $0x1, s30;
	s0 =	rddreg [dreg:$0x5]  }
0x531: {  	p0 =	sne.s32 s30, s0  }
.Ltmp9:
0x532: {  	_ = 	snop;
	(pc) =	sbr.rel @p0 .LBB2_1-.Ltmp9, $3  }
0x533: {  	_ =	sdelay $0x1  }
0x534: {  	[sflag:s29] =	ssyncset.done $0x0  }
0x535: {  	[sflag:s29] =	ssyncadd.s32 $0xFFFFC000  }
0x536: {  	_ =	sfence.sel $0x180000  }
0x537: {  	[bflag:$0x0] =	sbarrier.arrive $0xFFFF  }
0x538: {  	_ =	strace $0x90000047  }
0x539: {  	s0 =	stileid.u32;
	[bflag:$0x2] =	sbarrier.arrive $0xFFFF  }
0x53a: {  	p0 =	sne.s32 s0, $0x0;
	s0 =	rddreg [dreg:$0x2]  }
0x53b: {  	s0 =	sadd.s32 @!p0 $0x100000, s0  }
0x53c: {  	[sflag:s0] =	ssyncadd.tile.s32 @!p0 $0x1;
	_ =	shalt  }
.Lfunc_end2:
_tile_overlayer_lowered:
.L_overlay_start_2:
0x53d: {  	(tag) =	ssettag $0x2  }
0x53e: {  	s0 =	rddreg [dreg:$0x0];
	s2 =	stileid.u32  }
0x53f: {  	s1 =	rddreg [dreg:$0x1];
	p0 =	sne.s32 s2, $0x0  }
0x540: {  	s3 =	rddreg [dreg:$0x2];
	[bflag:$0x3] =	sbarrier.arrive $0xFFFF;
	s2 =	simm.s32 @!p0 $0x1C06  }
0x541: {  	[timem:s3], [sflag:s2] =	dma.local @!p0 [hbm:s0], s1  }
0x542: {  	s0 =	simm.s32 @!p0 $0x6  }
0x543: {  	_ =	swait.ge @!p0 [sflag:s0], s1  }
0x544: {  	s1 =	ssub.s32 @!p0 $0x0, s1;
	[sflag:s0] =	ssyncset.done @!p0 $0x0  }
0x545: {  	[sflag:s0] =	ssyncadd.s32 @!p0 s1  }
0x546: {  	[bflag:$0x3] =	sbarrier.arrive $0xFFFF  }
0x547: {  	_ =	shalt  }

</sc_bundles>
